<compile_context>
chip_gen: v7x
topology: tpu7x:2x2x1
jax: 0.10.2.dev20260603
libtpu: 0.0.44.dev20260713+nightly
codegen_flags: <defaults>
</compile_context>

<pallas_src>
import functools

import jax
import jax.numpy as jnp
from jax import lax
from jax.experimental import pallas as pl
from jax.experimental.pallas import tpu as pltpu
from jax.experimental.pallas import tpu_sc as plsc

B, T, N = 32, 12, 1024
INPUT_DIM = 3
IN_EMB, TOD_EMB, DOW_EMB, ADP_EMB = 24, 24, 24, 80
STEPS_PER_DAY = 288
OUT_DIM = IN_EMB + TOD_EMB + DOW_EMB + ADP_EMB
ROWS = B * T * N
NW = 32
RPW = ROWS // NW
CHUNK = 256
NCHUNK = RPW // CHUNK
L = 16
ADP_OFF = IN_EMB + TOD_EMB + DOW_EMB

DOW_ROW = 56
WB_ROW = 64
X_ROW = 72
ADP_ROW = 112
ARENA_ROWS = 272

DOW_BASE = DOW_ROW * 128
WB_BASE = WB_ROW * 128
X_BASE = X_ROW * 128
ADP_BASE = ADP_ROW * 128


def _sc_body(x_hbm, wb_hbm, tod_hbm, dow_hbm, adp_hbm, out_hbm, arena, stage):
    c = lax.axis_index("c")
    s = lax.axis_index("s")
    wid = s * 2 + c
    base = wid * RPW

    def ag(flat_idx):
        return plsc.load_gather(arena, [flat_idx >> 7, flat_idx & 127])

    pltpu.sync_copy(tod_hbm, arena.at[pl.ds(0, 54), :])
    pltpu.sync_copy(dow_hbm, arena.at[pl.ds(DOW_ROW, 2), :])
    pltpu.sync_copy(wb_hbm, arena.at[pl.ds(WB_ROW, 8), :])

    lanes = lax.iota(jnp.int32, L)
    zeros = jnp.zeros((L,), jnp.int32)
    wv = [ag(lanes + (WB_BASE + k * 32 + o))
          for k in range(INPUT_DIM) for o in (0, L)]
    bv = [ag(lanes + (WB_BASE + INPUT_DIM * 32 + o)) for o in (0, L)]

    def chunk_body(ck, _):
        l0 = ck * CHUNK

        @pl.when(ck % 4 == 0)
        def _load_x():
            x_off = pl.multiple_of((base + l0) * 5 // 128, 40)
            pltpu.sync_copy(x_hbm.at[pl.ds(x_off, 40), :],
                            arena.at[pl.ds(X_ROW, 40), :])

        a_off = pl.multiple_of(l0, CHUNK)
        pltpu.sync_copy(adp_hbm.at[pl.ds(a_off, CHUNK), :],
                        stage.at[:, pl.ds(ADP_OFF, ADP_EMB)])

        xw = X_BASE + (ck % 4) * (CHUNK * 5)

        @plsc.parallel_loop(0, CHUNK // L, 1, unroll=2)
        def group_body(g):
            rid = lanes + g * L
            rid5 = rid * 5 + xw
            x0 = ag(rid5)
            x1 = ag(rid5 + 1)
            x2 = ag(rid5 + 2)
            x3 = ag(rid5 + 3)
            x4 = ag(rid5 + 4)
            tod_i = jnp.clip((x3 * STEPS_PER_DAY).astype(jnp.int32),
                             0, STEPS_PER_DAY - 1)
            dow_i = jnp.clip(x4.astype(jnp.int32), 0, 6)
            t24 = tod_i * TOD_EMB
            d24 = dow_i * DOW_EMB + DOW_BASE
            for j in range(IN_EMB):
                jv = zeros + j
                tv = ag(t24 + j)
                plsc.store_scatter(stage, [rid, jv + IN_EMB], tv)
                dv = ag(d24 + j)
                plsc.store_scatter(stage, [rid, jv + (IN_EMB + TOD_EMB)], dv)
                hi, lo = j // L, j % L
                hj = (x0 * wv[2 * 0 + hi][lo] + x1 * wv[2 * 1 + hi][lo]
                      + x2 * wv[2 * 2 + hi][lo] + bv[hi][lo])
                plsc.store_scatter(stage, [rid, jv], hj)
        o_off = pl.multiple_of(base + l0, CHUNK)
        pltpu.sync_copy(stage, out_hbm.at[pl.ds(o_off, CHUNK), :])
        return 0

    lax.fori_loop(0, NCHUNK, chunk_body, 0)


@functools.partial(jax.jit, static_argnames=("interpret",))
def kernel(x, W_proj, b_proj, tod_table, dow_table, adaptive, interpret=False):
    del interpret
    x_flat = x.reshape(ROWS * 5 // 128, 128)
    adp_flat = adaptive.reshape(T * N, ADP_EMB)
    tod_flat = jnp.concatenate(
        [tod_table.reshape(STEPS_PER_DAY * TOD_EMB),
         jnp.zeros((54 * 128 - STEPS_PER_DAY * TOD_EMB,), jnp.float32)]
    ).reshape(54, 128)
    dow_flat = jnp.concatenate(
        [dow_table.reshape(7 * DOW_EMB),
         jnp.zeros((2 * 128 - 7 * DOW_EMB,), jnp.float32)]
    ).reshape(2, 128)
    wb_flat = jnp.zeros((8, 128), jnp.float32)
    for k in range(INPUT_DIM):
        wb_flat = wb_flat.at[0, k * 32:k * 32 + IN_EMB].set(W_proj[k])
    wb_flat = wb_flat.at[0, INPUT_DIM * 32:INPUT_DIM * 32 + IN_EMB].set(b_proj)
    mesh = plsc.VectorSubcoreMesh(core_axis_name="c", subcore_axis_name="s")
    run = pl.kernel(
        _sc_body,
        mesh=mesh,
        compiler_params=pltpu.CompilerParams(needs_layout_passes=False, use_tc_tiling_on_sc=False),
        out_type=jax.ShapeDtypeStruct((ROWS, OUT_DIM), jnp.float32),
        scratch_types=[
            pltpu.VMEM((ARENA_ROWS, 128), jnp.float32),
            pltpu.VMEM((CHUNK, OUT_DIM), jnp.float32),
        ],
    )
    out = run(x_flat, wb_flat, tod_flat, dow_flat, adp_flat)
    return out.reshape(B, T, N, OUT_DIM)

# --- scband reference (transcript-rebuilt; emitter-appended) ---
"""Pipeline reference for scband-stif-60756607369798 (READ-ONLY COPY).

The authoritative reference and input builder live on the scoring server;
editing this copy changes nothing except your own understanding.
"""

import jax, jax.numpy as jnp
import numpy as np

B, T, N = 32, 12, 1024
INPUT_DIM = 3
IN_EMB, TOD_EMB, DOW_EMB, ADP_EMB = 24, 24, 24, 80
STEPS_PER_DAY = 288


def setup_inputs(seed: int = 0) -> dict:
    key = jax.random.key(seed)
    ks = jax.random.split(key, 6)
    x = jax.random.uniform(ks[0], (B, T, N, INPUT_DIM + 2), dtype=jnp.float32)
    W_proj = jax.random.normal(ks[1], (INPUT_DIM, IN_EMB), dtype=jnp.float32) * 0.1
    b_proj = jnp.zeros((IN_EMB,), dtype=jnp.float32)
    tod_table = jax.random.normal(ks[2], (STEPS_PER_DAY, TOD_EMB), dtype=jnp.float32) * 0.02
    dow_table = jax.random.normal(ks[3], (7, DOW_EMB), dtype=jnp.float32) * 0.02
    adaptive = jax.random.normal(ks[4], (T, N, ADP_EMB), dtype=jnp.float32) * 0.02
    return {"x": x, "W_proj": W_proj, "b_proj": b_proj, "tod_table": tod_table, "dow_table": dow_table, "adaptive": adaptive}


def reference(x, W_proj, b_proj, tod_table, dow_table, adaptive):
    tod = x[..., -2]
    dow = x[..., -1]
    xi = x[..., :INPUT_DIM]
    h = xi @ W_proj + b_proj
    features = [h]
    tod_idx = (tod * STEPS_PER_DAY).astype(jnp.int32)
    tod_emb = jnp.take(tod_table, tod_idx, axis=0)
    features.append(tod_emb)
    dow_idx = dow.astype(jnp.int32)
    dow_emb = jnp.take(dow_table, dow_idx, axis=0)
    features.append(dow_emb)
    adp_emb = jnp.broadcast_to(adaptive, (x.shape[0],) + adaptive.shape)
    features.append(adp_emb)
    return jnp.concatenate(features, axis=-1)

if __name__ == "__main__":
    import jax
    _d = setup_inputs()
    print(jax.jit(kernel)(*tuple(_d.values())))

</pallas_src>

<mosaic_0001>
#map = affine_map<(d0, d1) -> (0, 0)>
module attributes {stable_mosaic.version = 14 : i64} {
  func.func @_sc_body(%arg0: i32, %arg1: i32, %arg2: memref<15360x128xf32, #tpu.memory_space<hbm>>, %arg3: memref<8x128xf32, #tpu.memory_space<hbm>>, %arg4: memref<54x128xf32, #tpu.memory_space<hbm>>, %arg5: memref<2x128xf32, #tpu.memory_space<hbm>>, %arg6: memref<12288x80xf32, #tpu.memory_space<hbm>>, %arg7: memref<393216x152xf32, #tpu.memory_space<hbm>>, %arg8: memref<272x128xf32, #tpu.memory_space<vmem>>, %arg9: memref<256x152xf32, #tpu.memory_space<vmem>>) attributes {dimension_semantics = [#tpu.dimension_semantics<core_parallel>, #tpu.dimension_semantics<subcore_parallel>], iteration_bounds = array<i64: 2, 16>, scalar_prefetch = 0 : i64, scratch_operands = 2 : i64, tpu.core_type = #tpu.core_type<sc_vector_subcore>, window_params = [{transform_indices = #map}, {transform_indices = #map}, {transform_indices = #map}, {transform_indices = #map}, {transform_indices = #map}, {transform_indices = #map}]} {
    %mul3A = arith.constant 2 : i32
    %mul3A_0 = arith.muli %arg1, %mul3A : i32
    %add3A = arith.addi %mul3A_0, %arg0 : i32
    %mul3A_1 = arith.constant 12288 : i32
    %mul3A_2 = arith.muli %add3A, %mul3A_1 : i32
    "tpu.region"() ({
      %run_scoped3A = tpu.sem_alloc : memref<!tpu.dma_semaphore, #tpu.memory_space<semaphore_mem>>
      %dma_start3A = arith.constant 0 : i32
      %dma_start3A_87 = arith.constant 0 : i32
      %dma_start3A_88 = tpu.memref_slice %arg8[%dma_start3A, %dma_start3A_87] : memref<272x128xf32, #tpu.memory_space<vmem>> -> memref<54x128xf32, #tpu.memory_space<vmem>>
      %dma_start3A_89 = arith.constant 0 : i32
      %dma_start3A_90 = arith.constant 0 : i32
      %dma_start3A_91 = tpu.memref_slice %arg8[%dma_start3A_89, %dma_start3A_90] : memref<272x128xf32, #tpu.memory_space<vmem>> -> memref<54x128xf32, #tpu.memory_space<vmem>>
      tpu.enqueue_dma source(%arg4 : memref<54x128xf32, #tpu.memory_space<hbm>>) target(%dma_start3A_91 : memref<54x128xf32, #tpu.memory_space<vmem>>) target_semaphore(%run_scoped3A : memref<!tpu.dma_semaphore, #tpu.memory_space<semaphore_mem>>)
      %dma_wait3A = arith.constant 0 : i32
      %dma_wait3A_92 = arith.constant 0 : i32
      %dma_wait3A_93 = tpu.memref_slice %arg8[%dma_wait3A, %dma_wait3A_92] : memref<272x128xf32, #tpu.memory_space<vmem>> -> memref<54x128xf32, #tpu.memory_space<vmem>>
      %dma_wait3A_94 = arith.constant 0 : i32
      %dma_wait3A_95 = arith.constant 0 : i32
      %dma_wait3A_96 = tpu.memref_slice %arg8[%dma_wait3A_94, %dma_wait3A_95] : memref<272x128xf32, #tpu.memory_space<vmem>> -> memref<54x128xf32, #tpu.memory_space<vmem>>
      tpu.wait_dma2 semaphore(%run_scoped3A : memref<!tpu.dma_semaphore, #tpu.memory_space<semaphore_mem>>) src(%arg4 : memref<54x128xf32, #tpu.memory_space<hbm>>) dst(%dma_wait3A_96 : memref<54x128xf32, #tpu.memory_space<vmem>>)
      tpu.yield
    }) : () -> ()
    "tpu.region"() ({
      %run_scoped3A = tpu.sem_alloc : memref<!tpu.dma_semaphore, #tpu.memory_space<semaphore_mem>>
      %dma_start3A = arith.constant 56 : i32
      %dma_start3A_87 = arith.constant 0 : i32
      %dma_start3A_88 = tpu.memref_slice %arg8[%dma_start3A, %dma_start3A_87] : memref<272x128xf32, #tpu.memory_space<vmem>> -> memref<2x128xf32, #tpu.memory_space<vmem>>
      %dma_start3A_89 = arith.constant 56 : i32
      %dma_start3A_90 = arith.constant 0 : i32
      %dma_start3A_91 = tpu.memref_slice %arg8[%dma_start3A_89, %dma_start3A_90] : memref<272x128xf32, #tpu.memory_space<vmem>> -> memref<2x128xf32, #tpu.memory_space<vmem>>
      tpu.enqueue_dma source(%arg5 : memref<2x128xf32, #tpu.memory_space<hbm>>) target(%dma_start3A_91 : memref<2x128xf32, #tpu.memory_space<vmem>>) target_semaphore(%run_scoped3A : memref<!tpu.dma_semaphore, #tpu.memory_space<semaphore_mem>>)
      %dma_wait3A = arith.constant 56 : i32
      %dma_wait3A_92 = arith.constant 0 : i32
      %dma_wait3A_93 = tpu.memref_slice %arg8[%dma_wait3A, %dma_wait3A_92] : memref<272x128xf32, #tpu.memory_space<vmem>> -> memref<2x128xf32, #tpu.memory_space<vmem>>
      %dma_wait3A_94 = arith.constant 56 : i32
      %dma_wait3A_95 = arith.constant 0 : i32
      %dma_wait3A_96 = tpu.memref_slice %arg8[%dma_wait3A_94, %dma_wait3A_95] : memref<272x128xf32, #tpu.memory_space<vmem>> -> memref<2x128xf32, #tpu.memory_space<vmem>>
      tpu.wait_dma2 semaphore(%run_scoped3A : memref<!tpu.dma_semaphore, #tpu.memory_space<semaphore_mem>>) src(%arg5 : memref<2x128xf32, #tpu.memory_space<hbm>>) dst(%dma_wait3A_96 : memref<2x128xf32, #tpu.memory_space<vmem>>)
      tpu.yield
    }) : () -> ()
    "tpu.region"() ({
      %run_scoped3A = tpu.sem_alloc : memref<!tpu.dma_semaphore, #tpu.memory_space<semaphore_mem>>
      %dma_start3A = arith.constant 64 : i32
      %dma_start3A_87 = arith.constant 0 : i32
      %dma_start3A_88 = tpu.memref_slice %arg8[%dma_start3A, %dma_start3A_87] : memref<272x128xf32, #tpu.memory_space<vmem>> -> memref<8x128xf32, #tpu.memory_space<vmem>>
      %dma_start3A_89 = arith.constant 64 : i32
      %dma_start3A_90 = arith.constant 0 : i32
      %dma_start3A_91 = tpu.memref_slice %arg8[%dma_start3A_89, %dma_start3A_90] : memref<272x128xf32, #tpu.memory_space<vmem>> -> memref<8x128xf32, #tpu.memory_space<vmem>>
      tpu.enqueue_dma source(%arg3 : memref<8x128xf32, #tpu.memory_space<hbm>>) target(%dma_start3A_91 : memref<8x128xf32, #tpu.memory_space<vmem>>) target_semaphore(%run_scoped3A : memref<!tpu.dma_semaphore, #tpu.memory_space<semaphore_mem>>)
      %dma_wait3A = arith.constant 64 : i32
      %dma_wait3A_92 = arith.constant 0 : i32
      %dma_wait3A_93 = tpu.memref_slice %arg8[%dma_wait3A, %dma_wait3A_92] : memref<272x128xf32, #tpu.memory_space<vmem>> -> memref<8x128xf32, #tpu.memory_space<vmem>>
      %dma_wait3A_94 = arith.constant 64 : i32
      %dma_wait3A_95 = arith.constant 0 : i32
      %dma_wait3A_96 = tpu.memref_slice %arg8[%dma_wait3A_94, %dma_wait3A_95] : memref<272x128xf32, #tpu.memory_space<vmem>> -> memref<8x128xf32, #tpu.memory_space<vmem>>
      tpu.wait_dma2 semaphore(%run_scoped3A : memref<!tpu.dma_semaphore, #tpu.memory_space<semaphore_mem>>) src(%arg3 : memref<8x128xf32, #tpu.memory_space<hbm>>) dst(%dma_wait3A_96 : memref<8x128xf32, #tpu.memory_space<vmem>>)
      tpu.yield
    }) : () -> ()
    %iota3A = tpu.iota {dimensions = array<i32: 0>} : vector<16xi32>
    %broadcast_in_dim3A = arith.constant 0 : i32
    %broadcast_in_dim3A_3 = vector.broadcast %broadcast_in_dim3A : i32 to vector<16xi32>
    %add3A_4 = arith.constant 8192 : i32
    %add3A_5 = vector.broadcast %add3A_4 : i32 to vector<16xi32>
    %add3A_6 = arith.addi %iota3A, %add3A_5 : vector<16xi32>
    %shift_right_arithmetic3A = arith.constant 7 : i32
    %shift_right_arithmetic3A_7 = vector.broadcast %shift_right_arithmetic3A : i32 to vector<16xi32>
    %shift_right_arithmetic3A_8 = arith.shrsi %add3A_6, %shift_right_arithmetic3A_7 : vector<16xi32>
    %and3A = arith.constant 127 : i32
    %and3A_9 = vector.broadcast %and3A : i32 to vector<16xi32>
    %and3A_10 = arith.andi %add3A_6, %and3A_9 : vector<16xi32>
    %gather3A = tpu.vector_load_idx %arg8[%shift_right_arithmetic3A_8, %and3A_10] : memref<272x128xf32, #tpu.memory_space<vmem>>[vector<16xi32>, vector<16xi32>], vector<16xf32>,
    %add3A_11 = arith.constant 8208 : i32
    %add3A_12 = vector.broadcast %add3A_11 : i32 to vector<16xi32>
    %add3A_13 = arith.addi %iota3A, %add3A_12 : vector<16xi32>
    %shift_right_arithmetic3A_14 = arith.constant 7 : i32
    %shift_right_arithmetic3A_15 = vector.broadcast %shift_right_arithmetic3A_14 : i32 to vector<16xi32>
    %shift_right_arithmetic3A_16 = arith.shrsi %add3A_13, %shift_right_arithmetic3A_15 : vector<16xi32>
    %and3A_17 = arith.constant 127 : i32
    %and3A_18 = vector.broadcast %and3A_17 : i32 to vector<16xi32>
    %and3A_19 = arith.andi %add3A_13, %and3A_18 : vector<16xi32>
    %gather3A_20 = tpu.vector_load_idx %arg8[%shift_right_arithmetic3A_16, %and3A_19] : memref<272x128xf32, #tpu.memory_space<vmem>>[vector<16xi32>, vector<16xi32>], vector<16xf32>,
    %add3A_21 = arith.constant 8224 : i32
    %add3A_22 = vector.broadcast %add3A_21 : i32 to vector<16xi32>
    %add3A_23 = arith.addi %iota3A, %add3A_22 : vector<16xi32>
    %shift_right_arithmetic3A_24 = arith.constant 7 : i32
    %shift_right_arithmetic3A_25 = vector.broadcast %shift_right_arithmetic3A_24 : i32 to vector<16xi32>
    %shift_right_arithmetic3A_26 = arith.shrsi %add3A_23, %shift_right_arithmetic3A_25 : vector<16xi32>
    %and3A_27 = arith.constant 127 : i32
    %and3A_28 = vector.broadcast %and3A_27 : i32 to vector<16xi32>
    %and3A_29 = arith.andi %add3A_23, %and3A_28 : vector<16xi32>
    %gather3A_30 = tpu.vector_load_idx %arg8[%shift_right_arithmetic3A_26, %and3A_29] : memref<272x128xf32, #tpu.memory_space<vmem>>[vector<16xi32>, vector<16xi32>], vector<16xf32>,
    %add3A_31 = arith.constant 8240 : i32
    %add3A_32 = vector.broadcast %add3A_31 : i32 to vector<16xi32>
    %add3A_33 = arith.addi %iota3A, %add3A_32 : vector<16xi32>
    %shift_right_arithmetic3A_34 = arith.constant 7 : i32
    %shift_right_arithmetic3A_35 = vector.broadcast %shift_right_arithmetic3A_34 : i32 to vector<16xi32>
    %shift_right_arithmetic3A_36 = arith.shrsi %add3A_33, %shift_right_arithmetic3A_35 : vector<16xi32>
    %and3A_37 = arith.constant 127 : i32
    %and3A_38 = vector.broadcast %and3A_37 : i32 to vector<16xi32>
    %and3A_39 = arith.andi %add3A_33, %and3A_38 : vector<16xi32>
    %gather3A_40 = tpu.vector_load_idx %arg8[%shift_right_arithmetic3A_36, %and3A_39] : memref<272x128xf32, #tpu.memory_space<vmem>>[vector<16xi32>, vector<16xi32>], vector<16xf32>,
    %add3A_41 = arith.constant 8256 : i32
    %add3A_42 = vector.broadcast %add3A_41 : i32 to vector<16xi32>
    %add3A_43 = arith.addi %iota3A, %add3A_42 : vector<16xi32>
    %shift_right_arithmetic3A_44 = arith.constant 7 : i32
    %shift_right_arithmetic3A_45 = vector.broadcast %shift_right_arithmetic3A_44 : i32 to vector<16xi32>
    %shift_right_arithmetic3A_46 = arith.shrsi %add3A_43, %shift_right_arithmetic3A_45 : vector<16xi32>
    %and3A_47 = arith.constant 127 : i32
    %and3A_48 = vector.broadcast %and3A_47 : i32 to vector<16xi32>
    %and3A_49 = arith.andi %add3A_43, %and3A_48 : vector<16xi32>
    %gather3A_50 = tpu.vector_load_idx %arg8[%shift_right_arithmetic3A_46, %and3A_49] : memref<272x128xf32, #tpu.memory_space<vmem>>[vector<16xi32>, vector<16xi32>], vector<16xf32>,
    %add3A_51 = arith.constant 8272 : i32
    %add3A_52 = vector.broadcast %add3A_51 : i32 to vector<16xi32>
    %add3A_53 = arith.addi %iota3A, %add3A_52 : vector<16xi32>
    %shift_right_arithmetic3A_54 = arith.constant 7 : i32
    %shift_right_arithmetic3A_55 = vector.broadcast %shift_right_arithmetic3A_54 : i32 to vector<16xi32>
    %shift_right_arithmetic3A_56 = arith.shrsi %add3A_53, %shift_right_arithmetic3A_55 : vector<16xi32>
    %and3A_57 = arith.constant 127 : i32
    %and3A_58 = vector.broadcast %and3A_57 : i32 to vector<16xi32>
    %and3A_59 = arith.andi %add3A_53, %and3A_58 : vector<16xi32>
    %gather3A_60 = tpu.vector_load_idx %arg8[%shift_right_arithmetic3A_56, %and3A_59] : memref<272x128xf32, #tpu.memory_space<vmem>>[vector<16xi32>, vector<16xi32>], vector<16xf32>,
    %add3A_61 = arith.constant 8288 : i32
    %add3A_62 = vector.broadcast %add3A_61 : i32 to vector<16xi32>
    %add3A_63 = arith.addi %iota3A, %add3A_62 : vector<16xi32>
    %shift_right_arithmetic3A_64 = arith.constant 7 : i32
    %shift_right_arithmetic3A_65 = vector.broadcast %shift_right_arithmetic3A_64 : i32 to vector<16xi32>
    %shift_right_arithmetic3A_66 = arith.shrsi %add3A_63, %shift_right_arithmetic3A_65 : vector<16xi32>
    %and3A_67 = arith.constant 127 : i32
    %and3A_68 = vector.broadcast %and3A_67 : i32 to vector<16xi32>
    %and3A_69 = arith.andi %add3A_63, %and3A_68 : vector<16xi32>
    %gather3A_70 = tpu.vector_load_idx %arg8[%shift_right_arithmetic3A_66, %and3A_69] : memref<272x128xf32, #tpu.memory_space<vmem>>[vector<16xi32>, vector<16xi32>], vector<16xf32>,
    %add3A_71 = arith.constant 8304 : i32
    %add3A_72 = vector.broadcast %add3A_71 : i32 to vector<16xi32>
    %add3A_73 = arith.addi %iota3A, %add3A_72 : vector<16xi32>
    %shift_right_arithmetic3A_74 = arith.constant 7 : i32
    %shift_right_arithmetic3A_75 = vector.broadcast %shift_right_arithmetic3A_74 : i32 to vector<16xi32>
    %shift_right_arithmetic3A_76 = arith.shrsi %add3A_73, %shift_right_arithmetic3A_75 : vector<16xi32>
    %and3A_77 = arith.constant 127 : i32
    %and3A_78 = vector.broadcast %and3A_77 : i32 to vector<16xi32>
    %and3A_79 = arith.andi %add3A_73, %and3A_78 : vector<16xi32>
    %gather3A_80 = tpu.vector_load_idx %arg8[%shift_right_arithmetic3A_76, %and3A_79] : memref<272x128xf32, #tpu.memory_space<vmem>>[vector<16xi32>, vector<16xi32>], vector<16xf32>,
    %scan3A = arith.constant 0 : i32
    %scan3A_81 = arith.constant 0 : i32
    %scan3A_82 = arith.constant 48 : i32
    %scan3A_83 = arith.addi %scan3A_81, %scan3A_82 : i32
    %scan3A_84 = arith.constant 1 : i32
    %scan3A_85 = scf.for %scan3A_87 = %scan3A_81 to %scan3A_83 step %scan3A_84 iter_args(%scan3A_88 = %scan3A) -> (i32)  : i32 {
      %mul3A_89 = arith.constant 256 : i32
      %mul3A_90 = arith.muli %scan3A_87, %mul3A_89 : i32
      %jit3A = arith.constant 4 : i32
      %eq3A = arith.constant 0 : i32
      %eq3A_91 = arith.cmpi eq, %jit3A, %eq3A : i32
      %jit3A_92 = arith.constant 1 : i32
      %select_n3A = arith.select %eq3A_91, %jit3A_92, %jit3A : i32
      %rem3A = arith.remsi %scan3A_87, %select_n3A : i32
      %ne3A = arith.constant 0 : i32
      %ne3A_93 = arith.cmpi ne, %rem3A, %ne3A : i32
      %lt3A = arith.constant 0 : i32
      %lt3A_94 = arith.cmpi slt, %rem3A, %lt3A : i32
      %lt3A_95 = arith.constant 0 : i32
      %lt3A_96 = arith.cmpi slt, %select_n3A, %lt3A_95 : i32
      %ne3A_97 = arith.xori %lt3A_94, %lt3A_96 : i1
      %and3A_98 = arith.andi %ne3A_97, %ne3A_93 : i1
      %add3A_99 = arith.addi %rem3A, %select_n3A : i32
      %select_n3A_100 = arith.select %and3A_98, %add3A_99, %rem3A : i32
      %eq3A_101 = arith.constant 0 : i32
      %eq3A_102 = arith.cmpi eq, %select_n3A_100, %eq3A_101 : i32
      %convert_element_type3A = arith.extui %eq3A_102 : i1 to i32
      %cond3A = arith.constant 0 : i32
      %cond3A_103 = arith.cmpi ne, %convert_element_type3A, %cond3A : i32
      scf.if %cond3A_103 {
        %add3A_129 = arith.addi %mul3A_2, %mul3A_90 : i32
        %mul3A_130 = arith.constant 5 : i32
        %mul3A_131 = arith.muli %add3A_129, %mul3A_130 : i32
        %jit3A_132 = arith.constant 128 : i32
        %div3A = arith.divsi %mul3A_131, %jit3A_132 : i32
        %sign3A = arith.constant 0 : i32
        %sign3A_133 = arith.cmpi sgt, %mul3A_131, %sign3A : i32
        %sign3A_134 = arith.extui %sign3A_133 : i1 to i32
        %sign3A_135 = arith.constant 0 : i32
        %sign3A_136 = arith.cmpi slt, %mul3A_131, %sign3A_135 : i32
        %sign3A_137 = arith.extui %sign3A_136 : i1 to i32
        %sign3A_138 = arith.subi %sign3A_134, %sign3A_137 : i32
        %sign3A_139 = arith.constant 0 : i32
        %sign3A_140 = arith.cmpi sgt, %jit3A_132, %sign3A_139 : i32
        %sign3A_141 = arith.extui %sign3A_140 : i1 to i32
        %sign3A_142 = arith.constant 0 : i32
        %sign3A_143 = arith.cmpi slt, %jit3A_132, %sign3A_142 : i32
        %sign3A_144 = arith.extui %sign3A_143 : i1 to i32
        %sign3A_145 = arith.subi %sign3A_141, %sign3A_144 : i32
        %ne3A_146 = arith.cmpi ne, %sign3A_138, %sign3A_145 : i32
        %rem3A_147 = arith.remsi %mul3A_131, %jit3A_132 : i32
        %ne3A_148 = arith.constant 0 : i32
        %ne3A_149 = arith.cmpi ne, %rem3A_147, %ne3A_148 : i32
        %and3A_150 = arith.andi %ne3A_146, %ne3A_149 : i1
        %sub3A = arith.constant 1 : i32
        %sub3A_151 = arith.subi %div3A, %sub3A : i32
        %select_n3A_152 = arith.select %and3A_150, %sub3A_151, %div3A : i32
        %multiple_of3A_153 = tpu.assume_multiple %select_n3A_152, 40 : i32
        "tpu.region"() ({
          %run_scoped3A = tpu.sem_alloc : memref<!tpu.dma_semaphore, #tpu.memory_space<semaphore_mem>>
          %dma_start3A = arith.constant 72 : i32
          %dma_start3A_154 = arith.constant 0 : i32
          %dma_start3A_155 = tpu.memref_slice %arg8[%dma_start3A, %dma_start3A_154] : memref<272x128xf32, #tpu.memory_space<vmem>> -> memref<40x128xf32, #tpu.memory_space<vmem>>
          %dma_start3A_156 = arith.constant 0 : i32
          %dma_start3A_157 = tpu.memref_slice %arg2[%multiple_of3A_153, %dma_start3A_156] : memref<15360x128xf32, #tpu.memory_space<hbm>> -> memref<40x128xf32, #tpu.memory_space<hbm>>
          %dma_start3A_158 = arith.constant 72 : i32
          %dma_start3A_159 = arith.constant 0 : i32
          %dma_start3A_160 = tpu.memref_slice %arg8[%dma_start3A_158, %dma_start3A_159] : memref<272x128xf32, #tpu.memory_space<vmem>> -> memref<40x128xf32, #tpu.memory_space<vmem>>
          %dma_start3A_161 = arith.constant 0 : i32
          %dma_start3A_162 = tpu.memref_slice %arg2[%multiple_of3A_153, %dma_start3A_161] : memref<15360x128xf32, #tpu.memory_space<hbm>> -> memref<40x128xf32, #tpu.memory_space<hbm>>
          tpu.enqueue_dma source(%dma_start3A_162 : memref<40x128xf32, #tpu.memory_space<hbm>>) target(%dma_start3A_160 : memref<40x128xf32, #tpu.memory_space<vmem>>) target_semaphore(%run_scoped3A : memref<!tpu.dma_semaphore, #tpu.memory_space<semaphore_mem>>)
          %dma_wait3A = arith.constant 72 : i32
          %dma_wait3A_163 = arith.constant 0 : i32
          %dma_wait3A_164 = tpu.memref_slice %arg8[%dma_wait3A, %dma_wait3A_163] : memref<272x128xf32, #tpu.memory_space<vmem>> -> memref<40x128xf32, #tpu.memory_space<vmem>>
          %dma_wait3A_165 = arith.constant 0 : i32
          %dma_wait3A_166 = tpu.memref_slice %arg2[%multiple_of3A_153, %dma_wait3A_165] : memref<15360x128xf32, #tpu.memory_space<hbm>> -> memref<40x128xf32, #tpu.memory_space<hbm>>
          %dma_wait3A_167 = arith.constant 72 : i32
          %dma_wait3A_168 = arith.constant 0 : i32
          %dma_wait3A_169 = tpu.memref_slice %arg8[%dma_wait3A_167, %dma_wait3A_168] : memref<272x128xf32, #tpu.memory_space<vmem>> -> memref<40x128xf32, #tpu.memory_space<vmem>>
          %dma_wait3A_170 = arith.constant 0 : i32
          %dma_wait3A_171 = tpu.memref_slice %arg2[%multiple_of3A_153, %dma_wait3A_170] : memref<15360x128xf32, #tpu.memory_space<hbm>> -> memref<40x128xf32, #tpu.memory_space<hbm>>
          tpu.wait_dma2 semaphore(%run_scoped3A : memref<!tpu.dma_semaphore, #tpu.memory_space<semaphore_mem>>) src(%dma_wait3A_171 : memref<40x128xf32, #tpu.memory_space<hbm>>) dst(%dma_wait3A_169 : memref<40x128xf32, #tpu.memory_space<vmem>>)
          tpu.yield
        }) : () -> ()
      } else {
      }
      %multiple_of3A = tpu.assume_multiple %mul3A_90, 256 : i32
      "tpu.region"() ({
        %run_scoped3A = tpu.sem_alloc : memref<!tpu.dma_semaphore, #tpu.memory_space<semaphore_mem>>
        %dma_start3A = arith.constant 0 : i32
        %dma_start3A_129 = arith.constant 72 : i32
        %dma_start3A_130 = tpu.memref_slice %arg9[%dma_start3A, %dma_start3A_129] : memref<256x152xf32, #tpu.memory_space<vmem>> -> memref<256x80xf32, #tpu.memory_space<vmem>>
        %dma_start3A_131 = arith.constant 0 : i32
        %dma_start3A_132 = tpu.memref_slice %arg6[%multiple_of3A, %dma_start3A_131] : memref<12288x80xf32, #tpu.memory_space<hbm>> -> memref<256x80xf32, #tpu.memory_space<hbm>>
        %dma_start3A_133 = arith.constant 0 : i32
        %dma_start3A_134 = arith.constant 72 : i32
        %dma_start3A_135 = tpu.memref_slice %arg9[%dma_start3A_133, %dma_start3A_134] : memref<256x152xf32, #tpu.memory_space<vmem>> -> memref<256x80xf32, #tpu.memory_space<vmem>>
        %dma_start3A_136 = arith.constant 0 : i32
        %dma_start3A_137 = tpu.memref_slice %arg6[%multiple_of3A, %dma_start3A_136] : memref<12288x80xf32, #tpu.memory_space<hbm>> -> memref<256x80xf32, #tpu.memory_space<hbm>>
        tpu.enqueue_dma source(%dma_start3A_137 : memref<256x80xf32, #tpu.memory_space<hbm>>) target(%dma_start3A_135 : memref<256x80xf32, #tpu.memory_space<vmem>>) target_semaphore(%run_scoped3A : memref<!tpu.dma_semaphore, #tpu.memory_space<semaphore_mem>>)
        %dma_wait3A = arith.constant 0 : i32
        %dma_wait3A_138 = arith.constant 72 : i32
        %dma_wait3A_139 = tpu.memref_slice %arg9[%dma_wait3A, %dma_wait3A_138] : memref<256x152xf32, #tpu.memory_space<vmem>> -> memref<256x80xf32, #tpu.memory_space<vmem>>
        %dma_wait3A_140 = arith.constant 0 : i32
        %dma_wait3A_141 = tpu.memref_slice %arg6[%multiple_of3A, %dma_wait3A_140] : memref<12288x80xf32, #tpu.memory_space<hbm>> -> memref<256x80xf32, #tpu.memory_space<hbm>>
        %dma_wait3A_142 = arith.constant 0 : i32
        %dma_wait3A_143 = arith.constant 72 : i32
        %dma_wait3A_144 = tpu.memref_slice %arg9[%dma_wait3A_142, %dma_wait3A_143] : memref<256x152xf32, #tpu.memory_space<vmem>> -> memref<256x80xf32, #tpu.memory_space<vmem>>
        %dma_wait3A_145 = arith.constant 0 : i32
        %dma_wait3A_146 = tpu.memref_slice %arg6[%multiple_of3A, %dma_wait3A_145] : memref<12288x80xf32, #tpu.memory_space<hbm>> -> memref<256x80xf32, #tpu.memory_space<hbm>>
        tpu.wait_dma2 semaphore(%run_scoped3A : memref<!tpu.dma_semaphore, #tpu.memory_space<semaphore_mem>>) src(%dma_wait3A_146 : memref<256x80xf32, #tpu.memory_space<hbm>>) dst(%dma_wait3A_144 : memref<256x80xf32, #tpu.memory_space<vmem>>)
        tpu.yield
      }) : () -> ()
      %jit3A_104 = arith.constant 4 : i32
      %eq3A_105 = arith.constant 0 : i32
      %eq3A_106 = arith.cmpi eq, %jit3A_104, %eq3A_105 : i32
      %jit3A_107 = arith.constant 1 : i32
      %select_n3A_108 = arith.select %eq3A_106, %jit3A_107, %jit3A_104 : i32
      %rem3A_109 = arith.remsi %scan3A_87, %select_n3A_108 : i32
      %ne3A_110 = arith.constant 0 : i32
      %ne3A_111 = arith.cmpi ne, %rem3A_109, %ne3A_110 : i32
      %lt3A_112 = arith.constant 0 : i32
      %lt3A_113 = arith.cmpi slt, %rem3A_109, %lt3A_112 : i32
      %lt3A_114 = arith.constant 0 : i32
      %lt3A_115 = arith.cmpi slt, %select_n3A_108, %lt3A_114 : i32
      %ne3A_116 = arith.xori %lt3A_113, %lt3A_115 : i1
      %and3A_117 = arith.andi %ne3A_116, %ne3A_111 : i1
      %add3A_118 = arith.addi %rem3A_109, %select_n3A_108 : i32
      %select_n3A_119 = arith.select %and3A_117, %add3A_118, %rem3A_109 : i32
      %mul3A_120 = arith.constant 1280 : i32
      %mul3A_121 = arith.muli %select_n3A_119, %mul3A_120 : i32
      %add3A_122 = arith.constant 9216 : i32
      %add3A_123 = arith.addi %add3A_122, %mul3A_121 : i32
      %parallel_loop3A = arith.constant 0 : i32
      %parallel_loop3A_124 = arith.constant 16 : i32
      %parallel_loop3A_125 = arith.constant 1 : i32
      scf.for %parallel_loop3A_129 = %parallel_loop3A to %parallel_loop3A_124 step %parallel_loop3A_125  : i32 {
        %parallel_loop3A_130 = arith.constant 16 : i32
        %parallel_loop3A_131 = arith.muli %parallel_loop3A_129, %parallel_loop3A_130 : i32
        %parallel_loop3A_132 = vector.broadcast %parallel_loop3A_131 : i32 to vector<16xi32>
        %parallel_loop3A_133 = arith.addi %iota3A, %parallel_loop3A_132 : vector<16xi32>
        %parallel_loop3A_134 = arith.constant 5 : i32
        %parallel_loop3A_135 = vector.broadcast %parallel_loop3A_134 : i32 to vector<16xi32>
        %parallel_loop3A_136 = arith.muli %parallel_loop3A_133, %parallel_loop3A_135 : vector<16xi32>
        %parallel_loop3A_137 = vector.broadcast %add3A_123 : i32 to vector<16xi32>
        %parallel_loop3A_138 = arith.addi %parallel_loop3A_136, %parallel_loop3A_137 : vector<16xi32>
        %parallel_loop3A_139 = arith.constant 7 : i32
        %parallel_loop3A_140 = vector.broadcast %parallel_loop3A_139 : i32 to vector<16xi32>
        %parallel_loop3A_141 = arith.shrsi %parallel_loop3A_138, %parallel_loop3A_140 : vector<16xi32>
        %parallel_loop3A_142 = arith.constant 127 : i32
        %parallel_loop3A_143 = vector.broadcast %parallel_loop3A_142 : i32 to vector<16xi32>
        %parallel_loop3A_144 = arith.andi %parallel_loop3A_138, %parallel_loop3A_143 : vector<16xi32>
        %parallel_loop3A_145 = tpu.vector_load_idx %arg8[%parallel_loop3A_141, %parallel_loop3A_144] : memref<272x128xf32, #tpu.memory_space<vmem>>[vector<16xi32>, vector<16xi32>], vector<16xf32>,
        %parallel_loop3A_146 = arith.constant 1 : i32
        %parallel_loop3A_147 = vector.broadcast %parallel_loop3A_146 : i32 to vector<16xi32>
        %parallel_loop3A_148 = arith.addi %parallel_loop3A_138, %parallel_loop3A_147 : vector<16xi32>
        %parallel_loop3A_149 = arith.constant 7 : i32
        %parallel_loop3A_150 = vector.broadcast %parallel_loop3A_149 : i32 to vector<16xi32>
        %parallel_loop3A_151 = arith.shrsi %parallel_loop3A_148, %parallel_loop3A_150 : vector<16xi32>
        %parallel_loop3A_152 = arith.constant 127 : i32
        %parallel_loop3A_153 = vector.broadcast %parallel_loop3A_152 : i32 to vector<16xi32>
        %parallel_loop3A_154 = arith.andi %parallel_loop3A_148, %parallel_loop3A_153 : vector<16xi32>
        %parallel_loop3A_155 = tpu.vector_load_idx %arg8[%parallel_loop3A_151, %parallel_loop3A_154] : memref<272x128xf32, #tpu.memory_space<vmem>>[vector<16xi32>, vector<16xi32>], vector<16xf32>,
        %parallel_loop3A_156 = arith.constant 2 : i32
        %parallel_loop3A_157 = vector.broadcast %parallel_loop3A_156 : i32 to vector<16xi32>
        %parallel_loop3A_158 = arith.addi %parallel_loop3A_138, %parallel_loop3A_157 : vector<16xi32>
        %parallel_loop3A_159 = arith.constant 7 : i32
        %parallel_loop3A_160 = vector.broadcast %parallel_loop3A_159 : i32 to vector<16xi32>
        %parallel_loop3A_161 = arith.shrsi %parallel_loop3A_158, %parallel_loop3A_160 : vector<16xi32>
        %parallel_loop3A_162 = arith.constant 127 : i32
        %parallel_loop3A_163 = vector.broadcast %parallel_loop3A_162 : i32 to vector<16xi32>
        %parallel_loop3A_164 = arith.andi %parallel_loop3A_158, %parallel_loop3A_163 : vector<16xi32>
        %parallel_loop3A_165 = tpu.vector_load_idx %arg8[%parallel_loop3A_161, %parallel_loop3A_164] : memref<272x128xf32, #tpu.memory_space<vmem>>[vector<16xi32>, vector<16xi32>], vector<16xf32>,
        %parallel_loop3A_166 = arith.constant 3 : i32
        %parallel_loop3A_167 = vector.broadcast %parallel_loop3A_166 : i32 to vector<16xi32>
        %parallel_loop3A_168 = arith.addi %parallel_loop3A_138, %parallel_loop3A_167 : vector<16xi32>
        %parallel_loop3A_169 = arith.constant 7 : i32
        %parallel_loop3A_170 = vector.broadcast %parallel_loop3A_169 : i32 to vector<16xi32>
        %parallel_loop3A_171 = arith.shrsi %parallel_loop3A_168, %parallel_loop3A_170 : vector<16xi32>
        %parallel_loop3A_172 = arith.constant 127 : i32
        %parallel_loop3A_173 = vector.broadcast %parallel_loop3A_172 : i32 to vector<16xi32>
        %parallel_loop3A_174 = arith.andi %parallel_loop3A_168, %parallel_loop3A_173 : vector<16xi32>
        %parallel_loop3A_175 = tpu.vector_load_idx %arg8[%parallel_loop3A_171, %parallel_loop3A_174] : memref<272x128xf32, #tpu.memory_space<vmem>>[vector<16xi32>, vector<16xi32>], vector<16xf32>,
        %parallel_loop3A_176 = arith.constant 4 : i32
        %parallel_loop3A_177 = vector.broadcast %parallel_loop3A_176 : i32 to vector<16xi32>
        %parallel_loop3A_178 = arith.addi %parallel_loop3A_138, %parallel_loop3A_177 : vector<16xi32>
        %parallel_loop3A_179 = arith.constant 7 : i32
        %parallel_loop3A_180 = vector.broadcast %parallel_loop3A_179 : i32 to vector<16xi32>
        %parallel_loop3A_181 = arith.shrsi %parallel_loop3A_178, %parallel_loop3A_180 : vector<16xi32>
        %parallel_loop3A_182 = arith.constant 127 : i32
        %parallel_loop3A_183 = vector.broadcast %parallel_loop3A_182 : i32 to vector<16xi32>
        %parallel_loop3A_184 = arith.andi %parallel_loop3A_178, %parallel_loop3A_183 : vector<16xi32>
        %parallel_loop3A_185 = tpu.vector_load_idx %arg8[%parallel_loop3A_181, %parallel_loop3A_184] : memref<272x128xf32, #tpu.memory_space<vmem>>[vector<16xi32>, vector<16xi32>], vector<16xf32>,
        %parallel_loop3A_186 = arith.constant 2.880000e+02 : f32
        %parallel_loop3A_187 = vector.broadcast %parallel_loop3A_186 : f32 to vector<16xf32>
        %parallel_loop3A_188 = arith.mulf %parallel_loop3A_175, %parallel_loop3A_187 : vector<16xf32>
        %parallel_loop3A_189 = arith.fptosi %parallel_loop3A_188 : vector<16xf32> to vector<16xi32>
        %parallel_loop3A_190 = arith.constant 0 : i32
        %parallel_loop3A_191 = arith.constant 287 : i32
        %parallel_loop3A_192 = vector.broadcast %parallel_loop3A_190 : i32 to vector<16xi32>
        %parallel_loop3A_193 = arith.maxsi %parallel_loop3A_192, %parallel_loop3A_189 : vector<16xi32>
        %parallel_loop3A_194 = vector.broadcast %parallel_loop3A_191 : i32 to vector<16xi32>
        %parallel_loop3A_195 = arith.minsi %parallel_loop3A_194, %parallel_loop3A_193 : vector<16xi32>
        %parallel_loop3A_196 = arith.fptosi %parallel_loop3A_185 : vector<16xf32> to vector<16xi32>
        %parallel_loop3A_197 = arith.constant 0 : i32
        %parallel_loop3A_198 = arith.constant 6 : i32
        %parallel_loop3A_199 = vector.broadcast %parallel_loop3A_197 : i32 to vector<16xi32>
        %parallel_loop3A_200 = arith.maxsi %parallel_loop3A_199, %parallel_loop3A_196 : vector<16xi32>
        %parallel_loop3A_201 = vector.broadcast %parallel_loop3A_198 : i32 to vector<16xi32>
        %parallel_loop3A_202 = arith.minsi %parallel_loop3A_201, %parallel_loop3A_200 : vector<16xi32>
        %parallel_loop3A_203 = arith.constant 24 : i32
        %parallel_loop3A_204 = vector.broadcast %parallel_loop3A_203 : i32 to vector<16xi32>
        %parallel_loop3A_205 = arith.muli %parallel_loop3A_195, %parallel_loop3A_204 : vector<16xi32>
        %parallel_loop3A_206 = arith.constant 24 : i32
        %parallel_loop3A_207 = vector.broadcast %parallel_loop3A_206 : i32 to vector<16xi32>
        %parallel_loop3A_208 = arith.muli %parallel_loop3A_202, %parallel_loop3A_207 : vector<16xi32>
        %parallel_loop3A_209 = arith.constant 7168 : i32
        %parallel_loop3A_210 = vector.broadcast %parallel_loop3A_209 : i32 to vector<16xi32>
        %parallel_loop3A_211 = arith.addi %parallel_loop3A_208, %parallel_loop3A_210 : vector<16xi32>
        %parallel_loop3A_212 = arith.constant 0 : i32
        %parallel_loop3A_213 = vector.broadcast %parallel_loop3A_212 : i32 to vector<16xi32>
        %parallel_loop3A_214 = arith.addi %broadcast_in_dim3A_3, %parallel_loop3A_213 : vector<16xi32>
        %parallel_loop3A_215 = arith.constant 0 : i32
        %parallel_loop3A_216 = vector.broadcast %parallel_loop3A_215 : i32 to vector<16xi32>
        %parallel_loop3A_217 = arith.addi %parallel_loop3A_205, %parallel_loop3A_216 : vector<16xi32>
        %parallel_loop3A_218 = arith.constant 7 : i32
        %parallel_loop3A_219 = vector.broadcast %parallel_loop3A_218 : i32 to vector<16xi32>
        %parallel_loop3A_220 = arith.shrsi %parallel_loop3A_217, %parallel_loop3A_219 : vector<16xi32>
        %parallel_loop3A_221 = arith.constant 127 : i32
        %parallel_loop3A_222 = vector.broadcast %parallel_loop3A_221 : i32 to vector<16xi32>
        %parallel_loop3A_223 = arith.andi %parallel_loop3A_217, %parallel_loop3A_222 : vector<16xi32>
        %parallel_loop3A_224 = tpu.vector_load_idx %arg8[%parallel_loop3A_220, %parallel_loop3A_223] : memref<272x128xf32, #tpu.memory_space<vmem>>[vector<16xi32>, vector<16xi32>], vector<16xf32>,
        %parallel_loop3A_225 = arith.constant 24 : i32
        %parallel_loop3A_226 = vector.broadcast %parallel_loop3A_225 : i32 to vector<16xi32>
        %parallel_loop3A_227 = arith.addi %parallel_loop3A_214, %parallel_loop3A_226 : vector<16xi32>
        tpu.vector_store_idx %arg9[%parallel_loop3A_133, %parallel_loop3A_227], %parallel_loop3A_224 : memref<256x152xf32, #tpu.memory_space<vmem>>[vector<16xi32>, vector<16xi32>], vector<16xf32>,
        %parallel_loop3A_228 = arith.constant 0 : i32
        %parallel_loop3A_229 = vector.broadcast %parallel_loop3A_228 : i32 to vector<16xi32>
        %parallel_loop3A_230 = arith.addi %parallel_loop3A_211, %parallel_loop3A_229 : vector<16xi32>
        %parallel_loop3A_231 = arith.constant 7 : i32
        %parallel_loop3A_232 = vector.broadcast %parallel_loop3A_231 : i32 to vector<16xi32>
        %parallel_loop3A_233 = arith.shrsi %parallel_loop3A_230, %parallel_loop3A_232 : vector<16xi32>
        %parallel_loop3A_234 = arith.constant 127 : i32
        %parallel_loop3A_235 = vector.broadcast %parallel_loop3A_234 : i32 to vector<16xi32>
        %parallel_loop3A_236 = arith.andi %parallel_loop3A_230, %parallel_loop3A_235 : vector<16xi32>
        %parallel_loop3A_237 = tpu.vector_load_idx %arg8[%parallel_loop3A_233, %parallel_loop3A_236] : memref<272x128xf32, #tpu.memory_space<vmem>>[vector<16xi32>, vector<16xi32>], vector<16xf32>,
        %parallel_loop3A_238 = arith.constant 48 : i32
        %parallel_loop3A_239 = vector.broadcast %parallel_loop3A_238 : i32 to vector<16xi32>
        %parallel_loop3A_240 = arith.addi %parallel_loop3A_214, %parallel_loop3A_239 : vector<16xi32>
        tpu.vector_store_idx %arg9[%parallel_loop3A_133, %parallel_loop3A_240], %parallel_loop3A_237 : memref<256x152xf32, #tpu.memory_space<vmem>>[vector<16xi32>, vector<16xi32>], vector<16xf32>,
        %parallel_loop3A_241 = vector.extract_strided_slice %gather3A {offsets = [0], sizes = [1], strides = [1]} : vector<16xf32> to vector<1xf32>
        %parallel_loop3A_242 = vector.extract %parallel_loop3A_241[0] : f32 from vector<1xf32>
        %parallel_loop3A_243 = vector.broadcast %parallel_loop3A_242 : f32 to vector<16xf32>
        %parallel_loop3A_244 = arith.mulf %parallel_loop3A_145, %parallel_loop3A_243 : vector<16xf32>
        %parallel_loop3A_245 = vector.extract_strided_slice %gather3A_30 {offsets = [0], sizes = [1], strides = [1]} : vector<16xf32> to vector<1xf32>
        %parallel_loop3A_246 = vector.extract %parallel_loop3A_245[0] : f32 from vector<1xf32>
        %parallel_loop3A_247 = vector.broadcast %parallel_loop3A_246 : f32 to vector<16xf32>
        %parallel_loop3A_248 = arith.mulf %parallel_loop3A_155, %parallel_loop3A_247 : vector<16xf32>
        %parallel_loop3A_249 = arith.addf %parallel_loop3A_244, %parallel_loop3A_248 : vector<16xf32>
        %parallel_loop3A_250 = vector.extract_strided_slice %gather3A_50 {offsets = [0], sizes = [1], strides = [1]} : vector<16xf32> to vector<1xf32>
        %parallel_loop3A_251 = vector.extract %parallel_loop3A_250[0] : f32 from vector<1xf32>
        %parallel_loop3A_252 = vector.broadcast %parallel_loop3A_251 : f32 to vector<16xf32>
        %parallel_loop3A_253 = arith.mulf %parallel_loop3A_165, %parallel_loop3A_252 : vector<16xf32>
        %parallel_loop3A_254 = arith.addf %parallel_loop3A_249, %parallel_loop3A_253 : vector<16xf32>
        %parallel_loop3A_255 = vector.extract_strided_slice %gather3A_70 {offsets = [0], sizes = [1], strides = [1]} : vector<16xf32> to vector<1xf32>
        %parallel_loop3A_256 = vector.extract %parallel_loop3A_255[0] : f32 from vector<1xf32>
        %parallel_loop3A_257 = vector.broadcast %parallel_loop3A_256 : f32 to vector<16xf32>
        %parallel_loop3A_258 = arith.addf %parallel_loop3A_254, %parallel_loop3A_257 : vector<16xf32>
        tpu.vector_store_idx %arg9[%parallel_loop3A_133, %parallel_loop3A_214], %parallel_loop3A_258 : memref<256x152xf32, #tpu.memory_space<vmem>>[vector<16xi32>, vector<16xi32>], vector<16xf32>,
        %parallel_loop3A_259 = arith.constant 1 : i32
        %parallel_loop3A_260 = vector.broadcast %parallel_loop3A_259 : i32 to vector<16xi32>
        %parallel_loop3A_261 = arith.addi %broadcast_in_dim3A_3, %parallel_loop3A_260 : vector<16xi32>
        %parallel_loop3A_262 = arith.constant 1 : i32
        %parallel_loop3A_263 = vector.broadcast %parallel_loop3A_262 : i32 to vector<16xi32>
        %parallel_loop3A_264 = arith.addi %parallel_loop3A_205, %parallel_loop3A_263 : vector<16xi32>
        %parallel_loop3A_265 = arith.constant 7 : i32
        %parallel_loop3A_266 = vector.broadcast %parallel_loop3A_265 : i32 to vector<16xi32>
        %parallel_loop3A_267 = arith.shrsi %parallel_loop3A_264, %parallel_loop3A_266 : vector<16xi32>
        %parallel_loop3A_268 = arith.constant 127 : i32
        %parallel_loop3A_269 = vector.broadcast %parallel_loop3A_268 : i32 to vector<16xi32>
        %parallel_loop3A_270 = arith.andi %parallel_loop3A_264, %parallel_loop3A_269 : vector<16xi32>
        %parallel_loop3A_271 = tpu.vector_load_idx %arg8[%parallel_loop3A_267, %parallel_loop3A_270] : memref<272x128xf32, #tpu.memory_space<vmem>>[vector<16xi32>, vector<16xi32>], vector<16xf32>,
        %parallel_loop3A_272 = arith.constant 24 : i32
        %parallel_loop3A_273 = vector.broadcast %parallel_loop3A_272 : i32 to vector<16xi32>
        %parallel_loop3A_274 = arith.addi %parallel_loop3A_261, %parallel_loop3A_273 : vector<16xi32>
        tpu.vector_store_idx %arg9[%parallel_loop3A_133, %parallel_loop3A_274], %parallel_loop3A_271 : memref<256x152xf32, #tpu.memory_space<vmem>>[vector<16xi32>, vector<16xi32>], vector<16xf32>,
        %parallel_loop3A_275 = arith.constant 1 : i32
        %parallel_loop3A_276 = vector.broadcast %parallel_loop3A_275 : i32 to vector<16xi32>
        %parallel_loop3A_277 = arith.addi %parallel_loop3A_211, %parallel_loop3A_276 : vector<16xi32>
        %parallel_loop3A_278 = arith.constant 7 : i32
        %parallel_loop3A_279 = vector.broadcast %parallel_loop3A_278 : i32 to vector<16xi32>
        %parallel_loop3A_280 = arith.shrsi %parallel_loop3A_277, %parallel_loop3A_279 : vector<16xi32>
        %parallel_loop3A_281 = arith.constant 127 : i32
        %parallel_loop3A_282 = vector.broadcast %parallel_loop3A_281 : i32 to vector<16xi32>
        %parallel_loop3A_283 = arith.andi %parallel_loop3A_277, %parallel_loop3A_282 : vector<16xi32>
        %parallel_loop3A_284 = tpu.vector_load_idx %arg8[%parallel_loop3A_280, %parallel_loop3A_283] : memref<272x128xf32, #tpu.memory_space<vmem>>[vector<16xi32>, vector<16xi32>], vector<16xf32>,
        %parallel_loop3A_285 = arith.constant 48 : i32
        %parallel_loop3A_286 = vector.broadcast %parallel_loop3A_285 : i32 to vector<16xi32>
        %parallel_loop3A_287 = arith.addi %parallel_loop3A_261, %parallel_loop3A_286 : vector<16xi32>
        tpu.vector_store_idx %arg9[%parallel_loop3A_133, %parallel_loop3A_287], %parallel_loop3A_284 : memref<256x152xf32, #tpu.memory_space<vmem>>[vector<16xi32>, vector<16xi32>], vector<16xf32>,
        %parallel_loop3A_288 = vector.extract_strided_slice %gather3A {offsets = [1], sizes = [1], strides = [1]} : vector<16xf32> to vector<1xf32>
        %parallel_loop3A_289 = vector.extract %parallel_loop3A_288[0] : f32 from vector<1xf32>
        %parallel_loop3A_290 = vector.broadcast %parallel_loop3A_289 : f32 to vector<16xf32>
        %parallel_loop3A_291 = arith.mulf %parallel_loop3A_145, %parallel_loop3A_290 : vector<16xf32>
        %parallel_loop3A_292 = vector.extract_strided_slice %gather3A_30 {offsets = [1], sizes = [1], strides = [1]} : vector<16xf32> to vector<1xf32>
        %parallel_loop3A_293 = vector.extract %parallel_loop3A_292[0] : f32 from vector<1xf32>
        %parallel_loop3A_294 = vector.broadcast %parallel_loop3A_293 : f32 to vector<16xf32>
        %parallel_loop3A_295 = arith.mulf %parallel_loop3A_155, %parallel_loop3A_294 : vector<16xf32>
        %parallel_loop3A_296 = arith.addf %parallel_loop3A_291, %parallel_loop3A_295 : vector<16xf32>
        %parallel_loop3A_297 = vector.extract_strided_slice %gather3A_50 {offsets = [1], sizes = [1], strides = [1]} : vector<16xf32> to vector<1xf32>
        %parallel_loop3A_298 = vector.extract %parallel_loop3A_297[0] : f32 from vector<1xf32>
        %parallel_loop3A_299 = vector.broadcast %parallel_loop3A_298 : f32 to vector<16xf32>
        %parallel_loop3A_300 = arith.mulf %parallel_loop3A_165, %parallel_loop3A_299 : vector<16xf32>
        %parallel_loop3A_301 = arith.addf %parallel_loop3A_296, %parallel_loop3A_300 : vector<16xf32>
        %parallel_loop3A_302 = vector.extract_strided_slice %gather3A_70 {offsets = [1], sizes = [1], strides = [1]} : vector<16xf32> to vector<1xf32>
        %parallel_loop3A_303 = vector.extract %parallel_loop3A_302[0] : f32 from vector<1xf32>
        %parallel_loop3A_304 = vector.broadcast %parallel_loop3A_303 : f32 to vector<16xf32>
        %parallel_loop3A_305 = arith.addf %parallel_loop3A_301, %parallel_loop3A_304 : vector<16xf32>
        tpu.vector_store_idx %arg9[%parallel_loop3A_133, %parallel_loop3A_261], %parallel_loop3A_305 : memref<256x152xf32, #tpu.memory_space<vmem>>[vector<16xi32>, vector<16xi32>], vector<16xf32>,
        %parallel_loop3A_306 = arith.constant 2 : i32
        %parallel_loop3A_307 = vector.broadcast %parallel_loop3A_306 : i32 to vector<16xi32>
        %parallel_loop3A_308 = arith.addi %broadcast_in_dim3A_3, %parallel_loop3A_307 : vector<16xi32>
        %parallel_loop3A_309 = arith.constant 2 : i32
        %parallel_loop3A_310 = vector.broadcast %parallel_loop3A_309 : i32 to vector<16xi32>
        %parallel_loop3A_311 = arith.addi %parallel_loop3A_205, %parallel_loop3A_310 : vector<16xi32>
        %parallel_loop3A_312 = arith.constant 7 : i32
        %parallel_loop3A_313 = vector.broadcast %parallel_loop3A_312 : i32 to vector<16xi32>
        %parallel_loop3A_314 = arith.shrsi %parallel_loop3A_311, %parallel_loop3A_313 : vector<16xi32>
        %parallel_loop3A_315 = arith.constant 127 : i32
        %parallel_loop3A_316 = vector.broadcast %parallel_loop3A_315 : i32 to vector<16xi32>
        %parallel_loop3A_317 = arith.andi %parallel_loop3A_311, %parallel_loop3A_316 : vector<16xi32>
        %parallel_loop3A_318 = tpu.vector_load_idx %arg8[%parallel_loop3A_314, %parallel_loop3A_317] : memref<272x128xf32, #tpu.memory_space<vmem>>[vector<16xi32>, vector<16xi32>], vector<16xf32>,
        %parallel_loop3A_319 = arith.constant 24 : i32
        %parallel_loop3A_320 = vector.broadcast %parallel_loop3A_319 : i32 to vector<16xi32>
        %parallel_loop3A_321 = arith.addi %parallel_loop3A_308, %parallel_loop3A_320 : vector<16xi32>
        tpu.vector_store_idx %arg9[%parallel_loop3A_133, %parallel_loop3A_321], %parallel_loop3A_318 : memref<256x152xf32, #tpu.memory_space<vmem>>[vector<16xi32>, vector<16xi32>], vector<16xf32>,
        %parallel_loop3A_322 = arith.constant 2 : i32
        %parallel_loop3A_323 = vector.broadcast %parallel_loop3A_322 : i32 to vector<16xi32>
        %parallel_loop3A_324 = arith.addi %parallel_loop3A_211, %parallel_loop3A_323 : vector<16xi32>
        %parallel_loop3A_325 = arith.constant 7 : i32
        %parallel_loop3A_326 = vector.broadcast %parallel_loop3A_325 : i32 to vector<16xi32>
        %parallel_loop3A_327 = arith.shrsi %parallel_loop3A_324, %parallel_loop3A_326 : vector<16xi32>
        %parallel_loop3A_328 = arith.constant 127 : i32
        %parallel_loop3A_329 = vector.broadcast %parallel_loop3A_328 : i32 to vector<16xi32>
        %parallel_loop3A_330 = arith.andi %parallel_loop3A_324, %parallel_loop3A_329 : vector<16xi32>
        %parallel_loop3A_331 = tpu.vector_load_idx %arg8[%parallel_loop3A_327, %parallel_loop3A_330] : memref<272x128xf32, #tpu.memory_space<vmem>>[vector<16xi32>, vector<16xi32>], vector<16xf32>,
        %parallel_loop3A_332 = arith.constant 48 : i32
        %parallel_loop3A_333 = vector.broadcast %parallel_loop3A_332 : i32 to vector<16xi32>
        %parallel_loop3A_334 = arith.addi %parallel_loop3A_308, %parallel_loop3A_333 : vector<16xi32>
        tpu.vector_store_idx %arg9[%parallel_loop3A_133, %parallel_loop3A_334], %parallel_loop3A_331 : memref<256x152xf32, #tpu.memory_space<vmem>>[vector<16xi32>, vector<16xi32>], vector<16xf32>,
        %parallel_loop3A_335 = vector.extract_strided_slice %gather3A {offsets = [2], sizes = [1], strides = [1]} : vector<16xf32> to vector<1xf32>
        %parallel_loop3A_336 = vector.extract %parallel_loop3A_335[0] : f32 from vector<1xf32>
        %parallel_loop3A_337 = vector.broadcast %parallel_loop3A_336 : f32 to vector<16xf32>
        %parallel_loop3A_338 = arith.mulf %parallel_loop3A_145, %parallel_loop3A_337 : vector<16xf32>
        %parallel_loop3A_339 = vector.extract_strided_slice %gather3A_30 {offsets = [2], sizes = [1], strides = [1]} : vector<16xf32> to vector<1xf32>
        %parallel_loop3A_340 = vector.extract %parallel_loop3A_339[0] : f32 from vector<1xf32>
        %parallel_loop3A_341 = vector.broadcast %parallel_loop3A_340 : f32 to vector<16xf32>
        %parallel_loop3A_342 = arith.mulf %parallel_loop3A_155, %parallel_loop3A_341 : vector<16xf32>
        %parallel_loop3A_343 = arith.addf %parallel_loop3A_338, %parallel_loop3A_342 : vector<16xf32>
        %parallel_loop3A_344 = vector.extract_strided_slice %gather3A_50 {offsets = [2], sizes = [1], strides = [1]} : vector<16xf32> to vector<1xf32>
        %parallel_loop3A_345 = vector.extract %parallel_loop3A_344[0] : f32 from vector<1xf32>
        %parallel_loop3A_346 = vector.broadcast %parallel_loop3A_345 : f32 to vector<16xf32>
        %parallel_loop3A_347 = arith.mulf %parallel_loop3A_165, %parallel_loop3A_346 : vector<16xf32>
        %parallel_loop3A_348 = arith.addf %parallel_loop3A_343, %parallel_loop3A_347 : vector<16xf32>
        %parallel_loop3A_349 = vector.extract_strided_slice %gather3A_70 {offsets = [2], sizes = [1], strides = [1]} : vector<16xf32> to vector<1xf32>
        %parallel_loop3A_350 = vector.extract %parallel_loop3A_349[0] : f32 from vector<1xf32>
        %parallel_loop3A_351 = vector.broadcast %parallel_loop3A_350 : f32 to vector<16xf32>
        %parallel_loop3A_352 = arith.addf %parallel_loop3A_348, %parallel_loop3A_351 : vector<16xf32>
        tpu.vector_store_idx %arg9[%parallel_loop3A_133, %parallel_loop3A_308], %parallel_loop3A_352 : memref<256x152xf32, #tpu.memory_space<vmem>>[vector<16xi32>, vector<16xi32>], vector<16xf32>,
        %parallel_loop3A_353 = arith.constant 3 : i32
        %parallel_loop3A_354 = vector.broadcast %parallel_loop3A_353 : i32 to vector<16xi32>
        %parallel_loop3A_355 = arith.addi %broadcast_in_dim3A_3, %parallel_loop3A_354 : vector<16xi32>
        %parallel_loop3A_356 = arith.constant 3 : i32
        %parallel_loop3A_357 = vector.broadcast %parallel_loop3A_356 : i32 to vector<16xi32>
        %parallel_loop3A_358 = arith.addi %parallel_loop3A_205, %parallel_loop3A_357 : vector<16xi32>
        %parallel_loop3A_359 = arith.constant 7 : i32
        %parallel_loop3A_360 = vector.broadcast %parallel_loop3A_359 : i32 to vector<16xi32>
        %parallel_loop3A_361 = arith.shrsi %parallel_loop3A_358, %parallel_loop3A_360 : vector<16xi32>
        %parallel_loop3A_362 = arith.constant 127 : i32
        %parallel_loop3A_363 = vector.broadcast %parallel_loop3A_362 : i32 to vector<16xi32>
        %parallel_loop3A_364 = arith.andi %parallel_loop3A_358, %parallel_loop3A_363 : vector<16xi32>
        %parallel_loop3A_365 = tpu.vector_load_idx %arg8[%parallel_loop3A_361, %parallel_loop3A_364] : memref<272x128xf32, #tpu.memory_space<vmem>>[vector<16xi32>, vector<16xi32>], vector<16xf32>,
        %parallel_loop3A_366 = arith.constant 24 : i32
        %parallel_loop3A_367 = vector.broadcast %parallel_loop3A_366 : i32 to vector<16xi32>
        %parallel_loop3A_368 = arith.addi %parallel_loop3A_355, %parallel_loop3A_367 : vector<16xi32>
        tpu.vector_store_idx %arg9[%parallel_loop3A_133, %parallel_loop3A_368], %parallel_loop3A_365 : memref<256x152xf32, #tpu.memory_space<vmem>>[vector<16xi32>, vector<16xi32>], vector<16xf32>,
        %parallel_loop3A_369 = arith.constant 3 : i32
        %parallel_loop3A_370 = vector.broadcast %parallel_loop3A_369 : i32 to vector<16xi32>
        %parallel_loop3A_371 = arith.addi %parallel_loop3A_211, %parallel_loop3A_370 : vector<16xi32>
        %parallel_loop3A_372 = arith.constant 7 : i32
        %parallel_loop3A_373 = vector.broadcast %parallel_loop3A_372 : i32 to vector<16xi32>
        %parallel_loop3A_374 = arith.shrsi %parallel_loop3A_371, %parallel_loop3A_373 : vector<16xi32>
        %parallel_loop3A_375 = arith.constant 127 : i32
        %parallel_loop3A_376 = vector.broadcast %parallel_loop3A_375 : i32 to vector<16xi32>
        %parallel_loop3A_377 = arith.andi %parallel_loop3A_371, %parallel_loop3A_376 : vector<16xi32>
        %parallel_loop3A_378 = tpu.vector_load_idx %arg8[%parallel_loop3A_374, %parallel_loop3A_377] : memref<272x128xf32, #tpu.memory_space<vmem>>[vector<16xi32>, vector<16xi32>], vector<16xf32>,
        %parallel_loop3A_379 = arith.constant 48 : i32
        %parallel_loop3A_380 = vector.broadcast %parallel_loop3A_379 : i32 to vector<16xi32>
        %parallel_loop3A_381 = arith.addi %parallel_loop3A_355, %parallel_loop3A_380 : vector<16xi32>
        tpu.vector_store_idx %arg9[%parallel_loop3A_133, %parallel_loop3A_381], %parallel_loop3A_378 : memref<256x152xf32, #tpu.memory_space<vmem>>[vector<16xi32>, vector<16xi32>], vector<16xf32>,
        %parallel_loop3A_382 = vector.extract_strided_slice %gather3A {offsets = [3], sizes = [1], strides = [1]} : vector<16xf32> to vector<1xf32>
        %parallel_loop3A_383 = vector.extract %parallel_loop3A_382[0] : f32 from vector<1xf32>
        %parallel_loop3A_384 = vector.broadcast %parallel_loop3A_383 : f32 to vector<16xf32>
        %parallel_loop3A_385 = arith.mulf %parallel_loop3A_145, %parallel_loop3A_384 : vector<16xf32>
        %parallel_loop3A_386 = vector.extract_strided_slice %gather3A_30 {offsets = [3], sizes = [1], strides = [1]} : vector<16xf32> to vector<1xf32>
        %parallel_loop3A_387 = vector.extract %parallel_loop3A_386[0] : f32 from vector<1xf32>
        %parallel_loop3A_388 = vector.broadcast %parallel_loop3A_387 : f32 to vector<16xf32>
        %parallel_loop3A_389 = arith.mulf %parallel_loop3A_155, %parallel_loop3A_388 : vector<16xf32>
        %parallel_loop3A_390 = arith.addf %parallel_loop3A_385, %parallel_loop3A_389 : vector<16xf32>
        %parallel_loop3A_391 = vector.extract_strided_slice %gather3A_50 {offsets = [3], sizes = [1], strides = [1]} : vector<16xf32> to vector<1xf32>
        %parallel_loop3A_392 = vector.extract %parallel_loop3A_391[0] : f32 from vector<1xf32>
        %parallel_loop3A_393 = vector.broadcast %parallel_loop3A_392 : f32 to vector<16xf32>
        %parallel_loop3A_394 = arith.mulf %parallel_loop3A_165, %parallel_loop3A_393 : vector<16xf32>
        %parallel_loop3A_395 = arith.addf %parallel_loop3A_390, %parallel_loop3A_394 : vector<16xf32>
        %parallel_loop3A_396 = vector.extract_strided_slice %gather3A_70 {offsets = [3], sizes = [1], strides = [1]} : vector<16xf32> to vector<1xf32>
        %parallel_loop3A_397 = vector.extract %parallel_loop3A_396[0] : f32 from vector<1xf32>
        %parallel_loop3A_398 = vector.broadcast %parallel_loop3A_397 : f32 to vector<16xf32>
        %parallel_loop3A_399 = arith.addf %parallel_loop3A_395, %parallel_loop3A_398 : vector<16xf32>
        tpu.vector_store_idx %arg9[%parallel_loop3A_133, %parallel_loop3A_355], %parallel_loop3A_399 : memref<256x152xf32, #tpu.memory_space<vmem>>[vector<16xi32>, vector<16xi32>], vector<16xf32>,
        %parallel_loop3A_400 = arith.constant 4 : i32
        %parallel_loop3A_401 = vector.broadcast %parallel_loop3A_400 : i32 to vector<16xi32>
        %parallel_loop3A_402 = arith.addi %broadcast_in_dim3A_3, %parallel_loop3A_401 : vector<16xi32>
        %parallel_loop3A_403 = arith.constant 4 : i32
        %parallel_loop3A_404 = vector.broadcast %parallel_loop3A_403 : i32 to vector<16xi32>
        %parallel_loop3A_405 = arith.addi %parallel_loop3A_205, %parallel_loop3A_404 : vector<16xi32>
        %parallel_loop3A_406 = arith.constant 7 : i32
        %parallel_loop3A_407 = vector.broadcast %parallel_loop3A_406 : i32 to vector<16xi32>
        %parallel_loop3A_408 = arith.shrsi %parallel_loop3A_405, %parallel_loop3A_407 : vector<16xi32>
        %parallel_loop3A_409 = arith.constant 127 : i32
        %parallel_loop3A_410 = vector.broadcast %parallel_loop3A_409 : i32 to vector<16xi32>
        %parallel_loop3A_411 = arith.andi %parallel_loop3A_405, %parallel_loop3A_410 : vector<16xi32>
        %parallel_loop3A_412 = tpu.vector_load_idx %arg8[%parallel_loop3A_408, %parallel_loop3A_411] : memref<272x128xf32, #tpu.memory_space<vmem>>[vector<16xi32>, vector<16xi32>], vector<16xf32>,
        %parallel_loop3A_413 = arith.constant 24 : i32
        %parallel_loop3A_414 = vector.broadcast %parallel_loop3A_413 : i32 to vector<16xi32>
        %parallel_loop3A_415 = arith.addi %parallel_loop3A_402, %parallel_loop3A_414 : vector<16xi32>
        tpu.vector_store_idx %arg9[%parallel_loop3A_133, %parallel_loop3A_415], %parallel_loop3A_412 : memref<256x152xf32, #tpu.memory_space<vmem>>[vector<16xi32>, vector<16xi32>], vector<16xf32>,
        %parallel_loop3A_416 = arith.constant 4 : i32
        %parallel_loop3A_417 = vector.broadcast %parallel_loop3A_416 : i32 to vector<16xi32>
        %parallel_loop3A_418 = arith.addi %parallel_loop3A_211, %parallel_loop3A_417 : vector<16xi32>
        %parallel_loop3A_419 = arith.constant 7 : i32
        %parallel_loop3A_420 = vector.broadcast %parallel_loop3A_419 : i32 to vector<16xi32>
        %parallel_loop3A_421 = arith.shrsi %parallel_loop3A_418, %parallel_loop3A_420 : vector<16xi32>
        %parallel_loop3A_422 = arith.constant 127 : i32
        %parallel_loop3A_423 = vector.broadcast %parallel_loop3A_422 : i32 to vector<16xi32>
        %parallel_loop3A_424 = arith.andi %parallel_loop3A_418, %parallel_loop3A_423 : vector<16xi32>
        %parallel_loop3A_425 = tpu.vector_load_idx %arg8[%parallel_loop3A_421, %parallel_loop3A_424] : memref<272x128xf32, #tpu.memory_space<vmem>>[vector<16xi32>, vector<16xi32>], vector<16xf32>,
        %parallel_loop3A_426 = arith.constant 48 : i32
        %parallel_loop3A_427 = vector.broadcast %parallel_loop3A_426 : i32 to vector<16xi32>
        %parallel_loop3A_428 = arith.addi %parallel_loop3A_402, %parallel_loop3A_427 : vector<16xi32>
        tpu.vector_store_idx %arg9[%parallel_loop3A_133, %parallel_loop3A_428], %parallel_loop3A_425 : memref<256x152xf32, #tpu.memory_space<vmem>>[vector<16xi32>, vector<16xi32>], vector<16xf32>,
        %parallel_loop3A_429 = vector.extract_strided_slice %gather3A {offsets = [4], sizes = [1], strides = [1]} : vector<16xf32> to vector<1xf32>
        %parallel_loop3A_430 = vector.extract %parallel_loop3A_429[0] : f32 from vector<1xf32>
        %parallel_loop3A_431 = vector.broadcast %parallel_loop3A_430 : f32 to vector<16xf32>
        %parallel_loop3A_432 = arith.mulf %parallel_loop3A_145, %parallel_loop3A_431 : vector<16xf32>
        %parallel_loop3A_433 = vector.extract_strided_slice %gather3A_30 {offsets = [4], sizes = [1], strides = [1]} : vector<16xf32> to vector<1xf32>
        %parallel_loop3A_434 = vector.extract %parallel_loop3A_433[0] : f32 from vector<1xf32>
        %parallel_loop3A_435 = vector.broadcast %parallel_loop3A_434 : f32 to vector<16xf32>
        %parallel_loop3A_436 = arith.mulf %parallel_loop3A_155, %parallel_loop3A_435 : vector<16xf32>
        %parallel_loop3A_437 = arith.addf %parallel_loop3A_432, %parallel_loop3A_436 : vector<16xf32>
        %parallel_loop3A_438 = vector.extract_strided_slice %gather3A_50 {offsets = [4], sizes = [1], strides = [1]} : vector<16xf32> to vector<1xf32>
        %parallel_loop3A_439 = vector.extract %parallel_loop3A_438[0] : f32 from vector<1xf32>
        %parallel_loop3A_440 = vector.broadcast %parallel_loop3A_439 : f32 to vector<16xf32>
        %parallel_loop3A_441 = arith.mulf %parallel_loop3A_165, %parallel_loop3A_440 : vector<16xf32>
        %parallel_loop3A_442 = arith.addf %parallel_loop3A_437, %parallel_loop3A_441 : vector<16xf32>
        %parallel_loop3A_443 = vector.extract_strided_slice %gather3A_70 {offsets = [4], sizes = [1], strides = [1]} : vector<16xf32> to vector<1xf32>
        %parallel_loop3A_444 = vector.extract %parallel_loop3A_443[0] : f32 from vector<1xf32>
        %parallel_loop3A_445 = vector.broadcast %parallel_loop3A_444 : f32 to vector<16xf32>
        %parallel_loop3A_446 = arith.addf %parallel_loop3A_442, %parallel_loop3A_445 : vector<16xf32>
        tpu.vector_store_idx %arg9[%parallel_loop3A_133, %parallel_loop3A_402], %parallel_loop3A_446 : memref<256x152xf32, #tpu.memory_space<vmem>>[vector<16xi32>, vector<16xi32>], vector<16xf32>,
        %parallel_loop3A_447 = arith.constant 5 : i32
        %parallel_loop3A_448 = vector.broadcast %parallel_loop3A_447 : i32 to vector<16xi32>
        %parallel_loop3A_449 = arith.addi %broadcast_in_dim3A_3, %parallel_loop3A_448 : vector<16xi32>
        %parallel_loop3A_450 = arith.constant 5 : i32
        %parallel_loop3A_451 = vector.broadcast %parallel_loop3A_450 : i32 to vector<16xi32>
        %parallel_loop3A_452 = arith.addi %parallel_loop3A_205, %parallel_loop3A_451 : vector<16xi32>
        %parallel_loop3A_453 = arith.constant 7 : i32
        %parallel_loop3A_454 = vector.broadcast %parallel_loop3A_453 : i32 to vector<16xi32>
        %parallel_loop3A_455 = arith.shrsi %parallel_loop3A_452, %parallel_loop3A_454 : vector<16xi32>
        %parallel_loop3A_456 = arith.constant 127 : i32
        %parallel_loop3A_457 = vector.broadcast %parallel_loop3A_456 : i32 to vector<16xi32>
        %parallel_loop3A_458 = arith.andi %parallel_loop3A_452, %parallel_loop3A_457 : vector<16xi32>
        %parallel_loop3A_459 = tpu.vector_load_idx %arg8[%parallel_loop3A_455, %parallel_loop3A_458] : memref<272x128xf32, #tpu.memory_space<vmem>>[vector<16xi32>, vector<16xi32>], vector<16xf32>,
        %parallel_loop3A_460 = arith.constant 24 : i32
        %parallel_loop3A_461 = vector.broadcast %parallel_loop3A_460 : i32 to vector<16xi32>
        %parallel_loop3A_462 = arith.addi %parallel_loop3A_449, %parallel_loop3A_461 : vector<16xi32>
        tpu.vector_store_idx %arg9[%parallel_loop3A_133, %parallel_loop3A_462], %parallel_loop3A_459 : memref<256x152xf32, #tpu.memory_space<vmem>>[vector<16xi32>, vector<16xi32>], vector<16xf32>,
        %parallel_loop3A_463 = arith.constant 5 : i32
        %parallel_loop3A_464 = vector.broadcast %parallel_loop3A_463 : i32 to vector<16xi32>
        %parallel_loop3A_465 = arith.addi %parallel_loop3A_211, %parallel_loop3A_464 : vector<16xi32>
        %parallel_loop3A_466 = arith.constant 7 : i32
        %parallel_loop3A_467 = vector.broadcast %parallel_loop3A_466 : i32 to vector<16xi32>
        %parallel_loop3A_468 = arith.shrsi %parallel_loop3A_465, %parallel_loop3A_467 : vector<16xi32>
        %parallel_loop3A_469 = arith.constant 127 : i32
        %parallel_loop3A_470 = vector.broadcast %parallel_loop3A_469 : i32 to vector<16xi32>
        %parallel_loop3A_471 = arith.andi %parallel_loop3A_465, %parallel_loop3A_470 : vector<16xi32>
        %parallel_loop3A_472 = tpu.vector_load_idx %arg8[%parallel_loop3A_468, %parallel_loop3A_471] : memref<272x128xf32, #tpu.memory_space<vmem>>[vector<16xi32>, vector<16xi32>], vector<16xf32>,
        %parallel_loop3A_473 = arith.constant 48 : i32
        %parallel_loop3A_474 = vector.broadcast %parallel_loop3A_473 : i32 to vector<16xi32>
        %parallel_loop3A_475 = arith.addi %parallel_loop3A_449, %parallel_loop3A_474 : vector<16xi32>
        tpu.vector_store_idx %arg9[%parallel_loop3A_133, %parallel_loop3A_475], %parallel_loop3A_472 : memref<256x152xf32, #tpu.memory_space<vmem>>[vector<16xi32>, vector<16xi32>], vector<16xf32>,
        %parallel_loop3A_476 = vector.extract_strided_slice %gather3A {offsets = [5], sizes = [1], strides = [1]} : vector<16xf32> to vector<1xf32>
        %parallel_loop3A_477 = vector.extract %parallel_loop3A_476[0] : f32 from vector<1xf32>
        %parallel_loop3A_478 = vector.broadcast %parallel_loop3A_477 : f32 to vector<16xf32>
        %parallel_loop3A_479 = arith.mulf %parallel_loop3A_145, %parallel_loop3A_478 : vector<16xf32>
        %parallel_loop3A_480 = vector.extract_strided_slice %gather3A_30 {offsets = [5], sizes = [1], strides = [1]} : vector<16xf32> to vector<1xf32>
        %parallel_loop3A_481 = vector.extract %parallel_loop3A_480[0] : f32 from vector<1xf32>
        %parallel_loop3A_482 = vector.broadcast %parallel_loop3A_481 : f32 to vector<16xf32>
        %parallel_loop3A_483 = arith.mulf %parallel_loop3A_155, %parallel_loop3A_482 : vector<16xf32>
        %parallel_loop3A_484 = arith.addf %parallel_loop3A_479, %parallel_loop3A_483 : vector<16xf32>
        %parallel_loop3A_485 = vector.extract_strided_slice %gather3A_50 {offsets = [5], sizes = [1], strides = [1]} : vector<16xf32> to vector<1xf32>
        %parallel_loop3A_486 = vector.extract %parallel_loop3A_485[0] : f32 from vector<1xf32>
        %parallel_loop3A_487 = vector.broadcast %parallel_loop3A_486 : f32 to vector<16xf32>
        %parallel_loop3A_488 = arith.mulf %parallel_loop3A_165, %parallel_loop3A_487 : vector<16xf32>
        %parallel_loop3A_489 = arith.addf %parallel_loop3A_484, %parallel_loop3A_488 : vector<16xf32>
        %parallel_loop3A_490 = vector.extract_strided_slice %gather3A_70 {offsets = [5], sizes = [1], strides = [1]} : vector<16xf32> to vector<1xf32>
        %parallel_loop3A_491 = vector.extract %parallel_loop3A_490[0] : f32 from vector<1xf32>
        %parallel_loop3A_492 = vector.broadcast %parallel_loop3A_491 : f32 to vector<16xf32>
        %parallel_loop3A_493 = arith.addf %parallel_loop3A_489, %parallel_loop3A_492 : vector<16xf32>
        tpu.vector_store_idx %arg9[%parallel_loop3A_133, %parallel_loop3A_449], %parallel_loop3A_493 : memref<256x152xf32, #tpu.memory_space<vmem>>[vector<16xi32>, vector<16xi32>], vector<16xf32>,
        %parallel_loop3A_494 = arith.constant 6 : i32
        %parallel_loop3A_495 = vector.broadcast %parallel_loop3A_494 : i32 to vector<16xi32>
        %parallel_loop3A_496 = arith.addi %broadcast_in_dim3A_3, %parallel_loop3A_495 : vector<16xi32>
        %parallel_loop3A_497 = arith.constant 6 : i32
        %parallel_loop3A_498 = vector.broadcast %parallel_loop3A_497 : i32 to vector<16xi32>
        %parallel_loop3A_499 = arith.addi %parallel_loop3A_205, %parallel_loop3A_498 : vector<16xi32>
        %parallel_loop3A_500 = arith.constant 7 : i32
        %parallel_loop3A_501 = vector.broadcast %parallel_loop3A_500 : i32 to vector<16xi32>
        %parallel_loop3A_502 = arith.shrsi %parallel_loop3A_499, %parallel_loop3A_501 : vector<16xi32>
        %parallel_loop3A_503 = arith.constant 127 : i32
        %parallel_loop3A_504 = vector.broadcast %parallel_loop3A_503 : i32 to vector<16xi32>
        %parallel_loop3A_505 = arith.andi %parallel_loop3A_499, %parallel_loop3A_504 : vector<16xi32>
        %parallel_loop3A_506 = tpu.vector_load_idx %arg8[%parallel_loop3A_502, %parallel_loop3A_505] : memref<272x128xf32, #tpu.memory_space<vmem>>[vector<16xi32>, vector<16xi32>], vector<16xf32>,
        %parallel_loop3A_507 = arith.constant 24 : i32
        %parallel_loop3A_508 = vector.broadcast %parallel_loop3A_507 : i32 to vector<16xi32>
        %parallel_loop3A_509 = arith.addi %parallel_loop3A_496, %parallel_loop3A_508 : vector<16xi32>
        tpu.vector_store_idx %arg9[%parallel_loop3A_133, %parallel_loop3A_509], %parallel_loop3A_506 : memref<256x152xf32, #tpu.memory_space<vmem>>[vector<16xi32>, vector<16xi32>], vector<16xf32>,
        %parallel_loop3A_510 = arith.constant 6 : i32
        %parallel_loop3A_511 = vector.broadcast %parallel_loop3A_510 : i32 to vector<16xi32>
        %parallel_loop3A_512 = arith.addi %parallel_loop3A_211, %parallel_loop3A_511 : vector<16xi32>
        %parallel_loop3A_513 = arith.constant 7 : i32
        %parallel_loop3A_514 = vector.broadcast %parallel_loop3A_513 : i32 to vector<16xi32>
        %parallel_loop3A_515 = arith.shrsi %parallel_loop3A_512, %parallel_loop3A_514 : vector<16xi32>
        %parallel_loop3A_516 = arith.constant 127 : i32
        %parallel_loop3A_517 = vector.broadcast %parallel_loop3A_516 : i32 to vector<16xi32>
        %parallel_loop3A_518 = arith.andi %parallel_loop3A_512, %parallel_loop3A_517 : vector<16xi32>
        %parallel_loop3A_519 = tpu.vector_load_idx %arg8[%parallel_loop3A_515, %parallel_loop3A_518] : memref<272x128xf32, #tpu.memory_space<vmem>>[vector<16xi32>, vector<16xi32>], vector<16xf32>,
        %parallel_loop3A_520 = arith.constant 48 : i32
        %parallel_loop3A_521 = vector.broadcast %parallel_loop3A_520 : i32 to vector<16xi32>
        %parallel_loop3A_522 = arith.addi %parallel_loop3A_496, %parallel_loop3A_521 : vector<16xi32>
        tpu.vector_store_idx %arg9[%parallel_loop3A_133, %parallel_loop3A_522], %parallel_loop3A_519 : memref<256x152xf32, #tpu.memory_space<vmem>>[vector<16xi32>, vector<16xi32>], vector<16xf32>,
        %parallel_loop3A_523 = vector.extract_strided_slice %gather3A {offsets = [6], sizes = [1], strides = [1]} : vector<16xf32> to vector<1xf32>
        %parallel_loop3A_524 = vector.extract %parallel_loop3A_523[0] : f32 from vector<1xf32>
        %parallel_loop3A_525 = vector.broadcast %parallel_loop3A_524 : f32 to vector<16xf32>
        %parallel_loop3A_526 = arith.mulf %parallel_loop3A_145, %parallel_loop3A_525 : vector<16xf32>
        %parallel_loop3A_527 = vector.extract_strided_slice %gather3A_30 {offsets = [6], sizes = [1], strides = [1]} : vector<16xf32> to vector<1xf32>
        %parallel_loop3A_528 = vector.extract %parallel_loop3A_527[0] : f32 from vector<1xf32>
        %parallel_loop3A_529 = vector.broadcast %parallel_loop3A_528 : f32 to vector<16xf32>
        %parallel_loop3A_530 = arith.mulf %parallel_loop3A_155, %parallel_loop3A_529 : vector<16xf32>
        %parallel_loop3A_531 = arith.addf %parallel_loop3A_526, %parallel_loop3A_530 : vector<16xf32>
        %parallel_loop3A_532 = vector.extract_strided_slice %gather3A_50 {offsets = [6], sizes = [1], strides = [1]} : vector<16xf32> to vector<1xf32>
        %parallel_loop3A_533 = vector.extract %parallel_loop3A_532[0] : f32 from vector<1xf32>
        %parallel_loop3A_534 = vector.broadcast %parallel_loop3A_533 : f32 to vector<16xf32>
        %parallel_loop3A_535 = arith.mulf %parallel_loop3A_165, %parallel_loop3A_534 : vector<16xf32>
        %parallel_loop3A_536 = arith.addf %parallel_loop3A_531, %parallel_loop3A_535 : vector<16xf32>
        %parallel_loop3A_537 = vector.extract_strided_slice %gather3A_70 {offsets = [6], sizes = [1], strides = [1]} : vector<16xf32> to vector<1xf32>
        %parallel_loop3A_538 = vector.extract %parallel_loop3A_537[0] : f32 from vector<1xf32>
        %parallel_loop3A_539 = vector.broadcast %parallel_loop3A_538 : f32 to vector<16xf32>
        %parallel_loop3A_540 = arith.addf %parallel_loop3A_536, %parallel_loop3A_539 : vector<16xf32>
        tpu.vector_store_idx %arg9[%parallel_loop3A_133, %parallel_loop3A_496], %parallel_loop3A_540 : memref<256x152xf32, #tpu.memory_space<vmem>>[vector<16xi32>, vector<16xi32>], vector<16xf32>,
        %parallel_loop3A_541 = arith.constant 7 : i32
        %parallel_loop3A_542 = vector.broadcast %parallel_loop3A_541 : i32 to vector<16xi32>
        %parallel_loop3A_543 = arith.addi %broadcast_in_dim3A_3, %parallel_loop3A_542 : vector<16xi32>
        %parallel_loop3A_544 = arith.constant 7 : i32
        %parallel_loop3A_545 = vector.broadcast %parallel_loop3A_544 : i32 to vector<16xi32>
        %parallel_loop3A_546 = arith.addi %parallel_loop3A_205, %parallel_loop3A_545 : vector<16xi32>
        %parallel_loop3A_547 = arith.constant 7 : i32
        %parallel_loop3A_548 = vector.broadcast %parallel_loop3A_547 : i32 to vector<16xi32>
        %parallel_loop3A_549 = arith.shrsi %parallel_loop3A_546, %parallel_loop3A_548 : vector<16xi32>
        %parallel_loop3A_550 = arith.constant 127 : i32
        %parallel_loop3A_551 = vector.broadcast %parallel_loop3A_550 : i32 to vector<16xi32>
        %parallel_loop3A_552 = arith.andi %parallel_loop3A_546, %parallel_loop3A_551 : vector<16xi32>
        %parallel_loop3A_553 = tpu.vector_load_idx %arg8[%parallel_loop3A_549, %parallel_loop3A_552] : memref<272x128xf32, #tpu.memory_space<vmem>>[vector<16xi32>, vector<16xi32>], vector<16xf32>,
        %parallel_loop3A_554 = arith.constant 24 : i32
        %parallel_loop3A_555 = vector.broadcast %parallel_loop3A_554 : i32 to vector<16xi32>
        %parallel_loop3A_556 = arith.addi %parallel_loop3A_543, %parallel_loop3A_555 : vector<16xi32>
        tpu.vector_store_idx %arg9[%parallel_loop3A_133, %parallel_loop3A_556], %parallel_loop3A_553 : memref<256x152xf32, #tpu.memory_space<vmem>>[vector<16xi32>, vector<16xi32>], vector<16xf32>,
        %parallel_loop3A_557 = arith.constant 7 : i32
        %parallel_loop3A_558 = vector.broadcast %parallel_loop3A_557 : i32 to vector<16xi32>
        %parallel_loop3A_559 = arith.addi %parallel_loop3A_211, %parallel_loop3A_558 : vector<16xi32>
        %parallel_loop3A_560 = arith.constant 7 : i32
        %parallel_loop3A_561 = vector.broadcast %parallel_loop3A_560 : i32 to vector<16xi32>
        %parallel_loop3A_562 = arith.shrsi %parallel_loop3A_559, %parallel_loop3A_561 : vector<16xi32>
        %parallel_loop3A_563 = arith.constant 127 : i32
        %parallel_loop3A_564 = vector.broadcast %parallel_loop3A_563 : i32 to vector<16xi32>
        %parallel_loop3A_565 = arith.andi %parallel_loop3A_559, %parallel_loop3A_564 : vector<16xi32>
        %parallel_loop3A_566 = tpu.vector_load_idx %arg8[%parallel_loop3A_562, %parallel_loop3A_565] : memref<272x128xf32, #tpu.memory_space<vmem>>[vector<16xi32>, vector<16xi32>], vector<16xf32>,
        %parallel_loop3A_567 = arith.constant 48 : i32
        %parallel_loop3A_568 = vector.broadcast %parallel_loop3A_567 : i32 to vector<16xi32>
        %parallel_loop3A_569 = arith.addi %parallel_loop3A_543, %parallel_loop3A_568 : vector<16xi32>
        tpu.vector_store_idx %arg9[%parallel_loop3A_133, %parallel_loop3A_569], %parallel_loop3A_566 : memref<256x152xf32, #tpu.memory_space<vmem>>[vector<16xi32>, vector<16xi32>], vector<16xf32>,
        %parallel_loop3A_570 = vector.extract_strided_slice %gather3A {offsets = [7], sizes = [1], strides = [1]} : vector<16xf32> to vector<1xf32>
        %parallel_loop3A_571 = vector.extract %parallel_loop3A_570[0] : f32 from vector<1xf32>
        %parallel_loop3A_572 = vector.broadcast %parallel_loop3A_571 : f32 to vector<16xf32>
        %parallel_loop3A_573 = arith.mulf %parallel_loop3A_145, %parallel_loop3A_572 : vector<16xf32>
        %parallel_loop3A_574 = vector.extract_strided_slice %gather3A_30 {offsets = [7], sizes = [1], strides = [1]} : vector<16xf32> to vector<1xf32>
        %parallel_loop3A_575 = vector.extract %parallel_loop3A_574[0] : f32 from vector<1xf32>
        %parallel_loop3A_576 = vector.broadcast %parallel_loop3A_575 : f32 to vector<16xf32>
        %parallel_loop3A_577 = arith.mulf %parallel_loop3A_155, %parallel_loop3A_576 : vector<16xf32>
        %parallel_loop3A_578 = arith.addf %parallel_loop3A_573, %parallel_loop3A_577 : vector<16xf32>
        %parallel_loop3A_579 = vector.extract_strided_slice %gather3A_50 {offsets = [7], sizes = [1], strides = [1]} : vector<16xf32> to vector<1xf32>
        %parallel_loop3A_580 = vector.extract %parallel_loop3A_579[0] : f32 from vector<1xf32>
        %parallel_loop3A_581 = vector.broadcast %parallel_loop3A_580 : f32 to vector<16xf32>
        %parallel_loop3A_582 = arith.mulf %parallel_loop3A_165, %parallel_loop3A_581 : vector<16xf32>
        %parallel_loop3A_583 = arith.addf %parallel_loop3A_578, %parallel_loop3A_582 : vector<16xf32>
        %parallel_loop3A_584 = vector.extract_strided_slice %gather3A_70 {offsets = [7], sizes = [1], strides = [1]} : vector<16xf32> to vector<1xf32>
        %parallel_loop3A_585 = vector.extract %parallel_loop3A_584[0] : f32 from vector<1xf32>
        %parallel_loop3A_586 = vector.broadcast %parallel_loop3A_585 : f32 to vector<16xf32>
        %parallel_loop3A_587 = arith.addf %parallel_loop3A_583, %parallel_loop3A_586 : vector<16xf32>
        tpu.vector_store_idx %arg9[%parallel_loop3A_133, %parallel_loop3A_543], %parallel_loop3A_587 : memref<256x152xf32, #tpu.memory_space<vmem>>[vector<16xi32>, vector<16xi32>], vector<16xf32>,
        %parallel_loop3A_588 = arith.constant 8 : i32
        %parallel_loop3A_589 = vector.broadcast %parallel_loop3A_588 : i32 to vector<16xi32>
        %parallel_loop3A_590 = arith.addi %broadcast_in_dim3A_3, %parallel_loop3A_589 : vector<16xi32>
        %parallel_loop3A_591 = arith.constant 8 : i32
        %parallel_loop3A_592 = vector.broadcast %parallel_loop3A_591 : i32 to vector<16xi32>
        %parallel_loop3A_593 = arith.addi %parallel_loop3A_205, %parallel_loop3A_592 : vector<16xi32>
        %parallel_loop3A_594 = arith.constant 7 : i32
        %parallel_loop3A_595 = vector.broadcast %parallel_loop3A_594 : i32 to vector<16xi32>
        %parallel_loop3A_596 = arith.shrsi %parallel_loop3A_593, %parallel_loop3A_595 : vector<16xi32>
        %parallel_loop3A_597 = arith.constant 127 : i32
        %parallel_loop3A_598 = vector.broadcast %parallel_loop3A_597 : i32 to vector<16xi32>
        %parallel_loop3A_599 = arith.andi %parallel_loop3A_593, %parallel_loop3A_598 : vector<16xi32>
        %parallel_loop3A_600 = tpu.vector_load_idx %arg8[%parallel_loop3A_596, %parallel_loop3A_599] : memref<272x128xf32, #tpu.memory_space<vmem>>[vector<16xi32>, vector<16xi32>], vector<16xf32>,
        %parallel_loop3A_601 = arith.constant 24 : i32
        %parallel_loop3A_602 = vector.broadcast %parallel_loop3A_601 : i32 to vector<16xi32>
        %parallel_loop3A_603 = arith.addi %parallel_loop3A_590, %parallel_loop3A_602 : vector<16xi32>
        tpu.vector_store_idx %arg9[%parallel_loop3A_133, %parallel_loop3A_603], %parallel_loop3A_600 : memref<256x152xf32, #tpu.memory_space<vmem>>[vector<16xi32>, vector<16xi32>], vector<16xf32>,
        %parallel_loop3A_604 = arith.constant 8 : i32
        %parallel_loop3A_605 = vector.broadcast %parallel_loop3A_604 : i32 to vector<16xi32>
        %parallel_loop3A_606 = arith.addi %parallel_loop3A_211, %parallel_loop3A_605 : vector<16xi32>
        %parallel_loop3A_607 = arith.constant 7 : i32
        %parallel_loop3A_608 = vector.broadcast %parallel_loop3A_607 : i32 to vector<16xi32>
        %parallel_loop3A_609 = arith.shrsi %parallel_loop3A_606, %parallel_loop3A_608 : vector<16xi32>
        %parallel_loop3A_610 = arith.constant 127 : i32
        %parallel_loop3A_611 = vector.broadcast %parallel_loop3A_610 : i32 to vector<16xi32>
        %parallel_loop3A_612 = arith.andi %parallel_loop3A_606, %parallel_loop3A_611 : vector<16xi32>
        %parallel_loop3A_613 = tpu.vector_load_idx %arg8[%parallel_loop3A_609, %parallel_loop3A_612] : memref<272x128xf32, #tpu.memory_space<vmem>>[vector<16xi32>, vector<16xi32>], vector<16xf32>,
        %parallel_loop3A_614 = arith.constant 48 : i32
        %parallel_loop3A_615 = vector.broadcast %parallel_loop3A_614 : i32 to vector<16xi32>
        %parallel_loop3A_616 = arith.addi %parallel_loop3A_590, %parallel_loop3A_615 : vector<16xi32>
        tpu.vector_store_idx %arg9[%parallel_loop3A_133, %parallel_loop3A_616], %parallel_loop3A_613 : memref<256x152xf32, #tpu.memory_space<vmem>>[vector<16xi32>, vector<16xi32>], vector<16xf32>,
        %parallel_loop3A_617 = vector.extract_strided_slice %gather3A {offsets = [8], sizes = [1], strides = [1]} : vector<16xf32> to vector<1xf32>
        %parallel_loop3A_618 = vector.extract %parallel_loop3A_617[0] : f32 from vector<1xf32>
        %parallel_loop3A_619 = vector.broadcast %parallel_loop3A_618 : f32 to vector<16xf32>
        %parallel_loop3A_620 = arith.mulf %parallel_loop3A_145, %parallel_loop3A_619 : vector<16xf32>
        %parallel_loop3A_621 = vector.extract_strided_slice %gather3A_30 {offsets = [8], sizes = [1], strides = [1]} : vector<16xf32> to vector<1xf32>
        %parallel_loop3A_622 = vector.extract %parallel_loop3A_621[0] : f32 from vector<1xf32>
        %parallel_loop3A_623 = vector.broadcast %parallel_loop3A_622 : f32 to vector<16xf32>
        %parallel_loop3A_624 = arith.mulf %parallel_loop3A_155, %parallel_loop3A_623 : vector<16xf32>
        %parallel_loop3A_625 = arith.addf %parallel_loop3A_620, %parallel_loop3A_624 : vector<16xf32>
        %parallel_loop3A_626 = vector.extract_strided_slice %gather3A_50 {offsets = [8], sizes = [1], strides = [1]} : vector<16xf32> to vector<1xf32>
        %parallel_loop3A_627 = vector.extract %parallel_loop3A_626[0] : f32 from vector<1xf32>
        %parallel_loop3A_628 = vector.broadcast %parallel_loop3A_627 : f32 to vector<16xf32>
        %parallel_loop3A_629 = arith.mulf %parallel_loop3A_165, %parallel_loop3A_628 : vector<16xf32>
        %parallel_loop3A_630 = arith.addf %parallel_loop3A_625, %parallel_loop3A_629 : vector<16xf32>
        %parallel_loop3A_631 = vector.extract_strided_slice %gather3A_70 {offsets = [8], sizes = [1], strides = [1]} : vector<16xf32> to vector<1xf32>
        %parallel_loop3A_632 = vector.extract %parallel_loop3A_631[0] : f32 from vector<1xf32>
        %parallel_loop3A_633 = vector.broadcast %parallel_loop3A_632 : f32 to vector<16xf32>
        %parallel_loop3A_634 = arith.addf %parallel_loop3A_630, %parallel_loop3A_633 : vector<16xf32>
        tpu.vector_store_idx %arg9[%parallel_loop3A_133, %parallel_loop3A_590], %parallel_loop3A_634 : memref<256x152xf32, #tpu.memory_space<vmem>>[vector<16xi32>, vector<16xi32>], vector<16xf32>,
        %parallel_loop3A_635 = arith.constant 9 : i32
        %parallel_loop3A_636 = vector.broadcast %parallel_loop3A_635 : i32 to vector<16xi32>
        %parallel_loop3A_637 = arith.addi %broadcast_in_dim3A_3, %parallel_loop3A_636 : vector<16xi32>
        %parallel_loop3A_638 = arith.constant 9 : i32
        %parallel_loop3A_639 = vector.broadcast %parallel_loop3A_638 : i32 to vector<16xi32>
        %parallel_loop3A_640 = arith.addi %parallel_loop3A_205, %parallel_loop3A_639 : vector<16xi32>
        %parallel_loop3A_641 = arith.constant 7 : i32
        %parallel_loop3A_642 = vector.broadcast %parallel_loop3A_641 : i32 to vector<16xi32>
        %parallel_loop3A_643 = arith.shrsi %parallel_loop3A_640, %parallel_loop3A_642 : vector<16xi32>
        %parallel_loop3A_644 = arith.constant 127 : i32
        %parallel_loop3A_645 = vector.broadcast %parallel_loop3A_644 : i32 to vector<16xi32>
        %parallel_loop3A_646 = arith.andi %parallel_loop3A_640, %parallel_loop3A_645 : vector<16xi32>
        %parallel_loop3A_647 = tpu.vector_load_idx %arg8[%parallel_loop3A_643, %parallel_loop3A_646] : memref<272x128xf32, #tpu.memory_space<vmem>>[vector<16xi32>, vector<16xi32>], vector<16xf32>,
        %parallel_loop3A_648 = arith.constant 24 : i32
        %parallel_loop3A_649 = vector.broadcast %parallel_loop3A_648 : i32 to vector<16xi32>
        %parallel_loop3A_650 = arith.addi %parallel_loop3A_637, %parallel_loop3A_649 : vector<16xi32>
        tpu.vector_store_idx %arg9[%parallel_loop3A_133, %parallel_loop3A_650], %parallel_loop3A_647 : memref<256x152xf32, #tpu.memory_space<vmem>>[vector<16xi32>, vector<16xi32>], vector<16xf32>,
        %parallel_loop3A_651 = arith.constant 9 : i32
        %parallel_loop3A_652 = vector.broadcast %parallel_loop3A_651 : i32 to vector<16xi32>
        %parallel_loop3A_653 = arith.addi %parallel_loop3A_211, %parallel_loop3A_652 : vector<16xi32>
        %parallel_loop3A_654 = arith.constant 7 : i32
        %parallel_loop3A_655 = vector.broadcast %parallel_loop3A_654 : i32 to vector<16xi32>
        %parallel_loop3A_656 = arith.shrsi %parallel_loop3A_653, %parallel_loop3A_655 : vector<16xi32>
        %parallel_loop3A_657 = arith.constant 127 : i32
        %parallel_loop3A_658 = vector.broadcast %parallel_loop3A_657 : i32 to vector<16xi32>
        %parallel_loop3A_659 = arith.andi %parallel_loop3A_653, %parallel_loop3A_658 : vector<16xi32>
        %parallel_loop3A_660 = tpu.vector_load_idx %arg8[%parallel_loop3A_656, %parallel_loop3A_659] : memref<272x128xf32, #tpu.memory_space<vmem>>[vector<16xi32>, vector<16xi32>], vector<16xf32>,
        %parallel_loop3A_661 = arith.constant 48 : i32
        %parallel_loop3A_662 = vector.broadcast %parallel_loop3A_661 : i32 to vector<16xi32>
        %parallel_loop3A_663 = arith.addi %parallel_loop3A_637, %parallel_loop3A_662 : vector<16xi32>
        tpu.vector_store_idx %arg9[%parallel_loop3A_133, %parallel_loop3A_663], %parallel_loop3A_660 : memref<256x152xf32, #tpu.memory_space<vmem>>[vector<16xi32>, vector<16xi32>], vector<16xf32>,
        %parallel_loop3A_664 = vector.extract_strided_slice %gather3A {offsets = [9], sizes = [1], strides = [1]} : vector<16xf32> to vector<1xf32>
        %parallel_loop3A_665 = vector.extract %parallel_loop3A_664[0] : f32 from vector<1xf32>
        %parallel_loop3A_666 = vector.broadcast %parallel_loop3A_665 : f32 to vector<16xf32>
        %parallel_loop3A_667 = arith.mulf %parallel_loop3A_145, %parallel_loop3A_666 : vector<16xf32>
        %parallel_loop3A_668 = vector.extract_strided_slice %gather3A_30 {offsets = [9], sizes = [1], strides = [1]} : vector<16xf32> to vector<1xf32>
        %parallel_loop3A_669 = vector.extract %parallel_loop3A_668[0] : f32 from vector<1xf32>
        %parallel_loop3A_670 = vector.broadcast %parallel_loop3A_669 : f32 to vector<16xf32>
        %parallel_loop3A_671 = arith.mulf %parallel_loop3A_155, %parallel_loop3A_670 : vector<16xf32>
        %parallel_loop3A_672 = arith.addf %parallel_loop3A_667, %parallel_loop3A_671 : vector<16xf32>
        %parallel_loop3A_673 = vector.extract_strided_slice %gather3A_50 {offsets = [9], sizes = [1], strides = [1]} : vector<16xf32> to vector<1xf32>
        %parallel_loop3A_674 = vector.extract %parallel_loop3A_673[0] : f32 from vector<1xf32>
        %parallel_loop3A_675 = vector.broadcast %parallel_loop3A_674 : f32 to vector<16xf32>
        %parallel_loop3A_676 = arith.mulf %parallel_loop3A_165, %parallel_loop3A_675 : vector<16xf32>
        %parallel_loop3A_677 = arith.addf %parallel_loop3A_672, %parallel_loop3A_676 : vector<16xf32>
        %parallel_loop3A_678 = vector.extract_strided_slice %gather3A_70 {offsets = [9], sizes = [1], strides = [1]} : vector<16xf32> to vector<1xf32>
        %parallel_loop3A_679 = vector.extract %parallel_loop3A_678[0] : f32 from vector<1xf32>
        %parallel_loop3A_680 = vector.broadcast %parallel_loop3A_679 : f32 to vector<16xf32>
        %parallel_loop3A_681 = arith.addf %parallel_loop3A_677, %parallel_loop3A_680 : vector<16xf32>
        tpu.vector_store_idx %arg9[%parallel_loop3A_133, %parallel_loop3A_637], %parallel_loop3A_681 : memref<256x152xf32, #tpu.memory_space<vmem>>[vector<16xi32>, vector<16xi32>], vector<16xf32>,
        %parallel_loop3A_682 = arith.constant 10 : i32
        %parallel_loop3A_683 = vector.broadcast %parallel_loop3A_682 : i32 to vector<16xi32>
        %parallel_loop3A_684 = arith.addi %broadcast_in_dim3A_3, %parallel_loop3A_683 : vector<16xi32>
        %parallel_loop3A_685 = arith.constant 10 : i32
        %parallel_loop3A_686 = vector.broadcast %parallel_loop3A_685 : i32 to vector<16xi32>
        %parallel_loop3A_687 = arith.addi %parallel_loop3A_205, %parallel_loop3A_686 : vector<16xi32>
        %parallel_loop3A_688 = arith.constant 7 : i32
        %parallel_loop3A_689 = vector.broadcast %parallel_loop3A_688 : i32 to vector<16xi32>
        %parallel_loop3A_690 = arith.shrsi %parallel_loop3A_687, %parallel_loop3A_689 : vector<16xi32>
        %parallel_loop3A_691 = arith.constant 127 : i32
        %parallel_loop3A_692 = vector.broadcast %parallel_loop3A_691 : i32 to vector<16xi32>
        %parallel_loop3A_693 = arith.andi %parallel_loop3A_687, %parallel_loop3A_692 : vector<16xi32>
        %parallel_loop3A_694 = tpu.vector_load_idx %arg8[%parallel_loop3A_690, %parallel_loop3A_693] : memref<272x128xf32, #tpu.memory_space<vmem>>[vector<16xi32>, vector<16xi32>], vector<16xf32>,
        %parallel_loop3A_695 = arith.constant 24 : i32
        %parallel_loop3A_696 = vector.broadcast %parallel_loop3A_695 : i32 to vector<16xi32>
        %parallel_loop3A_697 = arith.addi %parallel_loop3A_684, %parallel_loop3A_696 : vector<16xi32>
        tpu.vector_store_idx %arg9[%parallel_loop3A_133, %parallel_loop3A_697], %parallel_loop3A_694 : memref<256x152xf32, #tpu.memory_space<vmem>>[vector<16xi32>, vector<16xi32>], vector<16xf32>,
        %parallel_loop3A_698 = arith.constant 10 : i32
        %parallel_loop3A_699 = vector.broadcast %parallel_loop3A_698 : i32 to vector<16xi32>
        %parallel_loop3A_700 = arith.addi %parallel_loop3A_211, %parallel_loop3A_699 : vector<16xi32>
        %parallel_loop3A_701 = arith.constant 7 : i32
        %parallel_loop3A_702 = vector.broadcast %parallel_loop3A_701 : i32 to vector<16xi32>
        %parallel_loop3A_703 = arith.shrsi %parallel_loop3A_700, %parallel_loop3A_702 : vector<16xi32>
        %parallel_loop3A_704 = arith.constant 127 : i32
        %parallel_loop3A_705 = vector.broadcast %parallel_loop3A_704 : i32 to vector<16xi32>
        %parallel_loop3A_706 = arith.andi %parallel_loop3A_700, %parallel_loop3A_705 : vector<16xi32>
        %parallel_loop3A_707 = tpu.vector_load_idx %arg8[%parallel_loop3A_703, %parallel_loop3A_706] : memref<272x128xf32, #tpu.memory_space<vmem>>[vector<16xi32>, vector<16xi32>], vector<16xf32>,
        %parallel_loop3A_708 = arith.constant 48 : i32
        %parallel_loop3A_709 = vector.broadcast %parallel_loop3A_708 : i32 to vector<16xi32>
        %parallel_loop3A_710 = arith.addi %parallel_loop3A_684, %parallel_loop3A_709 : vector<16xi32>
        tpu.vector_store_idx %arg9[%parallel_loop3A_133, %parallel_loop3A_710], %parallel_loop3A_707 : memref<256x152xf32, #tpu.memory_space<vmem>>[vector<16xi32>, vector<16xi32>], vector<16xf32>,
        %parallel_loop3A_711 = vector.extract_strided_slice %gather3A {offsets = [10], sizes = [1], strides = [1]} : vector<16xf32> to vector<1xf32>
        %parallel_loop3A_712 = vector.extract %parallel_loop3A_711[0] : f32 from vector<1xf32>
        %parallel_loop3A_713 = vector.broadcast %parallel_loop3A_712 : f32 to vector<16xf32>
        %parallel_loop3A_714 = arith.mulf %parallel_loop3A_145, %parallel_loop3A_713 : vector<16xf32>
        %parallel_loop3A_715 = vector.extract_strided_slice %gather3A_30 {offsets = [10], sizes = [1], strides = [1]} : vector<16xf32> to vector<1xf32>
        %parallel_loop3A_716 = vector.extract %parallel_loop3A_715[0] : f32 from vector<1xf32>
        %parallel_loop3A_717 = vector.broadcast %parallel_loop3A_716 : f32 to vector<16xf32>
        %parallel_loop3A_718 = arith.mulf %parallel_loop3A_155, %parallel_loop3A_717 : vector<16xf32>
        %parallel_loop3A_719 = arith.addf %parallel_loop3A_714, %parallel_loop3A_718 : vector<16xf32>
        %parallel_loop3A_720 = vector.extract_strided_slice %gather3A_50 {offsets = [10], sizes = [1], strides = [1]} : vector<16xf32> to vector<1xf32>
        %parallel_loop3A_721 = vector.extract %parallel_loop3A_720[0] : f32 from vector<1xf32>
        %parallel_loop3A_722 = vector.broadcast %parallel_loop3A_721 : f32 to vector<16xf32>
        %parallel_loop3A_723 = arith.mulf %parallel_loop3A_165, %parallel_loop3A_722 : vector<16xf32>
        %parallel_loop3A_724 = arith.addf %parallel_loop3A_719, %parallel_loop3A_723 : vector<16xf32>
        %parallel_loop3A_725 = vector.extract_strided_slice %gather3A_70 {offsets = [10], sizes = [1], strides = [1]} : vector<16xf32> to vector<1xf32>
        %parallel_loop3A_726 = vector.extract %parallel_loop3A_725[0] : f32 from vector<1xf32>
        %parallel_loop3A_727 = vector.broadcast %parallel_loop3A_726 : f32 to vector<16xf32>
        %parallel_loop3A_728 = arith.addf %parallel_loop3A_724, %parallel_loop3A_727 : vector<16xf32>
        tpu.vector_store_idx %arg9[%parallel_loop3A_133, %parallel_loop3A_684], %parallel_loop3A_728 : memref<256x152xf32, #tpu.memory_space<vmem>>[vector<16xi32>, vector<16xi32>], vector<16xf32>,
        %parallel_loop3A_729 = arith.constant 11 : i32
        %parallel_loop3A_730 = vector.broadcast %parallel_loop3A_729 : i32 to vector<16xi32>
        %parallel_loop3A_731 = arith.addi %broadcast_in_dim3A_3, %parallel_loop3A_730 : vector<16xi32>
        %parallel_loop3A_732 = arith.constant 11 : i32
        %parallel_loop3A_733 = vector.broadcast %parallel_loop3A_732 : i32 to vector<16xi32>
        %parallel_loop3A_734 = arith.addi %parallel_loop3A_205, %parallel_loop3A_733 : vector<16xi32>
        %parallel_loop3A_735 = arith.constant 7 : i32
        %parallel_loop3A_736 = vector.broadcast %parallel_loop3A_735 : i32 to vector<16xi32>
        %parallel_loop3A_737 = arith.shrsi %parallel_loop3A_734, %parallel_loop3A_736 : vector<16xi32>
        %parallel_loop3A_738 = arith.constant 127 : i32
        %parallel_loop3A_739 = vector.broadcast %parallel_loop3A_738 : i32 to vector<16xi32>
        %parallel_loop3A_740 = arith.andi %parallel_loop3A_734, %parallel_loop3A_739 : vector<16xi32>
        %parallel_loop3A_741 = tpu.vector_load_idx %arg8[%parallel_loop3A_737, %parallel_loop3A_740] : memref<272x128xf32, #tpu.memory_space<vmem>>[vector<16xi32>, vector<16xi32>], vector<16xf32>,
        %parallel_loop3A_742 = arith.constant 24 : i32
        %parallel_loop3A_743 = vector.broadcast %parallel_loop3A_742 : i32 to vector<16xi32>
        %parallel_loop3A_744 = arith.addi %parallel_loop3A_731, %parallel_loop3A_743 : vector<16xi32>
        tpu.vector_store_idx %arg9[%parallel_loop3A_133, %parallel_loop3A_744], %parallel_loop3A_741 : memref<256x152xf32, #tpu.memory_space<vmem>>[vector<16xi32>, vector<16xi32>], vector<16xf32>,
        %parallel_loop3A_745 = arith.constant 11 : i32
        %parallel_loop3A_746 = vector.broadcast %parallel_loop3A_745 : i32 to vector<16xi32>
        %parallel_loop3A_747 = arith.addi %parallel_loop3A_211, %parallel_loop3A_746 : vector<16xi32>
        %parallel_loop3A_748 = arith.constant 7 : i32
        %parallel_loop3A_749 = vector.broadcast %parallel_loop3A_748 : i32 to vector<16xi32>
        %parallel_loop3A_750 = arith.shrsi %parallel_loop3A_747, %parallel_loop3A_749 : vector<16xi32>
        %parallel_loop3A_751 = arith.constant 127 : i32
        %parallel_loop3A_752 = vector.broadcast %parallel_loop3A_751 : i32 to vector<16xi32>
        %parallel_loop3A_753 = arith.andi %parallel_loop3A_747, %parallel_loop3A_752 : vector<16xi32>
        %parallel_loop3A_754 = tpu.vector_load_idx %arg8[%parallel_loop3A_750, %parallel_loop3A_753] : memref<272x128xf32, #tpu.memory_space<vmem>>[vector<16xi32>, vector<16xi32>], vector<16xf32>,
        %parallel_loop3A_755 = arith.constant 48 : i32
        %parallel_loop3A_756 = vector.broadcast %parallel_loop3A_755 : i32 to vector<16xi32>
        %parallel_loop3A_757 = arith.addi %parallel_loop3A_731, %parallel_loop3A_756 : vector<16xi32>
        tpu.vector_store_idx %arg9[%parallel_loop3A_133, %parallel_loop3A_757], %parallel_loop3A_754 : memref<256x152xf32, #tpu.memory_space<vmem>>[vector<16xi32>, vector<16xi32>], vector<16xf32>,
        %parallel_loop3A_758 = vector.extract_strided_slice %gather3A {offsets = [11], sizes = [1], strides = [1]} : vector<16xf32> to vector<1xf32>
        %parallel_loop3A_759 = vector.extract %parallel_loop3A_758[0] : f32 from vector<1xf32>
        %parallel_loop3A_760 = vector.broadcast %parallel_loop3A_759 : f32 to vector<16xf32>
        %parallel_loop3A_761 = arith.mulf %parallel_loop3A_145, %parallel_loop3A_760 : vector<16xf32>
        %parallel_loop3A_762 = vector.extract_strided_slice %gather3A_30 {offsets = [11], sizes = [1], strides = [1]} : vector<16xf32> to vector<1xf32>
        %parallel_loop3A_763 = vector.extract %parallel_loop3A_762[0] : f32 from vector<1xf32>
        %parallel_loop3A_764 = vector.broadcast %parallel_loop3A_763 : f32 to vector<16xf32>
        %parallel_loop3A_765 = arith.mulf %parallel_loop3A_155, %parallel_loop3A_764 : vector<16xf32>
        %parallel_loop3A_766 = arith.addf %parallel_loop3A_761, %parallel_loop3A_765 : vector<16xf32>
        %parallel_loop3A_767 = vector.extract_strided_slice %gather3A_50 {offsets = [11], sizes = [1], strides = [1]} : vector<16xf32> to vector<1xf32>
        %parallel_loop3A_768 = vector.extract %parallel_loop3A_767[0] : f32 from vector<1xf32>
        %parallel_loop3A_769 = vector.broadcast %parallel_loop3A_768 : f32 to vector<16xf32>
        %parallel_loop3A_770 = arith.mulf %parallel_loop3A_165, %parallel_loop3A_769 : vector<16xf32>
        %parallel_loop3A_771 = arith.addf %parallel_loop3A_766, %parallel_loop3A_770 : vector<16xf32>
        %parallel_loop3A_772 = vector.extract_strided_slice %gather3A_70 {offsets = [11], sizes = [1], strides = [1]} : vector<16xf32> to vector<1xf32>
        %parallel_loop3A_773 = vector.extract %parallel_loop3A_772[0] : f32 from vector<1xf32>
        %parallel_loop3A_774 = vector.broadcast %parallel_loop3A_773 : f32 to vector<16xf32>
        %parallel_loop3A_775 = arith.addf %parallel_loop3A_771, %parallel_loop3A_774 : vector<16xf32>
        tpu.vector_store_idx %arg9[%parallel_loop3A_133, %parallel_loop3A_731], %parallel_loop3A_775 : memref<256x152xf32, #tpu.memory_space<vmem>>[vector<16xi32>, vector<16xi32>], vector<16xf32>,
        %parallel_loop3A_776 = arith.constant 12 : i32
        %parallel_loop3A_777 = vector.broadcast %parallel_loop3A_776 : i32 to vector<16xi32>
        %parallel_loop3A_778 = arith.addi %broadcast_in_dim3A_3, %parallel_loop3A_777 : vector<16xi32>
        %parallel_loop3A_779 = arith.constant 12 : i32
        %parallel_loop3A_780 = vector.broadcast %parallel_loop3A_779 : i32 to vector<16xi32>
        %parallel_loop3A_781 = arith.addi %parallel_loop3A_205, %parallel_loop3A_780 : vector<16xi32>
        %parallel_loop3A_782 = arith.constant 7 : i32
        %parallel_loop3A_783 = vector.broadcast %parallel_loop3A_782 : i32 to vector<16xi32>
        %parallel_loop3A_784 = arith.shrsi %parallel_loop3A_781, %parallel_loop3A_783 : vector<16xi32>
        %parallel_loop3A_785 = arith.constant 127 : i32
        %parallel_loop3A_786 = vector.broadcast %parallel_loop3A_785 : i32 to vector<16xi32>
        %parallel_loop3A_787 = arith.andi %parallel_loop3A_781, %parallel_loop3A_786 : vector<16xi32>
        %parallel_loop3A_788 = tpu.vector_load_idx %arg8[%parallel_loop3A_784, %parallel_loop3A_787] : memref<272x128xf32, #tpu.memory_space<vmem>>[vector<16xi32>, vector<16xi32>], vector<16xf32>,
        %parallel_loop3A_789 = arith.constant 24 : i32
        %parallel_loop3A_790 = vector.broadcast %parallel_loop3A_789 : i32 to vector<16xi32>
        %parallel_loop3A_791 = arith.addi %parallel_loop3A_778, %parallel_loop3A_790 : vector<16xi32>
        tpu.vector_store_idx %arg9[%parallel_loop3A_133, %parallel_loop3A_791], %parallel_loop3A_788 : memref<256x152xf32, #tpu.memory_space<vmem>>[vector<16xi32>, vector<16xi32>], vector<16xf32>,
        %parallel_loop3A_792 = arith.constant 12 : i32
        %parallel_loop3A_793 = vector.broadcast %parallel_loop3A_792 : i32 to vector<16xi32>
        %parallel_loop3A_794 = arith.addi %parallel_loop3A_211, %parallel_loop3A_793 : vector<16xi32>
        %parallel_loop3A_795 = arith.constant 7 : i32
        %parallel_loop3A_796 = vector.broadcast %parallel_loop3A_795 : i32 to vector<16xi32>
        %parallel_loop3A_797 = arith.shrsi %parallel_loop3A_794, %parallel_loop3A_796 : vector<16xi32>
        %parallel_loop3A_798 = arith.constant 127 : i32
        %parallel_loop3A_799 = vector.broadcast %parallel_loop3A_798 : i32 to vector<16xi32>
        %parallel_loop3A_800 = arith.andi %parallel_loop3A_794, %parallel_loop3A_799 : vector<16xi32>
        %parallel_loop3A_801 = tpu.vector_load_idx %arg8[%parallel_loop3A_797, %parallel_loop3A_800] : memref<272x128xf32, #tpu.memory_space<vmem>>[vector<16xi32>, vector<16xi32>], vector<16xf32>,
        %parallel_loop3A_802 = arith.constant 48 : i32
        %parallel_loop3A_803 = vector.broadcast %parallel_loop3A_802 : i32 to vector<16xi32>
        %parallel_loop3A_804 = arith.addi %parallel_loop3A_778, %parallel_loop3A_803 : vector<16xi32>
        tpu.vector_store_idx %arg9[%parallel_loop3A_133, %parallel_loop3A_804], %parallel_loop3A_801 : memref<256x152xf32, #tpu.memory_space<vmem>>[vector<16xi32>, vector<16xi32>], vector<16xf32>,
        %parallel_loop3A_805 = vector.extract_strided_slice %gather3A {offsets = [12], sizes = [1], strides = [1]} : vector<16xf32> to vector<1xf32>
        %parallel_loop3A_806 = vector.extract %parallel_loop3A_805[0] : f32 from vector<1xf32>
        %parallel_loop3A_807 = vector.broadcast %parallel_loop3A_806 : f32 to vector<16xf32>
        %parallel_loop3A_808 = arith.mulf %parallel_loop3A_145, %parallel_loop3A_807 : vector<16xf32>
        %parallel_loop3A_809 = vector.extract_strided_slice %gather3A_30 {offsets = [12], sizes = [1], strides = [1]} : vector<16xf32> to vector<1xf32>
        %parallel_loop3A_810 = vector.extract %parallel_loop3A_809[0] : f32 from vector<1xf32>
        %parallel_loop3A_811 = vector.broadcast %parallel_loop3A_810 : f32 to vector<16xf32>
        %parallel_loop3A_812 = arith.mulf %parallel_loop3A_155, %parallel_loop3A_811 : vector<16xf32>
        %parallel_loop3A_813 = arith.addf %parallel_loop3A_808, %parallel_loop3A_812 : vector<16xf32>
        %parallel_loop3A_814 = vector.extract_strided_slice %gather3A_50 {offsets = [12], sizes = [1], strides = [1]} : vector<16xf32> to vector<1xf32>
        %parallel_loop3A_815 = vector.extract %parallel_loop3A_814[0] : f32 from vector<1xf32>
        %parallel_loop3A_816 = vector.broadcast %parallel_loop3A_815 : f32 to vector<16xf32>
        %parallel_loop3A_817 = arith.mulf %parallel_loop3A_165, %parallel_loop3A_816 : vector<16xf32>
        %parallel_loop3A_818 = arith.addf %parallel_loop3A_813, %parallel_loop3A_817 : vector<16xf32>
        %parallel_loop3A_819 = vector.extract_strided_slice %gather3A_70 {offsets = [12], sizes = [1], strides = [1]} : vector<16xf32> to vector<1xf32>
        %parallel_loop3A_820 = vector.extract %parallel_loop3A_819[0] : f32 from vector<1xf32>
        %parallel_loop3A_821 = vector.broadcast %parallel_loop3A_820 : f32 to vector<16xf32>
        %parallel_loop3A_822 = arith.addf %parallel_loop3A_818, %parallel_loop3A_821 : vector<16xf32>
        tpu.vector_store_idx %arg9[%parallel_loop3A_133, %parallel_loop3A_778], %parallel_loop3A_822 : memref<256x152xf32, #tpu.memory_space<vmem>>[vector<16xi32>, vector<16xi32>], vector<16xf32>,
        %parallel_loop3A_823 = arith.constant 13 : i32
        %parallel_loop3A_824 = vector.broadcast %parallel_loop3A_823 : i32 to vector<16xi32>
        %parallel_loop3A_825 = arith.addi %broadcast_in_dim3A_3, %parallel_loop3A_824 : vector<16xi32>
        %parallel_loop3A_826 = arith.constant 13 : i32
        %parallel_loop3A_827 = vector.broadcast %parallel_loop3A_826 : i32 to vector<16xi32>
        %parallel_loop3A_828 = arith.addi %parallel_loop3A_205, %parallel_loop3A_827 : vector<16xi32>
        %parallel_loop3A_829 = arith.constant 7 : i32
        %parallel_loop3A_830 = vector.broadcast %parallel_loop3A_829 : i32 to vector<16xi32>
        %parallel_loop3A_831 = arith.shrsi %parallel_loop3A_828, %parallel_loop3A_830 : vector<16xi32>
        %parallel_loop3A_832 = arith.constant 127 : i32
        %parallel_loop3A_833 = vector.broadcast %parallel_loop3A_832 : i32 to vector<16xi32>
        %parallel_loop3A_834 = arith.andi %parallel_loop3A_828, %parallel_loop3A_833 : vector<16xi32>
        %parallel_loop3A_835 = tpu.vector_load_idx %arg8[%parallel_loop3A_831, %parallel_loop3A_834] : memref<272x128xf32, #tpu.memory_space<vmem>>[vector<16xi32>, vector<16xi32>], vector<16xf32>,
        %parallel_loop3A_836 = arith.constant 24 : i32
        %parallel_loop3A_837 = vector.broadcast %parallel_loop3A_836 : i32 to vector<16xi32>
        %parallel_loop3A_838 = arith.addi %parallel_loop3A_825, %parallel_loop3A_837 : vector<16xi32>
        tpu.vector_store_idx %arg9[%parallel_loop3A_133, %parallel_loop3A_838], %parallel_loop3A_835 : memref<256x152xf32, #tpu.memory_space<vmem>>[vector<16xi32>, vector<16xi32>], vector<16xf32>,
        %parallel_loop3A_839 = arith.constant 13 : i32
        %parallel_loop3A_840 = vector.broadcast %parallel_loop3A_839 : i32 to vector<16xi32>
        %parallel_loop3A_841 = arith.addi %parallel_loop3A_211, %parallel_loop3A_840 : vector<16xi32>
        %parallel_loop3A_842 = arith.constant 7 : i32
        %parallel_loop3A_843 = vector.broadcast %parallel_loop3A_842 : i32 to vector<16xi32>
        %parallel_loop3A_844 = arith.shrsi %parallel_loop3A_841, %parallel_loop3A_843 : vector<16xi32>
        %parallel_loop3A_845 = arith.constant 127 : i32
        %parallel_loop3A_846 = vector.broadcast %parallel_loop3A_845 : i32 to vector<16xi32>
        %parallel_loop3A_847 = arith.andi %parallel_loop3A_841, %parallel_loop3A_846 : vector<16xi32>
        %parallel_loop3A_848 = tpu.vector_load_idx %arg8[%parallel_loop3A_844, %parallel_loop3A_847] : memref<272x128xf32, #tpu.memory_space<vmem>>[vector<16xi32>, vector<16xi32>], vector<16xf32>,
        %parallel_loop3A_849 = arith.constant 48 : i32
        %parallel_loop3A_850 = vector.broadcast %parallel_loop3A_849 : i32 to vector<16xi32>
        %parallel_loop3A_851 = arith.addi %parallel_loop3A_825, %parallel_loop3A_850 : vector<16xi32>
        tpu.vector_store_idx %arg9[%parallel_loop3A_133, %parallel_loop3A_851], %parallel_loop3A_848 : memref<256x152xf32, #tpu.memory_space<vmem>>[vector<16xi32>, vector<16xi32>], vector<16xf32>,
        %parallel_loop3A_852 = vector.extract_strided_slice %gather3A {offsets = [13], sizes = [1], strides = [1]} : vector<16xf32> to vector<1xf32>
        %parallel_loop3A_853 = vector.extract %parallel_loop3A_852[0] : f32 from vector<1xf32>
        %parallel_loop3A_854 = vector.broadcast %parallel_loop3A_853 : f32 to vector<16xf32>
        %parallel_loop3A_855 = arith.mulf %parallel_loop3A_145, %parallel_loop3A_854 : vector<16xf32>
        %parallel_loop3A_856 = vector.extract_strided_slice %gather3A_30 {offsets = [13], sizes = [1], strides = [1]} : vector<16xf32> to vector<1xf32>
        %parallel_loop3A_857 = vector.extract %parallel_loop3A_856[0] : f32 from vector<1xf32>
        %parallel_loop3A_858 = vector.broadcast %parallel_loop3A_857 : f32 to vector<16xf32>
        %parallel_loop3A_859 = arith.mulf %parallel_loop3A_155, %parallel_loop3A_858 : vector<16xf32>
        %parallel_loop3A_860 = arith.addf %parallel_loop3A_855, %parallel_loop3A_859 : vector<16xf32>
        %parallel_loop3A_861 = vector.extract_strided_slice %gather3A_50 {offsets = [13], sizes = [1], strides = [1]} : vector<16xf32> to vector<1xf32>
        %parallel_loop3A_862 = vector.extract %parallel_loop3A_861[0] : f32 from vector<1xf32>
        %parallel_loop3A_863 = vector.broadcast %parallel_loop3A_862 : f32 to vector<16xf32>
        %parallel_loop3A_864 = arith.mulf %parallel_loop3A_165, %parallel_loop3A_863 : vector<16xf32>
        %parallel_loop3A_865 = arith.addf %parallel_loop3A_860, %parallel_loop3A_864 : vector<16xf32>
        %parallel_loop3A_866 = vector.extract_strided_slice %gather3A_70 {offsets = [13], sizes = [1], strides = [1]} : vector<16xf32> to vector<1xf32>
        %parallel_loop3A_867 = vector.extract %parallel_loop3A_866[0] : f32 from vector<1xf32>
        %parallel_loop3A_868 = vector.broadcast %parallel_loop3A_867 : f32 to vector<16xf32>
        %parallel_loop3A_869 = arith.addf %parallel_loop3A_865, %parallel_loop3A_868 : vector<16xf32>
        tpu.vector_store_idx %arg9[%parallel_loop3A_133, %parallel_loop3A_825], %parallel_loop3A_869 : memref<256x152xf32, #tpu.memory_space<vmem>>[vector<16xi32>, vector<16xi32>], vector<16xf32>,
        %parallel_loop3A_870 = arith.constant 14 : i32
        %parallel_loop3A_871 = vector.broadcast %parallel_loop3A_870 : i32 to vector<16xi32>
        %parallel_loop3A_872 = arith.addi %broadcast_in_dim3A_3, %parallel_loop3A_871 : vector<16xi32>
        %parallel_loop3A_873 = arith.constant 14 : i32
        %parallel_loop3A_874 = vector.broadcast %parallel_loop3A_873 : i32 to vector<16xi32>
        %parallel_loop3A_875 = arith.addi %parallel_loop3A_205, %parallel_loop3A_874 : vector<16xi32>
        %parallel_loop3A_876 = arith.constant 7 : i32
        %parallel_loop3A_877 = vector.broadcast %parallel_loop3A_876 : i32 to vector<16xi32>
        %parallel_loop3A_878 = arith.shrsi %parallel_loop3A_875, %parallel_loop3A_877 : vector<16xi32>
        %parallel_loop3A_879 = arith.constant 127 : i32
        %parallel_loop3A_880 = vector.broadcast %parallel_loop3A_879 : i32 to vector<16xi32>
        %parallel_loop3A_881 = arith.andi %parallel_loop3A_875, %parallel_loop3A_880 : vector<16xi32>
        %parallel_loop3A_882 = tpu.vector_load_idx %arg8[%parallel_loop3A_878, %parallel_loop3A_881] : memref<272x128xf32, #tpu.memory_space<vmem>>[vector<16xi32>, vector<16xi32>], vector<16xf32>,
        %parallel_loop3A_883 = arith.constant 24 : i32
        %parallel_loop3A_884 = vector.broadcast %parallel_loop3A_883 : i32 to vector<16xi32>
        %parallel_loop3A_885 = arith.addi %parallel_loop3A_872, %parallel_loop3A_884 : vector<16xi32>
        tpu.vector_store_idx %arg9[%parallel_loop3A_133, %parallel_loop3A_885], %parallel_loop3A_882 : memref<256x152xf32, #tpu.memory_space<vmem>>[vector<16xi32>, vector<16xi32>], vector<16xf32>,
        %parallel_loop3A_886 = arith.constant 14 : i32
        %parallel_loop3A_887 = vector.broadcast %parallel_loop3A_886 : i32 to vector<16xi32>
        %parallel_loop3A_888 = arith.addi %parallel_loop3A_211, %parallel_loop3A_887 : vector<16xi32>
        %parallel_loop3A_889 = arith.constant 7 : i32
        %parallel_loop3A_890 = vector.broadcast %parallel_loop3A_889 : i32 to vector<16xi32>
        %parallel_loop3A_891 = arith.shrsi %parallel_loop3A_888, %parallel_loop3A_890 : vector<16xi32>
        %parallel_loop3A_892 = arith.constant 127 : i32
        %parallel_loop3A_893 = vector.broadcast %parallel_loop3A_892 : i32 to vector<16xi32>
        %parallel_loop3A_894 = arith.andi %parallel_loop3A_888, %parallel_loop3A_893 : vector<16xi32>
        %parallel_loop3A_895 = tpu.vector_load_idx %arg8[%parallel_loop3A_891, %parallel_loop3A_894] : memref<272x128xf32, #tpu.memory_space<vmem>>[vector<16xi32>, vector<16xi32>], vector<16xf32>,
        %parallel_loop3A_896 = arith.constant 48 : i32
        %parallel_loop3A_897 = vector.broadcast %parallel_loop3A_896 : i32 to vector<16xi32>
        %parallel_loop3A_898 = arith.addi %parallel_loop3A_872, %parallel_loop3A_897 : vector<16xi32>
        tpu.vector_store_idx %arg9[%parallel_loop3A_133, %parallel_loop3A_898], %parallel_loop3A_895 : memref<256x152xf32, #tpu.memory_space<vmem>>[vector<16xi32>, vector<16xi32>], vector<16xf32>,
        %parallel_loop3A_899 = vector.extract_strided_slice %gather3A {offsets = [14], sizes = [1], strides = [1]} : vector<16xf32> to vector<1xf32>
        %parallel_loop3A_900 = vector.extract %parallel_loop3A_899[0] : f32 from vector<1xf32>
        %parallel_loop3A_901 = vector.broadcast %parallel_loop3A_900 : f32 to vector<16xf32>
        %parallel_loop3A_902 = arith.mulf %parallel_loop3A_145, %parallel_loop3A_901 : vector<16xf32>
        %parallel_loop3A_903 = vector.extract_strided_slice %gather3A_30 {offsets = [14], sizes = [1], strides = [1]} : vector<16xf32> to vector<1xf32>
        %parallel_loop3A_904 = vector.extract %parallel_loop3A_903[0] : f32 from vector<1xf32>
        %parallel_loop3A_905 = vector.broadcast %parallel_loop3A_904 : f32 to vector<16xf32>
        %parallel_loop3A_906 = arith.mulf %parallel_loop3A_155, %parallel_loop3A_905 : vector<16xf32>
        %parallel_loop3A_907 = arith.addf %parallel_loop3A_902, %parallel_loop3A_906 : vector<16xf32>
        %parallel_loop3A_908 = vector.extract_strided_slice %gather3A_50 {offsets = [14], sizes = [1], strides = [1]} : vector<16xf32> to vector<1xf32>
        %parallel_loop3A_909 = vector.extract %parallel_loop3A_908[0] : f32 from vector<1xf32>
        %parallel_loop3A_910 = vector.broadcast %parallel_loop3A_909 : f32 to vector<16xf32>
        %parallel_loop3A_911 = arith.mulf %parallel_loop3A_165, %parallel_loop3A_910 : vector<16xf32>
        %parallel_loop3A_912 = arith.addf %parallel_loop3A_907, %parallel_loop3A_911 : vector<16xf32>
        %parallel_loop3A_913 = vector.extract_strided_slice %gather3A_70 {offsets = [14], sizes = [1], strides = [1]} : vector<16xf32> to vector<1xf32>
        %parallel_loop3A_914 = vector.extract %parallel_loop3A_913[0] : f32 from vector<1xf32>
        %parallel_loop3A_915 = vector.broadcast %parallel_loop3A_914 : f32 to vector<16xf32>
        %parallel_loop3A_916 = arith.addf %parallel_loop3A_912, %parallel_loop3A_915 : vector<16xf32>
        tpu.vector_store_idx %arg9[%parallel_loop3A_133, %parallel_loop3A_872], %parallel_loop3A_916 : memref<256x152xf32, #tpu.memory_space<vmem>>[vector<16xi32>, vector<16xi32>], vector<16xf32>,
        %parallel_loop3A_917 = arith.constant 15 : i32
        %parallel_loop3A_918 = vector.broadcast %parallel_loop3A_917 : i32 to vector<16xi32>
        %parallel_loop3A_919 = arith.addi %broadcast_in_dim3A_3, %parallel_loop3A_918 : vector<16xi32>
        %parallel_loop3A_920 = arith.constant 15 : i32
        %parallel_loop3A_921 = vector.broadcast %parallel_loop3A_920 : i32 to vector<16xi32>
        %parallel_loop3A_922 = arith.addi %parallel_loop3A_205, %parallel_loop3A_921 : vector<16xi32>
        %parallel_loop3A_923 = arith.constant 7 : i32
        %parallel_loop3A_924 = vector.broadcast %parallel_loop3A_923 : i32 to vector<16xi32>
        %parallel_loop3A_925 = arith.shrsi %parallel_loop3A_922, %parallel_loop3A_924 : vector<16xi32>
        %parallel_loop3A_926 = arith.constant 127 : i32
        %parallel_loop3A_927 = vector.broadcast %parallel_loop3A_926 : i32 to vector<16xi32>
        %parallel_loop3A_928 = arith.andi %parallel_loop3A_922, %parallel_loop3A_927 : vector<16xi32>
        %parallel_loop3A_929 = tpu.vector_load_idx %arg8[%parallel_loop3A_925, %parallel_loop3A_928] : memref<272x128xf32, #tpu.memory_space<vmem>>[vector<16xi32>, vector<16xi32>], vector<16xf32>,
        %parallel_loop3A_930 = arith.constant 24 : i32
        %parallel_loop3A_931 = vector.broadcast %parallel_loop3A_930 : i32 to vector<16xi32>
        %parallel_loop3A_932 = arith.addi %parallel_loop3A_919, %parallel_loop3A_931 : vector<16xi32>
        tpu.vector_store_idx %arg9[%parallel_loop3A_133, %parallel_loop3A_932], %parallel_loop3A_929 : memref<256x152xf32, #tpu.memory_space<vmem>>[vector<16xi32>, vector<16xi32>], vector<16xf32>,
        %parallel_loop3A_933 = arith.constant 15 : i32
        %parallel_loop3A_934 = vector.broadcast %parallel_loop3A_933 : i32 to vector<16xi32>
        %parallel_loop3A_935 = arith.addi %parallel_loop3A_211, %parallel_loop3A_934 : vector<16xi32>
        %parallel_loop3A_936 = arith.constant 7 : i32
        %parallel_loop3A_937 = vector.broadcast %parallel_loop3A_936 : i32 to vector<16xi32>
        %parallel_loop3A_938 = arith.shrsi %parallel_loop3A_935, %parallel_loop3A_937 : vector<16xi32>
        %parallel_loop3A_939 = arith.constant 127 : i32
        %parallel_loop3A_940 = vector.broadcast %parallel_loop3A_939 : i32 to vector<16xi32>
        %parallel_loop3A_941 = arith.andi %parallel_loop3A_935, %parallel_loop3A_940 : vector<16xi32>
        %parallel_loop3A_942 = tpu.vector_load_idx %arg8[%parallel_loop3A_938, %parallel_loop3A_941] : memref<272x128xf32, #tpu.memory_space<vmem>>[vector<16xi32>, vector<16xi32>], vector<16xf32>,
        %parallel_loop3A_943 = arith.constant 48 : i32
        %parallel_loop3A_944 = vector.broadcast %parallel_loop3A_943 : i32 to vector<16xi32>
        %parallel_loop3A_945 = arith.addi %parallel_loop3A_919, %parallel_loop3A_944 : vector<16xi32>
        tpu.vector_store_idx %arg9[%parallel_loop3A_133, %parallel_loop3A_945], %parallel_loop3A_942 : memref<256x152xf32, #tpu.memory_space<vmem>>[vector<16xi32>, vector<16xi32>], vector<16xf32>,
        %parallel_loop3A_946 = vector.extract_strided_slice %gather3A {offsets = [15], sizes = [1], strides = [1]} : vector<16xf32> to vector<1xf32>
        %parallel_loop3A_947 = vector.extract %parallel_loop3A_946[0] : f32 from vector<1xf32>
        %parallel_loop3A_948 = vector.broadcast %parallel_loop3A_947 : f32 to vector<16xf32>
        %parallel_loop3A_949 = arith.mulf %parallel_loop3A_145, %parallel_loop3A_948 : vector<16xf32>
        %parallel_loop3A_950 = vector.extract_strided_slice %gather3A_30 {offsets = [15], sizes = [1], strides = [1]} : vector<16xf32> to vector<1xf32>
        %parallel_loop3A_951 = vector.extract %parallel_loop3A_950[0] : f32 from vector<1xf32>
        %parallel_loop3A_952 = vector.broadcast %parallel_loop3A_951 : f32 to vector<16xf32>
        %parallel_loop3A_953 = arith.mulf %parallel_loop3A_155, %parallel_loop3A_952 : vector<16xf32>
        %parallel_loop3A_954 = arith.addf %parallel_loop3A_949, %parallel_loop3A_953 : vector<16xf32>
        %parallel_loop3A_955 = vector.extract_strided_slice %gather3A_50 {offsets = [15], sizes = [1], strides = [1]} : vector<16xf32> to vector<1xf32>
        %parallel_loop3A_956 = vector.extract %parallel_loop3A_955[0] : f32 from vector<1xf32>
        %parallel_loop3A_957 = vector.broadcast %parallel_loop3A_956 : f32 to vector<16xf32>
        %parallel_loop3A_958 = arith.mulf %parallel_loop3A_165, %parallel_loop3A_957 : vector<16xf32>
        %parallel_loop3A_959 = arith.addf %parallel_loop3A_954, %parallel_loop3A_958 : vector<16xf32>
        %parallel_loop3A_960 = vector.extract_strided_slice %gather3A_70 {offsets = [15], sizes = [1], strides = [1]} : vector<16xf32> to vector<1xf32>
        %parallel_loop3A_961 = vector.extract %parallel_loop3A_960[0] : f32 from vector<1xf32>
        %parallel_loop3A_962 = vector.broadcast %parallel_loop3A_961 : f32 to vector<16xf32>
        %parallel_loop3A_963 = arith.addf %parallel_loop3A_959, %parallel_loop3A_962 : vector<16xf32>
        tpu.vector_store_idx %arg9[%parallel_loop3A_133, %parallel_loop3A_919], %parallel_loop3A_963 : memref<256x152xf32, #tpu.memory_space<vmem>>[vector<16xi32>, vector<16xi32>], vector<16xf32>,
        %parallel_loop3A_964 = arith.constant 16 : i32
        %parallel_loop3A_965 = vector.broadcast %parallel_loop3A_964 : i32 to vector<16xi32>
        %parallel_loop3A_966 = arith.addi %broadcast_in_dim3A_3, %parallel_loop3A_965 : vector<16xi32>
        %parallel_loop3A_967 = arith.constant 16 : i32
        %parallel_loop3A_968 = vector.broadcast %parallel_loop3A_967 : i32 to vector<16xi32>
        %parallel_loop3A_969 = arith.addi %parallel_loop3A_205, %parallel_loop3A_968 : vector<16xi32>
        %parallel_loop3A_970 = arith.constant 7 : i32
        %parallel_loop3A_971 = vector.broadcast %parallel_loop3A_970 : i32 to vector<16xi32>
        %parallel_loop3A_972 = arith.shrsi %parallel_loop3A_969, %parallel_loop3A_971 : vector<16xi32>
        %parallel_loop3A_973 = arith.constant 127 : i32
        %parallel_loop3A_974 = vector.broadcast %parallel_loop3A_973 : i32 to vector<16xi32>
        %parallel_loop3A_975 = arith.andi %parallel_loop3A_969, %parallel_loop3A_974 : vector<16xi32>
        %parallel_loop3A_976 = tpu.vector_load_idx %arg8[%parallel_loop3A_972, %parallel_loop3A_975] : memref<272x128xf32, #tpu.memory_space<vmem>>[vector<16xi32>, vector<16xi32>], vector<16xf32>,
        %parallel_loop3A_977 = arith.constant 24 : i32
        %parallel_loop3A_978 = vector.broadcast %parallel_loop3A_977 : i32 to vector<16xi32>
        %parallel_loop3A_979 = arith.addi %parallel_loop3A_966, %parallel_loop3A_978 : vector<16xi32>
        tpu.vector_store_idx %arg9[%parallel_loop3A_133, %parallel_loop3A_979], %parallel_loop3A_976 : memref<256x152xf32, #tpu.memory_space<vmem>>[vector<16xi32>, vector<16xi32>], vector<16xf32>,
        %parallel_loop3A_980 = arith.constant 16 : i32
        %parallel_loop3A_981 = vector.broadcast %parallel_loop3A_980 : i32 to vector<16xi32>
        %parallel_loop3A_982 = arith.addi %parallel_loop3A_211, %parallel_loop3A_981 : vector<16xi32>
        %parallel_loop3A_983 = arith.constant 7 : i32
        %parallel_loop3A_984 = vector.broadcast %parallel_loop3A_983 : i32 to vector<16xi32>
        %parallel_loop3A_985 = arith.shrsi %parallel_loop3A_982, %parallel_loop3A_984 : vector<16xi32>
        %parallel_loop3A_986 = arith.constant 127 : i32
        %parallel_loop3A_987 = vector.broadcast %parallel_loop3A_986 : i32 to vector<16xi32>
        %parallel_loop3A_988 = arith.andi %parallel_loop3A_982, %parallel_loop3A_987 : vector<16xi32>
        %parallel_loop3A_989 = tpu.vector_load_idx %arg8[%parallel_loop3A_985, %parallel_loop3A_988] : memref<272x128xf32, #tpu.memory_space<vmem>>[vector<16xi32>, vector<16xi32>], vector<16xf32>,
        %parallel_loop3A_990 = arith.constant 48 : i32
        %parallel_loop3A_991 = vector.broadcast %parallel_loop3A_990 : i32 to vector<16xi32>
        %parallel_loop3A_992 = arith.addi %parallel_loop3A_966, %parallel_loop3A_991 : vector<16xi32>
        tpu.vector_store_idx %arg9[%parallel_loop3A_133, %parallel_loop3A_992], %parallel_loop3A_989 : memref<256x152xf32, #tpu.memory_space<vmem>>[vector<16xi32>, vector<16xi32>], vector<16xf32>,
        %parallel_loop3A_993 = vector.extract_strided_slice %gather3A_20 {offsets = [0], sizes = [1], strides = [1]} : vector<16xf32> to vector<1xf32>
        %parallel_loop3A_994 = vector.extract %parallel_loop3A_993[0] : f32 from vector<1xf32>
        %parallel_loop3A_995 = vector.broadcast %parallel_loop3A_994 : f32 to vector<16xf32>
        %parallel_loop3A_996 = arith.mulf %parallel_loop3A_145, %parallel_loop3A_995 : vector<16xf32>
        %parallel_loop3A_997 = vector.extract_strided_slice %gather3A_40 {offsets = [0], sizes = [1], strides = [1]} : vector<16xf32> to vector<1xf32>
        %parallel_loop3A_998 = vector.extract %parallel_loop3A_997[0] : f32 from vector<1xf32>
        %parallel_loop3A_999 = vector.broadcast %parallel_loop3A_998 : f32 to vector<16xf32>
        %parallel_loop3A_1000 = arith.mulf %parallel_loop3A_155, %parallel_loop3A_999 : vector<16xf32>
        %parallel_loop3A_1001 = arith.addf %parallel_loop3A_996, %parallel_loop3A_1000 : vector<16xf32>
        %parallel_loop3A_1002 = vector.extract_strided_slice %gather3A_60 {offsets = [0], sizes = [1], strides = [1]} : vector<16xf32> to vector<1xf32>
        %parallel_loop3A_1003 = vector.extract %parallel_loop3A_1002[0] : f32 from vector<1xf32>
        %parallel_loop3A_1004 = vector.broadcast %parallel_loop3A_1003 : f32 to vector<16xf32>
        %parallel_loop3A_1005 = arith.mulf %parallel_loop3A_165, %parallel_loop3A_1004 : vector<16xf32>
        %parallel_loop3A_1006 = arith.addf %parallel_loop3A_1001, %parallel_loop3A_1005 : vector<16xf32>
        %parallel_loop3A_1007 = vector.extract_strided_slice %gather3A_80 {offsets = [0], sizes = [1], strides = [1]} : vector<16xf32> to vector<1xf32>
        %parallel_loop3A_1008 = vector.extract %parallel_loop3A_1007[0] : f32 from vector<1xf32>
        %parallel_loop3A_1009 = vector.broadcast %parallel_loop3A_1008 : f32 to vector<16xf32>
        %parallel_loop3A_1010 = arith.addf %parallel_loop3A_1006, %parallel_loop3A_1009 : vector<16xf32>
        tpu.vector_store_idx %arg9[%parallel_loop3A_133, %parallel_loop3A_966], %parallel_loop3A_1010 : memref<256x152xf32, #tpu.memory_space<vmem>>[vector<16xi32>, vector<16xi32>], vector<16xf32>,
        %parallel_loop3A_1011 = arith.constant 17 : i32
        %parallel_loop3A_1012 = vector.broadcast %parallel_loop3A_1011 : i32 to vector<16xi32>
        %parallel_loop3A_1013 = arith.addi %broadcast_in_dim3A_3, %parallel_loop3A_1012 : vector<16xi32>
        %parallel_loop3A_1014 = arith.constant 17 : i32
        %parallel_loop3A_1015 = vector.broadcast %parallel_loop3A_1014 : i32 to vector<16xi32>
        %parallel_loop3A_1016 = arith.addi %parallel_loop3A_205, %parallel_loop3A_1015 : vector<16xi32>
        %parallel_loop3A_1017 = arith.constant 7 : i32
        %parallel_loop3A_1018 = vector.broadcast %parallel_loop3A_1017 : i32 to vector<16xi32>
        %parallel_loop3A_1019 = arith.shrsi %parallel_loop3A_1016, %parallel_loop3A_1018 : vector<16xi32>
        %parallel_loop3A_1020 = arith.constant 127 : i32
        %parallel_loop3A_1021 = vector.broadcast %parallel_loop3A_1020 : i32 to vector<16xi32>
        %parallel_loop3A_1022 = arith.andi %parallel_loop3A_1016, %parallel_loop3A_1021 : vector<16xi32>
        %parallel_loop3A_1023 = tpu.vector_load_idx %arg8[%parallel_loop3A_1019, %parallel_loop3A_1022] : memref<272x128xf32, #tpu.memory_space<vmem>>[vector<16xi32>, vector<16xi32>], vector<16xf32>,
        %parallel_loop3A_1024 = arith.constant 24 : i32
        %parallel_loop3A_1025 = vector.broadcast %parallel_loop3A_1024 : i32 to vector<16xi32>
        %parallel_loop3A_1026 = arith.addi %parallel_loop3A_1013, %parallel_loop3A_1025 : vector<16xi32>
        tpu.vector_store_idx %arg9[%parallel_loop3A_133, %parallel_loop3A_1026], %parallel_loop3A_1023 : memref<256x152xf32, #tpu.memory_space<vmem>>[vector<16xi32>, vector<16xi32>], vector<16xf32>,
        %parallel_loop3A_1027 = arith.constant 17 : i32
        %parallel_loop3A_1028 = vector.broadcast %parallel_loop3A_1027 : i32 to vector<16xi32>
        %parallel_loop3A_1029 = arith.addi %parallel_loop3A_211, %parallel_loop3A_1028 : vector<16xi32>
        %parallel_loop3A_1030 = arith.constant 7 : i32
        %parallel_loop3A_1031 = vector.broadcast %parallel_loop3A_1030 : i32 to vector<16xi32>
        %parallel_loop3A_1032 = arith.shrsi %parallel_loop3A_1029, %parallel_loop3A_1031 : vector<16xi32>
        %parallel_loop3A_1033 = arith.constant 127 : i32
        %parallel_loop3A_1034 = vector.broadcast %parallel_loop3A_1033 : i32 to vector<16xi32>
        %parallel_loop3A_1035 = arith.andi %parallel_loop3A_1029, %parallel_loop3A_1034 : vector<16xi32>
        %parallel_loop3A_1036 = tpu.vector_load_idx %arg8[%parallel_loop3A_1032, %parallel_loop3A_1035] : memref<272x128xf32, #tpu.memory_space<vmem>>[vector<16xi32>, vector<16xi32>], vector<16xf32>,
        %parallel_loop3A_1037 = arith.constant 48 : i32
        %parallel_loop3A_1038 = vector.broadcast %parallel_loop3A_1037 : i32 to vector<16xi32>
        %parallel_loop3A_1039 = arith.addi %parallel_loop3A_1013, %parallel_loop3A_1038 : vector<16xi32>
        tpu.vector_store_idx %arg9[%parallel_loop3A_133, %parallel_loop3A_1039], %parallel_loop3A_1036 : memref<256x152xf32, #tpu.memory_space<vmem>>[vector<16xi32>, vector<16xi32>], vector<16xf32>,
        %parallel_loop3A_1040 = vector.extract_strided_slice %gather3A_20 {offsets = [1], sizes = [1], strides = [1]} : vector<16xf32> to vector<1xf32>
        %parallel_loop3A_1041 = vector.extract %parallel_loop3A_1040[0] : f32 from vector<1xf32>
        %parallel_loop3A_1042 = vector.broadcast %parallel_loop3A_1041 : f32 to vector<16xf32>
        %parallel_loop3A_1043 = arith.mulf %parallel_loop3A_145, %parallel_loop3A_1042 : vector<16xf32>
        %parallel_loop3A_1044 = vector.extract_strided_slice %gather3A_40 {offsets = [1], sizes = [1], strides = [1]} : vector<16xf32> to vector<1xf32>
        %parallel_loop3A_1045 = vector.extract %parallel_loop3A_1044[0] : f32 from vector<1xf32>
        %parallel_loop3A_1046 = vector.broadcast %parallel_loop3A_1045 : f32 to vector<16xf32>
        %parallel_loop3A_1047 = arith.mulf %parallel_loop3A_155, %parallel_loop3A_1046 : vector<16xf32>
        %parallel_loop3A_1048 = arith.addf %parallel_loop3A_1043, %parallel_loop3A_1047 : vector<16xf32>
        %parallel_loop3A_1049 = vector.extract_strided_slice %gather3A_60 {offsets = [1], sizes = [1], strides = [1]} : vector<16xf32> to vector<1xf32>
        %parallel_loop3A_1050 = vector.extract %parallel_loop3A_1049[0] : f32 from vector<1xf32>
        %parallel_loop3A_1051 = vector.broadcast %parallel_loop3A_1050 : f32 to vector<16xf32>
        %parallel_loop3A_1052 = arith.mulf %parallel_loop3A_165, %parallel_loop3A_1051 : vector<16xf32>
        %parallel_loop3A_1053 = arith.addf %parallel_loop3A_1048, %parallel_loop3A_1052 : vector<16xf32>
        %parallel_loop3A_1054 = vector.extract_strided_slice %gather3A_80 {offsets = [1], sizes = [1], strides = [1]} : vector<16xf32> to vector<1xf32>
        %parallel_loop3A_1055 = vector.extract %parallel_loop3A_1054[0] : f32 from vector<1xf32>
        %parallel_loop3A_1056 = vector.broadcast %parallel_loop3A_1055 : f32 to vector<16xf32>
        %parallel_loop3A_1057 = arith.addf %parallel_loop3A_1053, %parallel_loop3A_1056 : vector<16xf32>
        tpu.vector_store_idx %arg9[%parallel_loop3A_133, %parallel_loop3A_1013], %parallel_loop3A_1057 : memref<256x152xf32, #tpu.memory_space<vmem>>[vector<16xi32>, vector<16xi32>], vector<16xf32>,
        %parallel_loop3A_1058 = arith.constant 18 : i32
        %parallel_loop3A_1059 = vector.broadcast %parallel_loop3A_1058 : i32 to vector<16xi32>
        %parallel_loop3A_1060 = arith.addi %broadcast_in_dim3A_3, %parallel_loop3A_1059 : vector<16xi32>
        %parallel_loop3A_1061 = arith.constant 18 : i32
        %parallel_loop3A_1062 = vector.broadcast %parallel_loop3A_1061 : i32 to vector<16xi32>
        %parallel_loop3A_1063 = arith.addi %parallel_loop3A_205, %parallel_loop3A_1062 : vector<16xi32>
        %parallel_loop3A_1064 = arith.constant 7 : i32
        %parallel_loop3A_1065 = vector.broadcast %parallel_loop3A_1064 : i32 to vector<16xi32>
        %parallel_loop3A_1066 = arith.shrsi %parallel_loop3A_1063, %parallel_loop3A_1065 : vector<16xi32>
        %parallel_loop3A_1067 = arith.constant 127 : i32
        %parallel_loop3A_1068 = vector.broadcast %parallel_loop3A_1067 : i32 to vector<16xi32>
        %parallel_loop3A_1069 = arith.andi %parallel_loop3A_1063, %parallel_loop3A_1068 : vector<16xi32>
        %parallel_loop3A_1070 = tpu.vector_load_idx %arg8[%parallel_loop3A_1066, %parallel_loop3A_1069] : memref<272x128xf32, #tpu.memory_space<vmem>>[vector<16xi32>, vector<16xi32>], vector<16xf32>,
        %parallel_loop3A_1071 = arith.constant 24 : i32
        %parallel_loop3A_1072 = vector.broadcast %parallel_loop3A_1071 : i32 to vector<16xi32>
        %parallel_loop3A_1073 = arith.addi %parallel_loop3A_1060, %parallel_loop3A_1072 : vector<16xi32>
        tpu.vector_store_idx %arg9[%parallel_loop3A_133, %parallel_loop3A_1073], %parallel_loop3A_1070 : memref<256x152xf32, #tpu.memory_space<vmem>>[vector<16xi32>, vector<16xi32>], vector<16xf32>,
        %parallel_loop3A_1074 = arith.constant 18 : i32
        %parallel_loop3A_1075 = vector.broadcast %parallel_loop3A_1074 : i32 to vector<16xi32>
        %parallel_loop3A_1076 = arith.addi %parallel_loop3A_211, %parallel_loop3A_1075 : vector<16xi32>
        %parallel_loop3A_1077 = arith.constant 7 : i32
        %parallel_loop3A_1078 = vector.broadcast %parallel_loop3A_1077 : i32 to vector<16xi32>
        %parallel_loop3A_1079 = arith.shrsi %parallel_loop3A_1076, %parallel_loop3A_1078 : vector<16xi32>
        %parallel_loop3A_1080 = arith.constant 127 : i32
        %parallel_loop3A_1081 = vector.broadcast %parallel_loop3A_1080 : i32 to vector<16xi32>
        %parallel_loop3A_1082 = arith.andi %parallel_loop3A_1076, %parallel_loop3A_1081 : vector<16xi32>
        %parallel_loop3A_1083 = tpu.vector_load_idx %arg8[%parallel_loop3A_1079, %parallel_loop3A_1082] : memref<272x128xf32, #tpu.memory_space<vmem>>[vector<16xi32>, vector<16xi32>], vector<16xf32>,
        %parallel_loop3A_1084 = arith.constant 48 : i32
        %parallel_loop3A_1085 = vector.broadcast %parallel_loop3A_1084 : i32 to vector<16xi32>
        %parallel_loop3A_1086 = arith.addi %parallel_loop3A_1060, %parallel_loop3A_1085 : vector<16xi32>
        tpu.vector_store_idx %arg9[%parallel_loop3A_133, %parallel_loop3A_1086], %parallel_loop3A_1083 : memref<256x152xf32, #tpu.memory_space<vmem>>[vector<16xi32>, vector<16xi32>], vector<16xf32>,
        %parallel_loop3A_1087 = vector.extract_strided_slice %gather3A_20 {offsets = [2], sizes = [1], strides = [1]} : vector<16xf32> to vector<1xf32>
        %parallel_loop3A_1088 = vector.extract %parallel_loop3A_1087[0] : f32 from vector<1xf32>
        %parallel_loop3A_1089 = vector.broadcast %parallel_loop3A_1088 : f32 to vector<16xf32>
        %parallel_loop3A_1090 = arith.mulf %parallel_loop3A_145, %parallel_loop3A_1089 : vector<16xf32>
        %parallel_loop3A_1091 = vector.extract_strided_slice %gather3A_40 {offsets = [2], sizes = [1], strides = [1]} : vector<16xf32> to vector<1xf32>
        %parallel_loop3A_1092 = vector.extract %parallel_loop3A_1091[0] : f32 from vector<1xf32>
        %parallel_loop3A_1093 = vector.broadcast %parallel_loop3A_1092 : f32 to vector<16xf32>
        %parallel_loop3A_1094 = arith.mulf %parallel_loop3A_155, %parallel_loop3A_1093 : vector<16xf32>
        %parallel_loop3A_1095 = arith.addf %parallel_loop3A_1090, %parallel_loop3A_1094 : vector<16xf32>
        %parallel_loop3A_1096 = vector.extract_strided_slice %gather3A_60 {offsets = [2], sizes = [1], strides = [1]} : vector<16xf32> to vector<1xf32>
        %parallel_loop3A_1097 = vector.extract %parallel_loop3A_1096[0] : f32 from vector<1xf32>
        %parallel_loop3A_1098 = vector.broadcast %parallel_loop3A_1097 : f32 to vector<16xf32>
        %parallel_loop3A_1099 = arith.mulf %parallel_loop3A_165, %parallel_loop3A_1098 : vector<16xf32>
        %parallel_loop3A_1100 = arith.addf %parallel_loop3A_1095, %parallel_loop3A_1099 : vector<16xf32>
        %parallel_loop3A_1101 = vector.extract_strided_slice %gather3A_80 {offsets = [2], sizes = [1], strides = [1]} : vector<16xf32> to vector<1xf32>
        %parallel_loop3A_1102 = vector.extract %parallel_loop3A_1101[0] : f32 from vector<1xf32>
        %parallel_loop3A_1103 = vector.broadcast %parallel_loop3A_1102 : f32 to vector<16xf32>
        %parallel_loop3A_1104 = arith.addf %parallel_loop3A_1100, %parallel_loop3A_1103 : vector<16xf32>
        tpu.vector_store_idx %arg9[%parallel_loop3A_133, %parallel_loop3A_1060], %parallel_loop3A_1104 : memref<256x152xf32, #tpu.memory_space<vmem>>[vector<16xi32>, vector<16xi32>], vector<16xf32>,
        %parallel_loop3A_1105 = arith.constant 19 : i32
        %parallel_loop3A_1106 = vector.broadcast %parallel_loop3A_1105 : i32 to vector<16xi32>
        %parallel_loop3A_1107 = arith.addi %broadcast_in_dim3A_3, %parallel_loop3A_1106 : vector<16xi32>
        %parallel_loop3A_1108 = arith.constant 19 : i32
        %parallel_loop3A_1109 = vector.broadcast %parallel_loop3A_1108 : i32 to vector<16xi32>
        %parallel_loop3A_1110 = arith.addi %parallel_loop3A_205, %parallel_loop3A_1109 : vector<16xi32>
        %parallel_loop3A_1111 = arith.constant 7 : i32
        %parallel_loop3A_1112 = vector.broadcast %parallel_loop3A_1111 : i32 to vector<16xi32>
        %parallel_loop3A_1113 = arith.shrsi %parallel_loop3A_1110, %parallel_loop3A_1112 : vector<16xi32>
        %parallel_loop3A_1114 = arith.constant 127 : i32
        %parallel_loop3A_1115 = vector.broadcast %parallel_loop3A_1114 : i32 to vector<16xi32>
        %parallel_loop3A_1116 = arith.andi %parallel_loop3A_1110, %parallel_loop3A_1115 : vector<16xi32>
        %parallel_loop3A_1117 = tpu.vector_load_idx %arg8[%parallel_loop3A_1113, %parallel_loop3A_1116] : memref<272x128xf32, #tpu.memory_space<vmem>>[vector<16xi32>, vector<16xi32>], vector<16xf32>,
        %parallel_loop3A_1118 = arith.constant 24 : i32
        %parallel_loop3A_1119 = vector.broadcast %parallel_loop3A_1118 : i32 to vector<16xi32>
        %parallel_loop3A_1120 = arith.addi %parallel_loop3A_1107, %parallel_loop3A_1119 : vector<16xi32>
        tpu.vector_store_idx %arg9[%parallel_loop3A_133, %parallel_loop3A_1120], %parallel_loop3A_1117 : memref<256x152xf32, #tpu.memory_space<vmem>>[vector<16xi32>, vector<16xi32>], vector<16xf32>,
        %parallel_loop3A_1121 = arith.constant 19 : i32
        %parallel_loop3A_1122 = vector.broadcast %parallel_loop3A_1121 : i32 to vector<16xi32>
        %parallel_loop3A_1123 = arith.addi %parallel_loop3A_211, %parallel_loop3A_1122 : vector<16xi32>
        %parallel_loop3A_1124 = arith.constant 7 : i32
        %parallel_loop3A_1125 = vector.broadcast %parallel_loop3A_1124 : i32 to vector<16xi32>
        %parallel_loop3A_1126 = arith.shrsi %parallel_loop3A_1123, %parallel_loop3A_1125 : vector<16xi32>
        %parallel_loop3A_1127 = arith.constant 127 : i32
        %parallel_loop3A_1128 = vector.broadcast %parallel_loop3A_1127 : i32 to vector<16xi32>
        %parallel_loop3A_1129 = arith.andi %parallel_loop3A_1123, %parallel_loop3A_1128 : vector<16xi32>
        %parallel_loop3A_1130 = tpu.vector_load_idx %arg8[%parallel_loop3A_1126, %parallel_loop3A_1129] : memref<272x128xf32, #tpu.memory_space<vmem>>[vector<16xi32>, vector<16xi32>], vector<16xf32>,
        %parallel_loop3A_1131 = arith.constant 48 : i32
        %parallel_loop3A_1132 = vector.broadcast %parallel_loop3A_1131 : i32 to vector<16xi32>
        %parallel_loop3A_1133 = arith.addi %parallel_loop3A_1107, %parallel_loop3A_1132 : vector<16xi32>
        tpu.vector_store_idx %arg9[%parallel_loop3A_133, %parallel_loop3A_1133], %parallel_loop3A_1130 : memref<256x152xf32, #tpu.memory_space<vmem>>[vector<16xi32>, vector<16xi32>], vector<16xf32>,
        %parallel_loop3A_1134 = vector.extract_strided_slice %gather3A_20 {offsets = [3], sizes = [1], strides = [1]} : vector<16xf32> to vector<1xf32>
        %parallel_loop3A_1135 = vector.extract %parallel_loop3A_1134[0] : f32 from vector<1xf32>
        %parallel_loop3A_1136 = vector.broadcast %parallel_loop3A_1135 : f32 to vector<16xf32>
        %parallel_loop3A_1137 = arith.mulf %parallel_loop3A_145, %parallel_loop3A_1136 : vector<16xf32>
        %parallel_loop3A_1138 = vector.extract_strided_slice %gather3A_40 {offsets = [3], sizes = [1], strides = [1]} : vector<16xf32> to vector<1xf32>
        %parallel_loop3A_1139 = vector.extract %parallel_loop3A_1138[0] : f32 from vector<1xf32>
        %parallel_loop3A_1140 = vector.broadcast %parallel_loop3A_1139 : f32 to vector<16xf32>
        %parallel_loop3A_1141 = arith.mulf %parallel_loop3A_155, %parallel_loop3A_1140 : vector<16xf32>
        %parallel_loop3A_1142 = arith.addf %parallel_loop3A_1137, %parallel_loop3A_1141 : vector<16xf32>
        %parallel_loop3A_1143 = vector.extract_strided_slice %gather3A_60 {offsets = [3], sizes = [1], strides = [1]} : vector<16xf32> to vector<1xf32>
        %parallel_loop3A_1144 = vector.extract %parallel_loop3A_1143[0] : f32 from vector<1xf32>
        %parallel_loop3A_1145 = vector.broadcast %parallel_loop3A_1144 : f32 to vector<16xf32>
        %parallel_loop3A_1146 = arith.mulf %parallel_loop3A_165, %parallel_loop3A_1145 : vector<16xf32>
        %parallel_loop3A_1147 = arith.addf %parallel_loop3A_1142, %parallel_loop3A_1146 : vector<16xf32>
        %parallel_loop3A_1148 = vector.extract_strided_slice %gather3A_80 {offsets = [3], sizes = [1], strides = [1]} : vector<16xf32> to vector<1xf32>
        %parallel_loop3A_1149 = vector.extract %parallel_loop3A_1148[0] : f32 from vector<1xf32>
        %parallel_loop3A_1150 = vector.broadcast %parallel_loop3A_1149 : f32 to vector<16xf32>
        %parallel_loop3A_1151 = arith.addf %parallel_loop3A_1147, %parallel_loop3A_1150 : vector<16xf32>
        tpu.vector_store_idx %arg9[%parallel_loop3A_133, %parallel_loop3A_1107], %parallel_loop3A_1151 : memref<256x152xf32, #tpu.memory_space<vmem>>[vector<16xi32>, vector<16xi32>], vector<16xf32>,
        %parallel_loop3A_1152 = arith.constant 20 : i32
        %parallel_loop3A_1153 = vector.broadcast %parallel_loop3A_1152 : i32 to vector<16xi32>
        %parallel_loop3A_1154 = arith.addi %broadcast_in_dim3A_3, %parallel_loop3A_1153 : vector<16xi32>
        %parallel_loop3A_1155 = arith.constant 20 : i32
        %parallel_loop3A_1156 = vector.broadcast %parallel_loop3A_1155 : i32 to vector<16xi32>
        %parallel_loop3A_1157 = arith.addi %parallel_loop3A_205, %parallel_loop3A_1156 : vector<16xi32>
        %parallel_loop3A_1158 = arith.constant 7 : i32
        %parallel_loop3A_1159 = vector.broadcast %parallel_loop3A_1158 : i32 to vector<16xi32>
        %parallel_loop3A_1160 = arith.shrsi %parallel_loop3A_1157, %parallel_loop3A_1159 : vector<16xi32>
        %parallel_loop3A_1161 = arith.constant 127 : i32
        %parallel_loop3A_1162 = vector.broadcast %parallel_loop3A_1161 : i32 to vector<16xi32>
        %parallel_loop3A_1163 = arith.andi %parallel_loop3A_1157, %parallel_loop3A_1162 : vector<16xi32>
        %parallel_loop3A_1164 = tpu.vector_load_idx %arg8[%parallel_loop3A_1160, %parallel_loop3A_1163] : memref<272x128xf32, #tpu.memory_space<vmem>>[vector<16xi32>, vector<16xi32>], vector<16xf32>,
        %parallel_loop3A_1165 = arith.constant 24 : i32
        %parallel_loop3A_1166 = vector.broadcast %parallel_loop3A_1165 : i32 to vector<16xi32>
        %parallel_loop3A_1167 = arith.addi %parallel_loop3A_1154, %parallel_loop3A_1166 : vector<16xi32>
        tpu.vector_store_idx %arg9[%parallel_loop3A_133, %parallel_loop3A_1167], %parallel_loop3A_1164 : memref<256x152xf32, #tpu.memory_space<vmem>>[vector<16xi32>, vector<16xi32>], vector<16xf32>,
        %parallel_loop3A_1168 = arith.constant 20 : i32
        %parallel_loop3A_1169 = vector.broadcast %parallel_loop3A_1168 : i32 to vector<16xi32>
        %parallel_loop3A_1170 = arith.addi %parallel_loop3A_211, %parallel_loop3A_1169 : vector<16xi32>
        %parallel_loop3A_1171 = arith.constant 7 : i32
        %parallel_loop3A_1172 = vector.broadcast %parallel_loop3A_1171 : i32 to vector<16xi32>
        %parallel_loop3A_1173 = arith.shrsi %parallel_loop3A_1170, %parallel_loop3A_1172 : vector<16xi32>
        %parallel_loop3A_1174 = arith.constant 127 : i32
        %parallel_loop3A_1175 = vector.broadcast %parallel_loop3A_1174 : i32 to vector<16xi32>
        %parallel_loop3A_1176 = arith.andi %parallel_loop3A_1170, %parallel_loop3A_1175 : vector<16xi32>
        %parallel_loop3A_1177 = tpu.vector_load_idx %arg8[%parallel_loop3A_1173, %parallel_loop3A_1176] : memref<272x128xf32, #tpu.memory_space<vmem>>[vector<16xi32>, vector<16xi32>], vector<16xf32>,
        %parallel_loop3A_1178 = arith.constant 48 : i32
        %parallel_loop3A_1179 = vector.broadcast %parallel_loop3A_1178 : i32 to vector<16xi32>
        %parallel_loop3A_1180 = arith.addi %parallel_loop3A_1154, %parallel_loop3A_1179 : vector<16xi32>
        tpu.vector_store_idx %arg9[%parallel_loop3A_133, %parallel_loop3A_1180], %parallel_loop3A_1177 : memref<256x152xf32, #tpu.memory_space<vmem>>[vector<16xi32>, vector<16xi32>], vector<16xf32>,
        %parallel_loop3A_1181 = vector.extract_strided_slice %gather3A_20 {offsets = [4], sizes = [1], strides = [1]} : vector<16xf32> to vector<1xf32>
        %parallel_loop3A_1182 = vector.extract %parallel_loop3A_1181[0] : f32 from vector<1xf32>
        %parallel_loop3A_1183 = vector.broadcast %parallel_loop3A_1182 : f32 to vector<16xf32>
        %parallel_loop3A_1184 = arith.mulf %parallel_loop3A_145, %parallel_loop3A_1183 : vector<16xf32>
        %parallel_loop3A_1185 = vector.extract_strided_slice %gather3A_40 {offsets = [4], sizes = [1], strides = [1]} : vector<16xf32> to vector<1xf32>
        %parallel_loop3A_1186 = vector.extract %parallel_loop3A_1185[0] : f32 from vector<1xf32>
        %parallel_loop3A_1187 = vector.broadcast %parallel_loop3A_1186 : f32 to vector<16xf32>
        %parallel_loop3A_1188 = arith.mulf %parallel_loop3A_155, %parallel_loop3A_1187 : vector<16xf32>
        %parallel_loop3A_1189 = arith.addf %parallel_loop3A_1184, %parallel_loop3A_1188 : vector<16xf32>
        %parallel_loop3A_1190 = vector.extract_strided_slice %gather3A_60 {offsets = [4], sizes = [1], strides = [1]} : vector<16xf32> to vector<1xf32>
        %parallel_loop3A_1191 = vector.extract %parallel_loop3A_1190[0] : f32 from vector<1xf32>
        %parallel_loop3A_1192 = vector.broadcast %parallel_loop3A_1191 : f32 to vector<16xf32>
        %parallel_loop3A_1193 = arith.mulf %parallel_loop3A_165, %parallel_loop3A_1192 : vector<16xf32>
        %parallel_loop3A_1194 = arith.addf %parallel_loop3A_1189, %parallel_loop3A_1193 : vector<16xf32>
        %parallel_loop3A_1195 = vector.extract_strided_slice %gather3A_80 {offsets = [4], sizes = [1], strides = [1]} : vector<16xf32> to vector<1xf32>
        %parallel_loop3A_1196 = vector.extract %parallel_loop3A_1195[0] : f32 from vector<1xf32>
        %parallel_loop3A_1197 = vector.broadcast %parallel_loop3A_1196 : f32 to vector<16xf32>
        %parallel_loop3A_1198 = arith.addf %parallel_loop3A_1194, %parallel_loop3A_1197 : vector<16xf32>
        tpu.vector_store_idx %arg9[%parallel_loop3A_133, %parallel_loop3A_1154], %parallel_loop3A_1198 : memref<256x152xf32, #tpu.memory_space<vmem>>[vector<16xi32>, vector<16xi32>], vector<16xf32>,
        %parallel_loop3A_1199 = arith.constant 21 : i32
        %parallel_loop3A_1200 = vector.broadcast %parallel_loop3A_1199 : i32 to vector<16xi32>
        %parallel_loop3A_1201 = arith.addi %broadcast_in_dim3A_3, %parallel_loop3A_1200 : vector<16xi32>
        %parallel_loop3A_1202 = arith.constant 21 : i32
        %parallel_loop3A_1203 = vector.broadcast %parallel_loop3A_1202 : i32 to vector<16xi32>
        %parallel_loop3A_1204 = arith.addi %parallel_loop3A_205, %parallel_loop3A_1203 : vector<16xi32>
        %parallel_loop3A_1205 = arith.constant 7 : i32
        %parallel_loop3A_1206 = vector.broadcast %parallel_loop3A_1205 : i32 to vector<16xi32>
        %parallel_loop3A_1207 = arith.shrsi %parallel_loop3A_1204, %parallel_loop3A_1206 : vector<16xi32>
        %parallel_loop3A_1208 = arith.constant 127 : i32
        %parallel_loop3A_1209 = vector.broadcast %parallel_loop3A_1208 : i32 to vector<16xi32>
        %parallel_loop3A_1210 = arith.andi %parallel_loop3A_1204, %parallel_loop3A_1209 : vector<16xi32>
        %parallel_loop3A_1211 = tpu.vector_load_idx %arg8[%parallel_loop3A_1207, %parallel_loop3A_1210] : memref<272x128xf32, #tpu.memory_space<vmem>>[vector<16xi32>, vector<16xi32>], vector<16xf32>,
        %parallel_loop3A_1212 = arith.constant 24 : i32
        %parallel_loop3A_1213 = vector.broadcast %parallel_loop3A_1212 : i32 to vector<16xi32>
        %parallel_loop3A_1214 = arith.addi %parallel_loop3A_1201, %parallel_loop3A_1213 : vector<16xi32>
        tpu.vector_store_idx %arg9[%parallel_loop3A_133, %parallel_loop3A_1214], %parallel_loop3A_1211 : memref<256x152xf32, #tpu.memory_space<vmem>>[vector<16xi32>, vector<16xi32>], vector<16xf32>,
        %parallel_loop3A_1215 = arith.constant 21 : i32
        %parallel_loop3A_1216 = vector.broadcast %parallel_loop3A_1215 : i32 to vector<16xi32>
        %parallel_loop3A_1217 = arith.addi %parallel_loop3A_211, %parallel_loop3A_1216 : vector<16xi32>
        %parallel_loop3A_1218 = arith.constant 7 : i32
        %parallel_loop3A_1219 = vector.broadcast %parallel_loop3A_1218 : i32 to vector<16xi32>
        %parallel_loop3A_1220 = arith.shrsi %parallel_loop3A_1217, %parallel_loop3A_1219 : vector<16xi32>
        %parallel_loop3A_1221 = arith.constant 127 : i32
        %parallel_loop3A_1222 = vector.broadcast %parallel_loop3A_1221 : i32 to vector<16xi32>
        %parallel_loop3A_1223 = arith.andi %parallel_loop3A_1217, %parallel_loop3A_1222 : vector<16xi32>
        %parallel_loop3A_1224 = tpu.vector_load_idx %arg8[%parallel_loop3A_1220, %parallel_loop3A_1223] : memref<272x128xf32, #tpu.memory_space<vmem>>[vector<16xi32>, vector<16xi32>], vector<16xf32>,
        %parallel_loop3A_1225 = arith.constant 48 : i32
        %parallel_loop3A_1226 = vector.broadcast %parallel_loop3A_1225 : i32 to vector<16xi32>
        %parallel_loop3A_1227 = arith.addi %parallel_loop3A_1201, %parallel_loop3A_1226 : vector<16xi32>
        tpu.vector_store_idx %arg9[%parallel_loop3A_133, %parallel_loop3A_1227], %parallel_loop3A_1224 : memref<256x152xf32, #tpu.memory_space<vmem>>[vector<16xi32>, vector<16xi32>], vector<16xf32>,
        %parallel_loop3A_1228 = vector.extract_strided_slice %gather3A_20 {offsets = [5], sizes = [1], strides = [1]} : vector<16xf32> to vector<1xf32>
        %parallel_loop3A_1229 = vector.extract %parallel_loop3A_1228[0] : f32 from vector<1xf32>
        %parallel_loop3A_1230 = vector.broadcast %parallel_loop3A_1229 : f32 to vector<16xf32>
        %parallel_loop3A_1231 = arith.mulf %parallel_loop3A_145, %parallel_loop3A_1230 : vector<16xf32>
        %parallel_loop3A_1232 = vector.extract_strided_slice %gather3A_40 {offsets = [5], sizes = [1], strides = [1]} : vector<16xf32> to vector<1xf32>
        %parallel_loop3A_1233 = vector.extract %parallel_loop3A_1232[0] : f32 from vector<1xf32>
        %parallel_loop3A_1234 = vector.broadcast %parallel_loop3A_1233 : f32 to vector<16xf32>
        %parallel_loop3A_1235 = arith.mulf %parallel_loop3A_155, %parallel_loop3A_1234 : vector<16xf32>
        %parallel_loop3A_1236 = arith.addf %parallel_loop3A_1231, %parallel_loop3A_1235 : vector<16xf32>
        %parallel_loop3A_1237 = vector.extract_strided_slice %gather3A_60 {offsets = [5], sizes = [1], strides = [1]} : vector<16xf32> to vector<1xf32>
        %parallel_loop3A_1238 = vector.extract %parallel_loop3A_1237[0] : f32 from vector<1xf32>
        %parallel_loop3A_1239 = vector.broadcast %parallel_loop3A_1238 : f32 to vector<16xf32>
        %parallel_loop3A_1240 = arith.mulf %parallel_loop3A_165, %parallel_loop3A_1239 : vector<16xf32>
        %parallel_loop3A_1241 = arith.addf %parallel_loop3A_1236, %parallel_loop3A_1240 : vector<16xf32>
        %parallel_loop3A_1242 = vector.extract_strided_slice %gather3A_80 {offsets = [5], sizes = [1], strides = [1]} : vector<16xf32> to vector<1xf32>
        %parallel_loop3A_1243 = vector.extract %parallel_loop3A_1242[0] : f32 from vector<1xf32>
        %parallel_loop3A_1244 = vector.broadcast %parallel_loop3A_1243 : f32 to vector<16xf32>
        %parallel_loop3A_1245 = arith.addf %parallel_loop3A_1241, %parallel_loop3A_1244 : vector<16xf32>
        tpu.vector_store_idx %arg9[%parallel_loop3A_133, %parallel_loop3A_1201], %parallel_loop3A_1245 : memref<256x152xf32, #tpu.memory_space<vmem>>[vector<16xi32>, vector<16xi32>], vector<16xf32>,
        %parallel_loop3A_1246 = arith.constant 22 : i32
        %parallel_loop3A_1247 = vector.broadcast %parallel_loop3A_1246 : i32 to vector<16xi32>
        %parallel_loop3A_1248 = arith.addi %broadcast_in_dim3A_3, %parallel_loop3A_1247 : vector<16xi32>
        %parallel_loop3A_1249 = arith.constant 22 : i32
        %parallel_loop3A_1250 = vector.broadcast %parallel_loop3A_1249 : i32 to vector<16xi32>
        %parallel_loop3A_1251 = arith.addi %parallel_loop3A_205, %parallel_loop3A_1250 : vector<16xi32>
        %parallel_loop3A_1252 = arith.constant 7 : i32
        %parallel_loop3A_1253 = vector.broadcast %parallel_loop3A_1252 : i32 to vector<16xi32>
        %parallel_loop3A_1254 = arith.shrsi %parallel_loop3A_1251, %parallel_loop3A_1253 : vector<16xi32>
        %parallel_loop3A_1255 = arith.constant 127 : i32
        %parallel_loop3A_1256 = vector.broadcast %parallel_loop3A_1255 : i32 to vector<16xi32>
        %parallel_loop3A_1257 = arith.andi %parallel_loop3A_1251, %parallel_loop3A_1256 : vector<16xi32>
        %parallel_loop3A_1258 = tpu.vector_load_idx %arg8[%parallel_loop3A_1254, %parallel_loop3A_1257] : memref<272x128xf32, #tpu.memory_space<vmem>>[vector<16xi32>, vector<16xi32>], vector<16xf32>,
        %parallel_loop3A_1259 = arith.constant 24 : i32
        %parallel_loop3A_1260 = vector.broadcast %parallel_loop3A_1259 : i32 to vector<16xi32>
        %parallel_loop3A_1261 = arith.addi %parallel_loop3A_1248, %parallel_loop3A_1260 : vector<16xi32>
        tpu.vector_store_idx %arg9[%parallel_loop3A_133, %parallel_loop3A_1261], %parallel_loop3A_1258 : memref<256x152xf32, #tpu.memory_space<vmem>>[vector<16xi32>, vector<16xi32>], vector<16xf32>,
        %parallel_loop3A_1262 = arith.constant 22 : i32
        %parallel_loop3A_1263 = vector.broadcast %parallel_loop3A_1262 : i32 to vector<16xi32>
        %parallel_loop3A_1264 = arith.addi %parallel_loop3A_211, %parallel_loop3A_1263 : vector<16xi32>
        %parallel_loop3A_1265 = arith.constant 7 : i32
        %parallel_loop3A_1266 = vector.broadcast %parallel_loop3A_1265 : i32 to vector<16xi32>
        %parallel_loop3A_1267 = arith.shrsi %parallel_loop3A_1264, %parallel_loop3A_1266 : vector<16xi32>
        %parallel_loop3A_1268 = arith.constant 127 : i32
        %parallel_loop3A_1269 = vector.broadcast %parallel_loop3A_1268 : i32 to vector<16xi32>
        %parallel_loop3A_1270 = arith.andi %parallel_loop3A_1264, %parallel_loop3A_1269 : vector<16xi32>
        %parallel_loop3A_1271 = tpu.vector_load_idx %arg8[%parallel_loop3A_1267, %parallel_loop3A_1270] : memref<272x128xf32, #tpu.memory_space<vmem>>[vector<16xi32>, vector<16xi32>], vector<16xf32>,
        %parallel_loop3A_1272 = arith.constant 48 : i32
        %parallel_loop3A_1273 = vector.broadcast %parallel_loop3A_1272 : i32 to vector<16xi32>
        %parallel_loop3A_1274 = arith.addi %parallel_loop3A_1248, %parallel_loop3A_1273 : vector<16xi32>
        tpu.vector_store_idx %arg9[%parallel_loop3A_133, %parallel_loop3A_1274], %parallel_loop3A_1271 : memref<256x152xf32, #tpu.memory_space<vmem>>[vector<16xi32>, vector<16xi32>], vector<16xf32>,
        %parallel_loop3A_1275 = vector.extract_strided_slice %gather3A_20 {offsets = [6], sizes = [1], strides = [1]} : vector<16xf32> to vector<1xf32>
        %parallel_loop3A_1276 = vector.extract %parallel_loop3A_1275[0] : f32 from vector<1xf32>
        %parallel_loop3A_1277 = vector.broadcast %parallel_loop3A_1276 : f32 to vector<16xf32>
        %parallel_loop3A_1278 = arith.mulf %parallel_loop3A_145, %parallel_loop3A_1277 : vector<16xf32>
        %parallel_loop3A_1279 = vector.extract_strided_slice %gather3A_40 {offsets = [6], sizes = [1], strides = [1]} : vector<16xf32> to vector<1xf32>
        %parallel_loop3A_1280 = vector.extract %parallel_loop3A_1279[0] : f32 from vector<1xf32>
        %parallel_loop3A_1281 = vector.broadcast %parallel_loop3A_1280 : f32 to vector<16xf32>
        %parallel_loop3A_1282 = arith.mulf %parallel_loop3A_155, %parallel_loop3A_1281 : vector<16xf32>
        %parallel_loop3A_1283 = arith.addf %parallel_loop3A_1278, %parallel_loop3A_1282 : vector<16xf32>
        %parallel_loop3A_1284 = vector.extract_strided_slice %gather3A_60 {offsets = [6], sizes = [1], strides = [1]} : vector<16xf32> to vector<1xf32>
        %parallel_loop3A_1285 = vector.extract %parallel_loop3A_1284[0] : f32 from vector<1xf32>
        %parallel_loop3A_1286 = vector.broadcast %parallel_loop3A_1285 : f32 to vector<16xf32>
        %parallel_loop3A_1287 = arith.mulf %parallel_loop3A_165, %parallel_loop3A_1286 : vector<16xf32>
        %parallel_loop3A_1288 = arith.addf %parallel_loop3A_1283, %parallel_loop3A_1287 : vector<16xf32>
        %parallel_loop3A_1289 = vector.extract_strided_slice %gather3A_80 {offsets = [6], sizes = [1], strides = [1]} : vector<16xf32> to vector<1xf32>
        %parallel_loop3A_1290 = vector.extract %parallel_loop3A_1289[0] : f32 from vector<1xf32>
        %parallel_loop3A_1291 = vector.broadcast %parallel_loop3A_1290 : f32 to vector<16xf32>
        %parallel_loop3A_1292 = arith.addf %parallel_loop3A_1288, %parallel_loop3A_1291 : vector<16xf32>
        tpu.vector_store_idx %arg9[%parallel_loop3A_133, %parallel_loop3A_1248], %parallel_loop3A_1292 : memref<256x152xf32, #tpu.memory_space<vmem>>[vector<16xi32>, vector<16xi32>], vector<16xf32>,
        %parallel_loop3A_1293 = arith.constant 23 : i32
        %parallel_loop3A_1294 = vector.broadcast %parallel_loop3A_1293 : i32 to vector<16xi32>
        %parallel_loop3A_1295 = arith.addi %broadcast_in_dim3A_3, %parallel_loop3A_1294 : vector<16xi32>
        %parallel_loop3A_1296 = arith.constant 23 : i32
        %parallel_loop3A_1297 = vector.broadcast %parallel_loop3A_1296 : i32 to vector<16xi32>
        %parallel_loop3A_1298 = arith.addi %parallel_loop3A_205, %parallel_loop3A_1297 : vector<16xi32>
        %parallel_loop3A_1299 = arith.constant 7 : i32
        %parallel_loop3A_1300 = vector.broadcast %parallel_loop3A_1299 : i32 to vector<16xi32>
        %parallel_loop3A_1301 = arith.shrsi %parallel_loop3A_1298, %parallel_loop3A_1300 : vector<16xi32>
        %parallel_loop3A_1302 = arith.constant 127 : i32
        %parallel_loop3A_1303 = vector.broadcast %parallel_loop3A_1302 : i32 to vector<16xi32>
        %parallel_loop3A_1304 = arith.andi %parallel_loop3A_1298, %parallel_loop3A_1303 : vector<16xi32>
        %parallel_loop3A_1305 = tpu.vector_load_idx %arg8[%parallel_loop3A_1301, %parallel_loop3A_1304] : memref<272x128xf32, #tpu.memory_space<vmem>>[vector<16xi32>, vector<16xi32>], vector<16xf32>,
        %parallel_loop3A_1306 = arith.constant 24 : i32
        %parallel_loop3A_1307 = vector.broadcast %parallel_loop3A_1306 : i32 to vector<16xi32>
        %parallel_loop3A_1308 = arith.addi %parallel_loop3A_1295, %parallel_loop3A_1307 : vector<16xi32>
        tpu.vector_store_idx %arg9[%parallel_loop3A_133, %parallel_loop3A_1308], %parallel_loop3A_1305 : memref<256x152xf32, #tpu.memory_space<vmem>>[vector<16xi32>, vector<16xi32>], vector<16xf32>,
        %parallel_loop3A_1309 = arith.constant 23 : i32
        %parallel_loop3A_1310 = vector.broadcast %parallel_loop3A_1309 : i32 to vector<16xi32>
        %parallel_loop3A_1311 = arith.addi %parallel_loop3A_211, %parallel_loop3A_1310 : vector<16xi32>
        %parallel_loop3A_1312 = arith.constant 7 : i32
        %parallel_loop3A_1313 = vector.broadcast %parallel_loop3A_1312 : i32 to vector<16xi32>
        %parallel_loop3A_1314 = arith.shrsi %parallel_loop3A_1311, %parallel_loop3A_1313 : vector<16xi32>
        %parallel_loop3A_1315 = arith.constant 127 : i32
        %parallel_loop3A_1316 = vector.broadcast %parallel_loop3A_1315 : i32 to vector<16xi32>
        %parallel_loop3A_1317 = arith.andi %parallel_loop3A_1311, %parallel_loop3A_1316 : vector<16xi32>
        %parallel_loop3A_1318 = tpu.vector_load_idx %arg8[%parallel_loop3A_1314, %parallel_loop3A_1317] : memref<272x128xf32, #tpu.memory_space<vmem>>[vector<16xi32>, vector<16xi32>], vector<16xf32>,
        %parallel_loop3A_1319 = arith.constant 48 : i32
        %parallel_loop3A_1320 = vector.broadcast %parallel_loop3A_1319 : i32 to vector<16xi32>
        %parallel_loop3A_1321 = arith.addi %parallel_loop3A_1295, %parallel_loop3A_1320 : vector<16xi32>
        tpu.vector_store_idx %arg9[%parallel_loop3A_133, %parallel_loop3A_1321], %parallel_loop3A_1318 : memref<256x152xf32, #tpu.memory_space<vmem>>[vector<16xi32>, vector<16xi32>], vector<16xf32>,
        %parallel_loop3A_1322 = vector.extract_strided_slice %gather3A_20 {offsets = [7], sizes = [1], strides = [1]} : vector<16xf32> to vector<1xf32>
        %parallel_loop3A_1323 = vector.extract %parallel_loop3A_1322[0] : f32 from vector<1xf32>
        %parallel_loop3A_1324 = vector.broadcast %parallel_loop3A_1323 : f32 to vector<16xf32>
        %parallel_loop3A_1325 = arith.mulf %parallel_loop3A_145, %parallel_loop3A_1324 : vector<16xf32>
        %parallel_loop3A_1326 = vector.extract_strided_slice %gather3A_40 {offsets = [7], sizes = [1], strides = [1]} : vector<16xf32> to vector<1xf32>
        %parallel_loop3A_1327 = vector.extract %parallel_loop3A_1326[0] : f32 from vector<1xf32>
        %parallel_loop3A_1328 = vector.broadcast %parallel_loop3A_1327 : f32 to vector<16xf32>
        %parallel_loop3A_1329 = arith.mulf %parallel_loop3A_155, %parallel_loop3A_1328 : vector<16xf32>
        %parallel_loop3A_1330 = arith.addf %parallel_loop3A_1325, %parallel_loop3A_1329 : vector<16xf32>
        %parallel_loop3A_1331 = vector.extract_strided_slice %gather3A_60 {offsets = [7], sizes = [1], strides = [1]} : vector<16xf32> to vector<1xf32>
        %parallel_loop3A_1332 = vector.extract %parallel_loop3A_1331[0] : f32 from vector<1xf32>
        %parallel_loop3A_1333 = vector.broadcast %parallel_loop3A_1332 : f32 to vector<16xf32>
        %parallel_loop3A_1334 = arith.mulf %parallel_loop3A_165, %parallel_loop3A_1333 : vector<16xf32>
        %parallel_loop3A_1335 = arith.addf %parallel_loop3A_1330, %parallel_loop3A_1334 : vector<16xf32>
        %parallel_loop3A_1336 = vector.extract_strided_slice %gather3A_80 {offsets = [7], sizes = [1], strides = [1]} : vector<16xf32> to vector<1xf32>
        %parallel_loop3A_1337 = vector.extract %parallel_loop3A_1336[0] : f32 from vector<1xf32>
        %parallel_loop3A_1338 = vector.broadcast %parallel_loop3A_1337 : f32 to vector<16xf32>
        %parallel_loop3A_1339 = arith.addf %parallel_loop3A_1335, %parallel_loop3A_1338 : vector<16xf32>
        tpu.vector_store_idx %arg9[%parallel_loop3A_133, %parallel_loop3A_1295], %parallel_loop3A_1339 : memref<256x152xf32, #tpu.memory_space<vmem>>[vector<16xi32>, vector<16xi32>], vector<16xf32>,
      } {sc.loop_unroll_factor = 2 : i64, sc.parallel_access}
      %add3A_126 = arith.addi %mul3A_2, %mul3A_90 : i32
      %multiple_of3A_127 = tpu.assume_multiple %add3A_126, 256 : i32
      "tpu.region"() ({
        %run_scoped3A = tpu.sem_alloc : memref<!tpu.dma_semaphore, #tpu.memory_space<semaphore_mem>>
        %dma_start3A = arith.constant 0 : i32
        %dma_start3A_129 = tpu.memref_slice %arg7[%multiple_of3A_127, %dma_start3A] : memref<393216x152xf32, #tpu.memory_space<hbm>> -> memref<256x152xf32, #tpu.memory_space<hbm>>
        %dma_start3A_130 = arith.constant 0 : i32
        %dma_start3A_131 = tpu.memref_slice %arg7[%multiple_of3A_127, %dma_start3A_130] : memref<393216x152xf32, #tpu.memory_space<hbm>> -> memref<256x152xf32, #tpu.memory_space<hbm>>
        tpu.enqueue_dma source(%arg9 : memref<256x152xf32, #tpu.memory_space<vmem>>) target(%dma_start3A_131 : memref<256x152xf32, #tpu.memory_space<hbm>>) target_semaphore(%run_scoped3A : memref<!tpu.dma_semaphore, #tpu.memory_space<semaphore_mem>>)
        %dma_wait3A = arith.constant 0 : i32
        %dma_wait3A_132 = tpu.memref_slice %arg7[%multiple_of3A_127, %dma_wait3A] : memref<393216x152xf32, #tpu.memory_space<hbm>> -> memref<256x152xf32, #tpu.memory_space<hbm>>
        %dma_wait3A_133 = arith.constant 0 : i32
        %dma_wait3A_134 = tpu.memref_slice %arg7[%multiple_of3A_127, %dma_wait3A_133] : memref<393216x152xf32, #tpu.memory_space<hbm>> -> memref<256x152xf32, #tpu.memory_space<hbm>>
        tpu.wait_dma2 semaphore(%run_scoped3A : memref<!tpu.dma_semaphore, #tpu.memory_space<semaphore_mem>>) src(%arg9 : memref<256x152xf32, #tpu.memory_space<vmem>>) dst(%dma_wait3A_134 : memref<256x152xf32, #tpu.memory_space<hbm>>)
        tpu.yield
      }) : () -> ()
      %scan3A_128 = arith.constant 0 : i32
      scf.yield %scan3A_128 : i32
    }
    %scan3A_86 = arith.constant 48 : i32
    return
  }
}

</mosaic_0001>

<sc_bundles>
// kernel: kernel.3.cloned.1.call-start
scs
__scs_entry_jumppad:
0x0: {  	(pc) =	sbr.rel $0x88, $3  }
0x1: {  	(tag) =	ssettag $0x0;
	lr =	simm.s32 $0x1  }
0x2: {  	[smem:$0x3F9B] =	sst lr;
	_ =	strace $0xD0000000  }
0x3: {  	_ = 	snop  }
0x4: {  	_ = 	snop  }
0x5: {  	_ = 	snop  }
0x6: {  	_ = 	snop  }
0x7: {  	_ = 	snop  }
__scs_overlays_trampoline_lowered:
0x8: {  	[smem:$0x3FAA] =	sst s0  }
0x9: {  	[smem:$0x3FAB] =	sst s1  }
0xa: {  	[smem:$0x3FAC] =	sst s2  }
0xb: {  	[smem:$0x3FAD] =	sst s3  }
0xc: {  	[smem:$0x3FAE] =	sst s4  }
0xd: {  	[smem:$0x3FAF] =	sst s5  }
0xe: {  	[smem:$0x3FB0] =	sst s6  }
0xf: {  	[smem:$0x3FB1] =	sst s7  }
0x10: {  	[smem:$0x3FB2] =	sst s8  }
0x11: {  	[smem:$0x3FB3] =	sst s9;
	s0 =	simm.s32 @!p0 $0x0  }
0x12: {  	s1 =	sld [smem:$0x3F99];
	s0 =	simm.s32 @p0 $0x1  }
0x13: {  	[smem:$0x3FB4] =	sst s0;
	s0 =	simm.s32 @!p1 $0x0  }
0x14: {  	s2 =	sld [smem:$0x3F98];
	s0 =	simm.s32 @p1 $0x1  }
0x15: {  	[smem:$0x3FB5] =	sst s0;
	s0 =	simm.s32 @!p2 $0x0  }
0x16: {  	s3 =	sld [smem:$0x3FDB];
	s0 =	simm.s32 @p2 $0x1  }
0x17: {  	s4 =	simm.s32 $0x1BF5;
	[smem:$0x3FB7] =	sst s0  }
0x18: {  	s0 =	sld [smem:$0x3F9A];
	_ =	swait.ge [sflag:s4], $0x0  }
0x19: {  	s7 =	sld [smem:$0x3F9B]  }
0x1a: {  	s8 =	sadd.s32 $0xFFFFE003, lr  }
0x1b: {  	s9 =	sadd.s32 $0xFFFFFEF7, lr;
	s5 =	simm.s32 $0xFFFFFFFF;
	p2 =	slt.u32 s8, $0xFFFFF086  }
0x1c: {  	p1 =	slt.u32 s9, $0xF7A;
	s5 =	simm.s32 @!p2 $0x0  }
0x1d: {  	s5 =	simm.s32 @p1 $0x1;
	p0 =	seq.s32 s7, s2  }
0x1e: {  	s7 =	smul.u32 @!p0 $0xF7A, s2;
	p2 =	seq.s32 @!p0 s5, $0x0  }
0x1f: {  	s9 =	smul.u32 $0xF7A, s1;
	s8 =	simm.s32 @!p0 $0x1BF5;
	p2 =	por !p2, p0  }
0x20: {  	[sflag:s8] =	ssyncset.s32 @!p0 $0xFFFFF086;
	s6 =	sadd.s32 @!p0 s3, s7;
	s7 =	simm.s32 @!p0 $0x108  }
0x21: {  	s3 =	sadd.s32 s3, s9;
	s6 =	sadd.s32 @!p0 $0x88, s6;
	s7 =	simm.s32 @p2 $0x1082  }
0x22: {  	[simem:s7], [sflag:s8] =	dma.local @!p0 [hbm:s6], $0xF7A  }
0x23: {  	s9 =	sor.u32 $0xD0000000, s2;
	s6 =	simm.s32 $0x108;
	_ =	swait.ge @!p0 [sflag:s8], $0x0  }
0x24: {  	s3 =	sadd.s32 $0x88, s3;
	s6 =	simm.s32 @!p1 $0x1082;
	[sflag:s4] =	ssyncset.s32 $0xFFFFF086  }
0x25: {  	[simem:s6], [sflag:s4] =	dma.local [hbm:s3], $0xF7A  }
0x26: {  	[smem:$0x3F9B] =	sst s1;
	(tag) =	ssettag s2;
	_ =	strace s9  }
0x27: {  	s1 =	sld [smem:$0x3FAB]  }
0x28: {  	s2 =	sld [smem:$0x3FAC]  }
0x29: {  	s4 =	sld [smem:$0x3FAE]  }
0x2a: {  	p0 =	seq.s32 s5, $0x0;
	s5 =	sld [smem:$0x3FAF]  }
0x2b: {  	s6 =	sld [smem:$0x3FB0]  }
0x2c: {  	s7 =	sld [smem:$0x3FB1]  }
0x2d: {  	s3 =	simm.s32 $0x108;
	s8 =	sld [smem:$0x3FB2]  }
0x2e: {  	s3 =	simm.s32 @!p0 $0x1082;
	s9 =	sld [smem:$0x3FB3]  }
0x2f: {  	lr =	sadd.s32 s0, s3;
	s0 =	sld [smem:$0x3FAA]  }
0x30: {  	s3 =	sld [smem:$0x3FAD]  }
0x31: {  	[smem:$0x3FB6] =	sst s10  }
0x32: {  	s10 =	sld [smem:$0x3FB4];
	_ =	sdelay $0x3  }
0x33: {  	p0 =	seq.s32 s10, $0x1;
	s10 =	sld [smem:$0x3FB6];
	_ =	sdelay $0x3  }
0x34: {  	[smem:$0x3FB6] =	sst s10  }
0x35: {  	s10 =	sld [smem:$0x3FB5];
	_ =	sdelay $0x3  }
0x36: {  	p1 =	seq.s32 s10, $0x1;
	s10 =	sld [smem:$0x3FB6];
	_ =	sdelay $0x3  }
0x37: {  	[smem:$0x3FB6] =	sst s10  }
0x38: {  	s10 =	sld [smem:$0x3FB7]  }
0x39: {  	_ = 	snop;
	(pc) =	sbr.ind lr, $3  }
0x3a: {  	_ = 	snop  }
0x3b: {  	_ = 	snop  }
0x3c: {  	p2 =	seq.s32 s10, $0x1;
	s10 =	sld [smem:$0x3FB6]  }
0x3d: {  	_ =	shalt  }
0x3e: {  	_ =	shalt  }
0x3f: {  	_ =	shalt  }
0x40: {  	_ =	shalt  }
0x41: {  	_ =	shalt  }
0x42: {  	_ =	shalt  }
0x43: {  	_ =	shalt  }
0x44: {  	_ =	shalt  }
0x45: {  	_ =	shalt  }
0x46: {  	_ =	shalt  }
0x47: {  	_ =	shalt  }
0x48: {  	_ =	shalt  }
0x49: {  	_ =	shalt  }
0x4a: {  	_ =	shalt  }
0x4b: {  	_ =	shalt  }
0x4c: {  	_ =	shalt  }
0x4d: {  	_ =	shalt  }
0x4e: {  	_ =	shalt  }
0x4f: {  	_ =	shalt  }
0x50: {  	_ =	shalt  }
0x51: {  	_ =	shalt  }
0x52: {  	_ =	shalt  }
0x53: {  	_ =	shalt  }
0x54: {  	_ =	shalt  }
0x55: {  	_ =	shalt  }
0x56: {  	_ =	shalt  }
0x57: {  	_ =	shalt  }
0x58: {  	_ =	shalt  }
0x59: {  	_ =	shalt  }
0x5a: {  	_ =	shalt  }
0x5b: {  	_ =	shalt  }
0x5c: {  	_ =	shalt  }
0x5d: {  	_ =	shalt  }
0x5e: {  	_ =	shalt  }
0x5f: {  	_ =	shalt  }
0x60: {  	_ =	shalt  }
0x61: {  	_ =	shalt  }
0x62: {  	_ =	shalt  }
0x63: {  	_ =	shalt  }
0x64: {  	_ =	shalt  }
0x65: {  	_ =	shalt  }
0x66: {  	_ =	shalt  }
0x67: {  	_ =	shalt  }
0x68: {  	_ =	shalt  }
0x69: {  	_ =	shalt  }
0x6a: {  	_ =	shalt  }
0x6b: {  	_ =	shalt  }
0x6c: {  	_ =	shalt  }
0x6d: {  	_ =	shalt  }
0x6e: {  	_ =	shalt  }
0x6f: {  	_ =	shalt  }
0x70: {  	_ =	shalt  }
0x71: {  	_ =	shalt  }
0x72: {  	_ =	shalt  }
0x73: {  	_ =	shalt  }
0x74: {  	_ =	shalt  }
0x75: {  	_ =	shalt  }
0x76: {  	_ =	shalt  }
0x77: {  	_ =	shalt  }
0x78: {  	_ =	shalt  }
0x79: {  	_ =	shalt  }
0x7a: {  	_ =	shalt  }
0x7b: {  	_ =	shalt  }
0x7c: {  	_ =	shalt  }
0x7d: {  	_ =	shalt  }
0x7e: {  	_ =	shalt  }
0x7f: {  	_ =	shalt  }
0x80: {  	_ =	shalt  }
0x81: {  	_ =	shalt  }
0x82: {  	_ =	shalt  }
0x83: {  	_ =	shalt  }
0x84: {  	_ =	shalt  }
0x85: {  	_ =	shalt  }
0x86: {  	_ =	shalt  }
0x87: {  	_ =	shalt  }
.Lfunc_end0:
.L_simem_size_0:
called_computation.1_lowered:
.L_overlay_start_0:
0x88: {  	s2 =	sld [smem:$0x3FD9]  }
0x89: {  	s3 =	sld [smem:$0x3FFE];
	_ =	sdelay $0x1  }
0x8a: {  	s1 =	srdreg.scid  }
0x8b: {  	s0 =	sand.u32 $0x1, s1  }
0x8c: {  	s17 =	sshll.u32 s0, $0xA;
	s2 =	sadd.s32 s3, s2  }
0x8d: {  	s2 =	sadd.s32 s2, s17  }
0x8e: {  	[smem:$0x3FC2] =	sst s2  }
0x8f: {  	_ = 	snop  }
0x90: {  	s2 =	sld [smem:$0x3FD0];
	(tm) =	ssettm $0x1  }
0x91: {  	s18 =	sld [smem:$0x3FFB];
	_ =	sdelay $0x3  }
0x92: {  	_ =	strace s18  }
0x93: {  	s3 =	sld [smem:$0x3FFC];
	_ =	sdelay $0x3  }
0x94: {  	_ =	strace s3  }
0x95: {  	s3 =	sld [smem:$0x3FFD];
	_ =	sdelay $0x3  }
0x96: {  	_ =	strace s3  }
0x97: {  	_ =	strace $0x8FFFFFFF  }
0x98: {  	s19 =	sld [smem:$0x3FDB];
	_ =	sdelay $0x1  }
0x99: {  	s4 =	simm.s32 $_scs_section_size  }
0x9a: {  	s5 =	simm.s32 $_size__tile_overlayer_lowered;
	s6 =	simm.s32 $_tile_overlayer_lowered  }
0x9b: {  	s22 =	simm.s32 $0x1BFF;
	s21 =	sshll.u32 s6, $0x1;
	s3 =	sadd.s32 s4, s19  }
0x9c: {  	s7 =	simm.s32 $0x0;
	s20 =	sshll.u32 s5, $0x1;
	s5 =	sadd.s32 s21, s3  }
0x9d: {  	[timem:s7], [sflag:s22] =	dma.local [hbm:s5], s20  }
0x9e: {  	_ =	swait.ge [sflag:s22], s20  }
0x9f: {  	s4 =	ssub.s32 $0x0, s20;
	[sflag:s22] =	ssyncset.done $0x0  }
0xa0: {  	[sflag:s22] =	ssyncadd.s32 s4;
	_ =	sdelay $0x1  }
0xa1: {  	s23 =	simm.s32 $0x1B8B  }
0xa2: {  	_ =	swait.ge [sflag:s23], $0x1  }
0xa3: {  	[sflag:s23] =	ssyncset.done $0x0  }
0xa4: {  	s25 =	simm.s32 $0x1B8E;
	s24 =	sld [smem:$0x3FFE];
	[sflag:s23] =	ssyncadd.s32 $0xFFFFFFFF  }
0xa5: {  	s26 =	simm.s32 $execute0_lowered;
	[smem:$0x3FD2] =	sst s25  }
0xa6: {  	s5 =	sshll.u32 s26, $0x1;
	_ =	strace $0x80000046;
	[dreg:$0x1] =	wrdreg $0xFFFFFFFF  }
0xa7: {  	s28 =	simm.s32 $_size_execute0_lowered;
	s3 =	sadd.s32 s3, s5;
	[dreg:$0x0] =	wrdreg $0x0  }
0xa8: {  	s5 =	sshll.u32 s28, $0x1;
	[dreg:$0x2] =	wrdreg s3  }
0xa9: {  	[dreg:$0x3] =	wrdreg s5  }
0xaa: {  	[dreg:$0x4] =	wrdreg $0xC0  }
0xab: {  	_ =	task [dreg:s7], $0x5FFFF  }
0xac: {  	[dreg:$0x1] =	wrdreg $0xFFFFFFFF  }
0xad: {  	[dreg:$0x0] =	wrdreg $0x60  }
0xae: {  	[dreg:$0x2] =	wrdreg s24  }
0xaf: {  	[dreg:$0x3] =	wrdreg s2  }
0xb0: {  	[dreg:$0x4] =	wrdreg $0x9  }
0xb1: {  	_ =	task.clear_ibuf [dreg:s7], $0x5FFFF;
	_ =	strace $0x90000046  }
0xb2: {  	s29 =	simm.s32 $0x9;
	_ =	strace $0x80000048  }
0xb3: {  	_ =	swait.ge [sflag:s29], $0x1  }
0xb4: {  	[sflag:s29] =	ssyncadd.s32 $0xFFFFFFFF  }
0xb5: {  	_ =	strace $0x90000048  }
0xb6: {  	_ =	sfence  }
0xb7: {  	s30 =	sld [smem:$0x0];
	_ =	sdelay $0x2  }
0xb8: {  	s31 =	sshll.u32 s1, $0xD;
	s1 =	sshrl.u32 s1, $0x2  }
0xb9: {  	s3 =	sand.u32 $0x4000, s31;
	s1 =	sadd.s32 s1, s30  }
0xba: {  	s0 =	sor.u32 s3, s0;
	s1 =	sshll.u32 s1, $0x11  }
0xbb: {  	s0 =	sor.u32 s1, s0  }
0xbc: {  	s0 =	sadd.s32 $0x8F2B, s0  }
0xbd: {  	[sflag:s0] =	ssyncadd.remote.s32 $0x1  }
0xbe: {  	_ =	sfence.sel $0xFFFF  }
0xbf: {  	[dreg:$0x0] =	wrdreg $0xFFFFFFFF;
	(pc) =	sbr.abs _section_cstart, $3  }
0xc0: {  	[dreg:$0x1] =	wrdreg $0xFFFFFFFF  }
0xc1: {  	_ =	task.clear_ibuf [dreg:s7], $0x2FFFF;
	_ =	strace $0x9FFFFFFF  }
0xc2: {  	(tm) =	ssettm $0x7FFFFFFF  }
0xc3: {  	_ =	shalt  }
tec
execute0_lowered:
.L_overlay_start_1:
0x0: {  	(tag) =	ssettag $0x1  }
0x1: {  	s8 =	rddreg [dreg:$0x0]  }
0x2: {  	s1 =	rddreg [dreg:$0x1];
	s2 =	simm.s32 $0x0;
	v55 =	vlaneseq.u32  }
0x3: {  	[smem:$0x7FF] =	sst s2;
	v0 =	vor.u32 $0x2000, v55  }
0x4: {  	s0 =	rddreg [dreg:$0x2];
	v57 =	vor.u32 $0x2010, v55;
	_ =	strace $0x80000047;
	[tilespmem:$0x1FF80] =	vst v0  }
0x5: {  	s6 =	srdreg.scid;
	s3 =	stileid.u32;
	v58 =	vor.u32 $0x2020, v55;
	[tilespmem:$0x1FF90] =	vst v57  }
0x6: {  	s13 =	simm.s32 $0x2000;
	s14 =	simm.s32 $0x8800;
	s15 =	simm.s32 $0x0;
	v59 =	vor.u32 $0x2030, v55;
	[tilespmem:$0x1FFA0] =	vst v58  }
0x7: {  	s4 =	sadd.s32 $0x1FC00, s8;
	s5 =	sadd.s32 $0xA00, s8;
	s9 =	sand.u32 $0x1, s6;
	v60 =	vor.u32 $0x2040, v55;
	[tilespmem:$0x1FFB0] =	vst v59  }
0x8: {  	s6 =	sadd.s32 $0xC00, s8;
	s11 =	sshll.u32 s3, $0x1;
	v61 =	vor.u32 $0x2050, v55;
	s10 =	ssub.s32 $0x2, s9;
	[tilespmem:$0x1FFC0] =	vst v60  }
0x9: {  	s7 =	sadd.s32 $0x1A00, s8;
	s8 =	sadd.s32 $0x1C00, s8;
	v62 =	vor.u32 $0x2060, v55;
	[tilespmem:$0x1FFD0] =	vst v61;
	s12 =	sshrl.u32 s10, $0x1  }
0xa: {  	v63 =	vor.u32 $0x2070, v55;
	s9 =	sor.u32 s9, s11;
	s11 =	simm.s32 $0x1;
	[tilespmem:$0x1FFE0] =	vst v62;
	s10 =	ssub.s32 s10, s12  }
0xb: {  	[tilespmem:$0x1FFF0] =	vst v63;
	s9 =	smul.u32 $0x3000, s9;
	s12 =	simm.s32 $0x1C00;
	s10 =	smax.u32 s10, $0x1  }
.LBB2_1:
0xc: {  	[tilespmem:s2], [sflag:$0x1] =	stream.linear.gather [hbm4b:s6+s2], $0x1B00, $0x38;
	[tilespmem:$0x12000] =	vst v63  }
0xd: {  	_ =	swait.ge [sflag:s11], $0x1B00  }
0xe: {  	[sflag:s11] =	ssyncset.done $0x0  }
0xf: {  	[sflag:s11] =	ssyncadd.s32 $0xFFFFE500  }
0x10: {  	[tilespmem:s12], [sflag:$0x1] =	stream.linear.gather [hbm4b:s7+s2], $0x100, $0x38;
	[tilespmem:$0x12000] =	vst v63  }
0x11: {  	_ =	swait.ge [sflag:s11], $0x100  }
0x12: {  	[sflag:s11] =	ssyncset.done $0x0  }
0x13: {  	[sflag:s11] =	ssyncadd.s32 $0xFFFFFF00  }
0x14: {  	[tilespmem:s13], [sflag:$0x1] =	stream.linear.gather [hbm4b:s5+s2], $0x400, $0x38;
	[tilespmem:$0x12000] =	vst v63  }
0x15: {  	_ =	swait.ge [sflag:s11], $0x400  }
0x16: {  	v3 =	vld [tilespmem:$0x1FFE0];
	_ =	sdelay $0x1  }
0x17: {  	v0 =	vld [tilespmem:$0x1FF80];
	_ =	sdelay $0x2  }
0x18: {  	v1 =	vld [tilespmem:$0x1FFA0]  }
0x19: {  	[sflag:s11] =	ssyncset.done $0x0;
	v2 =	vld [tilespmem:$0x1FFC0]  }
0x1a: {  	[sflag:s11] =	ssyncadd.s32 $0xFFFFFC00  }
0x1b: {  	v3 =	vld.idx.msk [tilespmem:v3+s2+$0x0], $0xffff;
	_ =	sdelay $0x1  }
0x1c: {  	v0 =	vld.idx.msk [tilespmem:v0+s2+$0x0], $0xffff;
	_ =	sdelay $0x2  }
0x1d: {  	v1 =	vld.idx.msk [tilespmem:v1+s2+$0x0], $0xffff;
	v4 =	vbroadcast v3, $0x7  }
0x1e: {  	v2 =	vld.idx.msk [tilespmem:v2+s2+$0x0], $0xffff;
	v60 =	vbroadcast v3, $0x8  }
0x1f: {  	v61 =	vbroadcast v0, $0x9;
	[tilespmem:$0x1F980] =	vst v4  }
0x20: {  	v8 =	vbroadcast v3, $0x9;
	[tilespmem:$0x1F990] =	vst v60  }
0x21: {  	v9 =	vbroadcast v0, $0xA;
	[tilespmem:$0x1F9A0] =	vst v61  }
0x22: {  	v10 =	vbroadcast v1, $0xA;
	[tilespmem:$0x1F9B0] =	vst v8  }
0x23: {  	v11 =	vbroadcast v2, $0xA;
	[tilespmem:$0x1F9C0] =	vst v9  }
0x24: {  	v58 =	vbroadcast v1, $0xE;
	[tilespmem:$0x1F9D0] =	vst v10  }
0x25: {  	v39 =	vbroadcast v2, $0xE;
	[tilespmem:$0x1F9E0] =	vst v11  }
0x26: {  	v59 =	vbroadcast v1, $0xF;
	[tilespmem:$0x1F9F0] =	vst v58  }
0x27: {  	v51 =	vbroadcast v3, $0xA;
	[tilespmem:$0x1FA00] =	vst v39  }
0x28: {  	v5 =	vbroadcast v1, $0xB;
	[tilespmem:$0x1FA20] =	vst v59  }
0x29: {  	v6 =	vbroadcast v2, $0xB;
	[tilespmem:$0x1FC40] =	vst v51  }
0x2a: {  	v7 =	vbroadcast v3, $0xB;
	[tilespmem:$0x1FC50] =	vst v5  }
0x2b: {  	v56 =	vbroadcast v3, $0xC;
	[tilespmem:$0x1FC60] =	vst v6  }
0x2c: {  	v54 =	vbroadcast v0, $0xD;
	[tilespmem:$0x1FC70] =	vst v7  }
0x2d: {  	v14 =	vbroadcast v1, $0xD;
	[tilespmem:$0x1FCB0] =	vst v56  }
0x2e: {  	v50 =	vbroadcast v3, $0xD;
	[tilespmem:$0x1FCC0] =	vst v54  }
0x2f: {  	v15 =	vbroadcast v0, $0x0;
	[tilespmem:$0x1FCD0] =	vst v14  }
0x30: {  	v16 =	vbroadcast v1, $0x0;
	[tilespmem:$0x1FCF0] =	vst v50  }
0x31: {  	v18 =	vbroadcast v2, $0x0;
	[tilespmem:$0x1FD30] =	vst v15  }
0x32: {  	v20 =	vbroadcast v0, $0x1;
	[tilespmem:$0x1FD40] =	vst v16  }
0x33: {  	v21 =	vbroadcast v1, $0x1;
	[tilespmem:$0x1FD50] =	vst v18  }
0x34: {  	v22 =	vbroadcast v2, $0x1;
	[tilespmem:$0x1FD60] =	vst v20  }
0x35: {  	v23 =	vbroadcast v3, $0x1;
	[tilespmem:$0x1FD70] =	vst v21  }
0x36: {  	v24 =	vbroadcast v0, $0x2;
	[tilespmem:$0x1FD80] =	vst v22  }
0x37: {  	v25 =	vbroadcast v1, $0x2;
	[tilespmem:$0x1FD90] =	vst v23  }
0x38: {  	v26 =	vbroadcast v2, $0x2;
	[tilespmem:$0x1FDA0] =	vst v24  }
0x39: {  	v27 =	vbroadcast v3, $0x2;
	[tilespmem:$0x1FDB0] =	vst v25  }
0x3a: {  	v28 =	vbroadcast v0, $0x3;
	[tilespmem:$0x1FDC0] =	vst v26  }
0x3b: {  	v29 =	vbroadcast v1, $0x3;
	[tilespmem:$0x1FDD0] =	vst v27  }
0x3c: {  	v45 =	vbroadcast v0, $0x7;
	[tilespmem:$0x1FDE0] =	vst v28  }
0x3d: {  	v62 =	vbroadcast v0, $0x4;
	[tilespmem:$0x1FDF0] =	vst v29  }
0x3e: {  	v46 =	vbroadcast v1, $0x7;
	[tilespmem:$0x1FE00] =	vst v45  }
0x3f: {  	v30 =	vbroadcast v2, $0x3;
	[tilespmem:$0x1FE10] =	vst v62  }
0x40: {  	v31 =	vbroadcast v3, $0x3;
	[tilespmem:$0x1FE20] =	vst v46  }
0x41: {  	v33 =	vbroadcast v1, $0x4;
	[tilespmem:$0x1FE30] =	vst v30  }
0x42: {  	v47 =	vbroadcast v2, $0x7;
	[tilespmem:$0x1FE40] =	vst v31  }
0x43: {  	v48 =	vbroadcast v0, $0x8;
	[tilespmem:$0x1FE50] =	vst v33  }
0x44: {  	v34 =	vbroadcast v2, $0x4;
	[tilespmem:$0x1FE60] =	vst v47  }
0x45: {  	v43 =	vbroadcast v2, $0x6;
	[tilespmem:$0x1FE70] =	vst v48  }
0x46: {  	v57 =	vbroadcast v0, $0xB;
	[tilespmem:$0x1FE80] =	vst v34  }
0x47: {  	v44 =	vbroadcast v3, $0x6;
	[tilespmem:$0x1FE90] =	vst v43  }
0x48: {  	v41 =	vbroadcast v0, $0x6;
	[tilespmem:$0x1FEA0] =	vst v57  }
0x49: {  	v40 =	vbroadcast v3, $0x5;
	[tilespmem:$0x1FEB0] =	vst v44  }
0x4a: {  	v42 =	vbroadcast v0, $0x5;
	[tilespmem:$0x1FEC0] =	vst v41  }
0x4b: {  	v35 =	vld [tilespmem:$0x1FF90];
	v36 =	vbroadcast v1, $0x5;
	[tilespmem:$0x1FED0] =	vst v40  }
0x4c: {  	v37 =	vbroadcast v3, $0x4;
	[tilespmem:$0x1FEE0] =	vst v42  }
0x4d: {  	v38 =	vbroadcast v2, $0x5;
	[tilespmem:$0x1FEF0] =	vst v36  }
0x4e: {  	v49 =	vbroadcast v1, $0x6;
	[tilespmem:$0x1FF00] =	vst v37  }
0x4f: {  	v32 =	vbroadcast v1, $0x8;
	[tilespmem:$0x1FF10] =	vst v38  }
0x50: {  	v53 =	vbroadcast v2, $0x8;
	[tilespmem:$0x1FF20] =	vst v49  }
0x51: {  	v52 =	vbroadcast v2, $0x9;
	[tilespmem:$0x1FF30] =	vst v32  }
0x52: {  	v63 =	vbroadcast v3, $0x0;
	v9 =	vbroadcast v0, $0xC;
	[tilespmem:$0x1FF40] =	vst v53  }
0x53: {  	v4 =	vld.idx.msk [tilespmem:v35+s2+$0x0], $0xffff;
	v35 =	vbroadcast v0, $0xE;
	v0 =	vbroadcast v0, $0xF;
	[tilespmem:$0x1FF60] =	vst v52  }
0x54: {  	v61 =	vbroadcast v2, $0xF;
	v59 =	vld [tilespmem:$0x1FFB0];
	[tilespmem:$0x1FF70] =	vst v63  }
0x55: {  	v39 =	vbroadcast v3, $0xE;
	[tilespmem:$0x1FA10] =	vst v0  }
0x56: {  	v58 =	vbroadcast v3, $0xF;
	[tilespmem:$0x1FA30] =	vst v61  }
0x57: {  	[tilespmem:$0x1FA40] =	vst v39  }
0x58: {  	v10 =	vbroadcast v1, $0xC;
	[tilespmem:$0x1FA50] =	vst v58  }
0x59: {  	v11 =	vbroadcast v2, $0xC;
	[tilespmem:$0x1FC80] =	vst v9  }
0x5a: {  	v8 =	vbroadcast v2, $0xD;
	[tilespmem:$0x1FC90] =	vst v10  }
0x5b: {  	[tilespmem:$0x1FCA0] =	vst v11  }
0x5c: {  	[tilespmem:$0x1FCE0] =	vst v8;
	v0 =	vld.idx.msk [tilespmem:v59+s2+$0x0], $0xffff;
	v59 =	vbroadcast v4, $0x3  }
0x5d: {  	v60 =	vbroadcast v1, $0x9;
	[tilespmem:$0x1FD00] =	vst v35  }
0x5e: {  	v61 =	vbroadcast v4, $0x0;
	[tilespmem:$0x1FA90] =	vst v59;
	v59 =	vld [tilespmem:$0x1FFD0]  }
0x5f: {  	[tilespmem:$0x1FF50] =	vst v60;
	v39 =	vbroadcast v4, $0x1  }
0x60: {  	v58 =	vbroadcast v4, $0x2;
	[tilespmem:$0x1FA60] =	vst v61  }
0x61: {  	v2 =	vbroadcast v4, $0x7;
	[tilespmem:$0x1FA70] =	vst v39  }
0x62: {  	[tilespmem:$0x1FA80] =	vst v58;
	v61 =	vbroadcast v4, $0x4  }
0x63: {  	v39 =	vbroadcast v4, $0x5;
	[tilespmem:$0x1FD10] =	vst v2  }
0x64: {  	v58 =	vbroadcast v4, $0x6;
	[tilespmem:$0x1FAA0] =	vst v61  }
0x65: {  	[tilespmem:$0x1FAB0] =	vst v39;
	v61 =	vbroadcast v0, $0x0  }
0x66: {  	[tilespmem:$0x1FAC0] =	vst v58;
	v1 =	vld.idx.msk [tilespmem:v59+s2+$0x0], $0xffff;
	v59 =	vbroadcast v0, $0x3  }
0x67: {  	v39 =	vbroadcast v0, $0x1;
	[tilespmem:$0x1FAD0] =	vst v61  }
0x68: {  	v58 =	vbroadcast v0, $0x2;
	[tilespmem:$0x1FB00] =	vst v59;
	v59 =	vld [tilespmem:$0x1FFF0]  }
0x69: {  	v3 =	vbroadcast v0, $0x7;
	[tilespmem:$0x1FAE0] =	vst v39  }
0x6a: {  	[tilespmem:$0x1FAF0] =	vst v58;
	v61 =	vbroadcast v0, $0x4  }
0x6b: {  	v39 =	vbroadcast v0, $0x5;
	[tilespmem:$0x1FD20] =	vst v3  }
0x6c: {  	v58 =	vbroadcast v0, $0x6;
	[tilespmem:$0x1FB10] =	vst v61  }
0x6d: {  	[tilespmem:$0x1FB20] =	vst v39;
	v61 =	vbroadcast v1, $0x0  }
0x6e: {  	[tilespmem:$0x1FB30] =	vst v58;
	v39 =	vbroadcast v1, $0x1  }
0x6f: {  	v58 =	vbroadcast v1, $0x2;
	[tilespmem:$0x1FB40] =	vst v61  }
0x70: {  	[tilespmem:$0x1FB50] =	vst v39;
	v61 =	vbroadcast v1, $0x4;
	v0 =	vld.idx.msk [tilespmem:v59+s2+$0x0], $0xffff  }
0x71: {  	[tilespmem:$0x1FB60] =	vst v58;
	v39 =	vbroadcast v1, $0x5  }
0x72: {  	v58 =	vbroadcast v1, $0x6;
	[tilespmem:$0x1FB80] =	vst v61  }
0x73: {  	[tilespmem:$0x1FB90] =	vst v39;
	v59 =	vbroadcast v1, $0x3  }
0x74: {  	[tilespmem:$0x1FBA0] =	vst v58;
	v1 =	vbroadcast v1, $0x7  }
0x75: {  	[tilespmem:$0x1FB70] =	vst v59;
	v59 =	vbroadcast v0, $0x0  }
0x76: {  	[tilespmem:$0x1FBB0] =	vst v1;
	v61 =	vbroadcast v0, $0x1  }
0x77: {  	v4 =	vbroadcast v0, $0x2;
	[tilespmem:$0x1FBC0] =	vst v59  }
0x78: {  	v39 =	vbroadcast v0, $0x3;
	[tilespmem:$0x1FBD0] =	vst v61  }
0x79: {  	v58 =	vbroadcast v0, $0x4;
	[tilespmem:$0x1FBE0] =	vst v4  }
0x7a: {  	[tilespmem:$0x1FBF0] =	vst v39;
	v59 =	vbroadcast v0, $0x5  }
0x7b: {  	[tilespmem:$0x1FC00] =	vst v58;
	v61 =	vbroadcast v0, $0x6  }
0x7c: {  	v0 =	vbroadcast v0, $0x7;
	[tilespmem:$0x1FC10] =	vst v59  }
0x7d: {  	[tilespmem:$0x1FC20] =	vst v61  }
0x7e: {  	s16 =	simm.s32 $0x0;
	[tilespmem:$0x1FC30] =	vst v0  }
.LBB2_2:
0x7f: {  	s18 =	sand.u32 $0x3, s16  }
0x80: {  	s17 =	sshll.u32 s16, $0x8;
	p0 =	sne.s32 s18, $0x0  }
0x81: {  	s19 =	sadd.s32 @!p0 s9, s17  }
0x82: {  	s19 =	smul.u32 @!p0 $0x5, s19;
	_ =	sdelay $0x1  }
0x83: {  	s19 =	sshrl.u32 @!p0 s19, $0x3  }
0x84: {  	s20 =	simm.s32 @!p0 $0x0;
	s21 =	simm.s32 @!p0 $0x2400;
	s19 =	sadd.s32 @!p0 s4, s19  }
0x85: {  	[tilespmem:s21], [sflag:$0x1] =	stream.linear.gather @!p0 [hbm4b:s19+s20], $0x1400, $0x38;
	[tilespmem:$0x12000] =	vst v63  }
0x86: {  	s31 =	smul.u32 $0xA00, s16;
	s19 =	simm.s32 @!p0 $0x1  }
0x87: {  	s23 =	simm.s32 $0x88E0;
	_ =	swait.ge @!p0 [sflag:s19], $0x1400  }
0x88: {  	s20 =	sadd.s32 s8, s31;
	s21 =	simm.s32 $0xA;
	[sflag:s19] =	ssyncset.done @!p0 $0x0  }
0x89: {  	s22 =	sadd.s32 $0x0, s20;
	[sflag:s19] =	ssyncadd.s32 @!p0 $0xFFFFEC00;
	s19 =	simm.s32 $0x8848  }
.LBB2_3:
0x8a: {  	[tilespmem:s19], [sflag:$0x1] =	stream.linear.gather [hbm4b:s22+s2], $0x50, $0x38;
	[tilespmem:$0x12000] =	vst v63  }
0x8b: {  	s22 =	smov.u32 s21;
	s19 =	smov.u32 s23;
	p0 =	sne.s32 s21, $0x9F6  }
.Ltmp0:
0x8c: {  	s21 =	sadd.s32 $0xA, s21;
	(pc) =	sbr.rel @p0 .LBB2_3-.Ltmp0, $2  }
0x8d: {  	_ =	sdelay $0x2  }
0x8e: {  	s23 =	sadd.s32 $0x98, s23;
	s22 =	sadd.s32 s22, s20  }
0x8f: {  	s18 =	smul.u32 $0x500, s18;
	s20 =	simm.s32 $0x0  }
0x90: {  	v1 =	vor.u32 s20, v55  }
0x91: {  	s18 =	sadd.s32 $0x2400, s18;
	v0 =	vmul.u32 $0x5, v1  }
0x92: {  	v59 =	vmov s18  }
0x93: {  	s29 =	simm.s32 $0x10;
	v2 =	vadd.s32 v59, v0  }
0x94: {  	v5 =	vor.u32 s29, v55;
	v0 =	vadd.s32 $0x3, v2  }
0x95: {  	[tilespmem:s19], [sflag:$0x1] =	stream.linear.gather [hbm4b:s22+s2], $0x50, $0x38;
	v3 =	vmul.u32 $0x5, v5;
	[tilespmem:$0x12000] =	vst v63  }
0x96: {  	_ =	swait.ge [sflag:s11], $0x5000  }
0x97: {  	[sflag:s11] =	ssyncset.done $0x0;
	v9 =	vadd.s32 v59, v3  }
0x98: {  	[sflag:s11] =	ssyncadd.s32 $0xFFFFB000;
	v3 =	vadd.s32 $0x3, v9  }
0x99: {  	v4 =	vadd.s32 $0x4, v2;
	v0 =	vld.idx.msk [tilespmem:v0+s2+$0x0], $0xffff;
	_ =	sdelay $0x3  }
0x9a: {  	v3 =	vld.idx.msk [tilespmem:v3+s2+$0x0], $0xffff  }
0x9b: {  	v6 =	vadd.s32 $0x4, v9;
	v4 =	vld.idx.msk [tilespmem:v4+s2+$0x0], $0xffff;
	v0 =	vmul.f32 $2.880000000e+02, v0;
	_ =	sdelay $0x1  }
0x9c: {  	v0 =	vtrunc.f32 v0  }
0x9d: {  	v0 =	vcvt.f32.s32 v0  }
0x9e: {  	v3 =	vmul.f32 $2.880000000e+02, v3  }
0x9f: {  	v6 =	vld.idx.msk [tilespmem:v6+s2+$0x0], $0xffff;
	v4 =	vtrunc.f32 v4;
	vm0 =	vgt.s32 v0, $0x0  }
0xa0: {  	v4 =	vcvt.f32.s32 v4;
	v3 =	vtrunc.f32 v3;
	v0 =	vnsel vm0, $0x0, v0  }
0xa1: {  	v7 =	vadd.s32 $0x1, v2;
	v11 =	vcvt.f32.s32 v3;
	v0 =	vmin.u32 v0, $0x11F  }
0xa2: {  	vm9 =	vgt.s32 v4, $0x0;
	v56 =	vmul.u32 $0x18, v0  }
0xa3: {  	v10 =	vadd.s32 $0x2, v2;
	v4 =	vnsel vm9, $0x0, v4;
	vm10 =	vgt.s32 v11, $0x0  }
0xa4: {  	v35 =	vld.idx.msk [tilespmem:v2+s2+$0x0], $0xffff;
	v2 =	vmin.u32 v4, $0x6;
	v4 =	vtrunc.f32 v6;
	v11 =	vnsel vm10, $0x0, v11  }
0xa5: {  	v14 =	vcvt.f32.s32 v4;
	v4 =	vmin.u32 v11, $0x11F  }
0xa6: {  	v58 =	vld.idx.msk [tilespmem:v7+s2+$0x0], $0xffff;
	v3 =	vmul.u32 $0x98, v1  }
0xa7: {  	v1 =	vmul.u32 $0x18, v2  }
0xa8: {  	v12 =	vadd.s32 $0x18, v3;
	v11 =	vadd.s32 $0x2, v9;
	v6 =	vmul.u32 $0x18, v4;
	v4 =	vmovc v15;
	v2 =	vld.idx.msk [tilespmem:v56+s2+$0x0], $0xffff  }
0xa9: {  	v7 =	vld.idx.msk [tilespmem:v10+s2+$0x0], $0xffff;
	v10 =	vor.u32 $0x1C00, v1  }
0xaa: {  	v13 =	vadd.s32 $0x1, v9  }
0xab: {  	v15 =	vmul.f32 v35, v15;
	v8 =	vmovc v4;
	v4 =	vmov v16;
	v16 =	vmul.f32 v58, v16  }
0xac: {  	v9 =	vld.idx.msk [tilespmem:v9+s2+$0x0], $0xffff;
	vm11 =	vgt.s32 v14, $0x0  }
0xad: {  	v17 =	vadd.s32 $0x30, v3;
	v14 =	vnsel vm11, $0x0, v14;
	v11 =	vld.idx.msk [tilespmem:v11+s2+$0x0], $0xffff;
	v15 =	vadd.f32 v16, v15;
	[tilespmem:v12+s14+$0x0] =	vst.idx.msk $0xffff, v2  }
0xae: {  	v16 =	vmul.f32 v7, v18;
	v2 =	vmul.u32 $0x98, v5;
	v5 =	vmin.u32 v14, $0x6;
	v10 =	vld.idx.msk [tilespmem:v10+s2+$0x0], $0xffff  }
0xaf: {  	v19 =	vmov v4;
	v12 =	vld.idx.msk [tilespmem:v13+s2+$0x0], $0xffff;
	v4 =	vmul.u32 $0x18, v5  }
0xb0: {  	v13 =	vadd.f32 v16, v15;
	v14 =	vor.u32 $0x1, v56;
	v16 =	vld.idx.msk [tilespmem:v6+s2+$0x0], $0xffff;
	v15 =	vadd.s32 $0x18, v2  }
0xb1: {  	v5 =	vmov v18;
	v18 =	vor.u32 $0x1C00, v4  }
0xb2: {  	v13 =	vadd.f32 v13, v63  }
0xb3: {  	[tilespmem:v17+s14+$0x0] =	vst.idx.msk $0xffff, v10  }
0xb4: {  	v10 =	vmul.f32 v9, v8;
	v17 =	vmul.f32 v12, v19;
	[tilespmem:v3+s14+$0x0] =	vst.idx.msk $0xffff, v13  }
0xb5: {  	v19 =	vmul.f32 v11, v5;
	[tilespmem:v15+s14+$0x0] =	vst.idx.msk $0xffff, v16;
	v13 =	vld.idx.msk [tilespmem:v14+s2+$0x0], $0xffff;
	v14 =	vadd.s32 $0x19, v3  }
0xb6: {  	v15 =	vor.u32 $0x1C01, v1;
	v16 =	vadd.s32 $0x30, v2;
	v10 =	vadd.f32 v17, v10;
	v17 =	vld.idx.msk [tilespmem:v18+s2+$0x0], $0xffff;
	_ =	sdelay $0x1  }
0xb7: {  	v18 =	vor.u32 $0x1, v6;
	v10 =	vadd.f32 v19, v10  }
0xb8: {  	v5 =	vmov v20;
	v19 =	vmul.f32 v35, v20;
	v20 =	vmul.f32 v58, v21  }
0xb9: {  	v10 =	vadd.f32 v10, v63;
	[tilespmem:v14+s14+$0x0] =	vst.idx.msk $0xffff, v13;
	v14 =	vadd.s32 $0x31, v3  }
0xba: {  	[tilespmem:v16+s14+$0x0] =	vst.idx.msk $0xffff, v17;
	v13 =	vld.idx.msk [tilespmem:v15+s2+$0x0], $0xffff;
	v15 =	vadd.f32 v20, v19;
	v19 =	vmul.f32 v7, v22  }
0xbb: {  	v16 =	vor.u32 $0x1, v3;
	[tilespmem:v2+s14+$0x0] =	vst.idx.msk $0xffff, v10  }
0xbc: {  	v17 =	vadd.s32 $0x19, v2;
	v18 =	vld.idx.msk [tilespmem:v18+s2+$0x0], $0xffff;
	v10 =	vadd.f32 v19, v15;
	v15 =	vor.u32 $0x2, v56  }
0xbd: {  	v19 =	vor.u32 $0x1C01, v4  }
0xbe: {  	v10 =	vadd.f32 v10, v23  }
0xbf: {  	[tilespmem:v14+s14+$0x0] =	vst.idx.msk $0xffff, v13  }
0xc0: {  	v13 =	vmul.f32 v9, v5;
	v14 =	vmul.f32 v12, v21;
	[tilespmem:v16+s14+$0x0] =	vst.idx.msk $0xffff, v10  }
0xc1: {  	[tilespmem:v17+s14+$0x0] =	vst.idx.msk $0xffff, v18;
	v16 =	vor.u32 $0x1C02, v1;
	v10 =	vld.idx.msk [tilespmem:v15+s2+$0x0], $0xffff;
	v15 =	vadd.s32 $0x1A, v3  }
0xc2: {  	v17 =	vadd.s32 $0x31, v2;
	v13 =	vadd.f32 v14, v13;
	v14 =	vmul.f32 v11, v22;
	v18 =	vld.idx.msk [tilespmem:v19+s2+$0x0], $0xffff  }
0xc3: {  	v19 =	vor.u32 $0x1, v2  }
0xc4: {  	v13 =	vadd.f32 v14, v13;
	v14 =	vor.u32 $0x2, v6  }
0xc5: {  	v20 =	vmul.f32 v35, v24;
	v21 =	vmul.f32 v58, v25  }
0xc6: {  	v13 =	vadd.f32 v13, v23;
	[tilespmem:v15+s14+$0x0] =	vst.idx.msk $0xffff, v10;
	v15 =	vadd.s32 $0x32, v3  }
0xc7: {  	[tilespmem:v17+s14+$0x0] =	vst.idx.msk $0xffff, v18;
	v10 =	vld.idx.msk [tilespmem:v16+s2+$0x0], $0xffff;
	v16 =	vadd.f32 v21, v20;
	v20 =	vmul.f32 v7, v26  }
0xc8: {  	v17 =	vor.u32 $0x2, v3;
	[tilespmem:v19+s14+$0x0] =	vst.idx.msk $0xffff, v13  }
0xc9: {  	v18 =	vadd.s32 $0x1A, v2;
	v14 =	vld.idx.msk [tilespmem:v14+s2+$0x0], $0xffff;
	v13 =	vadd.f32 v20, v16;
	v16 =	vor.u32 $0x3, v56  }
0xca: {  	v19 =	vor.u32 $0x1C02, v4  }
0xcb: {  	v13 =	vadd.f32 v13, v27  }
0xcc: {  	[tilespmem:v15+s14+$0x0] =	vst.idx.msk $0xffff, v10  }
0xcd: {  	v10 =	vmul.f32 v9, v24;
	v15 =	vmul.f32 v12, v25;
	[tilespmem:v17+s14+$0x0] =	vst.idx.msk $0xffff, v13  }
0xce: {  	[tilespmem:v18+s14+$0x0] =	vst.idx.msk $0xffff, v14;
	v14 =	vor.u32 $0x1C03, v1;
	v13 =	vld.idx.msk [tilespmem:v16+s2+$0x0], $0xffff;
	v16 =	vadd.s32 $0x1B, v3  }
0xcf: {  	v17 =	vadd.s32 $0x32, v2;
	v10 =	vadd.f32 v15, v10;
	v15 =	vmul.f32 v11, v26;
	v18 =	vld.idx.msk [tilespmem:v19+s2+$0x0], $0xffff  }
0xd0: {  	v21 =	vmul.f32 v58, v29;
	v19 =	vor.u32 $0x2, v2  }
0xd1: {  	v20 =	vmul.f32 v35, v28;
	v10 =	vadd.f32 v15, v10;
	v15 =	vor.u32 $0x3, v6;
	_ =	sdelay $0x1  }
0xd2: {  	v10 =	vadd.f32 v10, v27;
	[tilespmem:v16+s14+$0x0] =	vst.idx.msk $0xffff, v13;
	v16 =	vadd.f32 v21, v20  }
0xd3: {  	v20 =	vmul.f32 v7, v30;
	[tilespmem:v17+s14+$0x0] =	vst.idx.msk $0xffff, v18;
	v13 =	vld.idx.msk [tilespmem:v14+s2+$0x0], $0xffff;
	v14 =	vadd.s32 $0x33, v3  }
0xd4: {  	v17 =	vor.u32 $0x3, v3;
	[tilespmem:v19+s14+$0x0] =	vst.idx.msk $0xffff, v10  }
0xd5: {  	v18 =	vadd.s32 $0x1B, v2;
	v10 =	vadd.f32 v20, v16;
	v16 =	vor.u32 $0x4, v56;
	v15 =	vld.idx.msk [tilespmem:v15+s2+$0x0], $0xffff  }
0xd6: {  	v19 =	vor.u32 $0x1C03, v4  }
0xd7: {  	v10 =	vadd.f32 v10, v31  }
0xd8: {  	[tilespmem:v14+s14+$0x0] =	vst.idx.msk $0xffff, v13  }
0xd9: {  	v13 =	vmul.f32 v9, v28;
	v14 =	vmul.f32 v12, v29;
	[tilespmem:v17+s14+$0x0] =	vst.idx.msk $0xffff, v10  }
0xda: {  	v17 =	vmul.f32 v11, v30;
	[tilespmem:v18+s14+$0x0] =	vst.idx.msk $0xffff, v15;
	v10 =	vld.idx.msk [tilespmem:v16+s2+$0x0], $0xffff;
	v16 =	vadd.s32 $0x1C, v3  }
0xdb: {  	v15 =	vadd.s32 $0x33, v2;
	v13 =	vadd.f32 v14, v13;
	v14 =	vor.u32 $0x1C04, v1;
	v18 =	vld.idx.msk [tilespmem:v19+s2+$0x0], $0xffff  }
0xdc: {  	v21 =	vmul.f32 v58, v33;
	v19 =	vor.u32 $0x3, v2  }
0xdd: {  	v20 =	vmul.f32 v35, v62;
	v13 =	vadd.f32 v17, v13;
	v17 =	vor.u32 $0x4, v6;
	_ =	sdelay $0x1  }
0xde: {  	v13 =	vadd.f32 v13, v31;
	[tilespmem:v16+s14+$0x0] =	vst.idx.msk $0xffff, v10;
	v16 =	vadd.f32 v21, v20  }
0xdf: {  	v20 =	vmul.f32 v7, v34;
	[tilespmem:v15+s14+$0x0] =	vst.idx.msk $0xffff, v18;
	v10 =	vld.idx.msk [tilespmem:v14+s2+$0x0], $0xffff;
	v14 =	vadd.s32 $0x34, v3  }
0xe0: {  	v15 =	vor.u32 $0x4, v3;
	[tilespmem:v19+s14+$0x0] =	vst.idx.msk $0xffff, v13  }
0xe1: {  	v18 =	vadd.s32 $0x1C, v2;
	v13 =	vadd.f32 v20, v16;
	v16 =	vor.u32 $0x5, v56;
	v17 =	vld.idx.msk [tilespmem:v17+s2+$0x0], $0xffff  }
0xe2: {  	v19 =	vor.u32 $0x1C04, v4  }
0xe3: {  	v13 =	vadd.f32 v13, v37  }
0xe4: {  	[tilespmem:v14+s14+$0x0] =	vst.idx.msk $0xffff, v10  }
0xe5: {  	v10 =	vmul.f32 v9, v62;
	v14 =	vmul.f32 v12, v33;
	[tilespmem:v15+s14+$0x0] =	vst.idx.msk $0xffff, v13  }
0xe6: {  	v15 =	vadd.s32 $0x1D, v3;
	[tilespmem:v18+s14+$0x0] =	vst.idx.msk $0xffff, v17;
	v17 =	vadd.s32 $0x34, v2;
	v13 =	vld.idx.msk [tilespmem:v16+s2+$0x0], $0xffff  }
0xe7: {  	v10 =	vadd.f32 v14, v10;
	v14 =	vmul.f32 v11, v34;
	v16 =	vor.u32 $0x1C05, v1;
	v18 =	vld.idx.msk [tilespmem:v19+s2+$0x0], $0xffff  }
0xe8: {  	v19 =	vor.u32 $0x4, v2  }
0xe9: {  	v10 =	vadd.f32 v14, v10;
	v14 =	vor.u32 $0x5, v6  }
0xea: {  	v21 =	vmul.f32 v58, v36;
	v20 =	vmul.f32 v35, v42  }
0xeb: {  	v10 =	vadd.f32 v10, v37;
	[tilespmem:v15+s14+$0x0] =	vst.idx.msk $0xffff, v13;
	v15 =	vadd.s32 $0x35, v3  }
0xec: {  	[tilespmem:v17+s14+$0x0] =	vst.idx.msk $0xffff, v18;
	v13 =	vld.idx.msk [tilespmem:v16+s2+$0x0], $0xffff;
	v16 =	vadd.f32 v21, v20;
	v20 =	vmul.f32 v7, v38  }
0xed: {  	v17 =	vor.u32 $0x5, v3;
	[tilespmem:v19+s14+$0x0] =	vst.idx.msk $0xffff, v10  }
0xee: {  	v18 =	vadd.s32 $0x1D, v2;
	v14 =	vld.idx.msk [tilespmem:v14+s2+$0x0], $0xffff;
	v10 =	vadd.f32 v20, v16;
	v16 =	vor.u32 $0x6, v56  }
0xef: {  	v19 =	vor.u32 $0x1C05, v4  }
0xf0: {  	v10 =	vadd.f32 v10, v40  }
0xf1: {  	[tilespmem:v15+s14+$0x0] =	vst.idx.msk $0xffff, v13  }
0xf2: {  	v13 =	vmul.f32 v9, v42;
	v15 =	vmul.f32 v12, v36;
	[tilespmem:v17+s14+$0x0] =	vst.idx.msk $0xffff, v10  }
0xf3: {  	v20 =	vadd.s32 $0x1E, v3;
	v10 =	vadd.s32 $0x35, v2;
	[tilespmem:v18+s14+$0x0] =	vst.idx.msk $0xffff, v14;
	v16 =	vld.idx.msk [tilespmem:v16+s2+$0x0], $0xffff  }
0xf4: {  	v14 =	vor.u32 $0x1C06, v1;
	v13 =	vadd.f32 v15, v13;
	v15 =	vmul.f32 v11, v38;
	v19 =	vld.idx.msk [tilespmem:v19+s2+$0x0], $0xffff  }
0xf5: {  	v22 =	vmul.f32 v12, v49;
	v21 =	vmul.f32 v9, v41;
	v17 =	vor.u32 $0x5, v2  }
0xf6: {  	v23 =	vor.u32 $0x6, v6;
	v13 =	vadd.f32 v15, v13  }
0xf7: {  	v63 =	vmovc v24;
	v24 =	vmul.f32 v58, v49;
	v21 =	vadd.f32 v22, v21;
	v22 =	vmul.f32 v35, v41  }
0xf8: {  	v13 =	vadd.f32 v13, v40;
	[tilespmem:v20+s14+$0x0] =	vst.idx.msk $0xffff, v16;
	v16 =	vadd.s32 $0x36, v3  }
0xf9: {  	v20 =	vadd.f32 v24, v22;
	v22 =	vmul.f32 v7, v43;
	[tilespmem:v10+s14+$0x0] =	vst.idx.msk $0xffff, v19;
	v14 =	vld.idx.msk [tilespmem:v14+s2+$0x0], $0xffff  }
0xfa: {  	v10 =	vor.u32 $0x6, v3;
	[tilespmem:v17+s14+$0x0] =	vst.idx.msk $0xffff, v13  }
0xfb: {  	v18 =	vadd.s32 $0x1E, v2;
	v17 =	vor.u32 $0x7, v56;
	v13 =	vadd.f32 v22, v20;
	v23 =	vld.idx.msk [tilespmem:v23+s2+$0x0], $0xffff  }
0xfc: {  	v15 =	vor.u32 $0x1C06, v4  }
0xfd: {  	v20 =	vmul.f32 v9, v45;
	v22 =	vmul.f32 v12, v46;
	v13 =	vadd.f32 v13, v44  }
0xfe: {  	[tilespmem:v16+s14+$0x0] =	vst.idx.msk $0xffff, v14  }
0xff: {  	v20 =	vadd.f32 v22, v20;
	v22 =	vmul.f32 v11, v47;
	[tilespmem:v10+s14+$0x0] =	vst.idx.msk $0xffff, v13  }
0x100: {  	v25 =	vmul.f32 v11, v43;
	[tilespmem:v18+s14+$0x0] =	vst.idx.msk $0xffff, v23;
	v17 =	vld.idx.msk [tilespmem:v17+s2+$0x0], $0xffff  }
0x101: {  	v26 =	vadd.s32 $0x36, v2;
	v10 =	vadd.f32 v22, v20;
	v20 =	vadd.s32 $0x1F, v3;
	v15 =	vld.idx.msk [tilespmem:v15+s2+$0x0], $0xffff  }
0x102: {  	v29 =	vmul.f32 v12, v32;
	v16 =	vmul.f32 v9, v48;
	v18 =	vor.u32 $0x1C07, v1;
	v49 =	vld [tilespmem:$0x1F9A0]  }
0x103: {  	v21 =	vadd.f32 v25, v21;
	v24 =	vor.u32 $0x6, v2  }
0x104: {  	v0 =	vmov v45;
	v22 =	vmul.f32 v11, v53;
	v16 =	vadd.f32 v29, v16  }
0x105: {  	v30 =	vmul.f32 v35, v0;
	v31 =	vmul.f32 v58, v46;
	v21 =	vadd.f32 v21, v44;
	v61 =	vld [tilespmem:$0x1F980]  }
0x106: {  	v19 =	vor.u32 $0x7, v6;
	v62 =	vld [tilespmem:$0x1F990];
	v16 =	vadd.f32 v22, v16;
	v22 =	vmul.f32 v12, v60;
	[tilespmem:v20+s14+$0x0] =	vst.idx.msk $0xffff, v17  }
0x107: {  	v38 =	vmul.f32 v9, v49;
	[tilespmem:v26+s14+$0x0] =	vst.idx.msk $0xffff, v15;
	v17 =	vld.idx.msk [tilespmem:v18+s2+$0x0], $0xffff;
	v18 =	vadd.s32 $0x37, v3  }
0x108: {  	v20 =	vadd.f32 v31, v30;
	v30 =	vmul.f32 v7, v47;
	[tilespmem:v24+s14+$0x0] =	vst.idx.msk $0xffff, v21  }
0x109: {  	v29 =	vmov v1;
	v15 =	vor.u32 $0x7, v3;
	v1 =	vld [tilespmem:$0x1F9D0]  }
0x10a: {  	v22 =	vadd.f32 v22, v38;
	v20 =	vadd.f32 v30, v20;
	v38 =	vld [tilespmem:$0x1F9C0]  }
0x10b: {  	v39 =	vld.idx.msk [tilespmem:v19+s2+$0x0], $0xffff  }
0x10c: {  	v8 =	vadd.s32 $0x1C0A, v4;
	v19 =	vmov v53;
	v53 =	vld [tilespmem:$0x1F9E0];
	v20 =	vadd.f32 v20, v61;
	[tilespmem:v18+s14+$0x0] =	vst.idx.msk $0xffff, v17  }
0x10d: {  	[tilespmem:$0x1F1E0] =	vst v8  }
0x10e: {  	[tilespmem:v15+s14+$0x0] =	vst.idx.msk $0xffff, v20  }
0x10f: {  	v8 =	vld [tilespmem:$0x1F9B0]  }
0x110: {  	v26 =	vmul.f32 v11, v52;
	v24 =	vadd.s32 $0x8, v56  }
0x111: {  	v25 =	vadd.s32 $0x1F, v2  }
0x112: {  	v22 =	vadd.f32 v26, v22;
	v30 =	vmul.f32 v12, v1;
	v31 =	vmul.f32 v9, v38  }
0x113: {  	v27 =	vor.u32 $0x1C07, v4;
	v26 =	vmul.f32 v11, v53  }
0x114: {  	v30 =	vadd.f32 v30, v31;
	v17 =	vadd.f32 v22, v8;
	v22 =	vadd.s32 $0x3A, v2  }
0x115: {  	v20 =	vld.idx.msk [tilespmem:v24+s2+$0x0], $0xffff;
	[tilespmem:$0x1F1F0] =	vst v22  }
0x116: {  	v24 =	vadd.s32 $0x20, v3;
	v15 =	vadd.f32 v26, v30;
	v22 =	vadd.s32 $0xB, v6;
	[tilespmem:v25+s14+$0x0] =	vst.idx.msk $0xffff, v39  }
0x117: {  	[tilespmem:$0x1F200] =	vst v22  }
0x118: {  	v5 =	vmovc v48;
	v28 =	vadd.s32 $0x37, v2;
	v30 =	vadd.s32 $0x3B, v2;
	v44 =	vadd.f32 v15, v51;
	v15 =	vld.idx.msk [tilespmem:v27+s2+$0x0], $0xffff  }
0x119: {  	v31 =	vmul.f32 v35, v5;
	v5 =	vadd.s32 $0xB, v2;
	v25 =	vadd.s32 $0x1C08, v29;
	v37 =	vld [tilespmem:$0x1FC50];
	[tilespmem:$0x1F210] =	vst v30  }
0x11a: {  	v14 =	vor.u32 $0x7, v2;
	v22 =	vld [tilespmem:$0x1FEA0];
	[tilespmem:$0x1F220] =	vst v5  }
0x11b: {  	v30 =	vld [tilespmem:$0x1FC60];
	[tilespmem:v24+s14+$0x0] =	vst.idx.msk $0xffff, v20  }
0x11c: {  	v5 =	vld [tilespmem:$0x1FC90]  }
0x11d: {  	v0 =	vadd.s32 $0xC, v6;
	v10 =	vadd.f32 v10, v61;
	v42 =	vld [tilespmem:$0x1FC80];
	[tilespmem:v28+s14+$0x0] =	vst.idx.msk $0xffff, v15  }
0x11e: {  	v20 =	vld.idx.msk [tilespmem:v25+s2+$0x0], $0xffff;
	[tilespmem:$0x1F230] =	vst v0  }
0x11f: {  	v54 =	vmov v32;
	[tilespmem:v14+s14+$0x0] =	vst.idx.msk $0xffff, v10  }
0x120: {  	v54 =	vmul.f32 v58, v54;
	v0 =	vld [tilespmem:$0x1FCA0]  }
0x121: {  	v26 =	vmul.f32 v12, v37;
	v27 =	vmul.f32 v9, v22  }
0x122: {  	v25 =	vadd.f32 v54, v31  }
0x123: {  	v31 =	vmul.f32 v7, v19;
	v26 =	vadd.f32 v26, v27;
	v27 =	vmul.f32 v11, v30;
	_ =	sdelay $0x1  }
0x124: {  	v10 =	vadd.f32 v31, v25;
	v25 =	vadd.f32 v27, v26;
	v26 =	vmul.f32 v11, v0;
	v0 =	vld [tilespmem:$0x1FCD0];
	_ =	sdelay $0x4  }
0x125: {  	v28 =	vmul.f32 v12, v0;
	v0 =	vld [tilespmem:$0x1FCC0]  }
0x126: {  	v13 =	vadd.s32 $0x8, v6  }
0x127: {  	v24 =	vadd.s32 $0x38, v3;
	_ =	sdelay $0x1  }
0x128: {  	v15 =	vadd.s32 $0x8, v3  }
0x129: {  	v31 =	vmul.f32 v9, v0;
	v0 =	vadd.s32 $0x24, v2  }
0x12a: {  	v13 =	vld.idx.msk [tilespmem:v13+s2+$0x0], $0xffff;
	[tilespmem:$0x1F240] =	vst v0  }
0x12b: {  	v33 =	vmul.f32 v12, v5;
	v5 =	vld [tilespmem:$0x1FC70];
	v10 =	vadd.f32 v10, v62;
	[tilespmem:v24+s14+$0x0] =	vst.idx.msk $0xffff, v20  }
0x12c: {  	[tilespmem:$0x1F2D0] =	vst v4  }
0x12d: {  	v32 =	vadd.s32 $0x1C08, v4;
	v20 =	vadd.f32 v28, v31;
	v31 =	vld [tilespmem:$0x1FCE0];
	[tilespmem:v15+s14+$0x0] =	vst.idx.msk $0xffff, v10  }
0x12e: {  	v36 =	vadd.s32 $0x1C0C, v4;
	v40 =	vadd.s32 $0x1C0B, v4;
	v48 =	vadd.s32 $0x1C09, v4;
	v0 =	vmovc v4;
	v4 =	vld [tilespmem:$0x1F9F0];
	_ =	sdelay $0x4  }
0x12f: {  	v10 =	vmul.f32 v12, v4;
	v4 =	vld [tilespmem:$0x1FD00]  }
0x130: {  	v14 =	vadd.s32 $0x9, v56  }
0x131: {  	v23 =	vadd.s32 $0x20, v2;
	_ =	sdelay $0x2  }
0x132: {  	v15 =	vmul.f32 v9, v4;
	v4 =	vadd.s32 $0x3C, v2  }
0x133: {  	v14 =	vld.idx.msk [tilespmem:v14+s2+$0x0], $0xffff;
	[tilespmem:$0x1F250] =	vst v4  }
0x134: {  	v61 =	vmul.f32 v9, v42;
	[tilespmem:v23+s14+$0x0] =	vst.idx.msk $0xffff, v13  }
0x135: {  	v46 =	vadd.s32 $0x9, v6;
	v18 =	vadd.s32 $0xA, v6;
	v54 =	vmov v6;
	v6 =	vld [tilespmem:$0x1FCB0]  }
0x136: {  	v27 =	vadd.f32 v33, v61;
	_ =	sdelay $0x1  }
0x137: {  	v33 =	vadd.f32 v25, v5;
	v25 =	vadd.f32 v26, v27  }
0x138: {  	v24 =	vmul.f32 v11, v31  }
0x139: {  	v4 =	vadd.f32 v25, v6  }
0x13a: {  	v20 =	vadd.f32 v24, v20;
	v24 =	vld [tilespmem:$0x1FCF0]  }
0x13b: {  	[tilespmem:$0x1F260] =	vst v4;
	v4 =	vld [tilespmem:$0x1FA00];
	_ =	sdelay $0x4  }
0x13c: {  	v23 =	vmul.f32 v11, v4;
	v4 =	vadd.f32 v20, v24  }
0x13d: {  	v10 =	vadd.f32 v10, v15;
	v15 =	vld.idx.msk [tilespmem:v32+s2+$0x0], $0xffff  }
0x13e: {  	[tilespmem:$0x1F280] =	vst v4;
	v4 =	vld [tilespmem:$0x1FA20];
	_ =	sdelay $0x4  }
0x13f: {  	v20 =	vmul.f32 v12, v4;
	v4 =	vld [tilespmem:$0x1FA10];
	_ =	sdelay $0x4  }
0x140: {  	v27 =	vmul.f32 v9, v4;
	v4 =	vadd.f32 v23, v10  }
0x141: {  	v26 =	vadd.s32 $0x21, v3  }
0x142: {  	[tilespmem:$0x1F2F0] =	vst v4;
	v4 =	vld [tilespmem:$0x1FA30];
	_ =	sdelay $0x3  }
0x143: {  	[tilespmem:v26+s14+$0x0] =	vst.idx.msk $0xffff, v14  }
0x144: {  	v50 =	vadd.s32 $0x38, v2;
	v20 =	vadd.f32 v20, v27;
	v27 =	vmul.f32 v11, v4;
	v4 =	vld [tilespmem:$0x1FAD0];
	_ =	sdelay $0x2  }
0x145: {  	v28 =	vmul.f32 v58, v60;
	v10 =	vmul.f32 v35, v49;
	_ =	sdelay $0x1  }
0x146: {  	v45 =	vadd.s32 $0x8, v2;
	v10 =	vadd.f32 v28, v10;
	v28 =	vmul.f32 v12, v4;
	v4 =	vld [tilespmem:$0x1FA60];
	[tilespmem:v50+s14+$0x0] =	vst.idx.msk $0xffff, v15  }
0x147: {  	v32 =	vmov v1;
	v1 =	vld [tilespmem:$0x1FB40];
	_ =	sdelay $0x1  }
0x148: {  	v16 =	vadd.f32 v16, v62;
	_ =	sdelay $0x1  }
0x149: {  	[tilespmem:v45+s14+$0x0] =	vst.idx.msk $0xffff, v16  }
0x14a: {  	v61 =	vmul.f32 v11, v1;
	v1 =	vld [tilespmem:$0x1FAE0];
	_ =	sdelay $0x1  }
0x14b: {  	v13 =	vadd.s32 $0x1C09, v29  }
0x14c: {  	v60 =	vmul.f32 v9, v4  }
0x14d: {  	v26 =	vmul.f32 v7, v52  }
0x14e: {  	v16 =	vadd.f32 v28, v60;
	v28 =	vmul.f32 v12, v1;
	v1 =	vld [tilespmem:$0x1FA70]  }
0x14f: {  	v10 =	vadd.f32 v26, v10  }
0x150: {  	v14 =	vadd.s32 $0x39, v3;
	v13 =	vld.idx.msk [tilespmem:v13+s2+$0x0], $0xffff;
	v20 =	vadd.f32 v27, v20  }
0x151: {  	v10 =	vadd.f32 v10, v8;
	v46 =	vld.idx.msk [tilespmem:v46+s2+$0x0], $0xffff;
	[tilespmem:$0x1F300] =	vst v54;
	v8 =	vadd.f32 v61, v16  }
0x152: {  	[tilespmem:$0x1F340] =	vst v20  }
0x153: {  	[tilespmem:$0x1F380] =	vst v8;
	v62 =	vmul.f32 v9, v1;
	v1 =	vadd.s32 $0xD, v54  }
0x154: {  	[tilespmem:$0x1F270] =	vst v1  }
0x155: {  	[tilespmem:v14+s14+$0x0] =	vst.idx.msk $0xffff, v13  }
0x156: {  	v45 =	vadd.f32 v28, v62;
	v28 =	vadd.s32 $0x1C0D, v0;
	v0 =	vld [tilespmem:$0x1FAF0];
	_ =	sdelay $0x3  }
0x157: {  	v15 =	vadd.s32 $0x9, v3  }
0x158: {  	v13 =	vmul.f32 v12, v0;
	v0 =	vld [tilespmem:$0x1FA80];
	_ =	sdelay $0x3  }
0x159: {  	[tilespmem:v15+s14+$0x0] =	vst.idx.msk $0xffff, v10  }
0x15a: {  	v14 =	vmul.f32 v9, v0;
	v0 =	vld [tilespmem:$0x1FB50];
	_ =	sdelay $0x4  }
0x15b: {  	v10 =	vmul.f32 v11, v0;
	v0 =	vld [tilespmem:$0x1FB60];
	_ =	sdelay $0x3  }
0x15c: {  	v47 =	vadd.s32 $0x21, v2;
	v26 =	vadd.s32 $0xA, v56  }
0x15d: {  	v15 =	vmul.f32 v11, v0;
	v0 =	vld [tilespmem:$0x1FB00];
	_ =	sdelay $0x3  }
0x15e: {  	v49 =	vld.idx.msk [tilespmem:v26+s2+$0x0], $0xffff;
	[tilespmem:v47+s14+$0x0] =	vst.idx.msk $0xffff, v46  }
0x15f: {  	v26 =	vmul.f32 v12, v0;
	v0 =	vld [tilespmem:$0x1FA90];
	_ =	sdelay $0x4  }
0x160: {  	v4 =	vmov v54;
	v54 =	vmul.f32 v9, v0;
	v0 =	vld [tilespmem:$0x1FB70];
	_ =	sdelay $0x4  }
0x161: {  	v60 =	vmul.f32 v11, v0;
	v0 =	vld [tilespmem:$0x1FB10]  }
0x162: {  	v13 =	vadd.f32 v13, v14;
	v10 =	vadd.f32 v10, v45;
	_ =	sdelay $0x1  }
0x163: {  	[tilespmem:$0x1F390] =	vst v10;
	v13 =	vadd.f32 v15, v13  }
0x164: {  	v48 =	vld.idx.msk [tilespmem:v48+s2+$0x0], $0xffff  }
0x165: {  	[tilespmem:$0x1F3A0] =	vst v13;
	v13 =	vmul.f32 v12, v0;
	v0 =	vld [tilespmem:$0x1FAA0];
	_ =	sdelay $0x4  }
0x166: {  	v15 =	vmul.f32 v9, v0;
	v0 =	vld [tilespmem:$0x1FB80];
	_ =	sdelay $0x1  }
0x167: {  	v50 =	vadd.s32 $0x22, v3  }
0x168: {  	v39 =	vadd.s32 $0x1C0A, v29  }
0x169: {  	v21 =	vadd.s32 $0x39, v2;
	v45 =	vadd.f32 v26, v54  }
0x16a: {  	v62 =	vmul.f32 v58, v32;
	v13 =	vadd.f32 v13, v15;
	v32 =	vmul.f32 v11, v0  }
0x16b: {  	v15 =	vadd.f32 v60, v45  }
0x16c: {  	[tilespmem:v50+s14+$0x0] =	vst.idx.msk $0xffff, v49;
	v13 =	vadd.f32 v32, v13  }
0x16d: {  	v46 =	vld.idx.msk [tilespmem:v39+s2+$0x0], $0xffff;
	[tilespmem:$0x1F3B0] =	vst v15  }
0x16e: {  	[tilespmem:$0x1F3C0] =	vst v13  }
0x16f: {  	v34 =	vadd.s32 $0x9, v2;
	[tilespmem:v21+s14+$0x0] =	vst.idx.msk $0xffff, v48  }
0x170: {  	v0 =	vld [tilespmem:$0x1FB20];
	_ =	sdelay $0x3  }
0x171: {  	[tilespmem:v34+s14+$0x0] =	vst.idx.msk $0xffff, v17  }
0x172: {  	v60 =	vmul.f32 v12, v0;
	v0 =	vld [tilespmem:$0x1FAB0];
	_ =	sdelay $0x3  }
0x173: {  	v61 =	vmul.f32 v35, v38  }
0x174: {  	v8 =	vmov v53;
	v32 =	vmul.f32 v9, v0;
	v0 =	vld [tilespmem:$0x1FC40]  }
0x175: {  	v54 =	vmul.f32 v7, v8;
	v39 =	vadd.f32 v62, v61;
	_ =	sdelay $0x1  }
0x176: {  	v61 =	vadd.f32 v54, v39;
	_ =	sdelay $0x1  }
0x177: {  	v50 =	vld.idx.msk [tilespmem:v18+s2+$0x0], $0xffff;
	v18 =	vadd.f32 v61, v0;
	v0 =	vadd.s32 $0xD, v2  }
0x178: {  	v49 =	vadd.s32 $0x3A, v3;
	[tilespmem:$0x1F290] =	vst v0;
	v0 =	vld [tilespmem:$0x1FB90];
	_ =	sdelay $0x1  }
0x179: {  	v21 =	vadd.s32 $0xA, v3;
	_ =	sdelay $0x2  }
0x17a: {  	v45 =	vadd.f32 v60, v32;
	[tilespmem:v49+s14+$0x0] =	vst.idx.msk $0xffff, v46;
	v60 =	vmul.f32 v11, v0;
	v0 =	vadd.s32 $0xE, v4  }
0x17b: {  	[tilespmem:$0x1F2B0] =	vst v0  }
0x17c: {  	v62 =	vadd.s32 $0xB, v56;
	[tilespmem:v21+s14+$0x0] =	vst.idx.msk $0xffff, v18  }
0x17d: {  	v57 =	vadd.s32 $0x22, v2;
	v0 =	vld [tilespmem:$0x1FB30];
	_ =	sdelay $0x1  }
0x17e: {  	v4 =	vadd.f32 v60, v45  }
0x17f: {  	[tilespmem:$0x1F1D0] =	vst v59  }
0x180: {  	v47 =	vld.idx.msk [tilespmem:v62+s2+$0x0], $0xffff;
	[tilespmem:$0x1F3E0] =	vst v4  }
0x181: {  	v21 =	vmul.f32 v12, v0;
	v0 =	vld [tilespmem:$0x1FAC0];
	[tilespmem:v57+s14+$0x0] =	vst.idx.msk $0xffff, v50  }
0x182: {  	v1 =	vld [tilespmem:$0x1FD20];
	_ =	sdelay $0x4  }
0x183: {  	s30 =	simm.s32 $0x30;
	v55 =	vlaneseq.u32;
	v12 =	vmul.f32 v12, v1;
	v1 =	vld [tilespmem:$0x1FD10]  }
0x184: {  	v51 =	vor.u32 s30, v55  }
0x185: {  	v34 =	vmul.u32 $0x5, v51  }
0x186: {  	v32 =	vmul.f32 v9, v0;
	v0 =	vld [tilespmem:$0x1F1E0]  }
0x187: {  	v61 =	vadd.s32 v59, v34  }
0x188: {  	v9 =	vmul.f32 v9, v1;
	v1 =	vld [tilespmem:$0x1FBA0]  }
0x189: {  	v62 =	vadd.s32 $0x23, v3  }
0x18a: {  	s31 =	simm.s32 $0x20  }
0x18b: {  	v52 =	vor.u32 s31, v55  }
0x18c: {  	v39 =	vmul.u32 $0x5, v52;
	v19 =	vadd.f32 v21, v32;
	v21 =	vld.idx.msk [tilespmem:v61+s2+$0x0], $0xffff  }
0x18d: {  	v17 =	vmul.f32 v11, v1;
	v1 =	vld [tilespmem:$0x1FBB0]  }
0x18e: {  	v49 =	vadd.s32 v59, v39;
	v50 =	vld.idx.msk [tilespmem:v0+s2+$0x0], $0xffff;
	[tilespmem:v62+s14+$0x0] =	vst.idx.msk $0xffff, v47  }
0x18f: {  	v54 =	vadd.s32 $0x3, v49;
	v0 =	vld [tilespmem:$0x1F1F0];
	_ =	sdelay $0x2  }
0x190: {  	v9 =	vadd.f32 v12, v9;
	v11 =	vmul.f32 v11, v1;
	v1 =	vadd.f32 v17, v19  }
0x191: {  	v43 =	vadd.s32 $0xA, v2  }
0x192: {  	v54 =	vld.idx.msk [tilespmem:v54+s2+$0x0], $0xffff;
	[tilespmem:$0x1F400] =	vst v1;
	v1 =	vadd.f32 v11, v9;
	_ =	sdelay $0x1  }
0x193: {  	[tilespmem:$0x1F440] =	vst v1  }
0x194: {  	[tilespmem:v0+s14+$0x0] =	vst.idx.msk $0xffff, v50  }
0x195: {  	[tilespmem:v43+s14+$0x0] =	vst.idx.msk $0xffff, v44  }
0x196: {  	v34 =	vadd.s32 $0x1C0B, v29;
	v0 =	vld [tilespmem:$0x1F200]  }
0x197: {  	v39 =	vadd.s32 $0x3, v61;
	_ =	sdelay $0x2  }
0x198: {  	v60 =	vmul.f32 v58, v37;
	v59 =	vmul.f32 v35, v22  }
0x199: {  	v57 =	vadd.s32 $0x4, v61;
	v12 =	vadd.s32 $0x1, v61;
	v9 =	vadd.s32 $0x2, v61;
	v46 =	vld.idx.msk [tilespmem:v34+s2+$0x0], $0xffff  }
0x19a: {  	v11 =	vadd.f32 v60, v59;
	v61 =	vmul.f32 v7, v30;
	v62 =	vld.idx.msk [tilespmem:v39+s2+$0x0], $0xffff;
	v34 =	vadd.s32 $0x3B, v3  }
0x19b: {  	v60 =	vadd.s32 $0xB, v3;
	v14 =	vld [tilespmem:$0x1FD30]  }
0x19c: {  	v41 =	vadd.s32 $0x23, v2;
	v47 =	vadd.f32 v61, v11;
	v61 =	vadd.s32 $0xC, v56;
	v50 =	vld.idx.msk [tilespmem:v0+s2+$0x0], $0xffff  }
0x19d: {  	v0 =	vld [tilespmem:$0x1FDE0]  }
0x19e: {  	v13 =	vld.idx.msk [tilespmem:v9+s2+$0x0], $0xffff;
	v9 =	vadd.f32 v47, v5  }
0x19f: {  	v39 =	vadd.s32 $0x4, v49;
	v8 =	vld [tilespmem:$0x1FD60];
	[tilespmem:v34+s14+$0x0] =	vst.idx.msk $0xffff, v46  }
0x1a0: {  	[tilespmem:v60+s14+$0x0] =	vst.idx.msk $0xffff, v9  }
0x1a1: {  	v9 =	vadd.s32 $0x24, v3;
	v34 =	vld.idx.msk [tilespmem:v61+s2+$0x0], $0xffff;
	[tilespmem:v41+s14+$0x0] =	vst.idx.msk $0xffff, v50  }
0x1a2: {  	v1 =	vmul.f32 v21, v0;
	v0 =	vld [tilespmem:$0x1FC90];
	_ =	sdelay $0x1  }
0x1a3: {  	v43 =	vld.idx.msk [tilespmem:v39+s2+$0x0], $0xffff  }
0x1a4: {  	v18 =	vld [tilespmem:$0x1FD40]  }
0x1a5: {  	v17 =	vld [tilespmem:$0x1FD50];
	[tilespmem:v9+s14+$0x0] =	vst.idx.msk $0xffff, v34  }
0x1a6: {  	v39 =	vmul.f32 v58, v0;
	v0 =	vld [tilespmem:$0x1FCA0];
	_ =	sdelay $0x4  }
0x1a7: {  	v46 =	vmul.f32 v7, v0;
	v0 =	vld [tilespmem:$0x1F210];
	_ =	sdelay $0x2  }
0x1a8: {  	v40 =	vld.idx.msk [tilespmem:v40+s2+$0x0], $0xffff;
	_ =	sdelay $0x4  }
0x1a9: {  	[tilespmem:v0+s14+$0x0] =	vst.idx.msk $0xffff, v40  }
0x1aa: {  	v0 =	vld [tilespmem:$0x1F220];
	_ =	sdelay $0x5  }
0x1ab: {  	v37 =	vld.idx.msk [tilespmem:v57+s2+$0x0], $0xffff  }
0x1ac: {  	v22 =	vld.idx.msk [tilespmem:v12+s2+$0x0], $0xffff;
	v12 =	vmul.f32 $2.880000000e+02, v54  }
0x1ad: {  	v32 =	vadd.s32 $0x1C0C, v29;
	[tilespmem:v0+s14+$0x0] =	vst.idx.msk $0xffff, v33  }
0x1ae: {  	v12 =	vtrunc.f32 v12;
	v0 =	vld [tilespmem:$0x1F230]  }
0x1af: {  	v12 =	vcvt.f32.s32 v12  }
0x1b0: {  	v44 =	vtrunc.f32 v37;
	v37 =	vmul.f32 v35, v42  }
0x1b1: {  	v59 =	vadd.s32 $0x3C, v3;
	vm12 =	vgt.s32 v12, $0x0  }
0x1b2: {  	v62 =	vmul.f32 $2.880000000e+02, v62;
	v12 =	vnsel vm12, $0x0, v12;
	v9 =	vadd.f32 v39, v37;
	v37 =	vld.idx.msk [tilespmem:v32+s2+$0x0], $0xffff  }
0x1b3: {  	v57 =	vmul.f32 v21, v63;
	v12 =	vmin.u32 v12, $0x11F;
	v32 =	vadd.s32 $0xC, v3  }
0x1b4: {  	v23 =	vmovc v63;
	v63 =	vtrunc.f32 v62;
	v5 =	vmul.u32 $0x18, v12;
	v9 =	vadd.f32 v46, v9  }
0x1b5: {  	v45 =	vcvt.f32.s32 v63  }
0x1b6: {  	v60 =	vadd.s32 $0x2, v49;
	v41 =	vadd.f32 v9, v6;
	v39 =	vld.idx.msk [tilespmem:v0+s2+$0x0], $0xffff  }
0x1b7: {  	vm13 =	vgt.s32 v45, $0x0;
	v61 =	vadd.s32 $0x1, v49;
	v0 =	vld [tilespmem:$0x1FE10];
	[tilespmem:v59+s14+$0x0] =	vst.idx.msk $0xffff, v37  }
0x1b8: {  	v47 =	vnsel vm13, $0x0, v45;
	v45 =	vld.idx.msk [tilespmem:v49+s2+$0x0], $0xffff;
	[tilespmem:v32+s14+$0x0] =	vst.idx.msk $0xffff, v41  }
0x1b9: {  	v4 =	vld [tilespmem:$0x1F240]  }
0x1ba: {  	v11 =	vmov v56;
	v49 =	vld.idx.msk [tilespmem:v5+s2+$0x0], $0xffff  }
0x1bb: {  	v30 =	vmul.u32 $0x98, v51;
	v42 =	vmul.u32 $0x98, v52;
	v34 =	vadd.s32 $0xD, v11;
	v46 =	vld.idx.msk [tilespmem:v60+s2+$0x0], $0xffff  }
0x1bc: {  	v53 =	vmul.f32 v21, v14;
	v51 =	vmul.f32 v22, v18;
	v40 =	vmin.u32 v47, $0x11F;
	v47 =	vld.idx.msk [tilespmem:v61+s2+$0x0], $0xffff  }
0x1bd: {  	v10 =	vmov v11;
	v61 =	vadd.s32 $0x18, v42;
	v11 =	vld [tilespmem:$0x1FD70]  }
0x1be: {  	v43 =	vtrunc.f32 v43;
	v55 =	vmul.f32 v13, v17;
	v53 =	vadd.f32 v51, v53  }
0x1bf: {  	v56 =	vmul.f32 v21, v8;
	v12 =	vcvt.f32.s32 v43  }
0x1c0: {  	v63 =	vmovc v38;
	v9 =	vmul.u32 $0x18, v40;
	v40 =	vadd.f32 v55, v53;
	v53 =	vadd.s32 $0x25, v3;
	v38 =	vld.idx.msk [tilespmem:v34+s2+$0x0], $0xffff  }
0x1c1: {  	v43 =	vmul.f32 v46, v17;
	v32 =	vmul.f32 v45, v14;
	v20 =	vld [tilespmem:$0x1FEE0];
	[tilespmem:v4+s14+$0x0] =	vst.idx.msk $0xffff, v39  }
0x1c2: {  	vm14 =	vgt.s32 v12, $0x0;
	v34 =	vmul.f32 v47, v18;
	v62 =	vmul.f32 v22, v11;
	v4 =	vld [tilespmem:$0x1FF70];
	[tilespmem:v61+s14+$0x0] =	vst.idx.msk $0xffff, v49  }
0x1c3: {  	v12 =	vnsel vm14, $0x0, v12;
	v6 =	vld [tilespmem:$0x1FCC0]  }
0x1c4: {  	v12 =	vmin.u32 v12, $0x6;
	v55 =	vadd.f32 v34, v32;
	v52 =	vadd.f32 v62, v56;
	v62 =	vld [tilespmem:$0x1FCD0]  }
0x1c5: {  	v50 =	vcvt.f32.s32 v44;
	v44 =	vmul.u32 $0x18, v12;
	v18 =	vld [tilespmem:$0x1FD80];
	[tilespmem:v53+s14+$0x0] =	vst.idx.msk $0xffff, v38  }
0x1c6: {  	v55 =	vadd.f32 v43, v55;
	v43 =	vmov v5;
	v56 =	vor.u32 $0x1, v5;
	v5 =	vld [tilespmem:$0x1F250]  }
0x1c7: {  	v41 =	vor.u32 $0x1C00, v44;
	_ =	sdelay $0x1  }
0x1c8: {  	v36 =	vld.idx.msk [tilespmem:v36+s2+$0x0], $0xffff  }
0x1c9: {  	v54 =	vadd.s32 $0x18, v30;
	v37 =	vld.idx.msk [tilespmem:v9+s2+$0x0], $0xffff  }
0x1ca: {  	v39 =	vadd.s32 $0x1C0D, v29  }
0x1cb: {  	v60 =	vadd.s32 $0x30, v42;
	v41 =	vld.idx.msk [tilespmem:v41+s2+$0x0], $0xffff;
	_ =	sdelay $0x1  }
0x1cc: {  	[tilespmem:v5+s14+$0x0] =	vst.idx.msk $0xffff, v36  }
0x1cd: {  	v14 =	vld [tilespmem:$0x1FDB0];
	[tilespmem:v54+s14+$0x0] =	vst.idx.msk $0xffff, v37  }
0x1ce: {  	v39 =	vld.idx.msk [tilespmem:v39+s2+$0x0], $0xffff;
	v55 =	vadd.f32 v55, v4;
	[tilespmem:$0x1F2C0] =	vst v10  }
0x1cf: {  	v49 =	vmul.f32 v35, v6;
	v59 =	vmul.f32 v58, v62;
	v6 =	vld [tilespmem:$0x1FD90];
	[tilespmem:v60+s14+$0x0] =	vst.idx.msk $0xffff, v41  }
0x1d0: {  	vm15 =	vgt.s32 v50, $0x0;
	[tilespmem:v42+s14+$0x0] =	vst.idx.msk $0xffff, v55  }
0x1d1: {  	v34 =	vmul.f32 v7, v31;
	v38 =	vadd.s32 $0x3D, v3;
	v49 =	vadd.f32 v59, v49;
	v19 =	vld [tilespmem:$0x1FDF0]  }
0x1d2: {  	v12 =	vnsel vm15, $0x0, v50;
	v36 =	vadd.s32 $0xD, v3  }
0x1d3: {  	v12 =	vmin.u32 v12, $0x6;
	v61 =	vadd.f32 v34, v49  }
0x1d4: {  	v12 =	vmul.u32 $0x18, v12  }
0x1d5: {  	v40 =	vadd.f32 v40, v4;
	v37 =	vadd.f32 v61, v24  }
0x1d6: {  	v33 =	vor.u32 $0x1C00, v12;
	v4 =	vmovc v10;
	v49 =	vadd.s32 $0xE, v10;
	v10 =	vld [tilespmem:$0x1FDC0];
	[tilespmem:v38+s14+$0x0] =	vst.idx.msk $0xffff, v39;
	v53 =	vmul.f32 v22, v19  }
0x1d7: {  	v60 =	vld [tilespmem:$0x1FE30];
	[tilespmem:v36+s14+$0x0] =	vst.idx.msk $0xffff, v37  }
0x1d8: {  	v25 =	vadd.s32 $0xC, v2;
	v53 =	vadd.f32 v53, v1;
	v1 =	vld [tilespmem:$0x1F260]  }
0x1d9: {  	v32 =	vmul.f32 v13, v18;
	v31 =	vmul.f32 v22, v14  }
0x1da: {  	v48 =	vadd.s32 $0x30, v30  }
0x1db: {  	v52 =	vadd.f32 v32, v52;
	v33 =	vld.idx.msk [tilespmem:v33+s2+$0x0], $0xffff;
	v31 =	vadd.f32 v31, v57;
	v32 =	vmul.f32 v13, v10;
	_ =	sdelay $0x1  }
0x1dc: {  	v34 =	vmul.f32 v13, v60;
	[tilespmem:v25+s14+$0x0] =	vst.idx.msk $0xffff, v1;
	v1 =	vadd.f32 v32, v31  }
0x1dd: {  	v56 =	vld.idx.msk [tilespmem:v56+s2+$0x0], $0xffff;
	v38 =	vadd.s32 $0x19, v42  }
0x1de: {  	v24 =	vld [tilespmem:$0x1FE50];
	[tilespmem:$0x1F2E0] =	vst v1;
	v1 =	vadd.f32 v34, v53  }
0x1df: {  	v25 =	vld.idx.msk [tilespmem:v49+s2+$0x0], $0xffff;
	[tilespmem:v48+s14+$0x0] =	vst.idx.msk $0xffff, v33  }
0x1e0: {  	v16 =	vmov v29;
	v29 =	vadd.s32 $0x26, v3;
	[tilespmem:$0x1F330] =	vst v1;
	v1 =	vld [tilespmem:$0x1F270]  }
0x1e1: {  	[tilespmem:v30+s14+$0x0] =	vst.idx.msk $0xffff, v40  }
0x1e2: {  	v54 =	vor.u32 $0x1, v9;
	[tilespmem:v38+s14+$0x0] =	vst.idx.msk $0xffff, v56  }
0x1e3: {  	v36 =	vld [tilespmem:$0x1FD00]  }
0x1e4: {  	v37 =	vor.u32 $0x1C01, v44;
	v34 =	vld [tilespmem:$0x1F9F0]  }
0x1e5: {  	[tilespmem:v29+s14+$0x0] =	vst.idx.msk $0xffff, v25  }
0x1e6: {  	v27 =	vadd.s32 $0x25, v2;
	v33 =	vadd.s32 $0x1C0E, v16;
	v49 =	vmov v16;
	v16 =	vld [tilespmem:$0x1FE80]  }
0x1e7: {  	v50 =	vmul.f32 v21, v0;
	v61 =	vmul.f32 v47, v11;
	v41 =	vadd.s32 $0x19, v30;
	v38 =	vld.idx.msk [tilespmem:v54+s2+$0x0], $0xffff  }
0x1e8: {  	v39 =	vmul.f32 v45, v8;
	v57 =	vor.u32 $0x1C01, v12;
	v31 =	vmul.f32 v22, v24;
	v32 =	vld.idx.msk [tilespmem:v1+s2+$0x0], $0xffff  }
0x1e9: {  	v59 =	vadd.s32 $0x31, v42;
	v37 =	vld.idx.msk [tilespmem:v37+s2+$0x0], $0xffff;
	v48 =	vmul.f32 v35, v36;
	v53 =	vmul.f32 v58, v34  }
0x1ea: {  	v39 =	vadd.f32 v61, v39;
	v61 =	vmul.f32 v46, v18;
	v31 =	vadd.f32 v31, v50  }
0x1eb: {  	v25 =	vor.u32 $0x1, v42;
	v33 =	vld.idx.msk [tilespmem:v33+s2+$0x0], $0xffff;
	v56 =	vadd.f32 v53, v48;
	v48 =	vmul.f32 v13, v16  }
0x1ec: {  	v39 =	vadd.f32 v61, v39;
	v15 =	vld [tilespmem:$0x1FA00];
	[tilespmem:v41+s14+$0x0] =	vst.idx.msk $0xffff, v38  }
0x1ed: {  	v53 =	vld.idx.msk [tilespmem:v57+s2+$0x0], $0xffff;
	v1 =	vadd.f32 v48, v31;
	[tilespmem:v27+s14+$0x0] =	vst.idx.msk $0xffff, v32  }
0x1ee: {  	v39 =	vadd.f32 v39, v6;
	v61 =	vld [tilespmem:$0x1FEF0];
	[tilespmem:v59+s14+$0x0] =	vst.idx.msk $0xffff, v37  }
0x1ef: {  	v28 =	vld.idx.msk [tilespmem:v28+s2+$0x0], $0xffff;
	[tilespmem:$0x1F370] =	vst v1  }
0x1f0: {  	[tilespmem:v25+s14+$0x0] =	vst.idx.msk $0xffff, v39  }
0x1f1: {  	v1 =	vld [tilespmem:$0x1FA40]  }
0x1f2: {  	v55 =	vmul.f32 v7, v15  }
0x1f3: {  	v29 =	vadd.s32 $0x3E, v3  }
0x1f4: {  	v38 =	vadd.f32 v55, v56  }
0x1f5: {  	v32 =	vadd.s32 $0xE, v3  }
0x1f6: {  	v25 =	vadd.f32 v38, v1;
	v1 =	vadd.s32 $0x1A, v30  }
0x1f7: {  	v50 =	vadd.s32 $0xF, v4;
	v4 =	vld [tilespmem:$0x1FEC0];
	[tilespmem:$0x1F2A0] =	vst v1  }
0x1f8: {  	v55 =	vld [tilespmem:$0x1FF20];
	[tilespmem:v29+s14+$0x0] =	vst.idx.msk $0xffff, v33  }
0x1f9: {  	v1 =	vld [tilespmem:$0x1FF10]  }
0x1fa: {  	[tilespmem:v32+s14+$0x0] =	vst.idx.msk $0xffff, v25  }
0x1fb: {  	v52 =	vadd.f32 v52, v6;
	v27 =	vor.u32 $0x2, v43;
	v6 =	vld [tilespmem:$0x1FE90]  }
0x1fc: {  	v26 =	vadd.s32 $0x3D, v2;
	v51 =	vmul.f32 v21, v20;
	v41 =	vmul.f32 v22, v61  }
0x1fd: {  	v40 =	vadd.s32 $0x31, v30;
	v31 =	vmul.f32 v21, v4  }
0x1fe: {  	v48 =	vmul.f32 v22, v55;
	v29 =	vadd.f32 v41, v51;
	v56 =	vmul.f32 v13, v1  }
0x1ff: {  	v59 =	vor.u32 $0x1, v30  }
0x200: {  	v57 =	vld.idx.msk [tilespmem:v27+s2+$0x0], $0xffff;
	v27 =	vadd.f32 v48, v31;
	v31 =	vmul.f32 v13, v6;
	v5 =	vadd.f32 v56, v29  }
0x201: {  	[tilespmem:v26+s14+$0x0] =	vst.idx.msk $0xffff, v28  }
0x202: {  	[tilespmem:$0x1F3D0] =	vst v5;
	v5 =	vadd.f32 v31, v27  }
0x203: {  	v25 =	vadd.s32 $0x1A, v42;
	[tilespmem:v40+s14+$0x0] =	vst.idx.msk $0xffff, v53  }
0x204: {  	v26 =	vld.idx.msk [tilespmem:v50+s2+$0x0], $0xffff;
	[tilespmem:$0x1F460] =	vst v5  }
0x205: {  	[tilespmem:v59+s14+$0x0] =	vst.idx.msk $0xffff, v52  }
0x206: {  	v29 =	vmul.f32 v45, v23;
	v23 =	vld [tilespmem:$0x1FA10]  }
0x207: {  	v17 =	vld [tilespmem:$0x1FA20]  }
0x208: {  	v28 =	vadd.s32 $0x27, v3;
	v37 =	vld [tilespmem:$0x1FE00];
	[tilespmem:v25+s14+$0x0] =	vst.idx.msk $0xffff, v57  }
0x209: {  	v27 =	vld [tilespmem:$0x1FA30];
	_ =	sdelay $0x2  }
0x20a: {  	v59 =	vmul.f32 v35, v23;
	v52 =	vmul.f32 v58, v17  }
0x20b: {  	v33 =	vld [tilespmem:$0x1FE20];
	[tilespmem:v28+s14+$0x0] =	vst.idx.msk $0xffff, v26  }
0x20c: {  	v54 =	vmovc v49;
	v41 =	vadd.s32 $0x1C0F, v49;
	v49 =	vld [tilespmem:$0x1FE70];
	v25 =	vmul.f32 v7, v27;
	v32 =	vadd.f32 v52, v59  }
0x20d: {  	v52 =	vld [tilespmem:$0x1FF30]  }
0x20e: {  	v31 =	vmul.f32 v47, v14;
	v57 =	vadd.f32 v25, v32;
	v32 =	vld [tilespmem:$0x1FE60]  }
0x20f: {  	v59 =	vld [tilespmem:$0x1FF40]  }
0x210: {  	v29 =	vadd.f32 v31, v29;
	v31 =	vmul.f32 v46, v10;
	v5 =	vld [tilespmem:$0x1FF50]  }
0x211: {  	v50 =	vmul.f32 v21, v37;
	v48 =	vmul.f32 v22, v33  }
0x212: {  	v56 =	vadd.f32 v31, v29;
	v25 =	vmul.f32 v21, v49  }
0x213: {  	v28 =	vadd.f32 v48, v50;
	v26 =	vmul.f32 v22, v52;
	v29 =	vmul.f32 v13, v32  }
0x214: {  	v31 =	vmul.f32 v13, v59  }
0x215: {  	v25 =	vadd.f32 v26, v25;
	v26 =	vmul.f32 v22, v5;
	v5 =	vadd.f32 v29, v28  }
0x216: {  	v28 =	vmul.f32 v47, v19;
	v19 =	vld [tilespmem:$0x1FB40]  }
0x217: {  	v10 =	vld [tilespmem:$0x1FDE0];
	[tilespmem:$0x1F470] =	vst v5;
	v5 =	vadd.f32 v31, v25  }
0x218: {  	v18 =	vld [tilespmem:$0x1FA60]  }
0x219: {  	[tilespmem:$0x1F480] =	vst v5;
	v5 =	vld [tilespmem:$0x1FAD0];
	_ =	sdelay $0x1  }
0x21a: {  	v11 =	vmov v7;
	v48 =	vmul.f32 v7, v19;
	v7 =	vld [tilespmem:$0x1F9D0]  }
0x21b: {  	v53 =	vmul.f32 v45, v10  }
0x21c: {  	v50 =	vmul.f32 v46, v60  }
0x21d: {  	v29 =	vmul.f32 v35, v18;
	v28 =	vadd.f32 v28, v53;
	v25 =	vmul.f32 v58, v5;
	_ =	sdelay $0x1  }
0x21e: {  	v25 =	vadd.f32 v25, v29;
	v29 =	vmul.f32 v22, v7;
	v7 =	vadd.f32 v50, v28;
	_ =	sdelay $0x1  }
0x21f: {  	[tilespmem:$0x1F310] =	vst v7;
	v7 =	vld [tilespmem:$0x1FF60];
	_ =	sdelay $0x4  }
0x220: {  	v31 =	vld [tilespmem:$0x1F9A0];
	v28 =	vmul.f32 v13, v7;
	v7 =	vadd.f32 v48, v25;
	_ =	sdelay $0x1  }
0x221: {  	[tilespmem:$0x1F320] =	vst v7;
	v7 =	vld [tilespmem:$0x1F9E0];
	_ =	sdelay $0x2  }
0x222: {  	v60 =	vmul.f32 v21, v63;
	v51 =	vmul.f32 v21, v31;
	_ =	sdelay $0x1  }
0x223: {  	v26 =	vadd.f32 v26, v51;
	v29 =	vadd.f32 v29, v60;
	v63 =	vmul.f32 v13, v7;
	_ =	sdelay $0x1  }
0x224: {  	v7 =	vadd.f32 v28, v26;
	v28 =	vmul.f32 v45, v0;
	v0 =	vadd.f32 v63, v29;
	_ =	sdelay $0x1  }
0x225: {  	[tilespmem:$0x1F500] =	vst v0;
	v0 =	vld [tilespmem:$0x1FC50];
	_ =	sdelay $0x1  }
0x226: {  	v8 =	vld [tilespmem:$0x1FAE0]  }
0x227: {  	v26 =	vld [tilespmem:$0x1FA70];
	_ =	sdelay $0x1  }
0x228: {  	v51 =	vmul.f32 v22, v0;
	v0 =	vld [tilespmem:$0x1FEA0]  }
0x229: {  	v60 =	vmul.f32 v47, v24  }
0x22a: {  	v50 =	vmul.f32 v46, v16  }
0x22b: {  	v63 =	vmul.f32 v58, v8;
	v28 =	vadd.f32 v60, v28;
	v29 =	vmul.f32 v35, v26;
	_ =	sdelay $0x1  }
0x22c: {  	v29 =	vadd.f32 v63, v29;
	v63 =	vmul.f32 v21, v0;
	v0 =	vadd.f32 v50, v28;
	_ =	sdelay $0x1  }
0x22d: {  	[tilespmem:$0x1F350] =	vst v0;
	v0 =	vld [tilespmem:$0x1FC60];
	_ =	sdelay $0x2  }
0x22e: {  	v16 =	vld [tilespmem:$0x1FB50];
	_ =	sdelay $0x1  }
0x22f: {  	v28 =	vmul.f32 v13, v0;
	v0 =	vld [tilespmem:$0x1FC90];
	_ =	sdelay $0x2  }
0x230: {  	v60 =	vmul.f32 v11, v16;
	_ =	sdelay $0x1  }
0x231: {  	v50 =	vmul.f32 v22, v0;
	v0 =	vadd.f32 v60, v29;
	_ =	sdelay $0x1  }
0x232: {  	[tilespmem:$0x1F360] =	vst v0;
	v0 =	vld [tilespmem:$0x1FC80];
	_ =	sdelay $0x4  }
0x233: {  	v29 =	vmul.f32 v21, v0;
	v0 =	vld [tilespmem:$0x1FCA0];
	_ =	sdelay $0x2  }
0x234: {  	v48 =	vadd.f32 v51, v63;
	_ =	sdelay $0x1  }
0x235: {  	v29 =	vadd.f32 v50, v29;
	v53 =	vmul.f32 v13, v0;
	v0 =	vadd.f32 v28, v48;
	_ =	sdelay $0x1  }
0x236: {  	v14 =	vld [tilespmem:$0x1FA80];
	[tilespmem:$0x1F520] =	vst v0;
	v0 =	vadd.f32 v53, v29  }
0x237: {  	[tilespmem:$0x1F4F0] =	vst v7;
	v7 =	vld [tilespmem:$0x1FAF0]  }
0x238: {  	[tilespmem:$0x1F530] =	vst v0;
	v0 =	vld [tilespmem:$0x1FCC0]  }
0x239: {  	v51 =	vmul.f32 v45, v20;
	v60 =	vmul.f32 v47, v61  }
0x23a: {  	v20 =	vld [tilespmem:$0x1FB60]  }
0x23b: {  	v48 =	vadd.f32 v60, v51;
	v51 =	vmul.f32 v46, v1  }
0x23c: {  	v61 =	vmul.f32 v58, v7  }
0x23d: {  	v50 =	vmul.f32 v35, v14;
	v53 =	vadd.f32 v51, v48;
	v48 =	vmul.f32 v21, v0;
	v0 =	vld [tilespmem:$0x1FCE0];
	_ =	sdelay $0x1  }
0x23e: {  	v50 =	vadd.f32 v61, v50;
	v60 =	vmul.f32 v11, v20;
	v1 =	vld [tilespmem:$0x1F290];
	_ =	sdelay $0x1  }
0x23f: {  	v51 =	vadd.f32 v60, v50;
	v50 =	vmul.f32 v22, v34  }
0x240: {  	v34 =	vmul.f32 v21, v36;
	v36 =	vmul.f32 v13, v0;
	v0 =	vld [tilespmem:$0x1F280];
	_ =	sdelay $0x3  }
0x241: {  	v39 =	vor.u32 $0x2, v9  }
0x242: {  	[tilespmem:v1+s14+$0x0] =	vst.idx.msk $0xffff, v0  }
0x243: {  	v1 =	vld [tilespmem:$0x1F2A0]  }
0x244: {  	v38 =	vor.u32 $0x1C02, v44;
	_ =	sdelay $0x1  }
0x245: {  	v61 =	vmul.f32 v22, v62;
	v62 =	vmul.f32 v13, v15;
	v50 =	vadd.f32 v50, v34;
	v39 =	vld.idx.msk [tilespmem:v39+s2+$0x0], $0xffff;
	_ =	sdelay $0x1  }
0x246: {  	v0 =	vadd.f32 v62, v50  }
0x247: {  	v34 =	vmul.f32 v47, v55;
	v55 =	vld.idx.msk [tilespmem:v38+s2+$0x0], $0xffff  }
0x248: {  	v15 =	vld [tilespmem:$0x1FA90];
	[tilespmem:$0x1F560] =	vst v0  }
0x249: {  	v10 =	vld [tilespmem:$0x1FB00];
	[tilespmem:v1+s14+$0x0] =	vst.idx.msk $0xffff, v39  }
0x24a: {  	v60 =	vmul.f32 v45, v4;
	v48 =	vadd.f32 v61, v48;
	v4 =	vld [tilespmem:$0x1FDD0]  }
0x24b: {  	v24 =	vadd.s32 $0x32, v42;
	v1 =	vld [tilespmem:$0x1F2B0]  }
0x24c: {  	v36 =	vadd.f32 v36, v48;
	v48 =	vor.u32 $0x2, v42;
	_ =	sdelay $0x1  }
0x24d: {  	v38 =	vmul.f32 v46, v6;
	v50 =	vadd.f32 v34, v60  }
0x24e: {  	v61 =	vadd.f32 v56, v4  }
0x24f: {  	v25 =	vmov v13;
	v13 =	vmov v43;
	v60 =	vadd.f32 v38, v50;
	v62 =	vld.idx.msk [tilespmem:v41+s2+$0x0], $0xffff;
	[tilespmem:v24+s14+$0x0] =	vst.idx.msk $0xffff, v55  }
0x250: {  	v38 =	vor.u32 $0x3, v43;
	v34 =	vmul.f32 v35, v15;
	v0 =	vmul.f32 v58, v10;
	v43 =	vld [tilespmem:$0x1F2C0];
	[tilespmem:v48+s14+$0x0] =	vst.idx.msk $0xffff, v61  }
0x251: {  	v63 =	vadd.s32 $0x3F, v3;
	v29 =	vld [tilespmem:$0x1FA50]  }
0x252: {  	v50 =	vadd.s32 $0x26, v2;
	v0 =	vadd.f32 v0, v34;
	v34 =	vld.idx.msk [tilespmem:v1+s2+$0x0], $0xffff  }
0x253: {  	v39 =	vadd.s32 $0xF, v3;
	_ =	sdelay $0x2  }
0x254: {  	v61 =	vld [tilespmem:$0x1F2D0];
	[tilespmem:v63+s14+$0x0] =	vst.idx.msk $0xffff, v62;
	v41 =	vadd.f32 v57, v29  }
0x255: {  	v40 =	vor.u32 $0x1C02, v12;
	v6 =	vld [tilespmem:$0x1FB70];
	[tilespmem:v50+s14+$0x0] =	vst.idx.msk $0xffff, v34  }
0x256: {  	[tilespmem:v39+s14+$0x0] =	vst.idx.msk $0xffff, v41  }
0x257: {  	v1 =	vld [tilespmem:$0x1F2E0]  }
0x258: {  	v55 =	vmul.f32 v22, v17;
	v56 =	vmul.f32 v21, v23  }
0x259: {  	v24 =	vadd.s32 $0x10, v43  }
0x25a: {  	v40 =	vld.idx.msk [tilespmem:v40+s2+$0x0], $0xffff;
	v55 =	vadd.f32 v55, v56;
	v63 =	vmul.f32 v25, v27;
	v57 =	vadd.s32 $0x32, v30  }
0x25b: {  	v56 =	vor.u32 $0x2, v30;
	v62 =	vmul.f32 v11, v6  }
0x25c: {  	v34 =	vadd.f32 v1, v4;
	v1 =	vadd.f32 v63, v55  }
0x25d: {  	v38 =	vld.idx.msk [tilespmem:v38+s2+$0x0], $0xffff;
	v48 =	vadd.s32 $0x1C0E, v61;
	v39 =	vadd.s32 $0x1B, v42;
	v50 =	vadd.f32 v62, v0  }
0x25e: {  	v24 =	vld.idx.msk [tilespmem:v24+s2+$0x0], $0xffff;
	v62 =	vmul.f32 v21, v18;
	v55 =	vmul.f32 v22, v5;
	[tilespmem:$0x1F580] =	vst v1  }
0x25f: {  	[tilespmem:v57+s14+$0x0] =	vst.idx.msk $0xffff, v40;
	v40 =	vmul.f32 v45, v37;
	v37 =	vmul.f32 v47, v33  }
0x260: {  	v0 =	vadd.s32 $0x28, v3;
	v33 =	vmul.f32 v25, v19;
	[tilespmem:v56+s14+$0x0] =	vst.idx.msk $0xffff, v34;
	v34 =	vadd.f32 v55, v62;
	_ =	sdelay $0x1  }
0x261: {  	[tilespmem:v39+s14+$0x0] =	vst.idx.msk $0xffff, v38;
	v48 =	vld.idx.msk [tilespmem:v48+s2+$0x0], $0xffff;
	v1 =	vadd.f32 v33, v34  }
0x262: {  	v28 =	vld [tilespmem:$0x1FAA0]  }
0x263: {  	v38 =	vld [tilespmem:$0x1FB10];
	[tilespmem:$0x1F5A0] =	vst v1  }
0x264: {  	[tilespmem:v0+s14+$0x0] =	vst.idx.msk $0xffff, v24  }
0x265: {  	v24 =	vmul.f32 v22, v8;
	v8 =	vld [tilespmem:$0x1FB80];
	_ =	sdelay $0x1  }
0x266: {  	v39 =	vadd.f32 v37, v40;
	v40 =	vmul.f32 v46, v32  }
0x267: {  	v55 =	vor.u32 $0x3, v9;
	v63 =	vmul.f32 v35, v28;
	v33 =	vmul.f32 v58, v38;
	_ =	sdelay $0x1  }
0x268: {  	v0 =	vadd.f32 v40, v39;
	v34 =	vadd.f32 v33, v63;
	v37 =	vmul.f32 v11, v8;
	_ =	sdelay $0x1  }
0x269: {  	v1 =	vmul.f32 v22, v7;
	v7 =	vld [tilespmem:$0x1FA40];
	[tilespmem:$0x1F5C0] =	vst v0;
	v4 =	vadd.f32 v37, v34  }
0x26a: {  	v55 =	vld.idx.msk [tilespmem:v55+s2+$0x0], $0xffff  }
0x26b: {  	[tilespmem:$0x1F5D0] =	vst v4;
	v4 =	vld [tilespmem:$0x1F2F0]  }
0x26c: {  	v41 =	vadd.s32 $0x3E, v2;
	v62 =	vor.u32 $0x1C03, v44  }
0x26d: {  	v57 =	vadd.s32 $0xE, v2;
	_ =	sdelay $0x1  }
0x26e: {  	v0 =	vmul.f32 v21, v14;
	v63 =	vadd.s32 $0x1B, v30  }
0x26f: {  	v5 =	vadd.s32 $0x1C10, v54;
	v39 =	vmul.f32 v21, v26;
	v23 =	vadd.f32 v4, v7  }
0x270: {  	v40 =	vmul.f32 v25, v20;
	v1 =	vadd.f32 v1, v0;
	v34 =	vld.idx.msk [tilespmem:v62+s2+$0x0], $0xffff;
	[tilespmem:v41+s14+$0x0] =	vst.idx.msk $0xffff, v48  }
0x271: {  	v24 =	vadd.f32 v24, v39;
	v33 =	vadd.s32 $0x33, v42;
	v18 =	vld [tilespmem:$0x1F300];
	[tilespmem:v57+s14+$0x0] =	vst.idx.msk $0xffff, v23;
	v23 =	vmul.f32 v25, v16  }
0x272: {  	v1 =	vadd.f32 v40, v1  }
0x273: {  	[tilespmem:v63+s14+$0x0] =	vst.idx.msk $0xffff, v55;
	v7 =	vadd.f32 v23, v24  }
0x274: {  	v5 =	vld.idx.msk [tilespmem:v5+s2+$0x0], $0xffff;
	[tilespmem:$0x1F600] =	vst v1  }
0x275: {  	[tilespmem:$0x1F5E0] =	vst v7  }
0x276: {  	[tilespmem:v33+s14+$0x0] =	vst.idx.msk $0xffff, v34  }
0x277: {  	v7 =	vld [tilespmem:$0x1FE40]  }
0x278: {  	v16 =	vld [tilespmem:$0x1F310]  }
0x279: {  	v57 =	vadd.s32 $0x40, v3  }
0x27a: {  	v37 =	vor.u32 $0x3, v42;
	_ =	sdelay $0x2  }
0x27b: {  	v20 =	vld [tilespmem:$0x1FAB0];
	v63 =	vadd.f32 v16, v7  }
0x27c: {  	v16 =	vld [tilespmem:$0x1FB20];
	[tilespmem:v57+s14+$0x0] =	vst.idx.msk $0xffff, v5  }
0x27d: {  	[tilespmem:v37+s14+$0x0] =	vst.idx.msk $0xffff, v63  }
0x27e: {  	v24 =	vld [tilespmem:$0x1FBC0]  }
0x27f: {  	v33 =	vmul.f32 v22, v10;
	v10 =	vld [tilespmem:$0x1F320];
	_ =	sdelay $0x1  }
0x280: {  	v34 =	vadd.s32 $0x10, v3;
	_ =	sdelay $0x2  }
0x281: {  	v39 =	vadd.f32 v10, v24  }
0x282: {  	v4 =	vadd.s32 $0xF, v18  }
0x283: {  	v17 =	vmov v54;
	v54 =	vmul.f32 v45, v49;
	[tilespmem:v34+s14+$0x0] =	vst.idx.msk $0xffff, v39  }
0x284: {  	v0 =	vmul.f32 v47, v52;
	v1 =	vor.u32 $0x1C03, v12;
	v10 =	vmovc v61;
	v34 =	vadd.s32 $0x1C0F, v61;
	v61 =	vld [tilespmem:$0x1FB90];
	_ =	sdelay $0x1  }
0x285: {  	v0 =	vadd.f32 v0, v54  }
0x286: {  	v54 =	vadd.s32 $0x27, v2;
	v4 =	vld.idx.msk [tilespmem:v4+s2+$0x0], $0xffff;
	v55 =	vmul.f32 v35, v20;
	v32 =	vmul.f32 v58, v16  }
0x287: {  	v40 =	vmul.f32 v46, v59  }
0x288: {  	v1 =	vld.idx.msk [tilespmem:v1+s2+$0x0], $0xffff;
	v57 =	vadd.s32 $0x33, v30;
	v5 =	vadd.f32 v32, v55;
	v49 =	vmul.f32 v11, v61;
	_ =	sdelay $0x1  }
0x289: {  	v32 =	vmul.f32 v22, v38;
	v38 =	vadd.f32 v40, v0;
	v0 =	vadd.f32 v49, v5  }
0x28a: {  	[tilespmem:v54+s14+$0x0] =	vst.idx.msk $0xffff, v4  }
0x28b: {  	[tilespmem:$0x1F620] =	vst v0  }
0x28c: {  	v41 =	vor.u32 $0x4, v13;
	[tilespmem:v57+s14+$0x0] =	vst.idx.msk $0xffff, v1  }
0x28d: {  	v56 =	vadd.s32 $0x11, v43;
	v1 =	vld [tilespmem:$0x1F330];
	_ =	sdelay $0x1  }
0x28e: {  	v4 =	vor.u32 $0x3, v30;
	_ =	sdelay $0x1  }
0x28f: {  	v59 =	vmul.f32 v25, v6;
	v6 =	vld.idx.msk [tilespmem:v41+s2+$0x0], $0xffff;
	v41 =	vadd.s32 $0x1C, v42  }
0x290: {  	v54 =	vld.idx.msk [tilespmem:v56+s2+$0x0], $0xffff;
	v56 =	vadd.s32 $0x29, v3;
	v1 =	vadd.f32 v1, v7  }
0x291: {  	v37 =	vmul.f32 v21, v15;
	v55 =	vadd.s32 $0x3F, v2;
	v34 =	vld.idx.msk [tilespmem:v34+s2+$0x0], $0xffff  }
0x292: {  	[tilespmem:v4+s14+$0x0] =	vst.idx.msk $0xffff, v1  }
0x293: {  	v48 =	vadd.f32 v33, v37;
	v0 =	vld [tilespmem:$0x1FF50]  }
0x294: {  	v33 =	vmul.f32 v21, v28;
	v57 =	vor.u32 $0x4, v9;
	v40 =	vld [tilespmem:$0x1FAC0];
	[tilespmem:v41+s14+$0x0] =	vst.idx.msk $0xffff, v6  }
0x295: {  	v52 =	vadd.f32 v59, v48;
	v59 =	vmul.f32 v22, v16;
	v16 =	vld [tilespmem:$0x1FB30];
	[tilespmem:v56+s14+$0x0] =	vst.idx.msk $0xffff, v54  }
0x296: {  	[tilespmem:v55+s14+$0x0] =	vst.idx.msk $0xffff, v34  }
0x297: {  	v37 =	vmul.f32 v25, v8;
	v48 =	vadd.f32 v32, v33;
	v8 =	vld [tilespmem:$0x1F340];
	_ =	sdelay $0x1  }
0x298: {  	v39 =	vadd.f32 v37, v48;
	v48 =	vadd.s32 $0x1C, v30;
	v41 =	vld.idx.msk [tilespmem:v57+s2+$0x0], $0xffff  }
0x299: {  	v6 =	vadd.s32 $0xF, v2  }
0x29a: {  	v7 =	vor.u32 $0x1C04, v44  }
0x29b: {  	v4 =	vmul.f32 v47, v0;
	v0 =	vmul.f32 v21, v20;
	v20 =	vadd.f32 v8, v29;
	v8 =	vld [tilespmem:$0x1FF60];
	_ =	sdelay $0x1  }
0x29c: {  	v28 =	vld [tilespmem:$0x1FBA0];
	[tilespmem:v48+s14+$0x0] =	vst.idx.msk $0xffff, v41  }
0x29d: {  	v5 =	vmul.f32 v45, v31;
	[tilespmem:v6+s14+$0x0] =	vst.idx.msk $0xffff, v20  }
0x29e: {  	v62 =	vadd.s32 $0x34, v42;
	v49 =	vmul.f32 v25, v61;
	v0 =	vadd.f32 v59, v0;
	v15 =	vld [tilespmem:$0x1FF00]  }
0x29f: {  	v4 =	vadd.f32 v4, v5;
	v5 =	vadd.s32 $0x1C11, v17;
	v33 =	vmul.f32 v46, v8;
	v8 =	vld.idx.msk [tilespmem:v7+s2+$0x0], $0xffff  }
0x2a0: {  	v49 =	vadd.f32 v49, v0;
	v0 =	vld [tilespmem:$0x1F350];
	_ =	sdelay $0x3  }
0x2a1: {  	v7 =	vld.idx.msk [tilespmem:v5+s2+$0x0], $0xffff;
	[tilespmem:v62+s14+$0x0] =	vst.idx.msk $0xffff, v8  }
0x2a2: {  	v6 =	vor.u32 $0x4, v42;
	v5 =	vadd.f32 v0, v15;
	v0 =	vld [tilespmem:$0x1F9C0]  }
0x2a3: {  	v1 =	vmul.f32 v35, v40;
	v32 =	vmul.f32 v58, v16;
	_ =	sdelay $0x1  }
0x2a4: {  	v37 =	vmul.f32 v11, v28;
	v1 =	vadd.f32 v32, v1;
	_ =	sdelay $0x1  }
0x2a5: {  	v56 =	vadd.f32 v37, v1;
	v37 =	vmul.f32 v45, v0;
	v0 =	vld [tilespmem:$0x1F9D0];
	[tilespmem:v6+s14+$0x0] =	vst.idx.msk $0xffff, v5  }
0x2a6: {  	v34 =	vadd.s32 $0x10, v18;
	v32 =	vmul.f32 v22, v16;
	v16 =	vld [tilespmem:$0x1FBD0]  }
0x2a7: {  	v5 =	vld [tilespmem:$0x1F360]  }
0x2a8: {  	v1 =	vadd.s32 $0x41, v3  }
0x2a9: {  	v48 =	vadd.s32 $0x11, v3;
	_ =	sdelay $0x1  }
0x2aa: {  	v54 =	vadd.s32 $0x28, v2;
	v34 =	vld.idx.msk [tilespmem:v34+s2+$0x0], $0xffff;
	v8 =	vadd.s32 $0x12, v43  }
0x2ab: {  	v5 =	vadd.f32 v5, v16  }
0x2ac: {  	[tilespmem:v1+s14+$0x0] =	vst.idx.msk $0xffff, v7  }
0x2ad: {  	v57 =	vadd.f32 v33, v4;
	v4 =	vor.u32 $0x1C04, v12;
	[tilespmem:v48+s14+$0x0] =	vst.idx.msk $0xffff, v5  }
0x2ae: {  	v5 =	vld [tilespmem:$0x1F370]  }
0x2af: {  	[tilespmem:v54+s14+$0x0] =	vst.idx.msk $0xffff, v34;
	v54 =	vld.idx.msk [tilespmem:v8+s2+$0x0], $0xffff  }
0x2b0: {  	v41 =	vor.u32 $0x5, v13;
	v8 =	vld [tilespmem:$0x1F9E0];
	_ =	sdelay $0x1  }
0x2b1: {  	v23 =	vmovc v17;
	v17 =	vmov v10;
	v4 =	vld.idx.msk [tilespmem:v4+s2+$0x0], $0xffff;
	v6 =	vadd.s32 $0x1C10, v10;
	v10 =	vadd.s32 $0x34, v30  }
0x2b2: {  	v59 =	vor.u32 $0x4, v30;
	v0 =	vmul.f32 v47, v0;
	v26 =	vld [tilespmem:$0x1FD10]  }
0x2b3: {  	v33 =	vmul.f32 v21, v40;
	v5 =	vadd.f32 v5, v15;
	v15 =	vld [tilespmem:$0x1FD20]  }
0x2b4: {  	v0 =	vadd.f32 v0, v37;
	v37 =	vld.idx.msk [tilespmem:v41+s2+$0x0], $0xffff;
	v48 =	vadd.s32 $0x1D, v42;
	v8 =	vmul.f32 v46, v8  }
0x2b5: {  	v1 =	vadd.f32 v32, v33;
	v7 =	vmul.f32 v25, v28  }
0x2b6: {  	[tilespmem:v10+s14+$0x0] =	vst.idx.msk $0xffff, v4;
	v0 =	vadd.f32 v8, v0  }
0x2b7: {  	v61 =	vadd.f32 v7, v1;
	[tilespmem:v59+s14+$0x0] =	vst.idx.msk $0xffff, v5  }
0x2b8: {  	v1 =	vld.idx.msk [tilespmem:v6+s2+$0x0], $0xffff;
	v40 =	vmul.f32 v35, v26;
	v58 =	vmul.f32 v58, v15;
	[tilespmem:$0x1F770] =	vst v0  }
0x2b9: {  	[tilespmem:v48+s14+$0x0] =	vst.idx.msk $0xffff, v37  }
0x2ba: {  	v0 =	vadd.f32 v58, v40;
	v40 =	vld [tilespmem:$0x1FBB0]  }
0x2bb: {  	v41 =	vor.u32 $0x5, v9  }
0x2bc: {  	v55 =	vadd.s32 $0x2A, v3  }
0x2bd: {  	v4 =	vadd.s32 $0x40, v2;
	v35 =	vor.u32 $0x1C05, v44;
	v7 =	vld [tilespmem:$0x1F380];
	_ =	sdelay $0x1  }
0x2be: {  	v5 =	vadd.s32 $0x10, v2;
	v34 =	vmul.f32 v11, v40  }
0x2bf: {  	v41 =	vld.idx.msk [tilespmem:v41+s2+$0x0], $0xffff;
	v58 =	vadd.s32 $0x1D, v30  }
0x2c0: {  	[tilespmem:v55+s14+$0x0] =	vst.idx.msk $0xffff, v54;
	v0 =	vadd.f32 v34, v0  }
0x2c1: {  	v6 =	vadd.s32 $0x1C12, v23;
	v37 =	vadd.s32 $0x35, v42;
	v35 =	vld.idx.msk [tilespmem:v35+s2+$0x0], $0xffff;
	[tilespmem:v4+s14+$0x0] =	vst.idx.msk $0xffff, v1;
	v10 =	vadd.f32 v7, v24  }
0x2c2: {  	[tilespmem:$0x1F960] =	vst v0  }
0x2c3: {  	[tilespmem:v5+s14+$0x0] =	vst.idx.msk $0xffff, v10  }
0x2c4: {  	v5 =	vld [tilespmem:$0x1F390];
	[tilespmem:v58+s14+$0x0] =	vst.idx.msk $0xffff, v41  }
0x2c5: {  	v7 =	vld [tilespmem:$0x1FED0]  }
0x2c6: {  	v1 =	vadd.s32 $0x42, v3;
	v0 =	vld.idx.msk [tilespmem:v6+s2+$0x0], $0xffff;
	[tilespmem:v37+s14+$0x0] =	vst.idx.msk $0xffff, v35  }
0x2c7: {  	v62 =	vor.u32 $0x5, v42;
	v22 =	vmul.f32 v22, v15;
	v15 =	vld [tilespmem:$0x1FBE0];
	_ =	sdelay $0x1  }
0x2c8: {  	v6 =	vadd.s32 $0x12, v3  }
0x2c9: {  	v10 =	vadd.f32 v53, v7  }
0x2ca: {  	v8 =	vld [tilespmem:$0x1F3A0];
	[tilespmem:v1+s14+$0x0] =	vst.idx.msk $0xffff, v0  }
0x2cb: {  	[tilespmem:v62+s14+$0x0] =	vst.idx.msk $0xffff, v10;
	v10 =	vadd.f32 v51, v15  }
0x2cc: {  	v11 =	vld [tilespmem:$0x1FBF0]  }
0x2cd: {  	v48 =	vadd.s32 $0x11, v18;
	v0 =	vld [tilespmem:$0x1F3B0];
	[tilespmem:v6+s14+$0x0] =	vst.idx.msk $0xffff, v10  }
0x2ce: {  	v10 =	vld [tilespmem:$0x1FC00]  }
0x2cf: {  	v6 =	vld [tilespmem:$0x1F3C0]  }
0x2d0: {  	v21 =	vmul.f32 v21, v26;
	v59 =	vor.u32 $0x1C05, v12  }
0x2d1: {  	v4 =	vor.u32 $0x6, v13  }
0x2d2: {  	v34 =	vadd.f32 v22, v21;
	v21 =	vadd.s32 $0x29, v2;
	v14 =	vld.idx.msk [tilespmem:v48+s2+$0x0], $0xffff;
	_ =	sdelay $0x1  }
0x2d3: {  	v6 =	vadd.f32 v6, v10  }
0x2d4: {  	v41 =	vld.idx.msk [tilespmem:v59+s2+$0x0], $0xffff  }
0x2d5: {  	v37 =	vadd.s32 $0x35, v30;
	v55 =	vadd.f32 v0, v11;
	v0 =	vld.idx.msk [tilespmem:v4+s2+$0x0], $0xffff;
	[tilespmem:$0x1F780] =	vst v6  }
0x2d6: {  	[tilespmem:v21+s14+$0x0] =	vst.idx.msk $0xffff, v14  }
0x2d7: {  	v35 =	vadd.f32 v8, v15;
	v8 =	vld [tilespmem:$0x1F3D0];
	_ =	sdelay $0x2  }
0x2d8: {  	[tilespmem:v37+s14+$0x0] =	vst.idx.msk $0xffff, v41  }
0x2d9: {  	v20 =	vld [tilespmem:$0x1FC10]  }
0x2da: {  	v33 =	vadd.f32 v8, v7;
	v8 =	vld [tilespmem:$0x1F3E0];
	_ =	sdelay $0x1  }
0x2db: {  	v22 =	vadd.s32 $0x13, v43  }
0x2dc: {  	v54 =	vor.u32 $0x5, v30  }
0x2dd: {  	v48 =	vadd.s32 $0x1C11, v17  }
0x2de: {  	v8 =	vadd.f32 v8, v20  }
0x2df: {  	v4 =	vadd.s32 $0x1E, v42  }
0x2e0: {  	v59 =	vld.idx.msk [tilespmem:v22+s2+$0x0], $0xffff;
	[tilespmem:$0x1F950] =	vst v8  }
0x2e1: {  	v8 =	vadd.s32 $0x15, v18;
	[tilespmem:v54+s14+$0x0] =	vst.idx.msk $0xffff, v33  }
0x2e2: {  	v32 =	vld.idx.msk [tilespmem:v48+s2+$0x0], $0xffff;
	[tilespmem:$0x1F790] =	vst v8;
	v8 =	vadd.s32 $0x16, v18  }
0x2e3: {  	[tilespmem:$0x1F970] =	vst v8  }
0x2e4: {  	[tilespmem:v4+s14+$0x0] =	vst.idx.msk $0xffff, v0  }
0x2e5: {  	v0 =	vadd.s32 $0x17, v18;
	v22 =	vld [tilespmem:$0x1FC20]  }
0x2e6: {  	[tilespmem:$0x1F3F0] =	vst v0;
	v0 =	vld [tilespmem:$0x1F400];
	_ =	sdelay $0x2  }
0x2e7: {  	v63 =	vadd.s32 $0x2B, v3;
	v1 =	vor.u32 $0x6, v9  }
0x2e8: {  	v58 =	vor.u32 $0x1C06, v44  }
0x2e9: {  	v51 =	vadd.s32 $0x41, v2;
	v0 =	vadd.f32 v0, v22;
	_ =	sdelay $0x1  }
0x2ea: {  	[tilespmem:$0x1F410] =	vst v0  }
0x2eb: {  	v6 =	vadd.s32 $0x11, v2;
	v8 =	vadd.s32 $0x1C15, v17;
	v0 =	vld.idx.msk [tilespmem:v1+s2+$0x0], $0xffff;
	[tilespmem:v63+s14+$0x0] =	vst.idx.msk $0xffff, v59  }
0x2ec: {  	v4 =	vld.idx.msk [tilespmem:v58+s2+$0x0], $0xffff;
	[tilespmem:$0x1F850] =	vst v8  }
0x2ed: {  	v7 =	vadd.s32 $0x1C16, v17;
	[tilespmem:v51+s14+$0x0] =	vst.idx.msk $0xffff, v32  }
0x2ee: {  	v5 =	vadd.f32 v5, v16;
	[tilespmem:$0x1F420] =	vst v7;
	v7 =	vadd.s32 $0x1C17, v17  }
0x2ef: {  	[tilespmem:$0x1F430] =	vst v7  }
0x2f0: {  	[tilespmem:v6+s14+$0x0] =	vst.idx.msk $0xffff, v5  }
0x2f1: {  	v33 =	vld [tilespmem:$0x1FC30]  }
0x2f2: {  	v5 =	vld [tilespmem:$0x1F440];
	_ =	sdelay $0x2  }
0x2f3: {  	v1 =	vadd.s32 $0x1E, v30;
	_ =	sdelay $0x1  }
0x2f4: {  	v5 =	vadd.f32 v5, v33;
	_ =	sdelay $0x1  }
0x2f5: {  	[tilespmem:$0x1F450] =	vst v5  }
0x2f6: {  	[tilespmem:v1+s14+$0x0] =	vst.idx.msk $0xffff, v0  }
0x2f7: {  	v1 =	vld [tilespmem:$0x1FEB0]  }
0x2f8: {  	v0 =	vld [tilespmem:$0x1F460];
	_ =	sdelay $0x1  }
0x2f9: {  	v53 =	vadd.s32 $0x1C13, v23;
	v62 =	vadd.s32 $0x12, v18;
	v37 =	vadd.s32 $0x14, v18  }
0x2fa: {  	v48 =	vadd.s32 $0x13, v18;
	v18 =	vadd.s32 $0x36, v42;
	v59 =	vor.u32 $0x1C06, v12  }
0x2fb: {  	v5 =	vld [tilespmem:$0x1F470]  }
0x2fc: {  	v7 =	vadd.f32 v0, v1;
	v0 =	vld [tilespmem:$0x1F980]  }
0x2fd: {  	v41 =	vor.u32 $0x6, v42;
	v54 =	vadd.s32 $0x1C12, v17  }
0x2fe: {  	v58 =	vadd.s32 $0x1C13, v17;
	v63 =	vadd.s32 $0x1C14, v17;
	v17 =	vadd.s32 $0x43, v3;
	v6 =	vld.idx.msk [tilespmem:v53+s2+$0x0], $0xffff  }
0x2ff: {  	v31 =	vld.idx.msk [tilespmem:v59+s2+$0x0], $0xffff;
	v59 =	vadd.s32 $0x36, v30;
	[tilespmem:v18+s14+$0x0] =	vst.idx.msk $0xffff, v4  }
0x300: {  	v27 =	vadd.s32 $0x13, v3;
	v51 =	vor.u32 $0x7, v13;
	v18 =	vadd.f32 v60, v1;
	v1 =	vld [tilespmem:$0x1F480]  }
0x301: {  	v32 =	vadd.s32 $0x2A, v2;
	v21 =	vadd.f32 v5, v0;
	v5 =	vld.idx.msk [tilespmem:v62+s2+$0x0], $0xffff  }
0x302: {  	v53 =	vadd.s32 $0x14, v43;
	v0 =	vld [tilespmem:$0x1F990];
	[tilespmem:v41+s14+$0x0] =	vst.idx.msk $0xffff, v18;
	v62 =	vor.u32 $0x6, v30  }
0x303: {  	v50 =	vadd.f32 v50, v11;
	[tilespmem:v17+s14+$0x0] =	vst.idx.msk $0xffff, v6  }
0x304: {  	[tilespmem:v59+s14+$0x0] =	vst.idx.msk $0xffff, v31  }
0x305: {  	v41 =	vadd.s32 $0x1F, v42;
	v6 =	vld.idx.msk [tilespmem:v51+s2+$0x0], $0xffff;
	[tilespmem:v27+s14+$0x0] =	vst.idx.msk $0xffff, v50  }
0x306: {  	v17 =	vor.u32 $0x7, v9;
	[tilespmem:v32+s14+$0x0] =	vst.idx.msk $0xffff, v5  }
0x307: {  	v4 =	vor.u32 $0x1C07, v44;
	v8 =	vld.idx.msk [tilespmem:v53+s2+$0x0], $0xffff;
	[tilespmem:v62+s14+$0x0] =	vst.idx.msk $0xffff, v7;
	v5 =	vadd.s32 $0x2E, v2  }
0x308: {  	v59 =	vld.idx.msk [tilespmem:v54+s2+$0x0], $0xffff;
	[tilespmem:$0x1F490] =	vst v5;
	v5 =	vadd.s32 $0x46, v2  }
0x309: {  	v28 =	vadd.f32 v1, v0;
	v0 =	vadd.s32 $0x2C, v3;
	[tilespmem:$0x1F4A0] =	vst v5  }
0x30a: {  	[tilespmem:v41+s14+$0x0] =	vst.idx.msk $0xffff, v6;
	v6 =	vadd.s32 $0x16, v2  }
0x30b: {  	v5 =	vld.idx.msk [tilespmem:v17+s2+$0x0], $0xffff;
	v17 =	vadd.s32 $0x2F, v2;
	[tilespmem:$0x1F4B0] =	vst v6  }
0x30c: {  	v7 =	vld.idx.msk [tilespmem:v4+s2+$0x0], $0xffff;
	[tilespmem:$0x1F4C0] =	vst v17;
	v17 =	vadd.s32 $0x47, v2  }
0x30d: {  	[tilespmem:$0x1F4D0] =	vst v17  }
0x30e: {  	[tilespmem:v0+s14+$0x0] =	vst.idx.msk $0xffff, v8  }
0x30f: {  	v0 =	vadd.s32 $0x17, v2;
	v6 =	vld [tilespmem:$0x1F9B0]  }
0x310: {  	[tilespmem:$0x1F4E0] =	vst v0;
	v0 =	vld [tilespmem:$0x1F4F0]  }
0x311: {  	v26 =	vadd.s32 $0x13, v2;
	v14 =	vadd.s32 $0x2B, v2  }
0x312: {  	v60 =	vadd.s32 $0x12, v2;
	v18 =	vadd.s32 $0x42, v2;
	v31 =	vadd.s32 $0x2D, v2  }
0x313: {  	v51 =	vadd.s32 $0x43, v2;
	v50 =	vadd.s32 $0x44, v2;
	v27 =	vadd.s32 $0x45, v2  }
0x314: {  	v53 =	vadd.s32 $0x14, v2;
	v32 =	vadd.s32 $0x2C, v2;
	v54 =	vadd.s32 $0x15, v2;
	v2 =	vld [tilespmem:$0x1F500]  }
0x315: {  	v17 =	vadd.f32 v0, v6;
	v0 =	vld [tilespmem:$0x1FC40];
	_ =	sdelay $0x4  }
0x316: {  	v0 =	vadd.f32 v2, v0;
	_ =	sdelay $0x1  }
0x317: {  	[tilespmem:$0x1F510] =	vst v0  }
0x318: {  	[tilespmem:v18+s14+$0x0] =	vst.idx.msk $0xffff, v59  }
0x319: {  	v0 =	vld [tilespmem:$0x1FC70]  }
0x31a: {  	v2 =	vld [tilespmem:$0x1F520];
	_ =	sdelay $0x4  }
0x31b: {  	v59 =	vadd.f32 v2, v0;
	v0 =	vld [tilespmem:$0x1FCB0]  }
0x31c: {  	v2 =	vld [tilespmem:$0x1F530];
	_ =	sdelay $0x4  }
0x31d: {  	v0 =	vadd.f32 v2, v0;
	_ =	sdelay $0x1  }
0x31e: {  	[tilespmem:$0x1F540] =	vst v0  }
0x31f: {  	v4 =	vld [tilespmem:$0x1F980];
	[tilespmem:v60+s14+$0x0] =	vst.idx.msk $0xffff, v35  }
0x320: {  	v2 =	vld [tilespmem:$0x1FCF0];
	_ =	sdelay $0x4  }
0x321: {  	v2 =	vadd.f32 v36, v2  }
0x322: {  	v8 =	vld [tilespmem:$0x1F560]  }
0x323: {  	[tilespmem:$0x1F550] =	vst v2;
	v2 =	vld [tilespmem:$0x1FA40];
	_ =	sdelay $0x2  }
0x324: {  	v1 =	vadd.s32 $0x1F, v30;
	_ =	sdelay $0x1  }
0x325: {  	v2 =	vadd.f32 v8, v2;
	_ =	sdelay $0x1  }
0x326: {  	[tilespmem:$0x1F570] =	vst v2  }
0x327: {  	[tilespmem:v1+s14+$0x0] =	vst.idx.msk $0xffff, v5  }
0x328: {  	v1 =	vld [tilespmem:$0x1F580];
	_ =	sdelay $0x2  }
0x329: {  	v62 =	vadd.s32 $0x37, v42;
	_ =	sdelay $0x1  }
0x32a: {  	v5 =	vadd.f32 v1, v29;
	_ =	sdelay $0x1  }
0x32b: {  	[tilespmem:$0x1F590] =	vst v5  }
0x32c: {  	[tilespmem:v62+s14+$0x0] =	vst.idx.msk $0xffff, v7  }
0x32d: {  	v1 =	vld [tilespmem:$0x1F5A0]  }
0x32e: {  	v41 =	vmov v40;
	v40 =	vadd.s32 $0x1C14, v23;
	_ =	sdelay $0x3  }
0x32f: {  	v1 =	vadd.f32 v1, v24  }
0x330: {  	v5 =	vld.idx.msk [tilespmem:v40+s2+$0x0], $0xffff  }
0x331: {  	[tilespmem:$0x1F5B0] =	vst v1;
	v1 =	vld [tilespmem:$0x1F5C0];
	_ =	sdelay $0x4  }
0x332: {  	v1 =	vadd.f32 v1, v4;
	v4 =	vld [tilespmem:$0x1F5D0];
	_ =	sdelay $0x3  }
0x333: {  	v35 =	vld.idx.msk [tilespmem:v48+s2+$0x0], $0xffff  }
0x334: {  	v48 =	vadd.f32 v4, v10;
	v4 =	vld [tilespmem:$0x1F5E0];
	_ =	sdelay $0x4  }
0x335: {  	v4 =	vadd.f32 v4, v16;
	_ =	sdelay $0x1  }
0x336: {  	[tilespmem:$0x1F5F0] =	vst v4;
	v4 =	vld [tilespmem:$0x1F600];
	_ =	sdelay $0x1  }
0x337: {  	v0 =	vor.u32 $0x1C07, v12  }
0x338: {  	v2 =	vor.u32 $0x7, v42;
	_ =	sdelay $0x1  }
0x339: {  	v4 =	vadd.f32 v4, v15;
	_ =	sdelay $0x1  }
0x33a: {  	v0 =	vld.idx.msk [tilespmem:v0+s2+$0x0], $0xffff;
	[tilespmem:$0x1F610] =	vst v4  }
0x33b: {  	v18 =	vadd.s32 $0x8, v13;
	v60 =	vmov v13;
	v13 =	vld [tilespmem:$0x1F990];
	[tilespmem:v2+s14+$0x0] =	vst.idx.msk $0xffff, v1  }
0x33c: {  	v1 =	vld [tilespmem:$0x1F620];
	_ =	sdelay $0x2  }
0x33d: {  	v8 =	vadd.s32 $0x44, v3;
	_ =	sdelay $0x1  }
0x33e: {  	v29 =	vadd.s32 $0x14, v3;
	v2 =	vadd.f32 v1, v20;
	v1 =	vadd.f32 v52, v11  }
0x33f: {  	v24 =	vadd.s32 $0x15, v43;
	v16 =	vadd.s32 $0x37, v30  }
0x340: {  	[tilespmem:$0x1F630] =	vst v1;
	v1 =	vor.u32 $0x7, v30  }
0x341: {  	v7 =	vadd.s32 $0x8, v9;
	[tilespmem:v8+s14+$0x0] =	vst.idx.msk $0xffff, v5;
	v5 =	vld.idx.msk [tilespmem:v18+s2+$0x0], $0xffff;
	v18 =	vadd.s32 $0x20, v42  }
0x342: {  	v19 =	vmov v43;
	v43 =	vmov v60;
	v60 =	vadd.s32 $0x1C08, v44;
	[tilespmem:v14+s14+$0x0] =	vst.idx.msk $0xffff, v35  }
0x343: {  	[tilespmem:v29+s14+$0x0] =	vst.idx.msk $0xffff, v48  }
0x344: {  	v62 =	vadd.s32 $0x2D, v3;
	[tilespmem:v16+s14+$0x0] =	vst.idx.msk $0xffff, v0;
	v35 =	vld.idx.msk [tilespmem:v24+s2+$0x0], $0xffff  }
0x345: {  	v0 =	vld.idx.msk [tilespmem:v58+s2+$0x0], $0xffff;
	[tilespmem:v1+s14+$0x0] =	vst.idx.msk $0xffff, v21  }
0x346: {  	v1 =	vadd.s32 $0xC, v9;
	[tilespmem:v18+s14+$0x0] =	vst.idx.msk $0xffff, v5;
	v5 =	vld.idx.msk [tilespmem:v7+s2+$0x0], $0xffff  }
0x347: {  	v36 =	vld.idx.msk [tilespmem:v60+s2+$0x0], $0xffff;
	[tilespmem:$0x1F640] =	vst v1;
	v1 =	vadd.s32 $0xD, v9  }
0x348: {  	v16 =	vadd.f32 v49, v20;
	v20 =	vadd.s32 $0x1C15, v23;
	[tilespmem:$0x1F650] =	vst v1  }
0x349: {  	v1 =	vadd.s32 $0xE, v9;
	[tilespmem:v62+s14+$0x0] =	vst.idx.msk $0xffff, v35  }
0x34a: {  	[tilespmem:$0x1F660] =	vst v1;
	v1 =	vadd.s32 $0xF, v9  }
0x34b: {  	[tilespmem:$0x1F670] =	vst v1  }
0x34c: {  	v8 =	vadd.s32 $0x20, v30;
	v1 =	vadd.s32 $0x10, v9;
	[tilespmem:v51+s14+$0x0] =	vst.idx.msk $0xffff, v0  }
0x34d: {  	v0 =	vld.idx.msk [tilespmem:v20+s2+$0x0], $0xffff;
	[tilespmem:$0x1F680] =	vst v1  }
0x34e: {  	v1 =	vadd.s32 $0x11, v9;
	[tilespmem:v26+s14+$0x0] =	vst.idx.msk $0xffff, v55  }
0x34f: {  	[tilespmem:$0x1F690] =	vst v1;
	v1 =	vadd.s32 $0x12, v9  }
0x350: {  	v60 =	vadd.s32 $0x38, v42;
	[tilespmem:$0x1F6A0] =	vst v1  }
0x351: {  	v38 =	vadd.f32 v38, v13;
	v7 =	vadd.s32 $0x45, v3;
	v1 =	vadd.s32 $0x13, v9;
	[tilespmem:v8+s14+$0x0] =	vst.idx.msk $0xffff, v5  }
0x352: {  	v13 =	vadd.f32 v39, v10;
	v62 =	vadd.s32 $0x8, v42;
	v5 =	vld.idx.msk [tilespmem:v37+s2+$0x0], $0xffff;
	[tilespmem:$0x1F6B0] =	vst v1;
	v1 =	vadd.s32 $0x14, v9  }
0x353: {  	v10 =	vadd.s32 $0x15, v3;
	v4 =	vadd.s32 $0x1C08, v12;
	[tilespmem:$0x1F6C0] =	vst v1;
	v1 =	vadd.s32 $0x15, v9  }
0x354: {  	v20 =	vadd.s32 $0x9, v43;
	[tilespmem:$0x1F6D0] =	vst v1  }
0x355: {  	[tilespmem:v60+s14+$0x0] =	vst.idx.msk $0xffff, v36  }
0x356: {  	v40 =	vadd.f32 v56, v22;
	v56 =	vadd.s32 $0xA, v9;
	[tilespmem:v7+s14+$0x0] =	vst.idx.msk $0xffff, v0  }
0x357: {  	v39 =	vadd.s32 $0x16, v19;
	v15 =	vadd.s32 $0x16, v9;
	v29 =	vadd.f32 v57, v6;
	[tilespmem:v62+s14+$0x0] =	vst.idx.msk $0xffff, v38  }
0x358: {  	v6 =	vadd.s32 $0xB, v9;
	v58 =	vadd.s32 $0x17, v9;
	v1 =	vadd.s32 $0x1C0C, v12;
	v8 =	vld.idx.msk [tilespmem:v4+s2+$0x0], $0xffff;
	[tilespmem:v10+s14+$0x0] =	vst.idx.msk $0xffff, v2  }
0x359: {  	v18 =	vadd.s32 $0x9, v9;
	v9 =	vadd.s32 $0x38, v30;
	v0 =	vld.idx.msk [tilespmem:v20+s2+$0x0], $0xffff;
	[tilespmem:$0x1F6E0] =	vst v1;
	v1 =	vadd.s32 $0x1C0D, v12  }
0x35a: {  	[tilespmem:$0x1F6F0] =	vst v1  }
0x35b: {  	v1 =	vadd.s32 $0x1C0E, v12;
	[tilespmem:v32+s14+$0x0] =	vst.idx.msk $0xffff, v5  }
0x35c: {  	v5 =	vld.idx.msk [tilespmem:v39+s2+$0x0], $0xffff;
	[tilespmem:$0x1F700] =	vst v1;
	v1 =	vadd.s32 $0x1C0F, v12  }
0x35d: {  	v21 =	vadd.s32 $0x8, v30;
	[tilespmem:$0x1F710] =	vst v1  }
0x35e: {  	v1 =	vadd.s32 $0x1C10, v12;
	[tilespmem:v9+s14+$0x0] =	vst.idx.msk $0xffff, v8  }
0x35f: {  	v8 =	vld.idx.msk [tilespmem:v63+s2+$0x0], $0xffff;
	[tilespmem:$0x1F720] =	vst v1;
	v1 =	vadd.s32 $0x1C11, v12  }
0x360: {  	v20 =	vadd.s32 $0x21, v42;
	[tilespmem:$0x1F730] =	vst v1;
	v1 =	vadd.s32 $0x1C12, v12  }
0x361: {  	v10 =	vadd.s32 $0x2E, v3;
	[tilespmem:$0x1F740] =	vst v1  }
0x362: {  	v1 =	vadd.s32 $0x1C13, v12;
	[tilespmem:v21+s14+$0x0] =	vst.idx.msk $0xffff, v28  }
0x363: {  	[tilespmem:$0x1F750] =	vst v1;
	v1 =	vadd.s32 $0x1C14, v12  }
0x364: {  	[tilespmem:$0x1F760] =	vst v1  }
0x365: {  	[tilespmem:v20+s14+$0x0] =	vst.idx.msk $0xffff, v0  }
0x366: {  	[tilespmem:v10+s14+$0x0] =	vst.idx.msk $0xffff, v5  }
0x367: {  	v49 =	vadd.s32 $0x1C16, v23;
	v0 =	vld.idx.msk [tilespmem:v18+s2+$0x0], $0xffff;
	[tilespmem:v50+s14+$0x0] =	vst.idx.msk $0xffff, v8  }
0x368: {  	v24 =	vadd.s32 $0x1C17, v23;
	v23 =	vadd.s32 $0x47, v3;
	v38 =	vadd.s32 $0x2F, v3;
	v1 =	vld [tilespmem:$0x1FC40]  }
0x369: {  	v32 =	vadd.s32 $0x16, v3;
	v18 =	vadd.s32 $0x46, v3;
	v20 =	vadd.s32 $0x17, v3;
	v3 =	vld [tilespmem:$0x1F770];
	_ =	sdelay $0x3  }
0x36a: {  	v9 =	vadd.s32 $0x21, v30  }
0x36b: {  	v48 =	vadd.f32 v3, v1;
	v1 =	vld [tilespmem:$0x1F780];
	_ =	sdelay $0x3  }
0x36c: {  	v2 =	vadd.s32 $0x1C09, v44;
	[tilespmem:v9+s14+$0x0] =	vst.idx.msk $0xffff, v0  }
0x36d: {  	[tilespmem:v53+s14+$0x0] =	vst.idx.msk $0xffff, v1  }
0x36e: {  	v0 =	vld [tilespmem:$0x1F790]  }
0x36f: {  	v57 =	vadd.s32 $0x17, v19;
	v19 =	vadd.s32 $0x1C16, v12  }
0x370: {  	v35 =	vadd.s32 $0x1C09, v12;
	v55 =	vadd.s32 $0x1C17, v12;
	v36 =	vadd.s32 $0x1C0A, v12  }
0x371: {  	v7 =	vadd.s32 $0x1C0B, v12;
	v21 =	vadd.s32 $0x1C15, v12;
	v12 =	vadd.s32 $0x39, v42;
	v2 =	vld.idx.msk [tilespmem:v2+s2+$0x0], $0xffff;
	_ =	sdelay $0x1  }
0x372: {  	v14 =	vadd.s32 $0x9, v42;
	_ =	sdelay $0x1  }
0x373: {  	v39 =	vld.idx.msk [tilespmem:v49+s2+$0x0], $0xffff  }
0x374: {  	v61 =	vadd.f32 v61, v22;
	[tilespmem:v12+s14+$0x0] =	vst.idx.msk $0xffff, v2;
	v22 =	vld.idx.msk [tilespmem:v0+s2+$0x0], $0xffff;
	v0 =	vadd.s32 $0x3B, v30  }
0x375: {  	v12 =	vld.idx.msk [tilespmem:v35+s2+$0x0], $0xffff;
	[tilespmem:$0x1F7A0] =	vst v0  }
0x376: {  	v26 =	vadd.s32 $0xA, v43;
	v0 =	vadd.s32 $0x24, v30;
	[tilespmem:v14+s14+$0x0] =	vst.idx.msk $0xffff, v29  }
0x377: {  	[tilespmem:$0x1F7B0] =	vst v0;
	v0 =	vadd.s32 $0x3C, v30  }
0x378: {  	[tilespmem:$0x1F7C0] =	vst v0;
	v0 =	vadd.s32 $0xC, v30  }
0x379: {  	[tilespmem:$0x1F7D0] =	vst v0  }
0x37a: {  	v1 =	vadd.s32 $0x25, v30;
	[tilespmem:v18+s14+$0x0] =	vst.idx.msk $0xffff, v39  }
0x37b: {  	v14 =	vld.idx.msk [tilespmem:v26+s2+$0x0], $0xffff;
	[tilespmem:$0x1F7E0] =	vst v1;
	v1 =	vadd.s32 $0x3D, v30  }
0x37c: {  	[tilespmem:$0x1F7F0] =	vst v1  }
0x37d: {  	v1 =	vadd.s32 $0xD, v30;
	[tilespmem:v32+s14+$0x0] =	vst.idx.msk $0xffff, v40  }
0x37e: {  	[tilespmem:$0x1F800] =	vst v1;
	v1 =	vadd.s32 $0x26, v30  }
0x37f: {  	v49 =	vadd.s32 $0x39, v30;
	[tilespmem:$0x1F810] =	vst v1  }
0x380: {  	v1 =	vadd.s32 $0x3E, v30;
	[tilespmem:v31+s14+$0x0] =	vst.idx.msk $0xffff, v22  }
0x381: {  	v22 =	vld.idx.msk [tilespmem:v57+s2+$0x0], $0xffff;
	[tilespmem:$0x1F820] =	vst v1;
	v1 =	vadd.s32 $0xE, v30  }
0x382: {  	[tilespmem:$0x1F830] =	vst v1;
	v1 =	vadd.s32 $0x27, v30  }
0x383: {  	[tilespmem:$0x1F840] =	vst v1  }
0x384: {  	[tilespmem:v49+s14+$0x0] =	vst.idx.msk $0xffff, v12  }
0x385: {  	v0 =	vld [tilespmem:$0x1F850];
	_ =	sdelay $0x5  }
0x386: {  	v37 =	vadd.s32 $0x9, v30  }
0x387: {  	v1 =	vadd.s32 $0x3F, v30  }
0x388: {  	v12 =	vld.idx.msk [tilespmem:v0+s2+$0x0], $0xffff;
	[tilespmem:$0x1F860] =	vst v1;
	v1 =	vadd.s32 $0xF, v30  }
0x389: {  	[tilespmem:$0x1F870] =	vst v1;
	v1 =	vadd.s32 $0x28, v30  }
0x38a: {  	v18 =	vadd.s32 $0x22, v42;
	[tilespmem:$0x1F880] =	vst v1  }
0x38b: {  	v1 =	vadd.s32 $0x40, v30;
	[tilespmem:v37+s14+$0x0] =	vst.idx.msk $0xffff, v17  }
0x38c: {  	[tilespmem:$0x1F890] =	vst v1;
	v1 =	vadd.s32 $0x10, v30  }
0x38d: {  	[tilespmem:$0x1F8A0] =	vst v1;
	v1 =	vadd.s32 $0x29, v30  }
0x38e: {  	v26 =	vadd.s32 $0x1C0A, v44;
	[tilespmem:$0x1F8B0] =	vst v1  }
0x38f: {  	v1 =	vadd.s32 $0x41, v30;
	[tilespmem:v18+s14+$0x0] =	vst.idx.msk $0xffff, v14  }
0x390: {  	v14 =	vld.idx.msk [tilespmem:v56+s2+$0x0], $0xffff;
	[tilespmem:$0x1F8C0] =	vst v1;
	v1 =	vadd.s32 $0x11, v30  }
0x391: {  	[tilespmem:$0x1F8D0] =	vst v1;
	v1 =	vadd.s32 $0x2A, v30  }
0x392: {  	[tilespmem:$0x1F8E0] =	vst v1;
	v1 =	vadd.s32 $0x42, v30  }
0x393: {  	v17 =	vld.idx.msk [tilespmem:v26+s2+$0x0], $0xffff;
	[tilespmem:$0x1F8F0] =	vst v1;
	v1 =	vadd.s32 $0x12, v30  }
0x394: {  	[tilespmem:$0x1F900] =	vst v1  }
0x395: {  	v1 =	vadd.s32 $0x2B, v30;
	[tilespmem:v38+s14+$0x0] =	vst.idx.msk $0xffff, v22  }
0x396: {  	v25 =	vmul.f32 v25, v41;
	v41 =	vadd.s32 $0x22, v30;
	[tilespmem:$0x1F910] =	vst v1;
	v1 =	vadd.s32 $0x43, v30  }
0x397: {  	v18 =	vadd.s32 $0x3A, v42;
	[tilespmem:$0x1F920] =	vst v1  }
0x398: {  	v31 =	vadd.s32 $0xA, v42;
	v1 =	vadd.s32 $0x13, v30;
	[tilespmem:v27+s14+$0x0] =	vst.idx.msk $0xffff, v12  }
0x399: {  	[tilespmem:$0x1F930] =	vst v1;
	v1 =	vadd.s32 $0x2C, v30;
	v0 =	vld [tilespmem:$0x1F950]  }
0x39a: {  	[tilespmem:$0x1F940] =	vst v1  }
0x39b: {  	[tilespmem:v41+s14+$0x0] =	vst.idx.msk $0xffff, v14  }
0x39c: {  	[tilespmem:v18+s14+$0x0] =	vst.idx.msk $0xffff, v17  }
0x39d: {  	[tilespmem:v31+s14+$0x0] =	vst.idx.msk $0xffff, v48  }
0x39e: {  	[tilespmem:v54+s14+$0x0] =	vst.idx.msk $0xffff, v0  }
0x39f: {  	v0 =	vld [tilespmem:$0x1F960];
	_ =	sdelay $0x4  }
0x3a0: {  	v31 =	vadd.f32 v0, v33;
	v0 =	vld [tilespmem:$0x1F970];
	_ =	sdelay $0x2  }
0x3a1: {  	v52 =	vadd.s32 $0x23, v30  }
0x3a2: {  	v4 =	vadd.s32 $0x3A, v30;
	v28 =	vadd.s32 $0x15, v30;
	v8 =	vadd.s32 $0xB, v30  }
0x3a3: {  	v3 =	vadd.s32 $0xA, v30;
	v53 =	vadd.s32 $0x44, v30;
	v26 =	vadd.s32 $0x2D, v30  }
0x3a4: {  	v38 =	vadd.s32 $0x14, v30;
	v22 =	vadd.s32 $0x46, v30;
	v27 =	vadd.s32 $0x45, v30;
	v29 =	vld.idx.msk [tilespmem:v24+s2+$0x0], $0xffff  }
0x3a5: {  	v12 =	vadd.s32 $0x17, v30;
	v24 =	vadd.s32 $0x2E, v30;
	v18 =	vadd.s32 $0x16, v30;
	v35 =	vld.idx.msk [tilespmem:v36+s2+$0x0], $0xffff  }
0x3a6: {  	s19 =	simm.s32 $0x50;
	s18 =	simm.s32 $0x2;
	v17 =	vadd.s32 $0x2F, v30;
	v14 =	vadd.s32 $0x47, v30;
	v36 =	vmovc v33;
	v33 =	vadd.s32 $0xB, v43;
	v32 =	vld.idx.msk [tilespmem:v0+s2+$0x0], $0xffff  }
.LBB2_5:
0x3a7: {  	v1 =	vmov v15  }
0x3a8: {  	v0 =	vmov v28;
	[tilespmem:$0x1F1C0] =	vst v1;
	v1 =	vld [tilespmem:$0x1F1D0]  }
0x3a9: {  	s20 =	sadd.s32 $0xFFFFFFF0, s19;
	v11 =	vlaneseq.u32;
	[tilespmem:$0x1F140] =	vst v0;
	v0 =	vld [tilespmem:$0x1F510]  }
0x3aa: {  	[tilespmem:v23+s14+$0x0] =	vst.idx.msk $0xffff, v29;
	v30 =	vor.u32 s19, v11;
	v29 =	vor.u32 s20, v11  }
0x3ab: {  	v2 =	vmov v13;
	[tilespmem:v20+s14+$0x0] =	vst.idx.msk $0xffff, v31;
	v13 =	vmul.u32 $0x5, v30;
	v20 =	vmul.u32 $0x5, v29;
	_ =	sdelay $0x1  }
0x3ac: {  	[tilespmem:v4+s14+$0x0] =	vst.idx.msk $0xffff, v35;
	v13 =	vadd.s32 v1, v13;
	v31 =	vadd.s32 v1, v20;
	v1 =	vld [tilespmem:$0x1F490]  }
0x3ad: {  	[tilespmem:v3+s14+$0x0] =	vst.idx.msk $0xffff, v0;
	v0 =	vld [tilespmem:$0x1FEA0];
	_ =	sdelay $0x4  }
0x3ae: {  	v4 =	vmul.f32 v45, v0;
	v0 =	vld [tilespmem:$0x1FC50];
	_ =	sdelay $0x2  }
0x3af: {  	v30 =	vmul.u32 $0x98, v30;
	v40 =	vld.idx.msk [tilespmem:v6+s2+$0x0], $0xffff;
	[tilespmem:v1+s14+$0x0] =	vst.idx.msk $0xffff, v32;
	v1 =	vmov v24  }
0x3b0: {  	[tilespmem:$0x1F490] =	vst v1;
	v1 =	vld [tilespmem:$0x1F420]  }
0x3b1: {  	v6 =	vmul.f32 v47, v0;
	v0 =	vadd.s32 $0x32, v30  }
0x3b2: {  	[tilespmem:$0x1EE80] =	vst v0;
	v0 =	vor.u32 $0x2, v30  }
0x3b3: {  	v15 =	vadd.s32 $0x23, v42;
	v33 =	vld.idx.msk [tilespmem:v33+s2+$0x0], $0xffff;
	[tilespmem:$0x1EE90] =	vst v0;
	v0 =	vadd.s32 $0x1B, v30  }
0x3b4: {  	[tilespmem:$0x1EEA0] =	vst v0;
	v0 =	vld [tilespmem:$0x1FC60];
	_ =	sdelay $0x1  }
0x3b5: {  	[tilespmem:$0x1F080] =	vst v53  }
0x3b6: {  	[tilespmem:$0x1F090] =	vst v2  }
0x3b7: {  	v57 =	vmov v46;
	v46 =	vadd.s32 $0x3, v31;
	[tilespmem:v15+s14+$0x0] =	vst.idx.msk $0xffff, v33;
	v24 =	vld.idx.msk [tilespmem:v1+s2+$0x0], $0xffff;
	v1 =	vmov v19  }
0x3b8: {  	[tilespmem:$0x1F420] =	vst v1;
	v54 =	vmul.f32 v57, v0;
	v0 =	vadd.s32 $0x33, v30  }
0x3b9: {  	v1 =	vld [tilespmem:$0x1F4A0];
	[tilespmem:$0x1EEB0] =	vst v0;
	v0 =	vor.u32 $0x3, v30  }
0x3ba: {  	v2 =	vmov v16;
	v16 =	vadd.s32 $0x3, v13;
	[tilespmem:$0x1EEC0] =	vst v0;
	v0 =	vadd.s32 $0x1C, v30  }
0x3bb: {  	v3 =	vld [tilespmem:$0x1F4B0];
	v53 =	vadd.s32 $0x4, v13;
	[tilespmem:$0x1EEE0] =	vst v0;
	v0 =	vadd.s32 $0x34, v30  }
0x3bc: {  	v37 =	vadd.s32 $0x1, v13;
	v33 =	vld.idx.msk [tilespmem:v46+s2+$0x0], $0xffff;
	[tilespmem:$0x1EF00] =	vst v0;
	v0 =	vor.u32 $0x4, v30  }
0x3bd: {  	[tilespmem:$0x1EF10] =	vst v0;
	v0 =	vld [tilespmem:$0x1FC70]  }
0x3be: {  	v25 =	vadd.f32 v25, v34;
	v48 =	vld.idx.msk [tilespmem:v13+s2+$0x0], $0xffff;
	v19 =	vadd.f32 v6, v4  }
0x3bf: {  	[tilespmem:$0x1F0A0] =	vst v38;
	v10 =	vmov v26;
	v41 =	vld.idx.msk [tilespmem:v16+s2+$0x0], $0xffff  }
0x3c0: {  	v26 =	vadd.f32 v25, v36;
	v38 =	vld.idx.msk [tilespmem:v53+s2+$0x0], $0xffff;
	[tilespmem:v52+s14+$0x0] =	vst.idx.msk $0xffff, v40;
	v36 =	vadd.f32 v54, v19  }
0x3c1: {  	v49 =	vld.idx.msk [tilespmem:v37+s2+$0x0], $0xffff;
	[tilespmem:v1+s14+$0x0] =	vst.idx.msk $0xffff, v24;
	v1 =	vmov v22  }
0x3c2: {  	v39 =	vadd.s32 $0x2, v13;
	[tilespmem:$0x1F4A0] =	vst v1;
	v1 =	vld [tilespmem:$0x1F410];
	v36 =	vadd.f32 v36, v0;
	v0 =	vadd.s32 $0x1D, v30  }
0x3c3: {  	[tilespmem:$0x1EF30] =	vst v0;
	v0 =	vld [tilespmem:$0x1FE10];
	_ =	sdelay $0x2  }
0x3c4: {  	v9 =	vmov v21  }
0x3c5: {  	v63 =	vadd.s32 $0x1C0B, v44;
	[tilespmem:$0x1F0E0] =	vst v9;
	v39 =	vld.idx.msk [tilespmem:v39+s2+$0x0], $0xffff  }
0x3c6: {  	v53 =	vmul.f32 $2.880000000e+02, v33;
	v33 =	vld.idx.msk [tilespmem:v7+s2+$0x0], $0xffff;
	[tilespmem:v3+s14+$0x0] =	vst.idx.msk $0xffff, v1;
	v9 =	vmul.f32 v48, v0;
	v0 =	vadd.s32 $0x35, v30  }
0x3c7: {  	v1 =	vmov v61;
	[tilespmem:$0x1EF50] =	vst v0;
	v0 =	vld [tilespmem:$0x1FEE0]  }
0x3c8: {  	[tilespmem:$0x1F410] =	vst v1;
	v1 =	vld [tilespmem:$0x1F3F0];
	_ =	sdelay $0x2  }
0x3c9: {  	v35 =	vadd.s32 $0x3B, v42;
	v32 =	vld.idx.msk [tilespmem:v63+s2+$0x0], $0xffff  }
0x3ca: {  	v7 =	vmul.f32 v48, v0;
	v0 =	vmov v18  }
0x3cb: {  	[tilespmem:$0x1F4B0] =	vst v0;
	v0 =	vadd.s32 $0x1E, v30  }
0x3cc: {  	[tilespmem:$0x1EF80] =	vst v0;
	v0 =	vld [tilespmem:$0x1F7A0];
	_ =	sdelay $0x1  }
0x3cd: {  	v13 =	vmov v47;
	[tilespmem:v35+s14+$0x0] =	vst.idx.msk $0xffff, v32;
	v47 =	vld.idx.msk [tilespmem:v1+s2+$0x0], $0xffff;
	v1 =	vmov v58  }
0x3ce: {  	v32 =	vtrunc.f32 v53;
	[tilespmem:$0x1F3F0] =	vst v1;
	v1 =	vld [tilespmem:$0x1FC80]  }
0x3cf: {  	v18 =	vcvt.f32.s32 v32;
	_ =	sdelay $0x1  }
0x3d0: {  	vm0 =	vgt.s32 v18, $0x0  }
0x3d1: {  	v18 =	vnsel vm0, $0x0, v18  }
0x3d2: {  	[tilespmem:v0+s14+$0x0] =	vst.idx.msk $0xffff, v33;
	v0 =	vmin.u32 v18, $0x11F;
	v18 =	vmul.f32 v45, v1;
	v1 =	vld [tilespmem:$0x1FC90];
	_ =	sdelay $0x2  }
0x3d3: {  	v54 =	vmul.f32 $2.880000000e+02, v41;
	_ =	sdelay $0x1  }
0x3d4: {  	v53 =	vtrunc.f32 v54;
	v54 =	vmul.f32 v13, v1;
	v1 =	vld [tilespmem:$0x1FCA0];
	_ =	sdelay $0x2  }
0x3d5: {  	v5 =	vmov v27  }
0x3d6: {  	[tilespmem:$0x1F130] =	vst v5;
	v5 =	vld [tilespmem:$0x1F4C0]  }
0x3d7: {  	v63 =	vmul.f32 v57, v1;
	v1 =	vld [tilespmem:$0x1F640];
	_ =	sdelay $0x6  }
0x3d8: {  	[tilespmem:v8+s14+$0x0] =	vst.idx.msk $0xffff, v59  }
0x3d9: {  	v1 =	vld.idx.msk [tilespmem:v1+s2+$0x0], $0xffff;
	[tilespmem:v5+s14+$0x0] =	vst.idx.msk $0xffff, v47;
	v5 =	vmov v17  }
0x3da: {  	[tilespmem:$0x1F4C0] =	vst v5;
	v5 =	vld [tilespmem:$0x1F430];
	_ =	sdelay $0x7  }
0x3db: {  	v47 =	vld.idx.msk [tilespmem:v5+s2+$0x0], $0xffff;
	v5 =	vmov v55  }
0x3dc: {  	[tilespmem:$0x1F430] =	vst v5;
	v5 =	vld [tilespmem:$0x1FCB0]  }
0x3dd: {  	v18 =	vadd.f32 v54, v18;
	_ =	sdelay $0x1  }
0x3de: {  	v17 =	vadd.f32 v63, v18;
	_ =	sdelay $0x1  }
0x3df: {  	v56 =	vadd.s32 $0xB, v42;
	v17 =	vadd.f32 v17, v5;
	v5 =	vld [tilespmem:$0x1F7B0]  }
0x3e0: {  	v50 =	vadd.s32 $0xC, v43;
	v6 =	vld [tilespmem:$0x1F6E0]  }
0x3e1: {  	v46 =	vadd.s32 $0x4, v31  }
0x3e2: {  	[tilespmem:$0x1F150] =	vst v2;
	v4 =	vor.u32 $0x5, v30  }
0x3e3: {  	v2 =	vld [tilespmem:$0x1FD30];
	[tilespmem:$0x1EF60] =	vst v4  }
0x3e4: {  	v4 =	vld [tilespmem:$0x1FD50];
	[tilespmem:v56+s14+$0x0] =	vst.idx.msk $0xffff, v36  }
0x3e5: {  	v36 =	vld.idx.msk [tilespmem:v50+s2+$0x0], $0xffff  }
0x3e6: {  	v56 =	vadd.s32 $0x24, v42;
	v40 =	vld.idx.msk [tilespmem:v46+s2+$0x0], $0xffff  }
0x3e7: {  	v35 =	vadd.s32 $0x1C0C, v44;
	v3 =	vld [tilespmem:$0x1FD40];
	[tilespmem:v5+s14+$0x0] =	vst.idx.msk $0xffff, v1  }
0x3e8: {  	v59 =	vld.idx.msk [tilespmem:v6+s2+$0x0], $0xffff  }
0x3e9: {  	v61 =	vadd.s32 $0x1, v31;
	v32 =	vcvt.f32.s32 v53;
	v6 =	vld [tilespmem:$0x1F4D0];
	_ =	sdelay $0x1  }
0x3ea: {  	v37 =	vmul.f32 v48, v2;
	[tilespmem:v56+s14+$0x0] =	vst.idx.msk $0xffff, v36;
	vm13 =	vgt.s32 v32, $0x0  }
0x3eb: {  	v50 =	vmul.f32 v49, v3;
	v32 =	vnsel vm13, $0x0, v32;
	v58 =	vmul.u32 $0x18, v0;
	v0 =	vld.idx.msk [tilespmem:v35+s2+$0x0], $0xffff  }
0x3ec: {  	v52 =	vmul.f32 v39, v4;
	v35 =	vadd.s32 $0x2, v31;
	v55 =	vld.idx.msk [tilespmem:v31+s2+$0x0], $0xffff;
	v31 =	vmin.u32 v32, $0x11F  }
0x3ed: {  	v40 =	vtrunc.f32 v40;
	v54 =	vld.idx.msk [tilespmem:v61+s2+$0x0], $0xffff;
	v61 =	vmul.u32 $0x18, v31;
	v31 =	vadd.f32 v50, v37  }
0x3ee: {  	v60 =	vadd.s32 $0x3C, v42;
	v19 =	vld [tilespmem:$0x1FD60];
	v8 =	vcvt.f32.s32 v40  }
0x3ef: {  	v1 =	vadd.f32 v52, v31;
	v52 =	vld [tilespmem:$0x1FD70]  }
0x3f0: {  	vm14 =	vgt.s32 v8, $0x0;
	[tilespmem:v6+s14+$0x0] =	vst.idx.msk $0xffff, v47;
	v6 =	vmov v14  }
0x3f1: {  	v46 =	vadd.s32 $0xC, v42;
	v56 =	vmul.u32 $0x98, v29;
	v8 =	vnsel vm14, $0x0, v8;
	[tilespmem:$0x1F4D0] =	vst v6;
	v6 =	vld [tilespmem:$0x1FF70]  }
0x3f2: {  	v8 =	vmin.u32 v8, $0x6;
	v18 =	vadd.s32 $0xD, v43  }
0x3f3: {  	v63 =	vmul.u32 $0x18, v8;
	v8 =	vld.idx.msk [tilespmem:v58+s2+$0x0], $0xffff;
	[tilespmem:v60+s14+$0x0] =	vst.idx.msk $0xffff, v0;
	v0 =	vadd.s32 $0x18, v56  }
0x3f4: {  	v51 =	vmul.f32 v48, v19;
	v5 =	vmul.f32 v49, v52  }
0x3f5: {  	v34 =	vld.idx.msk [tilespmem:v35+s2+$0x0], $0xffff  }
0x3f6: {  	[tilespmem:v46+s14+$0x0] =	vst.idx.msk $0xffff, v17;
	v33 =	vadd.f32 v1, v6;
	v1 =	vadd.f32 v5, v51;
	v51 =	vld [tilespmem:$0x1FD80]  }
0x3f7: {  	v18 =	vld.idx.msk [tilespmem:v18+s2+$0x0], $0xffff  }
0x3f8: {  	[tilespmem:v0+s14+$0x0] =	vst.idx.msk $0xffff, v8;
	v0 =	vmul.f32 v55, v2;
	v2 =	vld [tilespmem:$0x1FCC0];
	_ =	sdelay $0x2  }
0x3f9: {  	v5 =	vmul.f32 v39, v51;
	_ =	sdelay $0x1  }
0x3fa: {  	v1 =	vadd.f32 v5, v1;
	v5 =	vmul.f32 v45, v2;
	v2 =	vld [tilespmem:$0x1FCD0];
	_ =	sdelay $0x4  }
0x3fb: {  	v47 =	vmul.f32 v13, v2;
	v2 =	vld [tilespmem:$0x1FCE0];
	_ =	sdelay $0x4  }
0x3fc: {  	v50 =	vmul.f32 v57, v2;
	v2 =	vld [tilespmem:$0x1F7C0]  }
0x3fd: {  	v17 =	vor.u32 $0x1C00, v63  }
0x3fe: {  	v38 =	vtrunc.f32 v38;
	v31 =	vadd.s32 $0x25, v42  }
0x3ff: {  	v38 =	vcvt.f32.s32 v38;
	v53 =	vld [tilespmem:$0x1FD90];
	v46 =	vadd.s32 $0x1C0D, v44  }
0x400: {  	v62 =	vld [tilespmem:$0x1FDA0]  }
0x401: {  	[tilespmem:$0x1F0D0] =	vst v10;
	v10 =	vld [tilespmem:$0x1FDE0];
	vm15 =	vgt.s32 v38, $0x0  }
0x402: {  	v29 =	vnsel vm15, $0x0, v38;
	v38 =	vld.idx.msk [tilespmem:v17+s2+$0x0], $0xffff  }
0x403: {  	[tilespmem:v31+s14+$0x0] =	vst.idx.msk $0xffff, v18;
	v14 =	vld.idx.msk [tilespmem:v61+s2+$0x0], $0xffff  }
0x404: {  	v8 =	vmul.f32 v54, v3;
	v17 =	vadd.f32 v1, v53;
	v1 =	vld.idx.msk [tilespmem:v46+s2+$0x0], $0xffff;
	[tilespmem:v2+s14+$0x0] =	vst.idx.msk $0xffff, v59  }
0x405: {  	v59 =	vld [tilespmem:$0x1FDB0]  }
0x406: {  	v0 =	vadd.f32 v8, v0;
	v8 =	vmul.f32 v34, v4;
	v4 =	vld [tilespmem:$0x1F7D0];
	_ =	sdelay $0x2  }
0x407: {  	v2 =	vld [tilespmem:$0x1F540];
	_ =	sdelay $0x1  }
0x408: {  	v41 =	vadd.s32 $0x30, v56  }
0x409: {  	v28 =	vadd.s32 $0x18, v30;
	_ =	sdelay $0x1  }
0x40a: {  	v0 =	vadd.f32 v8, v0;
	v8 =	vor.u32 $0x1, v58;
	v31 =	vadd.s32 $0x3D, v42;
	[tilespmem:v4+s14+$0x0] =	vst.idx.msk $0xffff, v2;
	v2 =	vld [tilespmem:$0x1FCF0]  }
0x40b: {  	v24 =	vmul.f32 v48, v62;
	v5 =	vadd.f32 v47, v5  }
0x40c: {  	v0 =	vadd.f32 v0, v6;
	[tilespmem:v41+s14+$0x0] =	vst.idx.msk $0xffff, v38;
	v3 =	vmul.f32 v49, v59  }
0x40d: {  	[tilespmem:v28+s14+$0x0] =	vst.idx.msk $0xffff, v14;
	v28 =	vadd.f32 v50, v5  }
0x40e: {  	[tilespmem:v56+s14+$0x0] =	vst.idx.msk $0xffff, v0;
	v3 =	vadd.f32 v3, v24  }
0x40f: {  	v24 =	vadd.f32 v28, v2;
	v28 =	vld.idx.msk [tilespmem:v8+s2+$0x0], $0xffff;
	[tilespmem:v31+s14+$0x0] =	vst.idx.msk $0xffff, v1;
	v1 =	vor.u32 $0x4, v61  }
0x410: {  	[tilespmem:$0x1EED0] =	vst v1;
	v1 =	vld [tilespmem:$0x1F650];
	_ =	sdelay $0x2  }
0x411: {  	v46 =	vadd.s32 $0xD, v42;
	_ =	sdelay $0x1  }
0x412: {  	v20 =	vmov v57;
	v57 =	vld [tilespmem:$0x1FDC0];
	_ =	sdelay $0x1  }
0x413: {  	v6 =	vmov v43;
	v47 =	vadd.s32 $0xE, v43;
	v43 =	vld [tilespmem:$0x1FDF0]  }
0x414: {  	[tilespmem:v46+s14+$0x0] =	vst.idx.msk $0xffff, v24;
	v24 =	vld.idx.msk [tilespmem:v1+s2+$0x0], $0xffff  }
0x415: {  	v1 =	vld [tilespmem:$0x1FDD0]  }
0x416: {  	v0 =	vmul.f32 v39, v57  }
0x417: {  	v22 =	vmul.f32 v48, v10;
	v29 =	vmin.u32 v29, $0x6  }
0x418: {  	v60 =	vmul.u32 $0x18, v29;
	v0 =	vadd.f32 v0, v3;
	v8 =	vmul.f32 v49, v43;
	v2 =	vld [tilespmem:$0x1F4E0];
	_ =	sdelay $0x1  }
0x419: {  	v22 =	vadd.f32 v8, v22;
	v8 =	vadd.f32 v0, v1;
	v0 =	vor.u32 $0x1C04, v60  }
0x41a: {  	v35 =	vor.u32 $0x1C00, v60;
	[tilespmem:$0x1EEF0] =	vst v0;
	v0 =	vld [tilespmem:$0x1F450];
	_ =	sdelay $0x2  }
0x41b: {  	v4 =	vld [tilespmem:$0x1FE30]  }
0x41c: {  	v31 =	vadd.s32 $0x19, v56  }
0x41d: {  	v27 =	vadd.s32 $0x30, v30;
	v35 =	vld.idx.msk [tilespmem:v35+s2+$0x0], $0xffff;
	[tilespmem:v2+s14+$0x0] =	vst.idx.msk $0xffff, v0;
	v0 =	vmov v26  }
0x41e: {  	v3 =	vor.u32 $0x1C01, v63;
	v2 =	vld [tilespmem:$0x1FE40];
	[tilespmem:$0x1F450] =	vst v0;
	v0 =	vor.u32 $0x5, v61  }
0x41f: {  	[tilespmem:$0x1EF20] =	vst v0;
	v0 =	vld [tilespmem:$0x1FD00]  }
0x420: {  	v50 =	vmul.f32 v39, v4  }
0x421: {  	v37 =	vld.idx.msk [tilespmem:v47+s2+$0x0], $0xffff;
	[tilespmem:v31+s14+$0x0] =	vst.idx.msk $0xffff, v28  }
0x422: {  	v22 =	vadd.f32 v50, v22;
	[tilespmem:v27+s14+$0x0] =	vst.idx.msk $0xffff, v35  }
0x423: {  	[tilespmem:v30+s14+$0x0] =	vst.idx.msk $0xffff, v33;
	v33 =	vld.idx.msk [tilespmem:v3+s2+$0x0], $0xffff  }
0x424: {  	v3 =	vadd.f32 v22, v2;
	v22 =	vmul.f32 v45, v0;
	v0 =	vld [tilespmem:$0x1F9F0];
	_ =	sdelay $0x4  }
0x425: {  	v35 =	vmul.f32 v13, v0;
	v0 =	vld [tilespmem:$0x1FA00];
	_ =	sdelay $0x4  }
0x426: {  	v31 =	vmul.f32 v54, v52;
	v52 =	vmul.f32 v20, v0;
	v0 =	vld [tilespmem:$0x1F7E0];
	_ =	sdelay $0x1  }
0x427: {  	v29 =	vor.u32 $0x1, v61;
	_ =	sdelay $0x4  }
0x428: {  	v29 =	vld.idx.msk [tilespmem:v29+s2+$0x0], $0xffff  }
0x429: {  	[tilespmem:v0+s14+$0x0] =	vst.idx.msk $0xffff, v24;
	v0 =	vld [tilespmem:$0x1F6F0];
	_ =	sdelay $0x7  }
0x42a: {  	v22 =	vadd.f32 v35, v22;
	v35 =	vld.idx.msk [tilespmem:v0+s2+$0x0], $0xffff;
	v0 =	vmov v12  }
0x42b: {  	[tilespmem:$0x1F4E0] =	vst v0;
	v0 =	vor.u32 $0x1C05, v60  }
0x42c: {  	[tilespmem:$0x1EF40] =	vst v0;
	v0 =	vor.u32 $0x6, v61  }
0x42d: {  	[tilespmem:$0x1EF70] =	vst v0;
	v0 =	vld [tilespmem:$0x1FA40];
	_ =	sdelay $0x2  }
0x42e: {  	v22 =	vadd.f32 v52, v22;
	_ =	sdelay $0x1  }
0x42f: {  	v25 =	vadd.s32 $0x19, v30;
	v22 =	vadd.f32 v22, v0;
	v0 =	vld [tilespmem:$0x1FF20]  }
0x430: {  	v15 =	vld [tilespmem:$0x1FE50];
	_ =	sdelay $0x3  }
0x431: {  	[tilespmem:v25+s14+$0x0] =	vst.idx.msk $0xffff, v29;
	v29 =	vmul.f32 v49, v0;
	v0 =	vor.u32 $0x1C06, v60  }
0x432: {  	v46 =	vmul.f32 v49, v15;
	[tilespmem:$0x1EF90] =	vst v0;
	v0 =	vadd.s32 $0x36, v30  }
0x433: {  	[tilespmem:$0x1EFA0] =	vst v0;
	v0 =	vld [tilespmem:$0x1F7F0]  }
0x434: {  	v9 =	vadd.f32 v46, v9;
	v46 =	vld [tilespmem:$0x1FE80];
	_ =	sdelay $0x1  }
0x435: {  	v36 =	vor.u32 $0x1C01, v60;
	_ =	sdelay $0x2  }
0x436: {  	v27 =	vmul.f32 v39, v46  }
0x437: {  	v40 =	vadd.s32 $0x26, v42;
	v38 =	vadd.s32 $0x31, v56  }
0x438: {  	v26 =	vadd.s32 $0x1C0E, v44;
	v9 =	vadd.f32 v27, v9;
	v27 =	vld.idx.msk [tilespmem:v36+s2+$0x0], $0xffff;
	[tilespmem:v0+s14+$0x0] =	vst.idx.msk $0xffff, v35;
	v0 =	vor.u32 $0x6, v30  }
0x439: {  	v23 =	vadd.s32 $0x31, v30;
	[tilespmem:$0x1EFB0] =	vst v0;
	v0 =	vor.u32 $0x7, v61  }
0x43a: {  	v11 =	vor.u32 $0x1, v30;
	v28 =	vmul.f32 v55, v19;
	[tilespmem:$0x1EFD0] =	vst v0;
	v0 =	vld [tilespmem:$0x1FE00];
	_ =	sdelay $0x1  }
0x43b: {  	v28 =	vadd.f32 v31, v28;
	v31 =	vmul.f32 v34, v51;
	[tilespmem:v40+s14+$0x0] =	vst.idx.msk $0xffff, v37  }
0x43c: {  	v47 =	vor.u32 $0x1, v56;
	v26 =	vld.idx.msk [tilespmem:v26+s2+$0x0], $0xffff;
	[tilespmem:v38+s14+$0x0] =	vst.idx.msk $0xffff, v33  }
0x43d: {  	v38 =	vld [tilespmem:$0x1FEC0];
	v24 =	vadd.f32 v31, v28;
	v28 =	vor.u32 $0x2, v58;
	[tilespmem:v23+s14+$0x0] =	vst.idx.msk $0xffff, v27  }
0x43e: {  	v51 =	vadd.s32 $0x3E, v42;
	[tilespmem:v11+s14+$0x0] =	vst.idx.msk $0xffff, v17;
	v17 =	vmul.f32 v48, v0;
	v0 =	vld [tilespmem:$0x1FE20]  }
0x43f: {  	v52 =	vld [tilespmem:$0x1FE90];
	v24 =	vadd.f32 v24, v53;
	v12 =	vadd.s32 $0xE, v42;
	_ =	sdelay $0x1  }
0x440: {  	[tilespmem:v47+s14+$0x0] =	vst.idx.msk $0xffff, v24  }
0x441: {  	v24 =	vld.idx.msk [tilespmem:v28+s2+$0x0], $0xffff;
	v28 =	vmul.f32 v48, v38  }
0x442: {  	[tilespmem:v51+s14+$0x0] =	vst.idx.msk $0xffff, v26;
	v27 =	vmul.f32 v49, v0;
	v0 =	vld [tilespmem:$0x1FEB0]  }
0x443: {  	[tilespmem:v12+s14+$0x0] =	vst.idx.msk $0xffff, v22;
	v22 =	vmul.f32 v39, v52;
	v12 =	vadd.f32 v29, v28;
	_ =	sdelay $0x1  }
0x444: {  	v22 =	vadd.f32 v22, v12;
	_ =	sdelay $0x1  }
0x445: {  	v0 =	vadd.f32 v22, v0  }
0x446: {  	v50 =	vld [tilespmem:$0x1FEF0];
	v25 =	vadd.s32 $0xF, v6  }
0x447: {  	v26 =	vadd.s32 $0x1A, v56;
	[tilespmem:$0x1EFC0] =	vst v0;
	v0 =	vld [tilespmem:$0x1FA30]  }
0x448: {  	v31 =	vld [tilespmem:$0x1FF10]  }
0x449: {  	v11 =	vld [tilespmem:$0x1F800]  }
0x44a: {  	v19 =	vmov v6;
	v6 =	vld [tilespmem:$0x1FF00]  }
0x44b: {  	v18 =	vor.u32 $0x2, v61;
	v25 =	vld.idx.msk [tilespmem:v25+s2+$0x0], $0xffff  }
0x44c: {  	[tilespmem:v26+s14+$0x0] =	vst.idx.msk $0xffff, v24;
	v26 =	vmul.f32 v54, v59;
	v59 =	vmul.f32 v20, v0;
	v0 =	vld [tilespmem:$0x1F550];
	_ =	sdelay $0x1  }
0x44d: {  	v32 =	vmul.f32 v49, v50  }
0x44e: {  	v47 =	vld [tilespmem:$0x1FED0]  }
0x44f: {  	v7 =	vadd.f32 v32, v7;
	v41 =	vadd.f32 v9, v6;
	v9 =	vmul.f32 v39, v31;
	v18 =	vld.idx.msk [tilespmem:v18+s2+$0x0], $0xffff  }
0x450: {  	[tilespmem:v11+s14+$0x0] =	vst.idx.msk $0xffff, v0;
	v0 =	vld [tilespmem:$0x1F660]  }
0x451: {  	v7 =	vadd.f32 v9, v7  }
0x452: {  	v9 =	vor.u32 $0x1C02, v63  }
0x453: {  	v37 =	vld [tilespmem:$0x1FA10];
	v36 =	vadd.f32 v7, v47;
	v7 =	vadd.s32 $0x27, v42  }
0x454: {  	v35 =	vld [tilespmem:$0x1FA20]  }
0x455: {  	v24 =	vmul.f32 v55, v62  }
0x456: {  	v21 =	vadd.s32 $0x1A, v30;
	v23 =	vadd.s32 $0x1C0F, v44  }
0x457: {  	v14 =	vor.u32 $0x1C02, v60;
	v9 =	vld.idx.msk [tilespmem:v9+s2+$0x0], $0xffff;
	v24 =	vadd.f32 v26, v24;
	v29 =	vadd.s32 $0x32, v56  }
0x458: {  	v26 =	vmul.f32 v34, v57;
	[tilespmem:v7+s14+$0x0] =	vst.idx.msk $0xffff, v25;
	v62 =	vld.idx.msk [tilespmem:v0+s2+$0x0], $0xffff;
	v0 =	vor.u32 $0x1C07, v60  }
0x459: {  	v28 =	vmul.f32 v13, v35;
	v22 =	vmul.f32 v45, v37;
	[tilespmem:$0x1EFE0] =	vst v0;
	v0 =	vor.u32 $0x7, v30  }
0x45a: {  	v24 =	vadd.f32 v26, v24;
	v7 =	vor.u32 $0x2, v56;
	[tilespmem:$0x1EFF0] =	vst v0;
	v0 =	vld [tilespmem:$0x1FA50]  }
0x45b: {  	v23 =	vld.idx.msk [tilespmem:v23+s2+$0x0], $0xffff;
	v22 =	vadd.f32 v28, v22;
	[tilespmem:v21+s14+$0x0] =	vst.idx.msk $0xffff, v18  }
0x45c: {  	v24 =	vadd.f32 v24, v1;
	[tilespmem:v29+s14+$0x0] =	vst.idx.msk $0xffff, v9;
	v9 =	vld.idx.msk [tilespmem:v14+s2+$0x0], $0xffff  }
0x45d: {  	v18 =	vadd.f32 v59, v22;
	v14 =	vadd.f32 v27, v17;
	v27 =	vld [tilespmem:$0x1FE60];
	_ =	sdelay $0x1  }
0x45e: {  	[tilespmem:v7+s14+$0x0] =	vst.idx.msk $0xffff, v24;
	v7 =	vadd.f32 v18, v0;
	v0 =	vadd.s32 $0x8, v61  }
0x45f: {  	[tilespmem:$0x1F000] =	vst v0;
	v0 =	vadd.s32 $0x20, v30  }
0x460: {  	[tilespmem:$0x1F020] =	vst v0;
	v0 =	vld [tilespmem:$0x1F980]  }
0x461: {  	v17 =	vmul.f32 v39, v27;
	_ =	sdelay $0x1  }
0x462: {  	v14 =	vadd.f32 v17, v14;
	_ =	sdelay $0x1  }
0x463: {  	v29 =	vadd.f32 v14, v0;
	v0 =	vadd.s32 $0x1C08, v60  }
0x464: {  	[tilespmem:$0x1F030] =	vst v0;
	v0 =	vld [tilespmem:$0x1F810];
	_ =	sdelay $0x7  }
0x465: {  	[tilespmem:v0+s14+$0x0] =	vst.idx.msk $0xffff, v62;
	v0 =	vld [tilespmem:$0x1F700];
	_ =	sdelay $0x7  }
0x466: {  	v51 =	vld.idx.msk [tilespmem:v0+s2+$0x0], $0xffff  }
0x467: {  	v0 =	vld [tilespmem:$0x1EE80];
	_ =	sdelay $0x7  }
0x468: {  	[tilespmem:v0+s14+$0x0] =	vst.idx.msk $0xffff, v9;
	v0 =	vadd.s32 $0x38, v30  }
0x469: {  	[tilespmem:$0x1F040] =	vst v0;
	v0 =	vadd.s32 $0x8, v30  }
0x46a: {  	[tilespmem:$0x1F050] =	vst v0;
	v0 =	vld [tilespmem:$0x1EE90];
	_ =	sdelay $0x1  }
0x46b: {  	v26 =	vor.u32 $0x3, v58;
	v25 =	vadd.s32 $0x3F, v42;
	_ =	sdelay $0x3  }
0x46c: {  	v24 =	vld [tilespmem:$0x1FF30]  }
0x46d: {  	v18 =	vld.idx.msk [tilespmem:v26+s2+$0x0], $0xffff;
	[tilespmem:v25+s14+$0x0] =	vst.idx.msk $0xffff, v23  }
0x46e: {  	v25 =	vld [tilespmem:$0x1FE70];
	[tilespmem:v0+s14+$0x0] =	vst.idx.msk $0xffff, v8;
	v0 =	vadd.s32 $0x9, v61  }
0x46f: {  	v40 =	vadd.s32 $0xF, v42;
	[tilespmem:$0x1F070] =	vst v0;
	v0 =	vld [tilespmem:$0x1FF50]  }
0x470: {  	v21 =	vadd.s32 $0x10, v19;
	v26 =	vld [tilespmem:$0x1FF40];
	_ =	sdelay $0x2  }
0x471: {  	v23 =	vmul.f32 v49, v24;
	v22 =	vmul.f32 v48, v25  }
0x472: {  	[tilespmem:v40+s14+$0x0] =	vst.idx.msk $0xffff, v7;
	v11 =	vmul.f32 v49, v0;
	v0 =	vld [tilespmem:$0x1F990]  }
0x473: {  	v14 =	vld.idx.msk [tilespmem:v21+s2+$0x0], $0xffff;
	v21 =	vadd.f32 v23, v22;
	v22 =	vmul.f32 v39, v26;
	_ =	sdelay $0x1  }
0x474: {  	v8 =	vadd.f32 v22, v21  }
0x475: {  	v17 =	vadd.s32 $0x1B, v56  }
0x476: {  	v0 =	vadd.f32 v8, v0;
	_ =	sdelay $0x1  }
0x477: {  	[tilespmem:$0x1F060] =	vst v0;
	v0 =	vld [tilespmem:$0x1F820];
	_ =	sdelay $0x1  }
0x478: {  	v5 =	vor.u32 $0x3, v61;
	[tilespmem:v17+s14+$0x0] =	vst.idx.msk $0xffff, v18;
	v17 =	vmul.f32 v55, v10;
	v18 =	vmul.f32 v54, v43;
	_ =	sdelay $0x1  }
0x479: {  	v17 =	vadd.f32 v18, v17;
	v18 =	vmul.f32 v34, v4;
	v4 =	vadd.s32 $0x1C09, v60  }
0x47a: {  	v1 =	vld [tilespmem:$0x1F830];
	[tilespmem:$0x1F0C0] =	vst v4;
	v4 =	vadd.s32 $0x39, v30  }
0x47b: {  	[tilespmem:$0x1F0F0] =	vst v4;
	v4 =	vld [tilespmem:$0x1FF60]  }
0x47c: {  	v5 =	vld.idx.msk [tilespmem:v5+s2+$0x0], $0xffff  }
0x47d: {  	[tilespmem:v0+s14+$0x0] =	vst.idx.msk $0xffff, v51;
	v0 =	vld [tilespmem:$0x1F570];
	_ =	sdelay $0x1  }
0x47e: {  	v7 =	vor.u32 $0x1C03, v63  }
0x47f: {  	v10 =	vmul.f32 v39, v4;
	v4 =	vadd.s32 $0x9, v30  }
0x480: {  	v12 =	vld [tilespmem:$0x1FB40];
	[tilespmem:$0x1F100] =	vst v4  }
0x481: {  	v57 =	vmov v19;
	v19 =	vld [tilespmem:$0x1FAD0];
	v23 =	vadd.s32 $0x28, v42;
	[tilespmem:v1+s14+$0x0] =	vst.idx.msk $0xffff, v0;
	v0 =	vadd.s32 $0x21, v30  }
0x482: {  	v4 =	vadd.s32 $0xA, v61;
	v9 =	vadd.s32 $0x1C10, v44;
	[tilespmem:$0x1F0B0] =	vst v0;
	v0 =	vld [tilespmem:$0x1F9A0]  }
0x483: {  	v7 =	vld.idx.msk [tilespmem:v7+s2+$0x0], $0xffff;
	v17 =	vadd.f32 v18, v17;
	[tilespmem:$0x1F120] =	vst v4;
	v4 =	vadd.s32 $0x22, v30  }
0x484: {  	v53 =	vadd.s32 $0x33, v56;
	[tilespmem:$0x1F170] =	vst v4;
	v4 =	vld [tilespmem:$0x1F9D0]  }
0x485: {  	v17 =	vadd.f32 v17, v2;
	v2 =	vld [tilespmem:$0x1EEA0]  }
0x486: {  	[tilespmem:v23+s14+$0x0] =	vst.idx.msk $0xffff, v14;
	v22 =	vld [tilespmem:$0x1FA60]  }
0x487: {  	v9 =	vld.idx.msk [tilespmem:v9+s2+$0x0], $0xffff;
	v40 =	vmul.f32 v48, v0  }
0x488: {  	v14 =	vor.u32 $0x3, v56;
	v1 =	vld [tilespmem:$0x1F670]  }
0x489: {  	[tilespmem:v53+s14+$0x0] =	vst.idx.msk $0xffff, v7;
	v7 =	vadd.f32 v11, v40;
	v11 =	vmul.f32 v49, v4;
	v4 =	vld [tilespmem:$0x1F9C0];
	_ =	sdelay $0x1  }
0x48a: {  	v21 =	vmul.f32 v13, v19;
	v8 =	vmul.f32 v45, v22  }
0x48b: {  	v59 =	vadd.s32 $0x40, v42  }
0x48c: {  	v43 =	vor.u32 $0x4, v58;
	v23 =	vmul.f32 v20, v12;
	[tilespmem:v14+s14+$0x0] =	vst.idx.msk $0xffff, v17;
	v17 =	vld [tilespmem:$0x1FBC0];
	v8 =	vadd.f32 v21, v8  }
0x48d: {  	v7 =	vadd.f32 v10, v7;
	v10 =	vmul.f32 v48, v4;
	v4 =	vadd.s32 $0x1C0A, v60  }
0x48e: {  	v0 =	vadd.s32 $0x10, v42;
	[tilespmem:$0x1F190] =	vst v4;
	v4 =	vld [tilespmem:$0x1F9E0]  }
0x48f: {  	v1 =	vld.idx.msk [tilespmem:v1+s2+$0x0], $0xffff;
	[tilespmem:v2+s14+$0x0] =	vst.idx.msk $0xffff, v5;
	v5 =	vadd.f32 v23, v8;
	_ =	sdelay $0x1  }
0x490: {  	v5 =	vadd.f32 v5, v17  }
0x491: {  	v51 =	vld.idx.msk [tilespmem:v43+s2+$0x0], $0xffff;
	[tilespmem:v59+s14+$0x0] =	vst.idx.msk $0xffff, v9  }
0x492: {  	[tilespmem:v0+s14+$0x0] =	vst.idx.msk $0xffff, v5;
	v5 =	vmul.f32 v39, v4;
	v4 =	vld [tilespmem:$0x1F840];
	_ =	sdelay $0x1  }
0x493: {  	v16 =	vor.u32 $0x1C03, v60;
	_ =	sdelay $0x4  }
0x494: {  	v2 =	vld.idx.msk [tilespmem:v16+s2+$0x0], $0xffff  }
0x495: {  	[tilespmem:v4+s14+$0x0] =	vst.idx.msk $0xffff, v1;
	v4 =	vld [tilespmem:$0x1F710];
	_ =	sdelay $0x7  }
0x496: {  	v43 =	vld.idx.msk [tilespmem:v4+s2+$0x0], $0xffff  }
0x497: {  	v4 =	vld [tilespmem:$0x1EEB0];
	_ =	sdelay $0x7  }
0x498: {  	[tilespmem:v4+s14+$0x0] =	vst.idx.msk $0xffff, v2;
	v4 =	vld [tilespmem:$0x1EEC0]  }
0x499: {  	v8 =	vadd.s32 $0x11, v57  }
0x49a: {  	v9 =	vadd.s32 $0x1C, v56;
	v1 =	vld [tilespmem:$0x1F9B0];
	_ =	sdelay $0x3  }
0x49b: {  	v8 =	vld.idx.msk [tilespmem:v8+s2+$0x0], $0xffff  }
0x49c: {  	[tilespmem:v9+s14+$0x0] =	vst.idx.msk $0xffff, v51;
	v9 =	vmul.f32 v54, v15;
	v15 =	vld [tilespmem:$0x1FC40];
	v1 =	vadd.f32 v7, v1  }
0x49d: {  	[tilespmem:v4+s14+$0x0] =	vst.idx.msk $0xffff, v3;
	v4 =	vld [tilespmem:$0x1FE10]  }
0x49e: {  	[tilespmem:$0x1F110] =	vst v1;
	v1 =	vadd.f32 v11, v10;
	v10 =	vld [tilespmem:$0x1FAE0];
	_ =	sdelay $0x2  }
0x49f: {  	v1 =	vadd.f32 v5, v1  }
0x4a0: {  	v5 =	vmul.f32 v55, v4;
	v4 =	vld [tilespmem:$0x1EED0]  }
0x4a1: {  	v33 =	vmov v13;
	v1 =	vadd.f32 v1, v15;
	v15 =	vmul.f32 v13, v10;
	v13 =	vld [tilespmem:$0x1F860];
	_ =	sdelay $0x5  }
0x4a2: {  	v2 =	vadd.s32 $0x3A, v30  }
0x4a3: {  	v0 =	vor.u32 $0x1C04, v63;
	[tilespmem:$0x1F1A0] =	vst v2;
	v4 =	vld.idx.msk [tilespmem:v4+s2+$0x0], $0xffff  }
0x4a4: {  	v7 =	vadd.s32 $0x29, v42;
	v2 =	vadd.s32 $0xA, v30;
	[tilespmem:v13+s14+$0x0] =	vst.idx.msk $0xffff, v43;
	v13 =	vld [tilespmem:$0x1F870]  }
0x4a5: {  	[tilespmem:$0x1F1B0] =	vst v2;
	v2 =	vadd.s32 $0x1C11, v44;
	v5 =	vadd.f32 v9, v5;
	v9 =	vmul.f32 v34, v46;
	_ =	sdelay $0x1  }
0x4a6: {  	v5 =	vadd.f32 v9, v5;
	v9 =	vld [tilespmem:$0x1F590]  }
0x4a7: {  	v16 =	vadd.s32 $0x34, v56;
	v0 =	vld.idx.msk [tilespmem:v0+s2+$0x0], $0xffff  }
0x4a8: {  	[tilespmem:v7+s14+$0x0] =	vst.idx.msk $0xffff, v8  }
0x4a9: {  	v2 =	vld.idx.msk [tilespmem:v2+s2+$0x0], $0xffff  }
0x4aa: {  	v5 =	vadd.f32 v5, v6;
	v6 =	vld [tilespmem:$0x1EEE0]  }
0x4ab: {  	[tilespmem:v13+s14+$0x0] =	vst.idx.msk $0xffff, v9;
	v13 =	vld [tilespmem:$0x1F680]  }
0x4ac: {  	[tilespmem:v16+s14+$0x0] =	vst.idx.msk $0xffff, v0;
	v0 =	vld [tilespmem:$0x1EEF0];
	_ =	sdelay $0x3  }
0x4ad: {  	v11 =	vld [tilespmem:$0x1FA70];
	v3 =	vadd.s32 $0xB, v61  }
0x4ae: {  	[tilespmem:$0x1F180] =	vst v3;
	v3 =	vld [tilespmem:$0x1FC50]  }
0x4af: {  	v9 =	vld [tilespmem:$0x1FEA0]  }
0x4b0: {  	v53 =	vld.idx.msk [tilespmem:v13+s2+$0x0], $0xffff;
	[tilespmem:v6+s14+$0x0] =	vst.idx.msk $0xffff, v4  }
0x4b1: {  	v6 =	vld.idx.msk [tilespmem:v0+s2+$0x0], $0xffff;
	v0 =	vadd.s32 $0x1C0B, v60  }
0x4b2: {  	v14 =	vld [tilespmem:$0x1FB50];
	[tilespmem:$0x1F160] =	vst v0;
	v0 =	vadd.s32 $0x3B, v30  }
0x4b3: {  	[tilespmem:$0x1F7A0] =	vst v0;
	v0 =	vld [tilespmem:$0x1FC60]  }
0x4b4: {  	[tilespmem:$0x1F510] =	vst v1;
	v1 =	vmul.f32 v45, v11;
	_ =	sdelay $0x1  }
0x4b5: {  	v1 =	vadd.f32 v15, v1;
	v3 =	vmul.f32 v49, v3;
	v15 =	vmul.f32 v48, v9  }
0x4b6: {  	v7 =	vmul.f32 v20, v14  }
0x4b7: {  	v3 =	vadd.f32 v3, v15;
	v15 =	vmul.f32 v39, v0;
	v0 =	vadd.s32 $0xB, v30  }
0x4b8: {  	[tilespmem:$0x1F010] =	vst v0;
	v0 =	vadd.s32 $0xC, v61  }
0x4b9: {  	v1 =	vadd.f32 v7, v1;
	v7 =	vld [tilespmem:$0x1FBD0];
	[tilespmem:$0x1F640] =	vst v0;
	v0 =	vadd.s32 $0x24, v30  }
0x4ba: {  	[tilespmem:$0x1F7B0] =	vst v0;
	v0 =	vld [tilespmem:$0x1FC90];
	_ =	sdelay $0x2  }
0x4bb: {  	v8 =	vor.u32 $0x4, v56  }
0x4bc: {  	v59 =	vor.u32 $0x5, v58  }
0x4bd: {  	v62 =	vadd.s32 $0x41, v42;
	v16 =	vadd.f32 v1, v7;
	v1 =	vmul.f32 v49, v0;
	v0 =	vld [tilespmem:$0x1FC80];
	_ =	sdelay $0x2  }
0x4be: {  	[tilespmem:v8+s14+$0x0] =	vst.idx.msk $0xffff, v5  }
0x4bf: {  	v59 =	vld.idx.msk [tilespmem:v59+s2+$0x0], $0xffff  }
0x4c0: {  	[tilespmem:v62+s14+$0x0] =	vst.idx.msk $0xffff, v2;
	v2 =	vadd.f32 v15, v3;
	v3 =	vmul.f32 v48, v0;
	v0 =	vadd.s32 $0x1C0C, v60  }
0x4c1: {  	v46 =	vadd.s32 $0x11, v42;
	[tilespmem:$0x1F6E0] =	vst v0;
	v0 =	vld [tilespmem:$0x1FCA0];
	_ =	sdelay $0x4  }
0x4c2: {  	[tilespmem:v46+s14+$0x0] =	vst.idx.msk $0xffff, v16;
	v16 =	vmul.f32 v39, v0;
	v0 =	vld [tilespmem:$0x1FC70];
	_ =	sdelay $0x3  }
0x4c3: {  	v5 =	vld [tilespmem:$0x1F880]  }
0x4c4: {  	v18 =	vadd.f32 v2, v0;
	v2 =	vld [tilespmem:$0x1F720]  }
0x4c5: {  	v0 =	vld [tilespmem:$0x1EF00];
	_ =	sdelay $0x5  }
0x4c6: {  	[tilespmem:v5+s14+$0x0] =	vst.idx.msk $0xffff, v53  }
0x4c7: {  	v51 =	vld.idx.msk [tilespmem:v2+s2+$0x0], $0xffff  }
0x4c8: {  	[tilespmem:v0+s14+$0x0] =	vst.idx.msk $0xffff, v6;
	v0 =	vld [tilespmem:$0x1EF10];
	_ =	sdelay $0x7  }
0x4c9: {  	[tilespmem:v0+s14+$0x0] =	vst.idx.msk $0xffff, v41;
	v0 =	vld [tilespmem:$0x1FCD0];
	_ =	sdelay $0x2  }
0x4ca: {  	v1 =	vadd.f32 v1, v3  }
0x4cb: {  	v4 =	vadd.s32 $0x12, v57  }
0x4cc: {  	v9 =	vmovc v57;
	v57 =	vadd.s32 $0x1D, v56;
	v1 =	vadd.f32 v16, v1;
	v16 =	vmul.f32 v49, v0;
	v0 =	vld [tilespmem:$0x1FEE0];
	_ =	sdelay $0x3  }
0x4cd: {  	v4 =	vld.idx.msk [tilespmem:v4+s2+$0x0], $0xffff  }
0x4ce: {  	[tilespmem:v57+s14+$0x0] =	vst.idx.msk $0xffff, v59;
	v57 =	vmul.f32 v55, v0;
	v0 =	vld [tilespmem:$0x1EF20]  }
0x4cf: {  	v5 =	vld [tilespmem:$0x1F890];
	_ =	sdelay $0x4  }
0x4d0: {  	v8 =	vld [tilespmem:$0x1F8A0];
	_ =	sdelay $0x1  }
0x4d1: {  	v46 =	vmul.f32 v54, v50;
	v50 =	vld.idx.msk [tilespmem:v0+s2+$0x0], $0xffff  }
0x4d2: {  	[tilespmem:v5+s14+$0x0] =	vst.idx.msk $0xffff, v51;
	v5 =	vld [tilespmem:$0x1F5B0];
	_ =	sdelay $0x1  }
0x4d3: {  	v0 =	vld [tilespmem:$0x1FCB0]  }
0x4d4: {  	v43 =	vld [tilespmem:$0x1FAF0]  }
0x4d5: {  	v53 =	vld [tilespmem:$0x1FA80]  }
0x4d6: {  	[tilespmem:v8+s14+$0x0] =	vst.idx.msk $0xffff, v5;
	v5 =	vadd.s32 $0x25, v30  }
0x4d7: {  	[tilespmem:$0x1F7E0] =	vst v5;
	v5 =	vld [tilespmem:$0x1FCC0]  }
0x4d8: {  	v1 =	vadd.f32 v1, v0;
	_ =	sdelay $0x1  }
0x4d9: {  	v62 =	vmul.f32 v33, v43;
	[tilespmem:$0x1F540] =	vst v1;
	v1 =	vmul.f32 v45, v53;
	_ =	sdelay $0x1  }
0x4da: {  	v1 =	vadd.f32 v62, v1;
	v62 =	vmul.f32 v48, v5;
	v5 =	vld [tilespmem:$0x1F690];
	_ =	sdelay $0x7  }
0x4db: {  	v40 =	vadd.s32 $0x2A, v42;
	v15 =	vor.u32 $0x1C05, v63;
	v41 =	vld.idx.msk [tilespmem:v5+s2+$0x0], $0xffff  }
0x4dc: {  	v5 =	vld [tilespmem:$0x1EF30];
	_ =	sdelay $0x3  }
0x4dd: {  	v15 =	vld.idx.msk [tilespmem:v15+s2+$0x0], $0xffff;
	[tilespmem:v40+s14+$0x0] =	vst.idx.msk $0xffff, v4;
	v2 =	vadd.s32 $0x3C, v30  }
0x4de: {  	[tilespmem:$0x1F7C0] =	vst v2;
	v2 =	vadd.s32 $0xC, v30  }
0x4df: {  	[tilespmem:$0x1F7D0] =	vst v2;
	v2 =	vadd.s32 $0xD, v61  }
0x4e0: {  	[tilespmem:$0x1F650] =	vst v2  }
0x4e1: {  	[tilespmem:v5+s14+$0x0] =	vst.idx.msk $0xffff, v50;
	v5 =	vadd.s32 $0x1C0D, v60  }
0x4e2: {  	v6 =	vadd.s32 $0x1C12, v44;
	v2 =	vadd.s32 $0x35, v56;
	[tilespmem:$0x1F6F0] =	vst v5;
	v5 =	vadd.s32 $0x3D, v30  }
0x4e3: {  	v57 =	vadd.f32 v46, v57;
	v46 =	vmul.f32 v34, v31;
	[tilespmem:$0x1F7F0] =	vst v5;
	v5 =	vadd.s32 $0xD, v30  }
0x4e4: {  	v4 =	vor.u32 $0x5, v56;
	[tilespmem:$0x1F800] =	vst v5;
	v5 =	vadd.s32 $0xE, v61  }
0x4e5: {  	v51 =	vadd.f32 v46, v57;
	[tilespmem:$0x1F660] =	vst v5;
	v5 =	vadd.s32 $0x26, v30  }
0x4e6: {  	[tilespmem:$0x1F810] =	vst v5;
	v5 =	vld [tilespmem:$0x1F9F0]  }
0x4e7: {  	v51 =	vadd.f32 v51, v47  }
0x4e8: {  	v6 =	vld.idx.msk [tilespmem:v6+s2+$0x0], $0xffff;
	[tilespmem:v2+s14+$0x0] =	vst.idx.msk $0xffff, v15  }
0x4e9: {  	[tilespmem:v4+s14+$0x0] =	vst.idx.msk $0xffff, v51;
	v4 =	vld [tilespmem:$0x1FCE0];
	_ =	sdelay $0x1  }
0x4ea: {  	v47 =	vmul.f32 v49, v5;
	v5 =	vld [tilespmem:$0x1FD00];
	_ =	sdelay $0x2  }
0x4eb: {  	v4 =	vmul.f32 v39, v4;
	v15 =	vadd.f32 v16, v62;
	_ =	sdelay $0x1  }
0x4ec: {  	v2 =	vld [tilespmem:$0x1EF40];
	v4 =	vadd.f32 v4, v15;
	v15 =	vmul.f32 v48, v5;
	v5 =	vadd.s32 $0x1C0E, v60  }
0x4ed: {  	[tilespmem:$0x1F700] =	vst v5;
	v5 =	vld [tilespmem:$0x1F8B0];
	_ =	sdelay $0x6  }
0x4ee: {  	v2 =	vld.idx.msk [tilespmem:v2+s2+$0x0], $0xffff  }
0x4ef: {  	[tilespmem:v5+s14+$0x0] =	vst.idx.msk $0xffff, v41;
	v5 =	vld [tilespmem:$0x1FCF0];
	_ =	sdelay $0x4  }
0x4f0: {  	v4 =	vadd.f32 v4, v5;
	v5 =	vld [tilespmem:$0x1F730];
	_ =	sdelay $0x7  }
0x4f1: {  	v41 =	vld.idx.msk [tilespmem:v5+s2+$0x0], $0xffff  }
0x4f2: {  	v5 =	vld [tilespmem:$0x1EF50];
	_ =	sdelay $0x7  }
0x4f3: {  	[tilespmem:v5+s14+$0x0] =	vst.idx.msk $0xffff, v2;
	v5 =	vld [tilespmem:$0x1EF60]  }
0x4f4: {  	v0 =	vld [tilespmem:$0x1FB60]  }
0x4f5: {  	v59 =	vor.u32 $0x6, v58;
	v40 =	vadd.s32 $0x42, v42;
	_ =	sdelay $0x2  }
0x4f6: {  	v8 =	vld [tilespmem:$0x1FBE0]  }
0x4f7: {  	v3 =	vmul.f32 v20, v0  }
0x4f8: {  	v46 =	vadd.s32 $0x12, v42;
	v16 =	vld.idx.msk [tilespmem:v59+s2+$0x0], $0xffff;
	[tilespmem:v40+s14+$0x0] =	vst.idx.msk $0xffff, v6  }
0x4f9: {  	v1 =	vadd.f32 v3, v1;
	v3 =	vadd.s32 $0x13, v9;
	[tilespmem:v5+s14+$0x0] =	vst.idx.msk $0xffff, v36;
	v5 =	vadd.s32 $0xF, v61  }
0x4fa: {  	v6 =	vadd.s32 $0x1E, v56;
	[tilespmem:$0x1F670] =	vst v5;
	v5 =	vld [tilespmem:$0x1FF20]  }
0x4fb: {  	v1 =	vadd.f32 v1, v8;
	_ =	sdelay $0x1  }
0x4fc: {  	[tilespmem:v46+s14+$0x0] =	vst.idx.msk $0xffff, v1  }
0x4fd: {  	v3 =	vld.idx.msk [tilespmem:v3+s2+$0x0], $0xffff  }
0x4fe: {  	[tilespmem:v6+s14+$0x0] =	vst.idx.msk $0xffff, v16;
	v16 =	vmul.f32 v54, v5;
	v5 =	vld [tilespmem:$0x1EF70]  }
0x4ff: {  	v31 =	vld [tilespmem:$0x1F8C0];
	_ =	sdelay $0x2  }
0x500: {  	v6 =	vmul.f32 v55, v38;
	_ =	sdelay $0x1  }
0x501: {  	v6 =	vadd.f32 v16, v6;
	v16 =	vmul.f32 v34, v52;
	v52 =	vld [tilespmem:$0x1F8D0]  }
0x502: {  	v13 =	vld [tilespmem:$0x1FA00]  }
0x503: {  	v38 =	vld.idx.msk [tilespmem:v5+s2+$0x0], $0xffff  }
0x504: {  	[tilespmem:v31+s14+$0x0] =	vst.idx.msk $0xffff, v41;
	v31 =	vld [tilespmem:$0x1F5F0];
	_ =	sdelay $0x1  }
0x505: {  	v5 =	vld [tilespmem:$0x1FA40]  }
0x506: {  	v57 =	vmul.f32 v39, v13;
	[tilespmem:$0x1F550] =	vst v4;
	v4 =	vadd.f32 v47, v15;
	_ =	sdelay $0x1  }
0x507: {  	v13 =	vld [tilespmem:$0x1FB00];
	v4 =	vadd.f32 v57, v4;
	[tilespmem:v52+s14+$0x0] =	vst.idx.msk $0xffff, v31;
	v31 =	vadd.s32 $0x27, v30  }
0x508: {  	[tilespmem:$0x1F840] =	vst v31;
	v31 =	vld [tilespmem:$0x1F6A0]  }
0x509: {  	v4 =	vadd.f32 v4, v5;
	v5 =	vld [tilespmem:$0x1FA90]  }
0x50a: {  	v1 =	vor.u32 $0x1C06, v63;
	_ =	sdelay $0x1  }
0x50b: {  	v15 =	vadd.s32 $0x2B, v42;
	_ =	sdelay $0x1  }
0x50c: {  	v23 =	vld [tilespmem:$0x1FEB0];
	v46 =	vmul.f32 v33, v13;
	v2 =	vadd.s32 $0x3E, v30;
	[tilespmem:$0x1F570] =	vst v4;
	v4 =	vmul.f32 v45, v5  }
0x50d: {  	v1 =	vld.idx.msk [tilespmem:v1+s2+$0x0], $0xffff;
	[tilespmem:$0x1F820] =	vst v2;
	v2 =	vadd.s32 $0xE, v30  }
0x50e: {  	v50 =	vadd.s32 $0x36, v56;
	[tilespmem:$0x1F830] =	vst v2;
	v2 =	vadd.s32 $0x1C13, v44;
	v4 =	vadd.f32 v46, v4;
	v46 =	vld.idx.msk [tilespmem:v31+s2+$0x0], $0xffff  }
0x50f: {  	[tilespmem:v15+s14+$0x0] =	vst.idx.msk $0xffff, v3;
	v3 =	vor.u32 $0x6, v56;
	v31 =	vld [tilespmem:$0x1EF80]  }
0x510: {  	v6 =	vadd.f32 v16, v6;
	_ =	sdelay $0x1  }
0x511: {  	v6 =	vadd.f32 v6, v23  }
0x512: {  	v2 =	vld.idx.msk [tilespmem:v2+s2+$0x0], $0xffff;
	[tilespmem:v50+s14+$0x0] =	vst.idx.msk $0xffff, v1  }
0x513: {  	[tilespmem:v3+s14+$0x0] =	vst.idx.msk $0xffff, v6;
	v3 =	vld [tilespmem:$0x1FA30];
	_ =	sdelay $0x2  }
0x514: {  	v40 =	vmul.f32 v48, v37;
	v36 =	vmul.f32 v49, v35;
	[tilespmem:v31+s14+$0x0] =	vst.idx.msk $0xffff, v38;
	v31 =	vadd.s32 $0x1C0F, v60  }
0x515: {  	[tilespmem:$0x1F710] =	vst v31;
	v31 =	vadd.s32 $0x3F, v30  }
0x516: {  	v3 =	vmul.f32 v39, v3;
	[tilespmem:$0x1F860] =	vst v31;
	v31 =	vadd.f32 v36, v40  }
0x517: {  	v1 =	vld [tilespmem:$0x1EF90]  }
0x518: {  	v3 =	vadd.f32 v3, v31;
	v31 =	vmul.f32 v39, v12;
	v12 =	vld [tilespmem:$0x1F8E0];
	_ =	sdelay $0x6  }
0x519: {  	v15 =	vadd.s32 $0x43, v42;
	v16 =	vor.u32 $0x7, v58;
	v1 =	vld.idx.msk [tilespmem:v1+s2+$0x0], $0xffff  }
0x51a: {  	[tilespmem:v12+s14+$0x0] =	vst.idx.msk $0xffff, v46;
	v12 =	vld [tilespmem:$0x1F740]  }
0x51b: {  	v40 =	vld [tilespmem:$0x1FA50]  }
0x51c: {  	v6 =	vadd.s32 $0xF, v30  }
0x51d: {  	[tilespmem:$0x1F870] =	vst v6  }
0x51e: {  	v6 =	vld.idx.msk [tilespmem:v16+s2+$0x0], $0xffff;
	v16 =	vadd.s32 $0x10, v61;
	[tilespmem:v15+s14+$0x0] =	vst.idx.msk $0xffff, v2  }
0x51f: {  	[tilespmem:$0x1F680] =	vst v16;
	v16 =	vadd.s32 $0x28, v30  }
0x520: {  	v15 =	vmul.f32 v48, v22;
	[tilespmem:$0x1F880] =	vst v16;
	v16 =	vmul.f32 v49, v19;
	v3 =	vadd.f32 v3, v40;
	_ =	sdelay $0x1  }
0x521: {  	[tilespmem:$0x1F590] =	vst v3;
	v3 =	vadd.f32 v16, v15;
	v16 =	vld.idx.msk [tilespmem:v12+s2+$0x0], $0xffff  }
0x522: {  	v12 =	vld [tilespmem:$0x1EFA0];
	_ =	sdelay $0x7  }
0x523: {  	[tilespmem:v12+s14+$0x0] =	vst.idx.msk $0xffff, v1;
	v12 =	vld [tilespmem:$0x1EFB0];
	_ =	sdelay $0x1  }
0x524: {  	v19 =	vadd.s32 $0x1C10, v60  }
0x525: {  	[tilespmem:$0x1F720] =	vst v19;
	v19 =	vld [tilespmem:$0x1EFC0];
	_ =	sdelay $0x4  }
0x526: {  	[tilespmem:v12+s14+$0x0] =	vst.idx.msk $0xffff, v19;
	v12 =	vadd.s32 $0x11, v61  }
0x527: {  	[tilespmem:$0x1F690] =	vst v12;
	v12 =	vmul.f32 v49, v10;
	v10 =	vld [tilespmem:$0x1EFD0];
	_ =	sdelay $0x4  }
0x528: {  	v57 =	vld [tilespmem:$0x1FB70];
	_ =	sdelay $0x1  }
0x529: {  	v50 =	vld [tilespmem:$0x1FBF0]  }
0x52a: {  	v19 =	vld.idx.msk [tilespmem:v10+s2+$0x0], $0xffff  }
0x52b: {  	v10 =	vld [tilespmem:$0x1F8F0]  }
0x52c: {  	v47 =	vmul.f32 v20, v57  }
0x52d: {  	v35 =	vadd.s32 $0x13, v42  }
0x52e: {  	v4 =	vadd.f32 v47, v4  }
0x52f: {  	v47 =	vadd.s32 $0x14, v9  }
0x530: {  	v2 =	vadd.s32 $0x1F, v56;
	v4 =	vadd.f32 v4, v50;
	_ =	sdelay $0x1  }
0x531: {  	[tilespmem:v35+s14+$0x0] =	vst.idx.msk $0xffff, v4  }
0x532: {  	[tilespmem:v10+s14+$0x0] =	vst.idx.msk $0xffff, v16;
	v16 =	vld [tilespmem:$0x1F900]  }
0x533: {  	v51 =	vld.idx.msk [tilespmem:v47+s2+$0x0], $0xffff  }
0x534: {  	[tilespmem:v2+s14+$0x0] =	vst.idx.msk $0xffff, v6;
	v2 =	vld [tilespmem:$0x1FE00]  }
0x535: {  	v10 =	vld [tilespmem:$0x1F610]  }
0x536: {  	v6 =	vld [tilespmem:$0x1FE20];
	_ =	sdelay $0x1  }
0x537: {  	v4 =	vor.u32 $0x1C07, v63  }
0x538: {  	v15 =	vadd.s32 $0x2C, v42  }
0x539: {  	[tilespmem:v16+s14+$0x0] =	vst.idx.msk $0xffff, v10;
	v10 =	vadd.s32 $0x29, v30  }
0x53a: {  	v2 =	vmul.f32 v55, v2;
	v6 =	vmul.f32 v54, v6;
	v1 =	vadd.s32 $0x40, v30;
	[tilespmem:$0x1F8B0] =	vst v10;
	v10 =	vld [tilespmem:$0x1F6B0]  }
0x53b: {  	v59 =	vld [tilespmem:$0x1F980];
	v35 =	vadd.s32 $0x37, v56;
	[tilespmem:$0x1F890] =	vst v1;
	v1 =	vadd.s32 $0x10, v30  }
0x53c: {  	v4 =	vld.idx.msk [tilespmem:v4+s2+$0x0], $0xffff;
	v2 =	vadd.f32 v6, v2;
	v6 =	vmul.f32 v34, v27;
	[tilespmem:$0x1F8A0] =	vst v1;
	v1 =	vadd.s32 $0x1C14, v44  }
0x53d: {  	[tilespmem:v15+s14+$0x0] =	vst.idx.msk $0xffff, v51;
	v15 =	vor.u32 $0x7, v56  }
0x53e: {  	v2 =	vadd.f32 v6, v2;
	_ =	sdelay $0x1  }
0x53f: {  	v2 =	vadd.f32 v2, v59  }
0x540: {  	v1 =	vld.idx.msk [tilespmem:v1+s2+$0x0], $0xffff;
	[tilespmem:v35+s14+$0x0] =	vst.idx.msk $0xffff, v4  }
0x541: {  	[tilespmem:v15+s14+$0x0] =	vst.idx.msk $0xffff, v2;
	v38 =	vld.idx.msk [tilespmem:v10+s2+$0x0], $0xffff;
	v10 =	vadd.s32 $0x1C11, v60  }
0x542: {  	v16 =	vmul.f32 v48, v11;
	[tilespmem:$0x1F730] =	vst v10;
	v10 =	vadd.s32 $0x41, v30  }
0x543: {  	v4 =	vld [tilespmem:$0x1EFE0];
	[tilespmem:$0x1F8C0] =	vst v10;
	v10 =	vadd.s32 $0x11, v30  }
0x544: {  	v2 =	vmul.f32 v39, v14;
	v12 =	vadd.f32 v12, v16;
	[tilespmem:$0x1F8D0] =	vst v10;
	v10 =	vadd.s32 $0x12, v61  }
0x545: {  	v28 =	vadd.s32 $0x1F, v30;
	[tilespmem:$0x1F6A0] =	vst v10;
	v10 =	vadd.s32 $0x2A, v30  }
0x546: {  	v2 =	vadd.f32 v2, v12;
	[tilespmem:$0x1F8E0] =	vst v10;
	v10 =	vadd.s32 $0x1C12, v60  }
0x547: {  	[tilespmem:$0x1F740] =	vst v10;
	v10 =	vld [tilespmem:$0x1F910]  }
0x548: {  	v2 =	vadd.f32 v2, v7;
	v7 =	vld [tilespmem:$0x1F750]  }
0x549: {  	v16 =	vmul.f32 v39, v0;
	v0 =	vld [tilespmem:$0x1EFF0]  }
0x54a: {  	[tilespmem:v28+s14+$0x0] =	vst.idx.msk $0xffff, v19  }
0x54b: {  	v32 =	vadd.s32 $0x37, v30;
	v4 =	vld.idx.msk [tilespmem:v4+s2+$0x0], $0xffff;
	_ =	sdelay $0x2  }
0x54c: {  	v47 =	vld [tilespmem:$0x1FAA0];
	v15 =	vmul.f32 v49, v43;
	v12 =	vmul.f32 v48, v53;
	[tilespmem:$0x1F5F0] =	vst v2  }
0x54d: {  	v46 =	vld [tilespmem:$0x1FB10];
	[tilespmem:v10+s14+$0x0] =	vst.idx.msk $0xffff, v38  }
0x54e: {  	v2 =	vadd.f32 v15, v12;
	v15 =	vld.idx.msk [tilespmem:v7+s2+$0x0], $0xffff;
	[tilespmem:v32+s14+$0x0] =	vst.idx.msk $0xffff, v4  }
0x54f: {  	v6 =	vadd.s32 $0x8, v58;
	v7 =	vadd.s32 $0x13, v61;
	[tilespmem:v0+s14+$0x0] =	vst.idx.msk $0xffff, v29;
	v0 =	vld [tilespmem:$0x1F000]  }
0x550: {  	[tilespmem:$0x1F6B0] =	vst v7;
	v7 =	vld [tilespmem:$0x1F920]  }
0x551: {  	v3 =	vadd.f32 v31, v3  }
0x552: {  	v27 =	vld [tilespmem:$0x1FB80]  }
0x553: {  	v3 =	vadd.f32 v3, v17  }
0x554: {  	v36 =	vadd.s32 $0x44, v42;
	v6 =	vld.idx.msk [tilespmem:v6+s2+$0x0], $0xffff;
	v2 =	vadd.f32 v16, v2  }
0x555: {  	[tilespmem:$0x1F5B0] =	vst v3;
	v3 =	vmul.f32 v45, v47;
	v31 =	vmul.f32 v33, v46;
	v11 =	vld [tilespmem:$0x1FC00]  }
0x556: {  	v2 =	vadd.f32 v2, v8;
	v8 =	vld [tilespmem:$0x1F930]  }
0x557: {  	v52 =	vmul.f32 v20, v27;
	v51 =	vmov v20;
	v3 =	vadd.f32 v31, v3;
	v20 =	vld.idx.msk [tilespmem:v0+s2+$0x0], $0xffff  }
0x558: {  	v31 =	vadd.s32 $0x14, v42;
	[tilespmem:v7+s14+$0x0] =	vst.idx.msk $0xffff, v15;
	v15 =	vmul.f32 v48, v5;
	v5 =	vld [tilespmem:$0x1F6C0]  }
0x559: {  	v3 =	vadd.f32 v52, v3;
	[tilespmem:v36+s14+$0x0] =	vst.idx.msk $0xffff, v1;
	v1 =	vadd.s32 $0x20, v56;
	v19 =	vadd.s32 $0x15, v9;
	v0 =	vld [tilespmem:$0x1F020];
	_ =	sdelay $0x1  }
0x55a: {  	v3 =	vadd.f32 v3, v11;
	v7 =	vld [tilespmem:$0x1F630];
	_ =	sdelay $0x1  }
0x55b: {  	[tilespmem:v31+s14+$0x0] =	vst.idx.msk $0xffff, v3  }
0x55c: {  	v19 =	vld.idx.msk [tilespmem:v19+s2+$0x0], $0xffff;
	[tilespmem:v1+s14+$0x0] =	vst.idx.msk $0xffff, v6;
	v4 =	vadd.s32 $0x42, v30  }
0x55d: {  	[tilespmem:$0x1F8F0] =	vst v4  }
0x55e: {  	[tilespmem:v8+s14+$0x0] =	vst.idx.msk $0xffff, v7  }
0x55f: {  	v31 =	vld.idx.msk [tilespmem:v5+s2+$0x0], $0xffff;
	[tilespmem:v0+s14+$0x0] =	vst.idx.msk $0xffff, v20;
	v5 =	vadd.s32 $0x1C13, v60  }
0x560: {  	v3 =	vadd.s32 $0x1C08, v63;
	[tilespmem:$0x1F750] =	vst v5;
	v5 =	vadd.s32 $0x43, v30  }
0x561: {  	[tilespmem:$0x1F920] =	vst v5;
	v5 =	vadd.s32 $0x13, v30  }
0x562: {  	v0 =	vld [tilespmem:$0x1F030];
	[tilespmem:$0x1F930] =	vst v5;
	v5 =	vadd.s32 $0x14, v61  }
0x563: {  	v12 =	vadd.s32 $0x2D, v42;
	v4 =	vadd.s32 $0x12, v30;
	[tilespmem:$0x1F6C0] =	vst v5;
	v5 =	vld [tilespmem:$0x1F940]  }
0x564: {  	[tilespmem:$0x1F900] =	vst v4;
	v4 =	vadd.s32 $0x1C15, v44  }
0x565: {  	v28 =	vadd.s32 $0x38, v56;
	v1 =	vmul.f32 v55, v25;
	v6 =	vmul.f32 v54, v24;
	v3 =	vld.idx.msk [tilespmem:v3+s2+$0x0], $0xffff  }
0x566: {  	v62 =	vld [tilespmem:$0x1F990]  }
0x567: {  	v1 =	vadd.f32 v6, v1;
	v6 =	vmul.f32 v34, v26  }
0x568: {  	[tilespmem:v12+s14+$0x0] =	vst.idx.msk $0xffff, v19;
	v12 =	vadd.s32 $0x8, v56  }
0x569: {  	v1 =	vadd.f32 v6, v1;
	v4 =	vld.idx.msk [tilespmem:v4+s2+$0x0], $0xffff  }
0x56a: {  	[tilespmem:v28+s14+$0x0] =	vst.idx.msk $0xffff, v3;
	v3 =	vld.idx.msk [tilespmem:v0+s2+$0x0], $0xffff  }
0x56b: {  	v16 =	vmul.f32 v49, v13;
	v1 =	vadd.f32 v1, v62;
	[tilespmem:v5+s14+$0x0] =	vst.idx.msk $0xffff, v31;
	v5 =	vld [tilespmem:$0x1F760]  }
0x56c: {  	v0 =	vld [tilespmem:$0x1F040]  }
0x56d: {  	[tilespmem:v12+s14+$0x0] =	vst.idx.msk $0xffff, v1;
	v1 =	vmul.f32 v39, v57;
	v15 =	vadd.f32 v16, v15;
	_ =	sdelay $0x1  }
0x56e: {  	v1 =	vadd.f32 v1, v15  }
0x56f: {  	v43 =	vld [tilespmem:$0x1FB90];
	v6 =	vadd.s32 $0x9, v58;
	v19 =	vadd.s32 $0x45, v42  }
0x570: {  	v53 =	vld [tilespmem:$0x1FAB0];
	v16 =	vmul.f32 v49, v46;
	v15 =	vmul.f32 v48, v47;
	v1 =	vadd.f32 v1, v50  }
0x571: {  	v13 =	vld [tilespmem:$0x1FB20]  }
0x572: {  	[tilespmem:$0x1F630] =	vst v1;
	v1 =	vadd.f32 v16, v15;
	v16 =	vld.idx.msk [tilespmem:v5+s2+$0x0], $0xffff  }
0x573: {  	[tilespmem:v0+s14+$0x0] =	vst.idx.msk $0xffff, v3;
	v0 =	vld [tilespmem:$0x1F050]  }
0x574: {  	v6 =	vld.idx.msk [tilespmem:v6+s2+$0x0], $0xffff;
	[tilespmem:v19+s14+$0x0] =	vst.idx.msk $0xffff, v4;
	v19 =	vadd.s32 $0x1C14, v60  }
0x575: {  	[tilespmem:$0x1F610] =	vst v2;
	v5 =	vmov v19  }
0x576: {  	v2 =	vmul.f32 v45, v53;
	v24 =	vmul.f32 v33, v13;
	[tilespmem:$0x1F760] =	vst v5;
	v5 =	vld [tilespmem:$0x1F060]  }
0x577: {  	v10 =	vld [tilespmem:$0x1FC10]  }
0x578: {  	v2 =	vadd.f32 v24, v2;
	v29 =	vmul.f32 v51, v43  }
0x579: {  	v24 =	vadd.s32 $0x15, v42  }
0x57a: {  	v2 =	vadd.f32 v29, v2;
	v20 =	vadd.s32 $0x16, v9  }
0x57b: {  	v4 =	vadd.s32 $0x21, v56;
	[tilespmem:v0+s14+$0x0] =	vst.idx.msk $0xffff, v5;
	v0 =	vld [tilespmem:$0x1F9A0]  }
0x57c: {  	v2 =	vadd.f32 v2, v10;
	_ =	sdelay $0x1  }
0x57d: {  	[tilespmem:v24+s14+$0x0] =	vst.idx.msk $0xffff, v2  }
0x57e: {  	v20 =	vld.idx.msk [tilespmem:v20+s2+$0x0], $0xffff  }
0x57f: {  	[tilespmem:v4+s14+$0x0] =	vst.idx.msk $0xffff, v6;
	v4 =	vmul.f32 v55, v0;
	v0 =	vld [tilespmem:$0x1FF50];
	_ =	sdelay $0x4  }
0x580: {  	v6 =	vmul.f32 v54, v0;
	v0 =	vld [tilespmem:$0x1F070];
	_ =	sdelay $0x7  }
0x581: {  	v22 =	vld.idx.msk [tilespmem:v0+s2+$0x0], $0xffff  }
0x582: {  	v0 =	vld [tilespmem:$0x1FF60];
	_ =	sdelay $0x4  }
0x583: {  	v7 =	vadd.s32 $0x2B, v30;
	v4 =	vadd.f32 v6, v4;
	v6 =	vmul.f32 v34, v0;
	v0 =	vld [tilespmem:$0x1F080];
	_ =	sdelay $0x1  }
0x584: {  	v12 =	vadd.s32 $0x2C, v30  }
0x585: {  	[tilespmem:$0x1F910] =	vst v7;
	v7 =	vmov v12  }
0x586: {  	[tilespmem:$0x1F940] =	vst v7;
	v7 =	vld [tilespmem:$0x1F0A0];
	_ =	sdelay $0x2  }
0x587: {  	v5 =	vld [tilespmem:$0x1F090]  }
0x588: {  	[tilespmem:v0+s14+$0x0] =	vst.idx.msk $0xffff, v16;
	v0 =	vld [tilespmem:$0x1F9B0];
	_ =	sdelay $0x2  }
0x589: {  	v4 =	vadd.f32 v6, v4  }
0x58a: {  	v3 =	vadd.s32 $0x44, v30;
	[tilespmem:v7+s14+$0x0] =	vst.idx.msk $0xffff, v5;
	v5 =	vld [tilespmem:$0x1F6D0]  }
0x58b: {  	v16 =	vmul.f32 v48, v53;
	v53 =	vmov v3;
	v3 =	vadd.f32 v4, v0;
	v0 =	vld [tilespmem:$0x1F0B0];
	_ =	sdelay $0x5  }
0x58c: {  	v2 =	vadd.s32 $0x1C09, v63  }
0x58d: {  	v62 =	vld.idx.msk [tilespmem:v5+s2+$0x0], $0xffff  }
0x58e: {  	v15 =	vadd.s32 $0x2E, v42;
	[tilespmem:v0+s14+$0x0] =	vst.idx.msk $0xffff, v22;
	v0 =	vld [tilespmem:$0x1F0C0]  }
0x58f: {  	v26 =	vadd.s32 $0x1C16, v44;
	v7 =	vld [tilespmem:$0x1F0D0]  }
0x590: {  	v59 =	vmov v18;
	v18 =	vld [tilespmem:$0x1FB30]  }
0x591: {  	v24 =	vmul.f32 v39, v27;
	v27 =	vadd.s32 $0x39, v56;
	v2 =	vld.idx.msk [tilespmem:v2+s2+$0x0], $0xffff  }
0x592: {  	v57 =	vld [tilespmem:$0x1FAC0]  }
0x593: {  	v14 =	vld [tilespmem:$0x1FBA0];
	[tilespmem:v15+s14+$0x0] =	vst.idx.msk $0xffff, v20  }
0x594: {  	v20 =	vld.idx.msk [tilespmem:v26+s2+$0x0], $0xffff  }
0x595: {  	v1 =	vadd.f32 v24, v1;
	v5 =	vld [tilespmem:$0x1FC20]  }
0x596: {  	v24 =	vmul.f32 v33, v18;
	[tilespmem:v27+s14+$0x0] =	vst.idx.msk $0xffff, v2;
	v19 =	vmul.f32 v49, v13;
	v2 =	vld.idx.msk [tilespmem:v0+s2+$0x0], $0xffff  }
0x597: {  	v13 =	vadd.f32 v1, v11;
	v1 =	vmul.f32 v45, v57;
	[tilespmem:v7+s14+$0x0] =	vst.idx.msk $0xffff, v62;
	v7 =	vld [tilespmem:$0x1F0E0]  }
0x598: {  	v29 =	vadd.s32 $0x46, v42;
	v15 =	vadd.s32 $0x9, v56;
	v0 =	vld [tilespmem:$0x1F0F0]  }
0x599: {  	v28 =	vmul.f32 v51, v14;
	v1 =	vadd.f32 v24, v1;
	v6 =	vadd.s32 $0xA, v58  }
0x59a: {  	v31 =	vadd.s32 $0x16, v42  }
0x59b: {  	v1 =	vadd.f32 v28, v1;
	_ =	sdelay $0x1  }
0x59c: {  	[tilespmem:v15+s14+$0x0] =	vst.idx.msk $0xffff, v3;
	v1 =	vadd.f32 v1, v5  }
0x59d: {  	v6 =	vld.idx.msk [tilespmem:v6+s2+$0x0], $0xffff;
	[tilespmem:v29+s14+$0x0] =	vst.idx.msk $0xffff, v20  }
0x59e: {  	[tilespmem:v31+s14+$0x0] =	vst.idx.msk $0xffff, v1;
	v31 =	vld.idx.msk [tilespmem:v7+s2+$0x0], $0xffff  }
0x59f: {  	[tilespmem:v0+s14+$0x0] =	vst.idx.msk $0xffff, v2;
	v0 =	vld [tilespmem:$0x1F100]  }
0x5a0: {  	v25 =	vadd.s32 $0x15, v61  }
0x5a1: {  	v7 =	vmov v25  }
0x5a2: {  	[tilespmem:$0x1F6D0] =	vst v7;
	v7 =	vld [tilespmem:$0x1F110];
	_ =	sdelay $0x3  }
0x5a3: {  	v4 =	vadd.s32 $0x17, v9  }
0x5a4: {  	v20 =	vadd.s32 $0x22, v56;
	[tilespmem:v0+s14+$0x0] =	vst.idx.msk $0xffff, v7;
	v0 =	vld [tilespmem:$0x1F9C0];
	_ =	sdelay $0x3  }
0x5a5: {  	v4 =	vld.idx.msk [tilespmem:v4+s2+$0x0], $0xffff  }
0x5a6: {  	[tilespmem:v20+s14+$0x0] =	vst.idx.msk $0xffff, v6;
	v6 =	vmul.f32 v55, v0;
	v0 =	vld [tilespmem:$0x1F9D0];
	_ =	sdelay $0x3  }
0x5a7: {  	v12 =	vadd.s32 $0x14, v30  }
0x5a8: {  	v38 =	vmovc v12;
	v12 =	vadd.f32 v19, v16;
	v3 =	vmul.f32 v39, v43;
	v17 =	vmul.f32 v54, v0;
	v0 =	vld [tilespmem:$0x1F120];
	_ =	sdelay $0x1  }
0x5a9: {  	v23 =	vld [tilespmem:$0x1FBB0];
	v3 =	vadd.f32 v3, v12  }
0x5aa: {  	v12 =	vmul.f32 v48, v57;
	v22 =	vmul.f32 v49, v18  }
0x5ab: {  	v16 =	vadd.f32 v3, v10  }
0x5ac: {  	v3 =	vadd.f32 v22, v12;
	v12 =	vadd.s32 $0x2F, v42;
	v1 =	vadd.s32 $0x1C0A, v63  }
0x5ad: {  	v29 =	vld [tilespmem:$0x1FD10];
	v2 =	vadd.s32 $0x1C17, v44  }
0x5ae: {  	v37 =	vmov v23;
	v23 =	vmul.f32 v39, v14  }
0x5af: {  	v25 =	vld.idx.msk [tilespmem:v0+s2+$0x0], $0xffff  }
0x5b0: {  	v3 =	vadd.f32 v23, v3;
	v0 =	vld [tilespmem:$0x1F9E0]  }
0x5b1: {  	v15 =	vadd.s32 $0x16, v61;
	v43 =	vmov v58;
	v58 =	vadd.s32 $0x17, v61;
	v1 =	vld.idx.msk [tilespmem:v1+s2+$0x0], $0xffff;
	[tilespmem:v12+s14+$0x0] =	vst.idx.msk $0xffff, v4  }
0x5b2: {  	v61 =	vadd.f32 v3, v5;
	v3 =	vmul.f32 v45, v29;
	v12 =	vmul.f32 v48, v29;
	v29 =	vld.idx.msk [tilespmem:v2+s2+$0x0], $0xffff  }
0x5b3: {  	v2 =	vld [tilespmem:$0x1F130]  }
0x5b4: {  	v5 =	vld [tilespmem:$0x1F140]  }
0x5b5: {  	v44 =	vmovc v63;
	v63 =	vadd.s32 $0x3A, v56;
	v6 =	vadd.f32 v17, v6;
	v17 =	vmul.f32 v34, v0;
	v0 =	vld [tilespmem:$0x1F170];
	_ =	sdelay $0x1  }
0x5b6: {  	v7 =	vld [tilespmem:$0x1F150]  }
0x5b7: {  	v23 =	vld [tilespmem:$0x1FD20];
	_ =	sdelay $0x1  }
0x5b8: {  	[tilespmem:v63+s14+$0x0] =	vst.idx.msk $0xffff, v1  }
0x5b9: {  	v41 =	vld [tilespmem:$0x1FC40];
	[tilespmem:v2+s14+$0x0] =	vst.idx.msk $0xffff, v31  }
0x5ba: {  	v1 =	vld [tilespmem:$0x1F1C0];
	[tilespmem:v5+s14+$0x0] =	vst.idx.msk $0xffff, v7  }
0x5bb: {  	v21 =	vadd.s32 $0x23, v30;
	v20 =	vmul.f32 v33, v23;
	v4 =	vadd.s32 $0xA, v56;
	[tilespmem:v0+s14+$0x0] =	vst.idx.msk $0xffff, v25;
	v0 =	vld [tilespmem:$0x1F190]  }
0x5bc: {  	v52 =	vmovc v21;
	v21 =	vadd.s32 $0x1C15, v60;
	v36 =	vld [tilespmem:$0x1FC30];
	v26 =	vadd.s32 $0x2D, v30;
	v2 =	vadd.f32 v17, v6  }
0x5bd: {  	s18 =	sadd.s32 $0x2, s18;
	v8 =	vld [tilespmem:$0x1F010];
	v27 =	vadd.s32 $0x45, v30;
	v3 =	vadd.f32 v20, v3;
	v6 =	vmul.f32 v51, v37  }
0x5be: {  	p0 =	slt.u32 s18, $0xE;
	v24 =	vadd.s32 $0x2E, v30;
	v28 =	vadd.s32 $0x15, v30;
	v7 =	vld [tilespmem:$0x1F160];
	v2 =	vadd.f32 v2, v41  }
.Ltmp1:
0x5bf: {  	v19 =	vadd.s32 $0x1C16, v60;
	v18 =	vadd.s32 $0x16, v30;
	v3 =	vadd.f32 v6, v3;
	v6 =	vld [tilespmem:$0x1F180];
	(pc) =	sbr.rel @p0 .LBB2_5-.Ltmp1, $4  }
0x5c0: {  	v22 =	vadd.s32 $0x46, v30;
	v14 =	vmul.f32 v49, v23;
	v23 =	vadd.s32 $0x47, v42;
	[tilespmem:v4+s14+$0x0] =	vst.idx.msk $0xffff, v2;
	v4 =	vld [tilespmem:$0x1F1A0]  }
0x5c1: {  	v33 =	vadd.s32 $0xB, v43;
	v20 =	vadd.s32 $0x17, v42;
	v31 =	vadd.f32 v3, v36;
	v3 =	vld [tilespmem:$0x1F1B0]  }
0x5c2: {  	v46 =	vmovc v34;
	v45 =	vmovc v55;
	v55 =	vadd.s32 $0x1C17, v60;
	v34 =	vadd.f32 v14, v12;
	v14 =	vadd.s32 $0x47, v30;
	v32 =	vld.idx.msk [tilespmem:v1+s2+$0x0], $0xffff  }
0x5c3: {  	s19 =	sadd.s32 $0x20, s19;
	v47 =	vmovc v54;
	v42 =	vmovc v56;
	v12 =	vadd.s32 $0x17, v30;
	v17 =	vadd.s32 $0x2F, v30;
	v25 =	vmul.f32 v39, v37;
	v35 =	vld.idx.msk [tilespmem:v0+s2+$0x0], $0xffff  }
0x5c4: {  	_ =	sdelay $0x4  }
0x5c5: {  	[tilespmem:v4+s14+$0x0] =	vst.idx.msk $0xffff, v35  }
0x5c6: {  	v0 =	vld [tilespmem:$0x1F510];
	_ =	sdelay $0x4  }
0x5c7: {  	[tilespmem:v3+s14+$0x0] =	vst.idx.msk $0xffff, v0  }
0x5c8: {  	v57 =	vld [tilespmem:$0x1FEA0]  }
0x5c9: {  	v39 =	vld [tilespmem:$0x1FC50]  }
0x5ca: {  	v1 =	vld.idx.msk [tilespmem:v33+s2+$0x0], $0xffff;
	v2 =	vadd.s32 $0x23, v42;
	_ =	sdelay $0x3  }
0x5cb: {  	v4 =	vld.idx.msk [tilespmem:v6+s2+$0x0], $0xffff;
	v0 =	vmul.f32 v45, v57;
	v10 =	vmul.f32 v47, v39  }
0x5cc: {  	[tilespmem:v2+s14+$0x0] =	vst.idx.msk $0xffff, v1  }
0x5cd: {  	v63 =	vadd.s32 $0x1C0B, v44;
	v11 =	vadd.f32 v10, v0;
	v0 =	vld [tilespmem:$0x1FC60];
	_ =	sdelay $0x2  }
0x5ce: {  	[tilespmem:v52+s14+$0x0] =	vst.idx.msk $0xffff, v4  }
0x5cf: {  	v49 =	vld [tilespmem:$0x1FC70]  }
0x5d0: {  	v33 =	vadd.s32 $0x3B, v42;
	v2 =	vld.idx.msk [tilespmem:v63+s2+$0x0], $0xffff;
	v35 =	vmul.f32 v46, v0  }
0x5d1: {  	v39 =	vadd.s32 $0xB, v42  }
0x5d2: {  	v1 =	vadd.f32 v35, v11;
	_ =	sdelay $0x1  }
0x5d3: {  	v1 =	vadd.f32 v1, v49  }
0x5d4: {  	[tilespmem:v33+s14+$0x0] =	vst.idx.msk $0xffff, v2  }
0x5d5: {  	[tilespmem:v39+s14+$0x0] =	vst.idx.msk $0xffff, v1  }
0x5d6: {  	v50 =	vld [tilespmem:$0x1F7A0];
	_ =	sdelay $0x2  }
0x5d7: {  	v51 =	vmov v41;
	v41 =	vld.idx.msk [tilespmem:v7+s2+$0x0], $0xffff  }
0x5d8: {  	v48 =	vadd.s32 $0xC, v43;
	_ =	sdelay $0x3  }
0x5d9: {  	[tilespmem:v50+s14+$0x0] =	vst.idx.msk $0xffff, v41  }
0x5da: {  	v54 =	vadd.s32 $0x24, v42;
	v52 =	vld.idx.msk [tilespmem:v48+s2+$0x0], $0xffff;
	[tilespmem:v8+s14+$0x0] =	vst.idx.msk $0xffff, v59  }
0x5db: {  	v3 =	vld [tilespmem:$0x1F640];
	_ =	sdelay $0x2  }
0x5dc: {  	v9 =	vld [tilespmem:$0x1FC80]  }
0x5dd: {  	v59 =	vld [tilespmem:$0x1FC90];
	[tilespmem:v54+s14+$0x0] =	vst.idx.msk $0xffff, v52  }
0x5de: {  	v5 =	vld [tilespmem:$0x1F7B0];
	_ =	sdelay $0x2  }
0x5df: {  	v56 =	vadd.s32 $0x1C0C, v44;
	v3 =	vld.idx.msk [tilespmem:v3+s2+$0x0], $0xffff;
	_ =	sdelay $0x1  }
0x5e0: {  	v11 =	vld [tilespmem:$0x1FCA0];
	_ =	sdelay $0x2  }
0x5e1: {  	v1 =	vld.idx.msk [tilespmem:v56+s2+$0x0], $0xffff;
	v57 =	vmul.f32 v45, v9;
	v60 =	vmul.f32 v47, v59;
	[tilespmem:v5+s14+$0x0] =	vst.idx.msk $0xffff, v3  }
0x5e2: {  	v56 =	vld [tilespmem:$0x1FCB0]  }
0x5e3: {  	v63 =	vadd.s32 $0x3C, v42;
	v33 =	vmul.f32 v46, v11;
	v62 =	vadd.f32 v60, v57  }
0x5e4: {  	v35 =	vadd.s32 $0xC, v42  }
0x5e5: {  	v0 =	vadd.f32 v33, v62;
	v39 =	vld [tilespmem:$0x1F6E0];
	_ =	sdelay $0x1  }
0x5e6: {  	v0 =	vadd.f32 v0, v56  }
0x5e7: {  	[tilespmem:v63+s14+$0x0] =	vst.idx.msk $0xffff, v1  }
0x5e8: {  	[tilespmem:v35+s14+$0x0] =	vst.idx.msk $0xffff, v0  }
0x5e9: {  	v0 =	vld [tilespmem:$0x1F7C0];
	_ =	sdelay $0x2  }
0x5ea: {  	v4 =	vld.idx.msk [tilespmem:v39+s2+$0x0], $0xffff;
	_ =	sdelay $0x4  }
0x5eb: {  	[tilespmem:v0+s14+$0x0] =	vst.idx.msk $0xffff, v4  }
0x5ec: {  	v3 =	vld [tilespmem:$0x1F7D0];
	_ =	sdelay $0x2  }
0x5ed: {  	v41 =	vadd.s32 $0xD, v43;
	v2 =	vld [tilespmem:$0x1F540];
	_ =	sdelay $0x4  }
0x5ee: {  	v49 =	vadd.s32 $0x25, v42;
	v48 =	vld.idx.msk [tilespmem:v41+s2+$0x0], $0xffff;
	[tilespmem:v3+s14+$0x0] =	vst.idx.msk $0xffff, v2  }
0x5ef: {  	v3 =	vld [tilespmem:$0x1F650];
	_ =	sdelay $0x2  }
0x5f0: {  	v54 =	vld [tilespmem:$0x1FCC0]  }
0x5f1: {  	v59 =	vld [tilespmem:$0x1FCD0];
	[tilespmem:v49+s14+$0x0] =	vst.idx.msk $0xffff, v48  }
0x5f2: {  	v33 =	vld [tilespmem:$0x1F7E0];
	_ =	sdelay $0x2  }
0x5f3: {  	v50 =	vadd.s32 $0x1C0D, v44;
	v3 =	vld.idx.msk [tilespmem:v3+s2+$0x0], $0xffff;
	_ =	sdelay $0x1  }
0x5f4: {  	v8 =	vld [tilespmem:$0x1FCE0];
	_ =	sdelay $0x2  }
0x5f5: {  	v1 =	vld.idx.msk [tilespmem:v50+s2+$0x0], $0xffff;
	v54 =	vmul.f32 v45, v54;
	v60 =	vmul.f32 v47, v59;
	[tilespmem:v33+s14+$0x0] =	vst.idx.msk $0xffff, v3  }
0x5f6: {  	v50 =	vld [tilespmem:$0x1FCF0]  }
0x5f7: {  	v63 =	vadd.s32 $0x3D, v42;
	v11 =	vmul.f32 v46, v8;
	v62 =	vadd.f32 v60, v54  }
0x5f8: {  	v35 =	vadd.s32 $0xD, v42  }
0x5f9: {  	v0 =	vadd.f32 v11, v62;
	v39 =	vld [tilespmem:$0x1F6F0];
	_ =	sdelay $0x1  }
0x5fa: {  	v0 =	vadd.f32 v0, v50  }
0x5fb: {  	[tilespmem:v63+s14+$0x0] =	vst.idx.msk $0xffff, v1  }
0x5fc: {  	[tilespmem:v35+s14+$0x0] =	vst.idx.msk $0xffff, v0  }
0x5fd: {  	v0 =	vld [tilespmem:$0x1F7F0];
	_ =	sdelay $0x2  }
0x5fe: {  	v4 =	vld.idx.msk [tilespmem:v39+s2+$0x0], $0xffff;
	_ =	sdelay $0x4  }
0x5ff: {  	[tilespmem:v0+s14+$0x0] =	vst.idx.msk $0xffff, v4  }
0x600: {  	v3 =	vld [tilespmem:$0x1F800];
	_ =	sdelay $0x2  }
0x601: {  	v41 =	vadd.s32 $0xE, v43;
	v2 =	vld [tilespmem:$0x1F550];
	_ =	sdelay $0x4  }
0x602: {  	v50 =	vadd.s32 $0x26, v42;
	v49 =	vld.idx.msk [tilespmem:v41+s2+$0x0], $0xffff;
	[tilespmem:v3+s14+$0x0] =	vst.idx.msk $0xffff, v2  }
0x603: {  	v3 =	vld [tilespmem:$0x1F660];
	_ =	sdelay $0x2  }
0x604: {  	v35 =	vld [tilespmem:$0x1FD00]  }
0x605: {  	v56 =	vld [tilespmem:$0x1F9F0];
	[tilespmem:v50+s14+$0x0] =	vst.idx.msk $0xffff, v49  }
0x606: {  	v62 =	vld [tilespmem:$0x1F810];
	_ =	sdelay $0x2  }
0x607: {  	v3 =	vld.idx.msk [tilespmem:v3+s2+$0x0], $0xffff;
	_ =	sdelay $0x1  }
0x608: {  	v52 =	vadd.s32 $0x1C0E, v44;
	v60 =	vld [tilespmem:$0x1FA00];
	_ =	sdelay $0x2  }
0x609: {  	v54 =	vmul.f32 v45, v35;
	v5 =	vmul.f32 v47, v56;
	[tilespmem:v62+s14+$0x0] =	vst.idx.msk $0xffff, v3  }
0x60a: {  	v11 =	vld [tilespmem:$0x1FA40]  }
0x60b: {  	v59 =	vadd.s32 $0x3E, v42;
	v1 =	vld.idx.msk [tilespmem:v52+s2+$0x0], $0xffff;
	v4 =	vmul.f32 v46, v60;
	v57 =	vadd.f32 v5, v54  }
0x60c: {  	v63 =	vadd.s32 $0xE, v42  }
0x60d: {  	v0 =	vadd.f32 v4, v57;
	v9 =	vld [tilespmem:$0x1F700];
	_ =	sdelay $0x1  }
0x60e: {  	v0 =	vadd.f32 v0, v11  }
0x60f: {  	[tilespmem:v59+s14+$0x0] =	vst.idx.msk $0xffff, v1  }
0x610: {  	[tilespmem:v63+s14+$0x0] =	vst.idx.msk $0xffff, v0  }
0x611: {  	v0 =	vld [tilespmem:$0x1F820];
	_ =	sdelay $0x2  }
0x612: {  	v4 =	vld.idx.msk [tilespmem:v9+s2+$0x0], $0xffff;
	_ =	sdelay $0x4  }
0x613: {  	[tilespmem:v0+s14+$0x0] =	vst.idx.msk $0xffff, v4  }
0x614: {  	v3 =	vld [tilespmem:$0x1F830];
	_ =	sdelay $0x2  }
0x615: {  	v10 =	vadd.s32 $0xF, v43;
	v2 =	vld [tilespmem:$0x1F570];
	_ =	sdelay $0x4  }
0x616: {  	v35 =	vadd.s32 $0x27, v42;
	v33 =	vld.idx.msk [tilespmem:v10+s2+$0x0], $0xffff;
	[tilespmem:v3+s14+$0x0] =	vst.idx.msk $0xffff, v2  }
0x617: {  	v3 =	vld [tilespmem:$0x1F670];
	_ =	sdelay $0x2  }
0x618: {  	v4 =	vld [tilespmem:$0x1FA10]  }
0x619: {  	v41 =	vld [tilespmem:$0x1FA20];
	[tilespmem:v35+s14+$0x0] =	vst.idx.msk $0xffff, v33  }
0x61a: {  	v52 =	vld [tilespmem:$0x1F840];
	_ =	sdelay $0x1  }
0x61b: {  	v39 =	vadd.s32 $0x1C0F, v44;
	v50 =	vld [tilespmem:$0x1FA30]  }
0x61c: {  	v3 =	vld.idx.msk [tilespmem:v3+s2+$0x0], $0xffff;
	_ =	sdelay $0x1  }
0x61d: {  	v4 =	vmul.f32 v45, v4;
	v5 =	vmul.f32 v47, v41;
	_ =	sdelay $0x1  }
0x61e: {  	v49 =	vadd.s32 $0x3F, v42;
	v1 =	vld.idx.msk [tilespmem:v39+s2+$0x0], $0xffff;
	v48 =	vadd.f32 v5, v4;
	v4 =	vmul.f32 v46, v50  }
0x61f: {  	v54 =	vadd.s32 $0xF, v42;
	[tilespmem:v52+s14+$0x0] =	vst.idx.msk $0xffff, v3  }
0x620: {  	v0 =	vadd.f32 v4, v48;
	v56 =	vld [tilespmem:$0x1F710];
	_ =	sdelay $0x1  }
0x621: {  	v0 =	vadd.f32 v0, v40  }
0x622: {  	[tilespmem:v49+s14+$0x0] =	vst.idx.msk $0xffff, v1  }
0x623: {  	[tilespmem:v54+s14+$0x0] =	vst.idx.msk $0xffff, v0  }
0x624: {  	v0 =	vld [tilespmem:$0x1F860];
	_ =	sdelay $0x2  }
0x625: {  	v4 =	vld.idx.msk [tilespmem:v56+s2+$0x0], $0xffff;
	_ =	sdelay $0x4  }
0x626: {  	[tilespmem:v0+s14+$0x0] =	vst.idx.msk $0xffff, v4  }
0x627: {  	v3 =	vld [tilespmem:$0x1F870];
	_ =	sdelay $0x2  }
0x628: {  	v57 =	vadd.s32 $0x10, v43;
	v2 =	vld [tilespmem:$0x1F590];
	_ =	sdelay $0x4  }
0x629: {  	v60 =	vadd.s32 $0x28, v42;
	v59 =	vld.idx.msk [tilespmem:v57+s2+$0x0], $0xffff;
	[tilespmem:v3+s14+$0x0] =	vst.idx.msk $0xffff, v2  }
0x62a: {  	v3 =	vld [tilespmem:$0x1F680];
	_ =	sdelay $0x2  }
0x62b: {  	v4 =	vld [tilespmem:$0x1FA60]  }
0x62c: {  	v63 =	vld [tilespmem:$0x1FAD0];
	[tilespmem:v60+s14+$0x0] =	vst.idx.msk $0xffff, v59  }
0x62d: {  	v11 =	vld [tilespmem:$0x1F880];
	_ =	sdelay $0x2  }
0x62e: {  	v3 =	vld.idx.msk [tilespmem:v3+s2+$0x0], $0xffff;
	_ =	sdelay $0x1  }
0x62f: {  	v62 =	vadd.s32 $0x1C10, v44;
	v10 =	vld [tilespmem:$0x1FB40];
	_ =	sdelay $0x2  }
0x630: {  	v4 =	vmul.f32 v45, v4;
	v5 =	vmul.f32 v47, v63;
	[tilespmem:v11+s14+$0x0] =	vst.idx.msk $0xffff, v3  }
0x631: {  	v40 =	vld [tilespmem:$0x1FBC0]  }
0x632: {  	v9 =	vadd.s32 $0x40, v42;
	v1 =	vld.idx.msk [tilespmem:v62+s2+$0x0], $0xffff;
	v8 =	vadd.f32 v5, v4;
	v4 =	vmul.f32 v46, v10  }
0x633: {  	v33 =	vadd.s32 $0x10, v42  }
0x634: {  	v0 =	vadd.f32 v4, v8;
	v35 =	vld [tilespmem:$0x1F720];
	_ =	sdelay $0x1  }
0x635: {  	v0 =	vadd.f32 v0, v40  }
0x636: {  	[tilespmem:v9+s14+$0x0] =	vst.idx.msk $0xffff, v1  }
0x637: {  	[tilespmem:v33+s14+$0x0] =	vst.idx.msk $0xffff, v0  }
0x638: {  	v0 =	vld [tilespmem:$0x1F890];
	_ =	sdelay $0x2  }
0x639: {  	v4 =	vld.idx.msk [tilespmem:v35+s2+$0x0], $0xffff;
	_ =	sdelay $0x4  }
0x63a: {  	[tilespmem:v0+s14+$0x0] =	vst.idx.msk $0xffff, v4  }
0x63b: {  	v3 =	vld [tilespmem:$0x1F8A0];
	_ =	sdelay $0x2  }
0x63c: {  	v39 =	vadd.s32 $0x11, v43;
	v2 =	vld [tilespmem:$0x1F5B0];
	_ =	sdelay $0x4  }
0x63d: {  	v48 =	vadd.s32 $0x29, v42;
	v41 =	vld.idx.msk [tilespmem:v39+s2+$0x0], $0xffff;
	[tilespmem:v3+s14+$0x0] =	vst.idx.msk $0xffff, v2  }
0x63e: {  	v3 =	vld [tilespmem:$0x1F690];
	_ =	sdelay $0x2  }
0x63f: {  	v4 =	vld [tilespmem:$0x1FA70]  }
0x640: {  	v50 =	vld [tilespmem:$0x1FAE0];
	[tilespmem:v48+s14+$0x0] =	vst.idx.msk $0xffff, v41  }
0x641: {  	v57 =	vld [tilespmem:$0x1F8B0];
	_ =	sdelay $0x2  }
0x642: {  	v3 =	vld.idx.msk [tilespmem:v3+s2+$0x0], $0xffff;
	_ =	sdelay $0x1  }
0x643: {  	v49 =	vadd.s32 $0x1C11, v44;
	v56 =	vld [tilespmem:$0x1FB50];
	_ =	sdelay $0x2  }
0x644: {  	v4 =	vmul.f32 v45, v4;
	v5 =	vmul.f32 v47, v50;
	[tilespmem:v57+s14+$0x0] =	vst.idx.msk $0xffff, v3  }
0x645: {  	v63 =	vld [tilespmem:$0x1FBD0]  }
0x646: {  	v54 =	vadd.s32 $0x41, v42;
	v1 =	vld.idx.msk [tilespmem:v49+s2+$0x0], $0xffff;
	v52 =	vadd.f32 v5, v4;
	v4 =	vmul.f32 v46, v56  }
0x647: {  	v59 =	vadd.s32 $0x11, v42  }
0x648: {  	v0 =	vadd.f32 v4, v52;
	v60 =	vld [tilespmem:$0x1F730];
	_ =	sdelay $0x1  }
0x649: {  	v0 =	vadd.f32 v0, v63  }
0x64a: {  	[tilespmem:v54+s14+$0x0] =	vst.idx.msk $0xffff, v1  }
0x64b: {  	[tilespmem:v59+s14+$0x0] =	vst.idx.msk $0xffff, v0  }
0x64c: {  	v1 =	vld [tilespmem:$0x1F8C0];
	_ =	sdelay $0x2  }
0x64d: {  	v4 =	vld.idx.msk [tilespmem:v60+s2+$0x0], $0xffff;
	_ =	sdelay $0x4  }
0x64e: {  	[tilespmem:v1+s14+$0x0] =	vst.idx.msk $0xffff, v4  }
0x64f: {  	v4 =	vld [tilespmem:$0x1F8D0];
	_ =	sdelay $0x2  }
0x650: {  	v62 =	vadd.s32 $0x12, v43;
	v3 =	vld [tilespmem:$0x1F5F0];
	_ =	sdelay $0x4  }
0x651: {  	v8 =	vadd.s32 $0x2A, v42;
	v0 =	vld.idx.msk [tilespmem:v62+s2+$0x0], $0xffff;
	[tilespmem:v4+s14+$0x0] =	vst.idx.msk $0xffff, v3  }
0x652: {  	v3 =	vld [tilespmem:$0x1F6A0];
	_ =	sdelay $0x2  }
0x653: {  	v4 =	vld [tilespmem:$0x1FA80]  }
0x654: {  	v10 =	vld [tilespmem:$0x1FAF0];
	[tilespmem:v8+s14+$0x0] =	vst.idx.msk $0xffff, v0  }
0x655: {  	v39 =	vld [tilespmem:$0x1F8E0];
	_ =	sdelay $0x2  }
0x656: {  	v3 =	vld.idx.msk [tilespmem:v3+s2+$0x0], $0xffff;
	_ =	sdelay $0x1  }
0x657: {  	v9 =	vadd.s32 $0x1C12, v44;
	v35 =	vld [tilespmem:$0x1FB60];
	_ =	sdelay $0x2  }
0x658: {  	v4 =	vmul.f32 v45, v4;
	v5 =	vmul.f32 v47, v10;
	[tilespmem:v39+s14+$0x0] =	vst.idx.msk $0xffff, v3  }
0x659: {  	v48 =	vld [tilespmem:$0x1FBE0]  }
0x65a: {  	v11 =	vadd.s32 $0x42, v42;
	v0 =	vld.idx.msk [tilespmem:v9+s2+$0x0], $0xffff;
	v33 =	vadd.f32 v5, v4;
	v4 =	vmul.f32 v46, v35  }
0x65b: {  	v40 =	vadd.s32 $0x12, v42  }
0x65c: {  	v2 =	vadd.f32 v4, v33;
	v5 =	vld [tilespmem:$0x1F740];
	_ =	sdelay $0x1  }
0x65d: {  	v2 =	vadd.f32 v2, v48  }
0x65e: {  	[tilespmem:v11+s14+$0x0] =	vst.idx.msk $0xffff, v0  }
0x65f: {  	[tilespmem:v40+s14+$0x0] =	vst.idx.msk $0xffff, v2  }
0x660: {  	v1 =	vld [tilespmem:$0x1F8F0];
	_ =	sdelay $0x2  }
0x661: {  	v5 =	vld.idx.msk [tilespmem:v5+s2+$0x0], $0xffff;
	_ =	sdelay $0x4  }
0x662: {  	[tilespmem:v1+s14+$0x0] =	vst.idx.msk $0xffff, v5  }
0x663: {  	v52 =	vld [tilespmem:$0x1F900];
	_ =	sdelay $0x2  }
0x664: {  	v41 =	vadd.s32 $0x13, v43;
	v3 =	vld [tilespmem:$0x1F610];
	_ =	sdelay $0x4  }
0x665: {  	v49 =	vadd.s32 $0x2B, v42;
	v0 =	vld.idx.msk [tilespmem:v41+s2+$0x0], $0xffff;
	[tilespmem:v52+s14+$0x0] =	vst.idx.msk $0xffff, v3  }
0x666: {  	v3 =	vld [tilespmem:$0x1F6B0];
	_ =	sdelay $0x2  }
0x667: {  	v4 =	vld [tilespmem:$0x1FA90]  }
0x668: {  	v5 =	vld [tilespmem:$0x1FB00];
	[tilespmem:v49+s14+$0x0] =	vst.idx.msk $0xffff, v0  }
0x669: {  	v59 =	vld [tilespmem:$0x1F910];
	_ =	sdelay $0x2  }
0x66a: {  	v3 =	vld.idx.msk [tilespmem:v3+s2+$0x0], $0xffff;
	_ =	sdelay $0x1  }
0x66b: {  	v50 =	vadd.s32 $0x1C13, v44;
	v57 =	vld [tilespmem:$0x1FB70];
	_ =	sdelay $0x2  }
0x66c: {  	v4 =	vmul.f32 v45, v4;
	v5 =	vmul.f32 v47, v5;
	[tilespmem:v59+s14+$0x0] =	vst.idx.msk $0xffff, v3  }
0x66d: {  	v63 =	vld [tilespmem:$0x1FBF0]  }
0x66e: {  	v54 =	vadd.s32 $0x43, v42;
	v0 =	vld.idx.msk [tilespmem:v50+s2+$0x0], $0xffff;
	v56 =	vadd.f32 v5, v4;
	v4 =	vmul.f32 v46, v57  }
0x66f: {  	v60 =	vadd.s32 $0x13, v42  }
0x670: {  	v2 =	vadd.f32 v4, v56;
	v5 =	vld [tilespmem:$0x1F750];
	_ =	sdelay $0x1  }
0x671: {  	v2 =	vadd.f32 v2, v63  }
0x672: {  	[tilespmem:v54+s14+$0x0] =	vst.idx.msk $0xffff, v0  }
0x673: {  	[tilespmem:v60+s14+$0x0] =	vst.idx.msk $0xffff, v2  }
0x674: {  	v1 =	vld [tilespmem:$0x1F920];
	_ =	sdelay $0x2  }
0x675: {  	v5 =	vld.idx.msk [tilespmem:v5+s2+$0x0], $0xffff;
	_ =	sdelay $0x4  }
0x676: {  	[tilespmem:v1+s14+$0x0] =	vst.idx.msk $0xffff, v5  }
0x677: {  	v10 =	vld [tilespmem:$0x1F930];
	_ =	sdelay $0x2  }
0x678: {  	v62 =	vadd.s32 $0x14, v43;
	v3 =	vld [tilespmem:$0x1F630];
	_ =	sdelay $0x4  }
0x679: {  	v8 =	vadd.s32 $0x2C, v42;
	v0 =	vld.idx.msk [tilespmem:v62+s2+$0x0], $0xffff;
	[tilespmem:v10+s14+$0x0] =	vst.idx.msk $0xffff, v3  }
0x67a: {  	v3 =	vld [tilespmem:$0x1F6C0];
	_ =	sdelay $0x2  }
0x67b: {  	v4 =	vld [tilespmem:$0x1FAA0]  }
0x67c: {  	v5 =	vld [tilespmem:$0x1FB10];
	[tilespmem:v8+s14+$0x0] =	vst.idx.msk $0xffff, v0  }
0x67d: {  	v39 =	vld [tilespmem:$0x1F940];
	_ =	sdelay $0x2  }
0x67e: {  	v3 =	vld.idx.msk [tilespmem:v3+s2+$0x0], $0xffff;
	_ =	sdelay $0x3  }
0x67f: {  	v4 =	vmul.f32 v45, v4;
	v5 =	vmul.f32 v47, v5  }
0x680: {  	v35 =	vld [tilespmem:$0x1FB80];
	[tilespmem:v39+s14+$0x0] =	vst.idx.msk $0xffff, v3  }
0x681: {  	v33 =	vadd.f32 v5, v4;
	v5 =	vld [tilespmem:$0x1F760]  }
0x682: {  	v9 =	vadd.s32 $0x1C14, v44;
	_ =	sdelay $0x3  }
0x683: {  	v48 =	vld [tilespmem:$0x1FC00]  }
0x684: {  	v11 =	vadd.s32 $0x44, v42;
	v0 =	vld.idx.msk [tilespmem:v9+s2+$0x0], $0xffff;
	v4 =	vmul.f32 v46, v35  }
0x685: {  	v40 =	vadd.s32 $0x14, v42  }
0x686: {  	v2 =	vadd.f32 v4, v33;
	v5 =	vld.idx.msk [tilespmem:v5+s2+$0x0], $0xffff;
	_ =	sdelay $0x1  }
0x687: {  	v2 =	vadd.f32 v2, v48  }
0x688: {  	[tilespmem:v11+s14+$0x0] =	vst.idx.msk $0xffff, v0  }
0x689: {  	[tilespmem:v40+s14+$0x0] =	vst.idx.msk $0xffff, v2  }
0x68a: {  	[tilespmem:v53+s14+$0x0] =	vst.idx.msk $0xffff, v5  }
0x68b: {  	[tilespmem:v38+s14+$0x0] =	vst.idx.msk $0xffff, v13  }
0x68c: {  	v41 =	vadd.s32 $0x15, v43;
	v3 =	vld [tilespmem:$0x1F6D0];
	_ =	sdelay $0x4  }
0x68d: {  	v49 =	vadd.s32 $0x2D, v42;
	v0 =	vld.idx.msk [tilespmem:v41+s2+$0x0], $0xffff;
	_ =	sdelay $0x1  }
0x68e: {  	v52 =	vld [tilespmem:$0x1FAB0]  }
0x68f: {  	v50 =	vadd.s32 $0x1C15, v44;
	v3 =	vld.idx.msk [tilespmem:v3+s2+$0x0], $0xffff  }
0x690: {  	v5 =	vld [tilespmem:$0x1FB20]  }
0x691: {  	[tilespmem:v49+s14+$0x0] =	vst.idx.msk $0xffff, v0  }
0x692: {  	v56 =	vld [tilespmem:$0x1FB90];
	_ =	sdelay $0x1  }
0x693: {  	v0 =	vld.idx.msk [tilespmem:v50+s2+$0x0], $0xffff;
	[tilespmem:v26+s14+$0x0] =	vst.idx.msk $0xffff, v3  }
0x694: {  	v53 =	vadd.s32 $0x45, v42;
	v4 =	vmul.f32 v45, v52;
	v5 =	vmul.f32 v47, v5;
	v60 =	vld.idx.msk [tilespmem:v21+s2+$0x0], $0xffff  }
0x695: {  	v62 =	vld [tilespmem:$0x1FC10]  }
0x696: {  	v54 =	vadd.f32 v5, v4;
	v4 =	vmul.f32 v46, v56  }
0x697: {  	v57 =	vadd.s32 $0x15, v42  }
0x698: {  	v2 =	vadd.f32 v4, v54  }
0x699: {  	[tilespmem:v53+s14+$0x0] =	vst.idx.msk $0xffff, v0  }
0x69a: {  	v2 =	vadd.f32 v2, v62;
	[tilespmem:v27+s14+$0x0] =	vst.idx.msk $0xffff, v60  }
0x69b: {  	[tilespmem:v28+s14+$0x0] =	vst.idx.msk $0xffff, v16  }
0x69c: {  	[tilespmem:v57+s14+$0x0] =	vst.idx.msk $0xffff, v2  }
0x69d: {  	v11 =	vld [tilespmem:$0x1F490];
	_ =	sdelay $0x1  }
0x69e: {  	v59 =	vadd.s32 $0x16, v43;
	_ =	sdelay $0x4  }
0x69f: {  	v63 =	vadd.s32 $0x2E, v42;
	v0 =	vld.idx.msk [tilespmem:v59+s2+$0x0], $0xffff  }
0x6a0: {  	v10 =	vld.idx.msk [tilespmem:v15+s2+$0x0], $0xffff;
	[tilespmem:v11+s14+$0x0] =	vst.idx.msk $0xffff, v32  }
0x6a1: {  	v4 =	vld [tilespmem:$0x1F420];
	_ =	sdelay $0x1  }
0x6a2: {  	v5 =	vld [tilespmem:$0x1FAC0]  }
0x6a3: {  	v32 =	vld [tilespmem:$0x1FB30];
	[tilespmem:v63+s14+$0x0] =	vst.idx.msk $0xffff, v0  }
0x6a4: {  	v38 =	vld [tilespmem:$0x1FBA0];
	[tilespmem:v24+s14+$0x0] =	vst.idx.msk $0xffff, v10  }
0x6a5: {  	v40 =	vadd.s32 $0x17, v43;
	v43 =	vld [tilespmem:$0x1F4A0];
	_ =	sdelay $0x2  }
0x6a6: {  	v4 =	vld.idx.msk [tilespmem:v4+s2+$0x0], $0xffff;
	_ =	sdelay $0x4  }
0x6a7: {  	[tilespmem:v43+s14+$0x0] =	vst.idx.msk $0xffff, v4  }
0x6a8: {  	v7 =	vld [tilespmem:$0x1F4B0]  }
0x6a9: {  	v9 =	vadd.s32 $0x1C16, v44;
	_ =	sdelay $0x1  }
0x6aa: {  	v4 =	vld [tilespmem:$0x1F410];
	_ =	sdelay $0x2  }
0x6ab: {  	v33 =	vadd.s32 $0x46, v42;
	v0 =	vld.idx.msk [tilespmem:v9+s2+$0x0], $0xffff;
	_ =	sdelay $0x1  }
0x6ac: {  	v41 =	vld.idx.msk [tilespmem:v19+s2+$0x0], $0xffff;
	v5 =	vmul.f32 v45, v5;
	v6 =	vmul.f32 v47, v32;
	[tilespmem:v7+s14+$0x0] =	vst.idx.msk $0xffff, v4  }
0x6ad: {  	v4 =	vld [tilespmem:$0x1FC20]  }
0x6ae: {  	v35 =	vadd.f32 v6, v5;
	v5 =	vmul.f32 v46, v38  }
0x6af: {  	v39 =	vadd.s32 $0x16, v42;
	[tilespmem:v33+s14+$0x0] =	vst.idx.msk $0xffff, v0  }
0x6b0: {  	v2 =	vadd.f32 v5, v35;
	v0 =	vld [tilespmem:$0x1F3F0];
	_ =	sdelay $0x1  }
0x6b1: {  	[tilespmem:v22+s14+$0x0] =	vst.idx.msk $0xffff, v41;
	v2 =	vadd.f32 v2, v4  }
0x6b2: {  	[tilespmem:v18+s14+$0x0] =	vst.idx.msk $0xffff, v61  }
0x6b3: {  	[tilespmem:v39+s14+$0x0] =	vst.idx.msk $0xffff, v2  }
0x6b4: {  	v52 =	vld [tilespmem:$0x1F4C0];
	_ =	sdelay $0x2  }
0x6b5: {  	v0 =	vld.idx.msk [tilespmem:v0+s2+$0x0], $0xffff;
	_ =	sdelay $0x2  }
0x6b6: {  	v48 =	vadd.s32 $0x2F, v42;
	v1 =	vld.idx.msk [tilespmem:v40+s2+$0x0], $0xffff  }
0x6b7: {  	v50 =	vld.idx.msk [tilespmem:v58+s2+$0x0], $0xffff;
	[tilespmem:v23+s14+$0x0] =	vst.idx.msk $0xffff, v29  }
0x6b8: {  	[tilespmem:v52+s14+$0x0] =	vst.idx.msk $0xffff, v0  }
0x6b9: {  	v0 =	vld [tilespmem:$0x1F430]  }
0x6ba: {  	v61 =	vld [tilespmem:$0x1FD10]  }
0x6bb: {  	v54 =	vld [tilespmem:$0x1FD20];
	[tilespmem:v48+s14+$0x0] =	vst.idx.msk $0xffff, v1  }
0x6bc: {  	[tilespmem:v17+s14+$0x0] =	vst.idx.msk $0xffff, v50  }
0x6bd: {  	[tilespmem:v20+s14+$0x0] =	vst.idx.msk $0xffff, v31  }
0x6be: {  	v62 =	vld [tilespmem:$0x1F4D0];
	_ =	sdelay $0x2  }
0x6bf: {  	v0 =	vld.idx.msk [tilespmem:v0+s2+$0x0], $0xffff;
	_ =	sdelay $0x1  }
0x6c0: {  	v49 =	vadd.s32 $0x1C17, v44;
	_ =	sdelay $0x2  }
0x6c1: {  	[tilespmem:v62+s14+$0x0] =	vst.idx.msk $0xffff, v0  }
0x6c2: {  	v6 =	vld [tilespmem:$0x1F4E0]  }
0x6c3: {  	v58 =	vadd.s32 $0x47, v42;
	v1 =	vld.idx.msk [tilespmem:v49+s2+$0x0], $0xffff;
	v53 =	vmul.f32 v45, v61;
	v56 =	vmul.f32 v47, v54  }
0x6c4: {  	v61 =	vld.idx.msk [tilespmem:v55+s2+$0x0], $0xffff  }
0x6c5: {  	v59 =	vmul.f32 v46, v37;
	v57 =	vadd.f32 v56, v53;
	v0 =	vld [tilespmem:$0x1F450]  }
0x6c6: {  	v60 =	vadd.s32 $0x17, v42  }
0x6c7: {  	v2 =	vadd.f32 v59, v57  }
0x6c8: {  	v63 =	vadd.f32 v25, v34;
	[tilespmem:v58+s14+$0x0] =	vst.idx.msk $0xffff, v1  }
0x6c9: {  	s17 =	sadd.s32 s9, s17;
	v2 =	vadd.f32 v2, v36;
	[tilespmem:v14+s14+$0x0] =	vst.idx.msk $0xffff, v61  }
0x6ca: {  	s17 =	smul.u32 $0x13, s17;
	[tilespmem:v6+s14+$0x0] =	vst.idx.msk $0xffff, v0;
	v0 =	vadd.f32 v63, v36  }
0x6cb: {  	[tilespmem:v60+s14+$0x0] =	vst.idx.msk $0xffff, v2  }
0x6cc: {  	s17 =	sadd.s32 s1, s17;
	[tilespmem:v12+s14+$0x0] =	vst.idx.msk $0xffff, v0  }
0x6cd: {  	[hbm4b:s17+s2] =	stream.linear.scatter [tilespmem:s14], [sflag:$0x1], $0x9800, $0x38;
	[tilespmem:$0x12000] =	vst v63  }
0x6ce: {  	_ =	swait.ge [sflag:s11], $0x9800  }
0x6cf: {  	v15 =	vld [tilespmem:$0x1FD30]  }
0x6d0: {  	v16 =	vld [tilespmem:$0x1FD40]  }
0x6d1: {  	v18 =	vld [tilespmem:$0x1FD50]  }
0x6d2: {  	v63 =	vld [tilespmem:$0x1FF70]  }
0x6d3: {  	v20 =	vld [tilespmem:$0x1FD60]  }
0x6d4: {  	v21 =	vld [tilespmem:$0x1FD70]  }
0x6d5: {  	v22 =	vld [tilespmem:$0x1FD80]  }
0x6d6: {  	v23 =	vld [tilespmem:$0x1FD90]  }
0x6d7: {  	v24 =	vld [tilespmem:$0x1FDA0]  }
0x6d8: {  	v25 =	vld [tilespmem:$0x1FDB0]  }
0x6d9: {  	v26 =	vld [tilespmem:$0x1FDC0]  }
0x6da: {  	v27 =	vld [tilespmem:$0x1FDD0]  }
0x6db: {  	v28 =	vld [tilespmem:$0x1FDE0]  }
0x6dc: {  	v29 =	vld [tilespmem:$0x1FDF0]  }
0x6dd: {  	v30 =	vld [tilespmem:$0x1FE30]  }
0x6de: {  	v31 =	vld [tilespmem:$0x1FE40]  }
0x6df: {  	v62 =	vld [tilespmem:$0x1FE10]  }
0x6e0: {  	v33 =	vld [tilespmem:$0x1FE50]  }
0x6e1: {  	v34 =	vld [tilespmem:$0x1FE80]  }
0x6e2: {  	v37 =	vld [tilespmem:$0x1FF00]  }
0x6e3: {  	v42 =	vld [tilespmem:$0x1FEE0]  }
0x6e4: {  	v36 =	vld [tilespmem:$0x1FEF0]  }
0x6e5: {  	v38 =	vld [tilespmem:$0x1FF10]  }
0x6e6: {  	v40 =	vld [tilespmem:$0x1FED0]  }
0x6e7: {  	v41 =	vld [tilespmem:$0x1FEC0]  }
0x6e8: {  	v49 =	vld [tilespmem:$0x1FF20]  }
0x6e9: {  	v43 =	vld [tilespmem:$0x1FE90]  }
0x6ea: {  	v44 =	vld [tilespmem:$0x1FEB0]  }
0x6eb: {  	v45 =	vld [tilespmem:$0x1FE00]  }
0x6ec: {  	s16 =	sadd.s32 $0x1, s16;
	v46 =	vld [tilespmem:$0x1FE20]  }
0x6ed: {  	p0 =	sne.s32 s16, $0x30;
	v47 =	vld [tilespmem:$0x1FE60]  }
.Ltmp2:
0x6ee: {  	v48 =	vld [tilespmem:$0x1FE70];
	(pc) =	sbr.rel @p0 .LBB2_2-.Ltmp2, $4  }
0x6ef: {  	v32 =	vld [tilespmem:$0x1FF30]  }
0x6f0: {  	v53 =	vld [tilespmem:$0x1FF40]  }
0x6f1: {  	[sflag:s11] =	ssyncset.done $0x0;
	v60 =	vld [tilespmem:$0x1FF50]  }
0x6f2: {  	v55 =	vlaneseq.u32;
	v52 =	vld [tilespmem:$0x1FF60];
	[sflag:s11] =	ssyncadd.s32 $0xFFFF6800  }
0x6f3: {  	s15 =	sadd.s32 $0x1, s15  }
0x6f4: {  	p0 =	sne.s32 s15, s10  }
.Ltmp3:
0x6f5: {  	_ = 	snop;
	(pc) =	sbr.rel @p0 .LBB2_1-.Ltmp3, $1  }
0x6f6: {  	_ =	sdelay $0x3  }
0x6f7: {  	_ =	sfence.sel $0x180000  }
0x6f8: {  	[bflag:$0x0] =	sbarrier.arrive $0xFFFF  }
0x6f9: {  	p0 =	sne.s32 s3, $0x0;
	_ =	strace $0x90000047  }
0x6fa: {  	s0 =	sadd.s32 @!p0 $0x100000, s0;
	[bflag:$0x2] =	sbarrier.arrive $0xFFFF  }
0x6fb: {  	[sflag:s0] =	ssyncadd.tile.s32 @!p0 $0x1;
	_ =	shalt  }
.Lfunc_end2:
_tile_overlayer_lowered:
.L_overlay_start_2:
0x6fc: {  	(tag) =	ssettag $0x2  }
0x6fd: {  	s0 =	rddreg [dreg:$0x0];
	s2 =	stileid.u32  }
0x6fe: {  	s1 =	rddreg [dreg:$0x1];
	p0 =	sne.s32 s2, $0x0  }
0x6ff: {  	s3 =	rddreg [dreg:$0x2];
	[bflag:$0x3] =	sbarrier.arrive $0xFFFF;
	s2 =	simm.s32 @!p0 $0x1C01  }
0x700: {  	[timem:s3], [sflag:s2] =	dma.local @!p0 [hbm:s0], s1  }
0x701: {  	s0 =	simm.s32 @!p0 $0x1  }
0x702: {  	_ =	swait.ge @!p0 [sflag:s0], s1  }
0x703: {  	s1 =	ssub.s32 @!p0 $0x0, s1;
	[sflag:s0] =	ssyncset.done @!p0 $0x0  }
0x704: {  	[sflag:s0] =	ssyncadd.s32 @!p0 s1  }
0x705: {  	[bflag:$0x3] =	sbarrier.arrive $0xFFFF  }
0x706: {  	_ =	shalt  }

// kernel: sparse-core-data-format-call.cloned.1.call-start
scs
called_computation_lowered:
.L_overlay_start_0:
0x0: {  	s2 =	sld [smem:$0x3FD9]  }
0x1: {  	s3 =	sld [smem:$0x3FFE];
	_ =	sdelay $0x1  }
0x2: {  	s1 =	srdreg.scid  }
0x3: {  	s0 =	sand.u32 $0x1, s1  }
0x4: {  	s18 =	sshll.u32 s0, $0xA;
	s2 =	sadd.s32 s3, s2  }
0x5: {  	s2 =	sadd.s32 s2, s18  }
0x6: {  	[smem:$0x3FC2] =	sst s2  }
0x7: {  	_ = 	snop  }
0x8: {  	s2 =	sld [smem:$0x3FD0];
	(tm) =	ssettm $0x1  }
0x9: {  	s19 =	sld [smem:$0x3FFB];
	_ =	sdelay $0x3  }
0xa: {  	_ =	strace s19  }
0xb: {  	s3 =	sld [smem:$0x3FFC];
	_ =	sdelay $0x3  }
0xc: {  	_ =	strace s3  }
0xd: {  	s3 =	sld [smem:$0x3FFD];
	_ =	sdelay $0x3  }
0xe: {  	_ =	strace s3  }
0xf: {  	_ =	strace $0x8FFFFFFF  }
0x10: {  	s20 =	sld [smem:$0x3FDB];
	_ =	sdelay $0x1  }
0x11: {  	s4 =	simm.s32 $_scs_section_size  }
0x12: {  	s5 =	simm.s32 $_size__tile_overlayer_lowered;
	s6 =	simm.s32 $_tile_overlayer_lowered  }
0x13: {  	s23 =	simm.s32 $0x1BFF;
	s22 =	sshll.u32 s6, $0x1;
	s3 =	sadd.s32 s4, s20  }
0x14: {  	s7 =	simm.s32 $0x0;
	s21 =	sshll.u32 s5, $0x1;
	s5 =	sadd.s32 s22, s3  }
0x15: {  	[timem:s7], [sflag:s23] =	dma.local [hbm:s5], s21  }
0x16: {  	_ =	swait.ge [sflag:s23], s21  }
0x17: {  	s4 =	ssub.s32 $0x0, s21;
	[sflag:s23] =	ssyncset.done $0x0  }
0x18: {  	[sflag:s23] =	ssyncadd.s32 s4;
	_ =	sdelay $0x1  }
0x19: {  	s24 =	simm.s32 $0x1B8B  }
0x1a: {  	_ =	swait.ge [sflag:s24], $0x1  }
0x1b: {  	[sflag:s24] =	ssyncset.done $0x0  }
0x1c: {  	s26 =	simm.s32 $0x1B8E;
	s25 =	sld [smem:$0x3FFE];
	[sflag:s24] =	ssyncadd.s32 $0xFFFFFFFF  }
0x1d: {  	s27 =	simm.s32 $execute0_lowered;
	[smem:$0x3FD2] =	sst s26  }
0x1e: {  	s5 =	sshll.u32 s27, $0x1;
	_ =	strace $0x80000049;
	[dreg:$0x1] =	wrdreg $0xFFFFFFFF  }
0x1f: {  	s28 =	simm.s32 $_size_execute0_lowered;
	s3 =	sadd.s32 s3, s5;
	[dreg:$0x0] =	wrdreg $0x0  }
0x20: {  	s5 =	sshll.u32 s28, $0x1;
	[dreg:$0x2] =	wrdreg s3  }
0x21: {  	[dreg:$0x3] =	wrdreg s5  }
0x22: {  	[dreg:$0x4] =	wrdreg $0xC0  }
0x23: {  	_ =	task [dreg:s7], $0x5FFFF  }
0x24: {  	[dreg:$0x1] =	wrdreg $0xFFFFFFFF  }
0x25: {  	[dreg:$0x0] =	wrdreg $0x60  }
0x26: {  	[dreg:$0x2] =	wrdreg s25  }
0x27: {  	[dreg:$0x3] =	wrdreg s2  }
0x28: {  	[dreg:$0x4] =	wrdreg $0x9  }
0x29: {  	_ =	task.clear_ibuf [dreg:s7], $0x5FFFF;
	_ =	strace $0x90000049  }
0x2a: {  	s29 =	simm.s32 $0x9;
	_ =	strace $0x8000004B  }
0x2b: {  	_ =	swait.ge [sflag:s29], $0x1  }
0x2c: {  	[sflag:s29] =	ssyncadd.s32 $0xFFFFFFFF  }
0x2d: {  	_ =	strace $0x9000004B  }
0x2e: {  	_ =	sfence  }
0x2f: {  	s30 =	sld [smem:$0x0];
	_ =	sdelay $0x2  }
0x30: {  	s31 =	sshll.u32 s1, $0xD;
	s1 =	sshrl.u32 s1, $0x2  }
0x31: {  	s3 =	sand.u32 $0x4000, s31;
	s1 =	sadd.s32 s1, s30  }
0x32: {  	s0 =	sor.u32 s3, s0;
	s1 =	sshll.u32 s1, $0x11  }
0x33: {  	s0 =	sor.u32 s1, s0  }
0x34: {  	s0 =	sadd.s32 $0x8F2B, s0  }
0x35: {  	[sflag:s0] =	ssyncadd.remote.s32 $0x1  }
0x36: {  	_ =	sfence.sel $0xFFFF  }
0x37: {  	[dreg:$0x0] =	wrdreg $0xFFFFFFFF;
	(pc) =	sbr.abs _section_cstart, $3  }
0x38: {  	[dreg:$0x1] =	wrdreg $0xFFFFFFFF  }
0x39: {  	_ =	task.clear_ibuf [dreg:s7], $0x2FFFF;
	_ =	strace $0x9FFFFFFF  }
0x3a: {  	(tm) =	ssettm $0x7FFFFFFF  }
0x3b: {  	_ =	shalt  }
tec
execute0_lowered:
.L_overlay_start_1:
0x0: {  	(tag) =	ssettag $0x1  }
0x1: {  	s1 =	rddreg [dreg:$0x0]  }
0x2: {  	s2 =	rddreg [dreg:$0x1]  }
0x3: {  	s0 =	rddreg [dreg:$0x2]  }
0x4: {  	s4 =	srdreg.scid;
	_ =	strace $0x8000004A;
	s6 =	simm.s32 $0x2  }
0x5: {  	s17 =	simm.s32 $0x0;
	p0 =	por $0x0, $0x0;
	s16 =	simm.s32 $0x0  }
0x6: {  	s18 =	simm.s32 $0x0;
	s19 =	simm.s32 $0x0;
	s7 =	simm.s32 $0x0  }
0x7: {  	s8 =	simm.s32 $0x0;
	s10 =	simm.s32 $0x0;
	s11 =	simm.s32 $0x0  }
.Ltmp0:
0x8: {  	s12 =	simm.s32 $0x0;
	s13 =	simm.s32 $0x0;
	(pc) =	sbr.rel .LBB1_1-.Ltmp0, $4  }
0x9: {  	s14 =	simm.s32 $0x0;
	s3 =	sadd.s32 $0xA00, s1;
	s4 =	sshll.u32 s4, $0x4  }
0xa: {  	s1 =	stileid.u32;
	s5 =	sand.u32 $0x10, s4;
	s4 =	simm.s32 $0x1  }
0xb: {  	s9 =	simm.s32 $0x0;
	s5 =	sor.u32 s1, s5;
	[sflag:s4] =	ssyncpa.u1 $0x0  }
0xc: {  	[sflag:s6] =	ssyncpa.u1 $0x0;
	s6 =	simm.s32 $0x2000;
	s15 =	smov.u32 s5  }
.LBB1_5:
0xd: {  	p1 =	slt.u32 s9, $0x2;
	s20 =	smov.u32 s19  }
0xe: {  	s23 =	smov.u32 s15;
	s9 =	sadd.s32 $0x1, s9;
	p2 =	sgt.s32 @!p1 s19, $0x1F  }
0xf: {  	p0 =	por !p0, !p0;
	s21 =	sshra.s32 @!p1 s19, $0x1F;
	p2 =	por !p2, p1  }
0x10: {  	s22 =	sshra.s32 @!p1 s18, $0x1F;
	s19 =	sand.u32 @!p1 s21, s19;
	s20 =	simm.s32 @p2 $0x1F  }
0x11: {  	s21 =	smov.u32 s18;
	p2 =	sgt.s32 @!p1 s18, $0xB;
	s19 =	ssub.s32 @!p1 s20, s19  }
0x12: {  	s18 =	sand.u32 @!p1 s22, s18;
	p2 =	por !p2, p1;
	s20 =	sadd.s32 @!p1 $0xFFFFFFE1, s19  }
0x13: {  	s21 =	simm.s32 @p2 $0xB;
	s19 =	ssub.s32 @!p1 $0x20, s19;
	p3 =	sgt.s32 @!p1 s20, $0x0  }
0x14: {  	s18 =	ssub.s32 @!p1 s21, s18;
	s21 =	sshra.s32 @!p1 s17, $0x1F;
	p2 =	por !p3, p1  }
0x15: {  	s20 =	sadd.s32 @!p1 $0xFFFFFFF5, s18;
	s18 =	ssub.s32 @!p1 $0xC, s18;
	p3 =	sgt.s32 @!p1 s17, $0x18  }
0x16: {  	s19 =	simm.s32 @!p2 $0x0;
	p2 =	sgt.s32 @!p1 s20, $0x0;
	p3 =	por !p3, p1  }
0x17: {  	s20 =	smov.u32 s17;
	s17 =	sand.u32 @!p1 s21, s17;
	s21 =	sshra.s32 @!p1 s16, $0x1F  }
0x18: {  	p2 =	por !p2, p1;
	s20 =	simm.s32 @p3 $0x18;
	p3 =	sgt.s32 @!p1 s16, $0x380  }
0x19: {  	s17 =	ssub.s32 @!p1 s20, s17;
	p3 =	por !p3, p1;
	s20 =	smov.u32 s16  }
0x1a: {  	s18 =	simm.s32 @!p2 $0x0;
	s16 =	sand.u32 @!p1 s21, s16;
	s20 =	simm.s32 @p3 $0x380  }
0x1b: {  	s18 =	smul.u32 @!p1 s19, s18;
	s19 =	sadd.s32 @!p1 $0xFFFFFFE8, s17;
	s16 =	ssub.s32 @!p1 s20, s16  }
0x1c: {  	s21 =	smov.u32 s13;
	p2 =	sgt.s32 @!p1 s19, $0x7F;
	s19 =	sadd.s32 @!p1 $0xFFFFFC80, s16  }
0x1d: {  	s20 =	sadd.s32 $0x80, s12;
	s16 =	ssub.s32 @!p1 $0x400, s16;
	p3 =	sgt.s32 @!p1 s19, $0x7F  }
0x1e: {  	p4 =	sgt.s32 s20, $0x97;
	s19 =	sadd.s32 $0x80, s13;
	p3 =	por !p3, p1  }
0x1f: {  	s24 =	simm.s32 @!p1 $0x2;
	s21 =	smov.u32 @p4 s19;
	s16 =	simm.s32 @!p3 $0x0  }
0x20: {  	p3 =	sgt.s32 s21, $0x3FF;
	s16 =	smul.u32 @!p1 s16, s18;
	s18 =	simm.s32 $0x1  }
0x21: {  	s17 =	ssub.s32 @!p1 $0x98, s17;
	p2 =	por !p2, p1;
	s18 =	simm.s32 @!p3 $0x0  }
0x22: {  	s17 =	simm.s32 @!p2 $0x0;
	s20 =	simm.s32 @p4 $0x0;
	s22 =	sadd.s32 s18, s14  }
0x23: {  	s16 =	smul.u32 @!p1 s17, s16;
	s17 =	sadd.s32 $0x20, s15;
	p2 =	sgt.s32 s22, $0xB  }
0x24: {  	s19 =	smov.u32 s11;
	s11 =	smov.u32 s15;
	s23 =	smov.u32 @p2 s17  }
0x25: {  	s21 =	simm.s32 @p3 $0x0;
	s22 =	simm.s32 @p2 $0x0;
	p2 =	sgt.s32 s23, $0x1F  }
0x26: {  	s18 =	smov.u32 s10;
	s23 =	smov.u32 @p2 s5;
	p2 =	sne.s32 s9, $0xC2  }
.Ltmp1:
0x27: {  	s10 =	smov.u32 s14;
	s16 =	sand.u32 @!p1 $0x3FFFFFFF, s16;
	(pc) =	sbr.rel @!p2 .LBB1_6-.Ltmp1, $4  }
0x28: {  	s17 =	smov.u32 s7;
	s7 =	smov.u32 s12;
	s12 =	smov.u32 s20  }
0x29: {  	_ =	swait.ge @!p1 [sflag:s24], s16;
	s25 =	ssub.s32 @!p1 $0x0, s16;
	s16 =	smov.u32 s8  }
0x2a: {  	s8 =	smov.u32 s13;
	s13 =	smov.u32 s21;
	[sflag:s24] =	ssyncset.done @!p1 $0x0  }
0x2b: {  	s14 =	smov.u32 s22;
	[sflag:s24] =	ssyncadd.s32 @!p1 s25;
	s15 =	smov.u32 s23  }
.LBB1_1:
0x2c: {  	p1 =	sgt.u32 s9, $0xBF  }
0x2d: {  	s20 =	sxor.u32 @!p1 $0xFFFFFFFF, s9;
	s21 =	sshll.u32 @!p1 s13, $0x8;
	s22 =	sshll.u32 @!p1 s12, $0x3  }
0x2e: {  	s23 =	sand.u32 @!p1 $0x78, s12;
	s21 =	sand.u32 @!p1 $0x3F800, s21;
	s22 =	sand.u32 @!p1 $0x3FC00, s22  }
0x2f: {  	s25 =	smul.u32 @!p1 $0x60000, s15;
	s21 =	sadd.s32 @!p1 s21, s22;
	s22 =	sshll.u32 @!p1 s13, $0x7  }
0x30: {  	s20 =	sshll.u32 @!p1 s20, $0xE;
	s24 =	sand.u32 @!p1 $0x300, s22;
	s22 =	sand.u32 @!p1 $0x80, s22  }
0x31: {  	s20 =	sand.u32 @!p1 $0x4000, s20;
	s21 =	sor.u32 @!p1 s24, s21;
	s22 =	sor.u32 @!p1 s23, s22  }
0x32: {  	s23 =	sshll.u32 @!p1 s14, $0xF;
	s24 =	sadd.s32 @!p1 s3, s25;
	s21 =	sshrl.u32 @!p1 s21, $0x3  }
0x33: {  	s22 =	sshrl.u32 @!p1 s22, $0x3;
	s23 =	sadd.s32 @!p1 s23, s24;
	s24 =	sand.u32 @!p1 $0x7, s12  }
0x34: {  	s21 =	sand.u32 @!p1 $0x7FE0, s21;
	s22 =	sadd.s32 @!p1 s22, s23;
	s23 =	sshll.u32 @!p1 s24, $0x12  }
0x35: {  	s21 =	sadd.s32 @!p1 s21, s22;
	s22 =	sor.u32 @!p1 $0x400, s23;
	s23 =	simm.s32 @!p1 $0x800  }
0x36: {  	[tilespmem:s20], [sflag:$0x1] =	stream.strided.gather @!p1 [hbm4b:s21+s22], $0x4000, s23, s22, $0x38;
	[tilespmem:$0x10100] =	vst v63  }
0x37: {  	p1 =	seq.s32 s9, $0x0  }
0x38: {  	p2 =	seq.s32 @!p1 s9, $0xC1  }
0x39: {  	p1 =	por p1, p2  }
.Ltmp2:
0x3a: {  	_ = 	snop;
	(pc) =	sbr.rel @p1 .LBB1_5-.Ltmp2, $1  }
0x3b: {  	_ =	sdelay $0x3  }
0x3c: {  	s20 =	simm.s32 $0x1  }
0x3d: {  	_ =	swait.ge [sflag:s4], $0x4000;
	s20 =	simm.s32 @!p0 $0x0  }
0x3e: {  	[sflag:s4] =	ssyncset.done $0x0;
	s21 =	sshll.u32 s20, $0xE  }
0x3f: {  	[sflag:s4] =	ssyncadd.s32 $0xFFFFC000;
	s21 =	sor.u32 $0x40, s21  }
0x40: {  	s20 =	smul.u32 $0x10200, s20;
	v0 =	vld [tilespmem:s21+$0x30]  }
0x41: {  	v1 =	vld [tilespmem:s21+$0xFFFFFFD0]  }
0x42: {  	s20 =	sshrl.u32 s20, $0x2;
	v5 =	vld [tilespmem:s21+$0xFFFFFFE0]  }
0x43: {  	v6 =	vld [tilespmem:s21+$0xFFFFFFF0];
	s23 =	sor.u32 $0x8000, s20  }
0x44: {  	s31 =	sand.u32 $0x1, s9;
	v4 =	vld [tilespmem:s21+$0x0];
	s22 =	sadd.s32 $0x0, s23  }
0x45: {  	v3 =	vld [tilespmem:s21+$0x10];
	s20 =	smul.u32 $0x10200, s31;
	[tilespmem:s22+$0x3870 ss:$0x81] =	vst.msk $0xffff, v0  }
0x46: {  	v2 =	vld [tilespmem:s21+$0x20];
	[tilespmem:s22+$0x810 ss:$0x81] =	vst.msk $0xffff, v1  }
0x47: {  	s20 =	sshrl.u32 s20, $0x2;
	v0 =	vld [tilespmem:s21+$0xFFFFFFC0];
	[tilespmem:s22+$0x1020 ss:$0x81] =	vst.msk $0xffff, v5;
	s21 =	sadd.s32 $0x80, s21  }
0x48: {  	s24 =	simm.s32 $0x4;
	s25 =	simm.s32 $0x8;
	s20 =	sor.u32 $0x8000, s20;
	[tilespmem:s22+$0x1830 ss:$0x81] =	vst.msk $0xffff, v6;
	v1 =	vld [tilespmem:s21+$0x30]  }
.LBB1_3:
0x49: {  	p1 =	sne.s32 s25, $0x1FC;
	v5 =	vld [tilespmem:s21+$0xFFFFFFD0];
	[tilespmem:s22+$0x2040 ss:$0x81] =	vst.msk $0xffff, v4  }
0x4a: {  	v6 =	vld [tilespmem:s21+$0xFFFFFFE0];
	[tilespmem:s22+$0x2850 ss:$0x81] =	vst.msk $0xffff, v3  }
0x4b: {  	s26 =	sshra.s32 s24, $0x2;
	s24 =	smov.u32 s25;
	v7 =	vld [tilespmem:s21+$0xFFFFFFF0];
	[tilespmem:s22+$0x3060 ss:$0x81] =	vst.msk $0xffff, v2  }
.Ltmp3:
0x4c: {  	v4 =	vld [tilespmem:s21+$0x0];
	[tilespmem:s22+$0x0 ss:$0x81] =	vst.msk $0xffff, v0;
	s22 =	sadd.s32 s26, s23;
	(pc) =	sbr.rel @p1 .LBB1_3-.Ltmp3, $4  }
0x4d: {  	v3 =	vld [tilespmem:s21+$0x10];
	[tilespmem:s22+$0x3870 ss:$0x81] =	vst.msk $0xffff, v1  }
0x4e: {  	[tilespmem:s22+$0x810 ss:$0x81] =	vst.msk $0xffff, v5;
	v2 =	vld [tilespmem:s21+$0x20]  }
0x4f: {  	v0 =	vld [tilespmem:s21+$0xFFFFFFC0];
	[tilespmem:s22+$0x1020 ss:$0x81] =	vst.msk $0xffff, v6;
	s21 =	sadd.s32 $0x80, s21  }
0x50: {  	s25 =	sadd.s32 $0x4, s25;
	v1 =	vld [tilespmem:s21+$0x30];
	[tilespmem:s22+$0x1830 ss:$0x81] =	vst.msk $0xffff, v7  }
0x51: {  	s24 =	sshra.s32 s24, $0x2;
	s30 =	sshll.u32 s7, $0xA  }
0x52: {  	s25 =	sshll.u32 s8, $0x3;
	p1 =	sgt.s32 s11, $0x1F;
	s26 =	smov.u32 s11  }
0x53: {  	s27 =	sshra.s32 s11, $0x1F;
	s28 =	smov.u32 s10;
	s29 =	sshra.s32 s10, $0x1F  }
0x54: {  	s23 =	sadd.s32 s24, s23;
	s24 =	sand.u32 $0xFFFFE000, s30;
	s25 =	sand.u32 $0xFFFFFC00, s25  }
0x55: {  	s26 =	simm.s32 @!p1 $0x1F;
	s27 =	sand.u32 s27, s11;
	p1 =	sgt.s32 s10, $0xB  }
0x56: {  	[tilespmem:s22+$0x2040 ss:$0x81] =	vst.msk $0xffff, v4;
	s31 =	sand.u32 s29, s10;
	s26 =	ssub.s32 s26, s27;
	s28 =	simm.s32 @!p1 $0xB  }
0x57: {  	[tilespmem:s22+$0x2850 ss:$0x81] =	vst.msk $0xffff, v3;
	s24 =	sadd.s32 s25, s24;
	s29 =	sadd.s32 $0xFFFFFFE1, s26;
	s27 =	ssub.s32 s28, s31  }
0x58: {  	[tilespmem:s22+$0x3060 ss:$0x81] =	vst.msk $0xffff, v2;
	s25 =	ssub.s32 $0x20, s26;
	s24 =	sshrl.u32 s24, $0xA;
	s31 =	sshra.s32 s8, $0x1F  }
0x59: {  	s28 =	smov.u32 s7;
	[tilespmem:s22+$0x0 ss:$0x81] =	vst.msk $0xffff, v0;
	s22 =	sand.u32 $0x78, s8;
	p1 =	sgt.s32 s29, $0x0  }
0x5a: {  	s30 =	sadd.s32 $0xFFFFFFF5, s27;
	s26 =	ssub.s32 $0xC, s27;
	s27 =	smov.u32 s8  }
0x5b: {  	s25 =	simm.s32 @p1 $0x0;
	p1 =	sgt.s32 s30, $0x0;
	s30 =	sshra.s32 s7, $0x1F  }
0x5c: {  	v5 =	vld [tilespmem:s21+$0xFFFFFFD0];
	s26 =	simm.s32 @p1 $0x0;
	p1 =	sgt.s32 s8, $0x380;
	s29 =	sand.u32 s30, s7  }
0x5d: {  	v58 =	vld [tilespmem:s21+$0xFFFFFFE0];
	s30 =	sshll.u32 s7, $0x7;
	s27 =	simm.s32 @!p1 $0x380;
	p1 =	sgt.s32 s7, $0x18  }
0x5e: {  	v59 =	vld [tilespmem:s21+$0xFFFFFFF0];
	s25 =	smul.u32 s25, s26;
	s26 =	sand.u32 s31, s8;
	s28 =	simm.s32 @!p1 $0x18  }
0x5f: {  	v60 =	vld [tilespmem:s21+$0x0];
	s26 =	ssub.s32 s27, s26;
	s27 =	smulhi.u32 $0x1AF286C, s24;
	s28 =	ssub.s32 s28, s29  }
0x60: {  	v61 =	vld [tilespmem:s21+$0x10];
	s31 =	sadd.s32 $0xFFFFFC80, s26;
	s29 =	sand.u32 $0x380, s30;
	s30 =	smul.u32 $0x39000, s11  }
0x61: {  	v62 =	vld [tilespmem:s21+$0x20];
	[tilespmem:s23+$0x3870 ss:$0x81] =	vst.msk $0xffff, v1;
	s26 =	ssub.s32 $0x400, s26;
	p1 =	sgt.s32 s31, $0x7F;
	s27 =	smul.u32 $0x98, s27  }
0x62: {  	v63 =	vld [tilespmem:s21+$0xFFFFFFC0];
	[tilespmem:s23+$0x810 ss:$0x81] =	vst.msk $0xffff, v5;
	s31 =	sadd.s32 $0xFFFFFFE8, s28;
	s21 =	ssub.s32 $0x98, s28;
	s22 =	sor.u32 s22, s29  }
0x63: {  	[tilespmem:s23+$0x1020 ss:$0x81] =	vst.msk $0xffff, v58;
	s26 =	simm.s32 @p1 $0x0;
	p1 =	sgt.s32 s31, $0x7F;
	s31 =	smul.u32 $0x4C00, s10  }
0x64: {  	[tilespmem:s23+$0x1830 ss:$0x81] =	vst.msk $0xffff, v59;
	s29 =	sand.u32 $0x7, s8;
	s25 =	smul.u32 s26, s25;
	s21 =	simm.s32 @p1 $0x0  }
.Ltmp4:
0x65: {  	[tilespmem:s23+$0x2040 ss:$0x81] =	vst.msk $0xffff, v60;
	s24 =	ssub.s32 s24, s27;
	s27 =	sadd.s32 s2, s30;
	(pc) =	sbr.rel .LBB1_5-.Ltmp4, $4  }
0x66: {  	[tilespmem:s23+$0x2850 ss:$0x81] =	vst.msk $0xffff, v61;
	s22 =	sshrl.u32 s22, $0x3;
	s21 =	smul.u32 s21, s25;
	s25 =	sadd.s32 s31, s27  }
0x67: {  	[tilespmem:s23+$0x3060 ss:$0x81] =	vst.msk $0xffff, v62;
	s30 =	sshll.u32 s29, $0x12;
	s24 =	sshll.u32 s24, $0x7;
	s22 =	sadd.s32 s22, s25  }
0x68: {  	[tilespmem:s23+$0x0 ss:$0x81] =	vst.msk $0xffff, v63;
	s31 =	sor.u32 $0x400, s30;
	s21 =	sand.u32 $0x3FFFFFFF, s21;
	s22 =	sadd.s32 s24, s22  }
0x69: {  	[hbm4b:s22+s31] =	stream.strided.scatter [tilespmem:s20], [sflag:$0x2], s21, s6, s31, $0x20;
	[tilespmem:$0x10100] =	vst v63  }
.LBB1_6:
0x6a: {  	_ =	sfence.sel $0x180000  }
0x6b: {  	s2 =	simm.s32 $0x1;
	[bflag:$0x0] =	sbarrier.arrive $0xFFFF  }
0x6c: {  	s31 =	simm.s32 $0x2;
	[sflag:s2] =	ssyncpa.u1 $0x1  }
0x6d: {  	[sflag:s31] =	ssyncpa.u1 $0x1  }
0x6e: {  	p0 =	sne.s32 s1, $0x0;
	_ =	strace $0x9000004A  }
0x6f: {  	s0 =	sadd.s32 @!p0 $0x100000, s0;
	[bflag:$0x2] =	sbarrier.arrive $0xFFFF  }
0x70: {  	[sflag:s0] =	ssyncadd.tile.s32 @!p0 $0x1;
	_ =	shalt  }
.Lfunc_end1:
_tile_overlayer_lowered:
.L_overlay_start_2:
0x71: {  	(tag) =	ssettag $0x2  }
0x72: {  	s0 =	rddreg [dreg:$0x0];
	s2 =	stileid.u32  }
0x73: {  	s1 =	rddreg [dreg:$0x1];
	p0 =	sne.s32 s2, $0x0  }
0x74: {  	s3 =	rddreg [dreg:$0x2];
	[bflag:$0x3] =	sbarrier.arrive $0xFFFF;
	s2 =	simm.s32 @!p0 $0x1C01  }
0x75: {  	[timem:s3], [sflag:s2] =	dma.local @!p0 [hbm:s0], s1  }
0x76: {  	s0 =	simm.s32 @!p0 $0x1  }
0x77: {  	_ =	swait.ge @!p0 [sflag:s0], s1  }
0x78: {  	s1 =	ssub.s32 @!p0 $0x0, s1;
	[sflag:s0] =	ssyncset.done @!p0 $0x0  }
0x79: {  	[sflag:s0] =	ssyncadd.s32 @!p0 s1  }
0x7a: {  	[bflag:$0x3] =	sbarrier.arrive $0xFFFF  }
0x7b: {  	_ =	shalt  }

</sc_bundles>
